<compile_context>
chip_gen: v7x
topology: tpu7x:2x2x1
jax: 0.10.2.dev20260603
libtpu: 0.0.44.dev20260713+nightly
codegen_flags: <defaults>
</compile_context>

<pallas_src>
import functools

import jax
import jax.numpy as jnp
from jax import lax
from jax.experimental import pallas as pl
from jax.experimental.pallas import tpu as pltpu
from jax.experimental.pallas import tpu_sc as plsc

B = 16384
L = 5
EMB_DIM = 64
CLASS_DIM = 16
FEAT = 80
FPAD = 128
ND = 175
NUM_CORES = 2
NUM_SUBCORES = 16
NW = NUM_CORES * NUM_SUBCORES
IPW = B // NW
CH = 128
NCH = IPW // CH
NSTEP = 2 * NCH
INV_L = 0.2


def _sc_pool_body(emb_hbm, ctab_hbm, ida_hbm, cida_hbm, idb_hbm, cidb_hbm,
                  outa_hbm, outb_hbm,
                  idxe_a, idxc_a, idxe_b, idxc_b,
                  ctab, bufe0, bufe1, oute,
                  sem0, sem1, semw, *, hbase, ipw, nch):
  wid = lax.axis_index("s") * NUM_CORES + lax.axis_index("c")
  base = wid * ipw
  nstep = 2 * nch

  pltpu.sync_copy(ctab_hbm, ctab)

  for src, dst in ((ida_hbm, idxe_a), (cida_hbm, idxc_a),
                   (idb_hbm, idxe_b), (cidb_hbm, idxc_b)):
    for k in range(L):
      pltpu.sync_copy(src.at[pl.ds(k * B + hbase + base, ipw)], dst.at[k])

  zero = jnp.zeros((16,), jnp.float32)

  def zero_bufs(c, carry, be=None):
    for j in range(EMB_DIM // 16):
      be[c, pl.ds(16 * j, 16)] = zero
    return carry

  for be in (bufe0, bufe1):
    lax.fori_loop(0, CH, functools.partial(zero_bufs, be=be), 0,
                  unroll=False)

  steps = ([(idxe_a, idxc_a, outa_hbm, cc) for cc in range(nch)]
           + [(idxe_b, idxc_b, outb_hbm, cc) for cc in range(nch)])
  bufs = [(bufe0, sem0), (bufe1, sem1)]

  def fire(s):
    idx, _, _, cc = steps[s]
    be, sem = bufs[s % 2]
    cps = []
    for k in range(L):
      cps.append(pltpu.async_copy(
          emb_hbm.at[idx.at[k, pl.ds(cc * CH, CH)]], be, sem, add=True))
    return cps

  pend = fire(0)
  wpend = []
  for s in range(nstep):
    nxt = fire(s + 1) if s + 1 < nstep else []
    for cp in pend:
      cp.wait()
    pend = nxt
    for cp in wpend:
      cp.wait()
    be, _ = bufs[s % 2]
    _, cidx, out_hbm, cc = steps[s]

    def red_body(c, carry, be=be, cidx=cidx, cc=cc):
      for j in range(EMB_DIM // 16):
        oute[c, pl.ds(16 * j, 16)] = be[c, pl.ds(16 * j, 16)]
        be[c, pl.ds(16 * j, 16)] = zero
      accc = None
      for k in range(L):
        cid = cidx[k, pl.ds(cc * CH + c, 1)][0]
        row = ctab[cid, :]
        accc = row if accc is None else accc + row
      oute[c, pl.ds(EMB_DIM, CLASS_DIM)] = accc
      return carry

    lax.fori_loop(0, CH, red_body, 0, unroll=False)
    wpend = [
        pltpu.async_copy(
            oute, out_hbm.at[pl.ds(base + cc * CH, CH), pl.ds(0, FEAT)],
            semw),
    ]
  for cp in wpend:
    cp.wait()


def _sc_pool(emb_table, class_table, ida, cida, idb, cidb, half, nhalves):
  hb = B // nhalves
  ipw = hb // NW
  nch = ipw // CH
  mesh = plsc.VectorSubcoreMesh(core_axis_name="c", subcore_axis_name="s")
  out_type = (jax.ShapeDtypeStruct((hb, FPAD), jnp.float32),
              jax.ShapeDtypeStruct((hb, FPAD), jnp.float32))
  scratch = [
      pltpu.VMEM((L, ipw), jnp.int32),
      pltpu.VMEM((L, ipw), jnp.int32),
      pltpu.VMEM((L, ipw), jnp.int32),
      pltpu.VMEM((L, ipw), jnp.int32),
      pltpu.VMEM((1000, CLASS_DIM), jnp.float32),
      pltpu.VMEM((CH, EMB_DIM), jnp.float32),
      pltpu.VMEM((CH, EMB_DIM), jnp.float32),
      pltpu.VMEM((CH, FEAT), jnp.float32),
      pltpu.SemaphoreType.DMA,
      pltpu.SemaphoreType.DMA,
      pltpu.SemaphoreType.DMA,
  ]
  body = functools.partial(_sc_pool_body, hbase=half * hb, ipw=ipw,
                           nch=nch)
  fn = pl.kernel(body, out_type=out_type, mesh=mesh,
                 scratch_types=scratch,
                 compiler_params=pltpu.CompilerParams(
                     use_tc_tiling_on_sc=False))
  return fn(emb_table, class_table, ida, cida, idb, cidb)


BM = 1024
BF = jnp.bfloat16


def _tc_mlp_body(fa, fb, nd_a, nd_b,
                 w1fa, w1fb, wnd_a, wnd_b, b1, w2, b2, w3, b3, out):
  f32 = jnp.float32
  xa = fa[:, pl.ds(0, FEAT)].astype(BF)
  xb = fb[:, pl.ds(0, FEAT)].astype(BF)
  na = nd_a[...].astype(BF)
  nb = nd_b[...].astype(BF)
  h = jnp.dot(xa, w1fa[...], preferred_element_type=f32)
  h = h + jnp.dot(na, wnd_a[...], preferred_element_type=f32)
  h = h + jnp.dot(xb, w1fb[...], preferred_element_type=f32)
  h = h + jnp.dot(nb, wnd_b[...], preferred_element_type=f32)
  h = jnp.maximum(h + b1[...], 0.0).astype(BF)
  h2 = jnp.dot(h, w2[...], preferred_element_type=f32)
  h2 = jnp.maximum(h2 + b2[...], 0.0).astype(BF)
  o = jnp.dot(h2, w3[...], preferred_element_type=f32)
  out[...] = jax.nn.sigmoid(o + b3[...])


def _tc_mlp(fa, fb, nd_a, nd_b, w1fa, w1fb, wnd_a, wnd_b, b1, w2, b2, w3,
            b3):
  grid = (fa.shape[0] // BM,)
  row = lambda i: (i, 0)
  const = lambda i: (0, 0)
  in_specs = [
      pl.BlockSpec((BM, FPAD), row),
      pl.BlockSpec((BM, FPAD), row),
      pl.BlockSpec((BM, ND), row),
      pl.BlockSpec((BM, ND), row),
      pl.BlockSpec((FEAT, 512), const),
      pl.BlockSpec((FEAT, 512), const),
      pl.BlockSpec((ND, 512), const),
      pl.BlockSpec((ND, 512), const),
      pl.BlockSpec((1, 512), const),
      pl.BlockSpec((512, 256), const),
      pl.BlockSpec((1, 256), const),
      pl.BlockSpec((256, 1), const),
      pl.BlockSpec((1, 1), const),
  ]
  out = pl.pallas_call(
      _tc_mlp_body,
      grid=grid,
      in_specs=in_specs,
      out_specs=pl.BlockSpec((BM, 1), row),
      out_shape=jax.ShapeDtypeStruct((fa.shape[0], 1), jnp.float32),
      compiler_params=pltpu.CompilerParams(
          dimension_semantics=("parallel",)),
  )(fa, fb, nd_a, nd_b, w1fa, w1fb, wnd_a, wnd_b, b1, w2, b2, w3, b3)
  return out


def kernel(team_a_ids, team_b_ids, team_a_numerical, team_b_numerical,
           team_a_class_ids, team_b_class_ids, team_a_damage_one_hot,
           team_b_damage_one_hot, emb_table, class_table, W1, b1, W2, b2,
           W3, b3):
  tflat = lambda ids: ids.astype(jnp.int32).T.reshape(L * B)
  ida, cida = tflat(team_a_ids), tflat(team_a_class_ids)
  idb, cidb = tflat(team_b_ids), tflat(team_b_class_ids)

  NH = 1
  halves = [_sc_pool(emb_table, class_table, ida, cida, idb, cidb, h, NH)
            for h in range(NH)]

  nd_a = jnp.concatenate([team_a_numerical.reshape(B, 160),
                          team_a_damage_one_hot.reshape(B, 15)], axis=1)
  nd_b = jnp.concatenate([team_b_numerical.reshape(B, 160),
                          team_b_damage_one_hot.reshape(B, 15)], axis=1)

  w1fa = (jnp.concatenate([W1[0:64], W1[96:112]], 0) * INV_L).astype(BF)
  w1fb = (jnp.concatenate([W1[115:179], W1[211:227]], 0) * INV_L).astype(BF)
  wnd_a = (jnp.concatenate([jnp.tile(W1[64:96], (5, 1)),
                            jnp.tile(W1[112:115], (5, 1))], 0)
           * INV_L).astype(BF)
  wnd_b = (jnp.concatenate([jnp.tile(W1[179:211], (5, 1)),
                            jnp.tile(W1[227:230], (5, 1))], 0)
           * INV_L).astype(BF)

  hb = B // NH
  outs = []
  for h, (fa, fb) in enumerate(halves):
    sl = slice(h * hb, (h + 1) * hb)
    outs.append(_tc_mlp(fa, fb, nd_a[sl], nd_b[sl], w1fa, w1fb, wnd_a,
                        wnd_b, b1.reshape(1, 512), W2.astype(BF),
                        b2.reshape(1, 256), W3.astype(BF),
                        b3.reshape(1, 1)))
  return jnp.concatenate(outs, axis=0).reshape(B)

# --- scband reference (transcript-rebuilt; emitter-appended) ---
"""Pipeline reference for scband-lo-lmatch-predictor-44633300140672 (READ-ONLY COPY).

The authoritative reference and input builder live on the scoring server;
editing this copy changes nothing except your own understanding.
"""

import jax, jax.numpy as jnp
import numpy as np

B, L = 16384, 5
NUM_CHAMPIONS, EMB_DIM = 100000, 64
NUM_CLASSES, CLASS_DIM = 1000, 16
ATTR_DIM, DMG_DIM = 32, 3
IN_DIM = (EMB_DIM + ATTR_DIM + CLASS_DIM + DMG_DIM) * 2


def setup_inputs(seed: int = 0) -> dict:
    key = jax.random.key(seed)
    ks = jax.random.split(key, 16)
    inp = {}
    inp['team_a_ids'] = jax.random.randint(ks[0], (B, L), 0, NUM_CHAMPIONS)
    inp['team_b_ids'] = jax.random.randint(ks[1], (B, L), 0, NUM_CHAMPIONS)
    inp['team_a_numerical'] = jax.random.normal(ks[2], (B, L, ATTR_DIM), dtype=jnp.float32)
    inp['team_b_numerical'] = jax.random.normal(ks[3], (B, L, ATTR_DIM), dtype=jnp.float32)
    inp['team_a_class_ids'] = jax.random.randint(ks[4], (B, L), 0, NUM_CLASSES)
    inp['team_b_class_ids'] = jax.random.randint(ks[5], (B, L), 0, NUM_CLASSES)
    inp['team_a_damage_one_hot'] = jax.random.uniform(ks[6], (B, L, DMG_DIM), dtype=jnp.float32)
    inp['team_b_damage_one_hot'] = jax.random.uniform(ks[7], (B, L, DMG_DIM), dtype=jnp.float32)
    # learned parameters
    inp['emb_table'] = jax.random.normal(ks[8], (NUM_CHAMPIONS, EMB_DIM), dtype=jnp.float32)
    inp['class_table'] = jax.random.normal(ks[9], (NUM_CLASSES, CLASS_DIM), dtype=jnp.float32)
    inp['W1'] = jax.random.normal(ks[10], (IN_DIM, 512), dtype=jnp.float32) * (1.0 / np.sqrt(IN_DIM))
    inp['b1'] = jnp.zeros((512,), dtype=jnp.float32)
    inp['W2'] = jax.random.normal(ks[11], (512, 256), dtype=jnp.float32) * (1.0 / np.sqrt(512))
    inp['b2'] = jnp.zeros((256,), dtype=jnp.float32)
    inp['W3'] = jax.random.normal(ks[12], (256, 1), dtype=jnp.float32) * (1.0 / np.sqrt(256))
    inp['b3'] = jnp.zeros((1,), dtype=jnp.float32)
    return inp


def reference(team_a_ids, team_b_ids, team_a_numerical, team_b_numerical,
              team_a_class_ids, team_b_class_ids, team_a_damage_one_hot,
              team_b_damage_one_hot, emb_table, class_table, W1, b1, W2, b2, W3, b3):
    emb_a = jnp.take(emb_table, team_a_ids, axis=0)          # [B, L, EMB_DIM]
    emb_b = jnp.take(emb_table, team_b_ids, axis=0)
    class_emb_a = jnp.take(class_table, team_a_class_ids, axis=0)  # [B, L, CLASS_DIM]
    class_emb_b = jnp.take(class_table, team_b_class_ids, axis=0)
    team_a_emb = jnp.mean(emb_a, axis=1)
    team_b_emb = jnp.mean(emb_b, axis=1)
    team_a_class_emb = jnp.mean(class_emb_a, axis=1)
    team_b_class_emb = jnp.mean(class_emb_b, axis=1)
    team_a_num = jnp.mean(team_a_numerical, axis=1)
    team_b_num = jnp.mean(team_b_numerical, axis=1)
    team_a_dmg = jnp.mean(team_a_damage_one_hot, axis=1)
    team_b_dmg = jnp.mean(team_b_damage_one_hot, axis=1)
    team_a_features = jnp.concatenate([team_a_emb, team_a_num, team_a_class_emb, team_a_dmg], axis=1)
    team_b_features = jnp.concatenate([team_b_emb, team_b_num, team_b_class_emb, team_b_dmg], axis=1)
    x = jnp.concatenate([team_a_features, team_b_features], axis=1)
    x = jax.nn.relu(x @ W1 + b1)
    x = jax.nn.relu(x @ W2 + b2)
    x = jax.nn.sigmoid(x @ W3 + b3)
    return jnp.squeeze(x, axis=-1)

if __name__ == "__main__":
    import jax
    _d = setup_inputs()
    print(jax.jit(kernel)(*tuple(_d.values())))

</pallas_src>

<mosaic_0001>
#map = affine_map<(d0, d1) -> (0, 0)>
#map1 = affine_map<(d0, d1) -> (0)>
module attributes {stable_mosaic.version = 14 : i64} {
  func.func @_sc_pool_body(%arg0: i32, %arg1: i32, %arg2: memref<100000x64xf32, #tpu.memory_space<hbm>>, %arg3: memref<1000x16xf32, #tpu.memory_space<hbm>>, %arg4: memref<81920xi32, #tpu.memory_space<hbm>>, %arg5: memref<81920xi32, #tpu.memory_space<hbm>>, %arg6: memref<81920xi32, #tpu.memory_space<hbm>>, %arg7: memref<81920xi32, #tpu.memory_space<hbm>>, %arg8: memref<16384x128xf32, #tpu.memory_space<hbm>>, %arg9: memref<16384x128xf32, #tpu.memory_space<hbm>>, %arg10: memref<5x512xi32, #tpu.memory_space<vmem>>, %arg11: memref<5x512xi32, #tpu.memory_space<vmem>>, %arg12: memref<5x512xi32, #tpu.memory_space<vmem>>, %arg13: memref<5x512xi32, #tpu.memory_space<vmem>>, %arg14: memref<1000x16xf32, #tpu.memory_space<vmem>>, %arg15: memref<128x64xf32, #tpu.memory_space<vmem>>, %arg16: memref<128x64xf32, #tpu.memory_space<vmem>>, %arg17: memref<128x80xf32, #tpu.memory_space<vmem>>, %arg18: memref<!tpu.dma_semaphore, #tpu.memory_space<semaphore_mem>>, %arg19: memref<!tpu.dma_semaphore, #tpu.memory_space<semaphore_mem>>, %arg20: memref<!tpu.dma_semaphore, #tpu.memory_space<semaphore_mem>>) attributes {dimension_semantics = [#tpu.dimension_semantics<core_parallel>, #tpu.dimension_semantics<subcore_parallel>], iteration_bounds = array<i64: 2, 16>, scalar_prefetch = 0 : i64, scratch_operands = 11 : i64, tpu.core_type = #tpu.core_type<sc_vector_subcore>, window_params = [{transform_indices = #map}, {transform_indices = #map}, {transform_indices = #map1}, {transform_indices = #map1}, {transform_indices = #map1}, {transform_indices = #map1}, {transform_indices = #map}, {transform_indices = #map}]} {
    %mul3A = arith.constant 2 : i32
    %mul3A_0 = arith.muli %arg1, %mul3A : i32
    %add3A = arith.addi %mul3A_0, %arg0 : i32
    %mul3A_1 = arith.constant 512 : i32
    %mul3A_2 = arith.muli %add3A, %mul3A_1 : i32
    "tpu.region"() ({
      %run_scoped3A_760 = tpu.sem_alloc : memref<!tpu.dma_semaphore, #tpu.memory_space<semaphore_mem>>
      tpu.enqueue_dma source(%arg3 : memref<1000x16xf32, #tpu.memory_space<hbm>>) target(%arg14 : memref<1000x16xf32, #tpu.memory_space<vmem>>) target_semaphore(%run_scoped3A_760 : memref<!tpu.dma_semaphore, #tpu.memory_space<semaphore_mem>>)
      tpu.wait_dma2 semaphore(%run_scoped3A_760 : memref<!tpu.dma_semaphore, #tpu.memory_space<semaphore_mem>>) src(%arg3 : memref<1000x16xf32, #tpu.memory_space<hbm>>) dst(%arg14 : memref<1000x16xf32, #tpu.memory_space<vmem>>)
      tpu.yield
    }) : () -> ()
    %add3A_3 = arith.constant 0 : i32
    %add3A_4 = arith.addi %add3A_3, %mul3A_2 : i32
    %run_scoped3A = arith.constant 0 : i32
    "tpu.region"() ({
      %run_scoped3A_760 = tpu.sem_alloc : memref<!tpu.dma_semaphore, #tpu.memory_space<semaphore_mem>>
      %dma_start3A_761 = arith.constant 0 : i32
      %dma_start3A_762 = tpu.memref_slice %arg10[%run_scoped3A, %dma_start3A_761] : memref<5x512xi32, #tpu.memory_space<vmem>> -> memref<1x512xi32, #tpu.memory_space<vmem>>
      %dma_start3A_763 = tpu.memref_squeeze %dma_start3A_762 : memref<1x512xi32, #tpu.memory_space<vmem>> -> memref<512xi32, #tpu.memory_space<vmem>>
      %dma_start3A_764 = tpu.memref_slice %arg4[%add3A_4] : memref<81920xi32, #tpu.memory_space<hbm>> -> memref<512xi32, #tpu.memory_space<hbm>>
      %dma_start3A_765 = arith.constant 0 : i32
      %dma_start3A_766 = tpu.memref_slice %arg10[%run_scoped3A, %dma_start3A_765] : memref<5x512xi32, #tpu.memory_space<vmem>> -> memref<1x512xi32, #tpu.memory_space<vmem>>
      %dma_start3A_767 = tpu.memref_squeeze %dma_start3A_766 : memref<1x512xi32, #tpu.memory_space<vmem>> -> memref<512xi32, #tpu.memory_space<vmem>>
      %dma_start3A_768 = tpu.memref_slice %arg4[%add3A_4] : memref<81920xi32, #tpu.memory_space<hbm>> -> memref<512xi32, #tpu.memory_space<hbm>>
      tpu.enqueue_dma source(%dma_start3A_768 : memref<512xi32, #tpu.memory_space<hbm>>) target(%dma_start3A_767 : memref<512xi32, #tpu.memory_space<vmem>>) target_semaphore(%run_scoped3A_760 : memref<!tpu.dma_semaphore, #tpu.memory_space<semaphore_mem>>)
      %dma_wait3A_769 = arith.constant 0 : i32
      %dma_wait3A_770 = tpu.memref_slice %arg10[%run_scoped3A, %dma_wait3A_769] : memref<5x512xi32, #tpu.memory_space<vmem>> -> memref<1x512xi32, #tpu.memory_space<vmem>>
      %dma_wait3A_771 = tpu.memref_squeeze %dma_wait3A_770 : memref<1x512xi32, #tpu.memory_space<vmem>> -> memref<512xi32, #tpu.memory_space<vmem>>
      %dma_wait3A_772 = tpu.memref_slice %arg4[%add3A_4] : memref<81920xi32, #tpu.memory_space<hbm>> -> memref<512xi32, #tpu.memory_space<hbm>>
      %dma_wait3A_773 = arith.constant 0 : i32
      %dma_wait3A_774 = tpu.memref_slice %arg10[%run_scoped3A, %dma_wait3A_773] : memref<5x512xi32, #tpu.memory_space<vmem>> -> memref<1x512xi32, #tpu.memory_space<vmem>>
      %dma_wait3A_775 = tpu.memref_squeeze %dma_wait3A_774 : memref<1x512xi32, #tpu.memory_space<vmem>> -> memref<512xi32, #tpu.memory_space<vmem>>
      %dma_wait3A_776 = tpu.memref_slice %arg4[%add3A_4] : memref<81920xi32, #tpu.memory_space<hbm>> -> memref<512xi32, #tpu.memory_space<hbm>>
      tpu.wait_dma2 semaphore(%run_scoped3A_760 : memref<!tpu.dma_semaphore, #tpu.memory_space<semaphore_mem>>) src(%dma_wait3A_776 : memref<512xi32, #tpu.memory_space<hbm>>) dst(%dma_wait3A_775 : memref<512xi32, #tpu.memory_space<vmem>>)
      tpu.yield
    }) : () -> ()
    %add3A_5 = arith.constant 16384 : i32
    %add3A_6 = arith.addi %add3A_5, %mul3A_2 : i32
    %run_scoped3A_7 = arith.constant 1 : i32
    "tpu.region"() ({
      %run_scoped3A_760 = tpu.sem_alloc : memref<!tpu.dma_semaphore, #tpu.memory_space<semaphore_mem>>
      %dma_start3A_761 = arith.constant 0 : i32
      %dma_start3A_762 = tpu.memref_slice %arg10[%run_scoped3A_7, %dma_start3A_761] : memref<5x512xi32, #tpu.memory_space<vmem>> -> memref<1x512xi32, #tpu.memory_space<vmem>>
      %dma_start3A_763 = tpu.memref_squeeze %dma_start3A_762 : memref<1x512xi32, #tpu.memory_space<vmem>> -> memref<512xi32, #tpu.memory_space<vmem>>
      %dma_start3A_764 = tpu.memref_slice %arg4[%add3A_6] : memref<81920xi32, #tpu.memory_space<hbm>> -> memref<512xi32, #tpu.memory_space<hbm>>
      %dma_start3A_765 = arith.constant 0 : i32
      %dma_start3A_766 = tpu.memref_slice %arg10[%run_scoped3A_7, %dma_start3A_765] : memref<5x512xi32, #tpu.memory_space<vmem>> -> memref<1x512xi32, #tpu.memory_space<vmem>>
      %dma_start3A_767 = tpu.memref_squeeze %dma_start3A_766 : memref<1x512xi32, #tpu.memory_space<vmem>> -> memref<512xi32, #tpu.memory_space<vmem>>
      %dma_start3A_768 = tpu.memref_slice %arg4[%add3A_6] : memref<81920xi32, #tpu.memory_space<hbm>> -> memref<512xi32, #tpu.memory_space<hbm>>
      tpu.enqueue_dma source(%dma_start3A_768 : memref<512xi32, #tpu.memory_space<hbm>>) target(%dma_start3A_767 : memref<512xi32, #tpu.memory_space<vmem>>) target_semaphore(%run_scoped3A_760 : memref<!tpu.dma_semaphore, #tpu.memory_space<semaphore_mem>>)
      %dma_wait3A_769 = arith.constant 0 : i32
      %dma_wait3A_770 = tpu.memref_slice %arg10[%run_scoped3A_7, %dma_wait3A_769] : memref<5x512xi32, #tpu.memory_space<vmem>> -> memref<1x512xi32, #tpu.memory_space<vmem>>
      %dma_wait3A_771 = tpu.memref_squeeze %dma_wait3A_770 : memref<1x512xi32, #tpu.memory_space<vmem>> -> memref<512xi32, #tpu.memory_space<vmem>>
      %dma_wait3A_772 = tpu.memref_slice %arg4[%add3A_6] : memref<81920xi32, #tpu.memory_space<hbm>> -> memref<512xi32, #tpu.memory_space<hbm>>
      %dma_wait3A_773 = arith.constant 0 : i32
      %dma_wait3A_774 = tpu.memref_slice %arg10[%run_scoped3A_7, %dma_wait3A_773] : memref<5x512xi32, #tpu.memory_space<vmem>> -> memref<1x512xi32, #tpu.memory_space<vmem>>
      %dma_wait3A_775 = tpu.memref_squeeze %dma_wait3A_774 : memref<1x512xi32, #tpu.memory_space<vmem>> -> memref<512xi32, #tpu.memory_space<vmem>>
      %dma_wait3A_776 = tpu.memref_slice %arg4[%add3A_6] : memref<81920xi32, #tpu.memory_space<hbm>> -> memref<512xi32, #tpu.memory_space<hbm>>
      tpu.wait_dma2 semaphore(%run_scoped3A_760 : memref<!tpu.dma_semaphore, #tpu.memory_space<semaphore_mem>>) src(%dma_wait3A_776 : memref<512xi32, #tpu.memory_space<hbm>>) dst(%dma_wait3A_775 : memref<512xi32, #tpu.memory_space<vmem>>)
      tpu.yield
    }) : () -> ()
    %add3A_8 = arith.constant 32768 : i32
    %add3A_9 = arith.addi %add3A_8, %mul3A_2 : i32
    %run_scoped3A_10 = arith.constant 2 : i32
    "tpu.region"() ({
      %run_scoped3A_760 = tpu.sem_alloc : memref<!tpu.dma_semaphore, #tpu.memory_space<semaphore_mem>>
      %dma_start3A_761 = arith.constant 0 : i32
      %dma_start3A_762 = tpu.memref_slice %arg10[%run_scoped3A_10, %dma_start3A_761] : memref<5x512xi32, #tpu.memory_space<vmem>> -> memref<1x512xi32, #tpu.memory_space<vmem>>
      %dma_start3A_763 = tpu.memref_squeeze %dma_start3A_762 : memref<1x512xi32, #tpu.memory_space<vmem>> -> memref<512xi32, #tpu.memory_space<vmem>>
      %dma_start3A_764 = tpu.memref_slice %arg4[%add3A_9] : memref<81920xi32, #tpu.memory_space<hbm>> -> memref<512xi32, #tpu.memory_space<hbm>>
      %dma_start3A_765 = arith.constant 0 : i32
      %dma_start3A_766 = tpu.memref_slice %arg10[%run_scoped3A_10, %dma_start3A_765] : memref<5x512xi32, #tpu.memory_space<vmem>> -> memref<1x512xi32, #tpu.memory_space<vmem>>
      %dma_start3A_767 = tpu.memref_squeeze %dma_start3A_766 : memref<1x512xi32, #tpu.memory_space<vmem>> -> memref<512xi32, #tpu.memory_space<vmem>>
      %dma_start3A_768 = tpu.memref_slice %arg4[%add3A_9] : memref<81920xi32, #tpu.memory_space<hbm>> -> memref<512xi32, #tpu.memory_space<hbm>>
      tpu.enqueue_dma source(%dma_start3A_768 : memref<512xi32, #tpu.memory_space<hbm>>) target(%dma_start3A_767 : memref<512xi32, #tpu.memory_space<vmem>>) target_semaphore(%run_scoped3A_760 : memref<!tpu.dma_semaphore, #tpu.memory_space<semaphore_mem>>)
      %dma_wait3A_769 = arith.constant 0 : i32
      %dma_wait3A_770 = tpu.memref_slice %arg10[%run_scoped3A_10, %dma_wait3A_769] : memref<5x512xi32, #tpu.memory_space<vmem>> -> memref<1x512xi32, #tpu.memory_space<vmem>>
      %dma_wait3A_771 = tpu.memref_squeeze %dma_wait3A_770 : memref<1x512xi32, #tpu.memory_space<vmem>> -> memref<512xi32, #tpu.memory_space<vmem>>
      %dma_wait3A_772 = tpu.memref_slice %arg4[%add3A_9] : memref<81920xi32, #tpu.memory_space<hbm>> -> memref<512xi32, #tpu.memory_space<hbm>>
      %dma_wait3A_773 = arith.constant 0 : i32
      %dma_wait3A_774 = tpu.memref_slice %arg10[%run_scoped3A_10, %dma_wait3A_773] : memref<5x512xi32, #tpu.memory_space<vmem>> -> memref<1x512xi32, #tpu.memory_space<vmem>>
      %dma_wait3A_775 = tpu.memref_squeeze %dma_wait3A_774 : memref<1x512xi32, #tpu.memory_space<vmem>> -> memref<512xi32, #tpu.memory_space<vmem>>
      %dma_wait3A_776 = tpu.memref_slice %arg4[%add3A_9] : memref<81920xi32, #tpu.memory_space<hbm>> -> memref<512xi32, #tpu.memory_space<hbm>>
      tpu.wait_dma2 semaphore(%run_scoped3A_760 : memref<!tpu.dma_semaphore, #tpu.memory_space<semaphore_mem>>) src(%dma_wait3A_776 : memref<512xi32, #tpu.memory_space<hbm>>) dst(%dma_wait3A_775 : memref<512xi32, #tpu.memory_space<vmem>>)
      tpu.yield
    }) : () -> ()
    %add3A_11 = arith.constant 49152 : i32
    %add3A_12 = arith.addi %add3A_11, %mul3A_2 : i32
    %run_scoped3A_13 = arith.constant 3 : i32
    "tpu.region"() ({
      %run_scoped3A_760 = tpu.sem_alloc : memref<!tpu.dma_semaphore, #tpu.memory_space<semaphore_mem>>
      %dma_start3A_761 = arith.constant 0 : i32
      %dma_start3A_762 = tpu.memref_slice %arg10[%run_scoped3A_13, %dma_start3A_761] : memref<5x512xi32, #tpu.memory_space<vmem>> -> memref<1x512xi32, #tpu.memory_space<vmem>>
      %dma_start3A_763 = tpu.memref_squeeze %dma_start3A_762 : memref<1x512xi32, #tpu.memory_space<vmem>> -> memref<512xi32, #tpu.memory_space<vmem>>
      %dma_start3A_764 = tpu.memref_slice %arg4[%add3A_12] : memref<81920xi32, #tpu.memory_space<hbm>> -> memref<512xi32, #tpu.memory_space<hbm>>
      %dma_start3A_765 = arith.constant 0 : i32
      %dma_start3A_766 = tpu.memref_slice %arg10[%run_scoped3A_13, %dma_start3A_765] : memref<5x512xi32, #tpu.memory_space<vmem>> -> memref<1x512xi32, #tpu.memory_space<vmem>>
      %dma_start3A_767 = tpu.memref_squeeze %dma_start3A_766 : memref<1x512xi32, #tpu.memory_space<vmem>> -> memref<512xi32, #tpu.memory_space<vmem>>
      %dma_start3A_768 = tpu.memref_slice %arg4[%add3A_12] : memref<81920xi32, #tpu.memory_space<hbm>> -> memref<512xi32, #tpu.memory_space<hbm>>
      tpu.enqueue_dma source(%dma_start3A_768 : memref<512xi32, #tpu.memory_space<hbm>>) target(%dma_start3A_767 : memref<512xi32, #tpu.memory_space<vmem>>) target_semaphore(%run_scoped3A_760 : memref<!tpu.dma_semaphore, #tpu.memory_space<semaphore_mem>>)
      %dma_wait3A_769 = arith.constant 0 : i32
      %dma_wait3A_770 = tpu.memref_slice %arg10[%run_scoped3A_13, %dma_wait3A_769] : memref<5x512xi32, #tpu.memory_space<vmem>> -> memref<1x512xi32, #tpu.memory_space<vmem>>
      %dma_wait3A_771 = tpu.memref_squeeze %dma_wait3A_770 : memref<1x512xi32, #tpu.memory_space<vmem>> -> memref<512xi32, #tpu.memory_space<vmem>>
      %dma_wait3A_772 = tpu.memref_slice %arg4[%add3A_12] : memref<81920xi32, #tpu.memory_space<hbm>> -> memref<512xi32, #tpu.memory_space<hbm>>
      %dma_wait3A_773 = arith.constant 0 : i32
      %dma_wait3A_774 = tpu.memref_slice %arg10[%run_scoped3A_13, %dma_wait3A_773] : memref<5x512xi32, #tpu.memory_space<vmem>> -> memref<1x512xi32, #tpu.memory_space<vmem>>
      %dma_wait3A_775 = tpu.memref_squeeze %dma_wait3A_774 : memref<1x512xi32, #tpu.memory_space<vmem>> -> memref<512xi32, #tpu.memory_space<vmem>>
      %dma_wait3A_776 = tpu.memref_slice %arg4[%add3A_12] : memref<81920xi32, #tpu.memory_space<hbm>> -> memref<512xi32, #tpu.memory_space<hbm>>
      tpu.wait_dma2 semaphore(%run_scoped3A_760 : memref<!tpu.dma_semaphore, #tpu.memory_space<semaphore_mem>>) src(%dma_wait3A_776 : memref<512xi32, #tpu.memory_space<hbm>>) dst(%dma_wait3A_775 : memref<512xi32, #tpu.memory_space<vmem>>)
      tpu.yield
    }) : () -> ()
    %add3A_14 = arith.constant 65536 : i32
    %add3A_15 = arith.addi %add3A_14, %mul3A_2 : i32
    %run_scoped3A_16 = arith.constant 4 : i32
    "tpu.region"() ({
      %run_scoped3A_760 = tpu.sem_alloc : memref<!tpu.dma_semaphore, #tpu.memory_space<semaphore_mem>>
      %dma_start3A_761 = arith.constant 0 : i32
      %dma_start3A_762 = tpu.memref_slice %arg10[%run_scoped3A_16, %dma_start3A_761] : memref<5x512xi32, #tpu.memory_space<vmem>> -> memref<1x512xi32, #tpu.memory_space<vmem>>
      %dma_start3A_763 = tpu.memref_squeeze %dma_start3A_762 : memref<1x512xi32, #tpu.memory_space<vmem>> -> memref<512xi32, #tpu.memory_space<vmem>>
      %dma_start3A_764 = tpu.memref_slice %arg4[%add3A_15] : memref<81920xi32, #tpu.memory_space<hbm>> -> memref<512xi32, #tpu.memory_space<hbm>>
      %dma_start3A_765 = arith.constant 0 : i32
      %dma_start3A_766 = tpu.memref_slice %arg10[%run_scoped3A_16, %dma_start3A_765] : memref<5x512xi32, #tpu.memory_space<vmem>> -> memref<1x512xi32, #tpu.memory_space<vmem>>
      %dma_start3A_767 = tpu.memref_squeeze %dma_start3A_766 : memref<1x512xi32, #tpu.memory_space<vmem>> -> memref<512xi32, #tpu.memory_space<vmem>>
      %dma_start3A_768 = tpu.memref_slice %arg4[%add3A_15] : memref<81920xi32, #tpu.memory_space<hbm>> -> memref<512xi32, #tpu.memory_space<hbm>>
      tpu.enqueue_dma source(%dma_start3A_768 : memref<512xi32, #tpu.memory_space<hbm>>) target(%dma_start3A_767 : memref<512xi32, #tpu.memory_space<vmem>>) target_semaphore(%run_scoped3A_760 : memref<!tpu.dma_semaphore, #tpu.memory_space<semaphore_mem>>)
      %dma_wait3A_769 = arith.constant 0 : i32
      %dma_wait3A_770 = tpu.memref_slice %arg10[%run_scoped3A_16, %dma_wait3A_769] : memref<5x512xi32, #tpu.memory_space<vmem>> -> memref<1x512xi32, #tpu.memory_space<vmem>>
      %dma_wait3A_771 = tpu.memref_squeeze %dma_wait3A_770 : memref<1x512xi32, #tpu.memory_space<vmem>> -> memref<512xi32, #tpu.memory_space<vmem>>
      %dma_wait3A_772 = tpu.memref_slice %arg4[%add3A_15] : memref<81920xi32, #tpu.memory_space<hbm>> -> memref<512xi32, #tpu.memory_space<hbm>>
      %dma_wait3A_773 = arith.constant 0 : i32
      %dma_wait3A_774 = tpu.memref_slice %arg10[%run_scoped3A_16, %dma_wait3A_773] : memref<5x512xi32, #tpu.memory_space<vmem>> -> memref<1x512xi32, #tpu.memory_space<vmem>>
      %dma_wait3A_775 = tpu.memref_squeeze %dma_wait3A_774 : memref<1x512xi32, #tpu.memory_space<vmem>> -> memref<512xi32, #tpu.memory_space<vmem>>
      %dma_wait3A_776 = tpu.memref_slice %arg4[%add3A_15] : memref<81920xi32, #tpu.memory_space<hbm>> -> memref<512xi32, #tpu.memory_space<hbm>>
      tpu.wait_dma2 semaphore(%run_scoped3A_760 : memref<!tpu.dma_semaphore, #tpu.memory_space<semaphore_mem>>) src(%dma_wait3A_776 : memref<512xi32, #tpu.memory_space<hbm>>) dst(%dma_wait3A_775 : memref<512xi32, #tpu.memory_space<vmem>>)
      tpu.yield
    }) : () -> ()
    %add3A_17 = arith.constant 0 : i32
    %add3A_18 = arith.addi %add3A_17, %mul3A_2 : i32
    %run_scoped3A_19 = arith.constant 0 : i32
    "tpu.region"() ({
      %run_scoped3A_760 = tpu.sem_alloc : memref<!tpu.dma_semaphore, #tpu.memory_space<semaphore_mem>>
      %dma_start3A_761 = arith.constant 0 : i32
      %dma_start3A_762 = tpu.memref_slice %arg11[%run_scoped3A_19, %dma_start3A_761] : memref<5x512xi32, #tpu.memory_space<vmem>> -> memref<1x512xi32, #tpu.memory_space<vmem>>
      %dma_start3A_763 = tpu.memref_squeeze %dma_start3A_762 : memref<1x512xi32, #tpu.memory_space<vmem>> -> memref<512xi32, #tpu.memory_space<vmem>>
      %dma_start3A_764 = tpu.memref_slice %arg5[%add3A_18] : memref<81920xi32, #tpu.memory_space<hbm>> -> memref<512xi32, #tpu.memory_space<hbm>>
      %dma_start3A_765 = arith.constant 0 : i32
      %dma_start3A_766 = tpu.memref_slice %arg11[%run_scoped3A_19, %dma_start3A_765] : memref<5x512xi32, #tpu.memory_space<vmem>> -> memref<1x512xi32, #tpu.memory_space<vmem>>
      %dma_start3A_767 = tpu.memref_squeeze %dma_start3A_766 : memref<1x512xi32, #tpu.memory_space<vmem>> -> memref<512xi32, #tpu.memory_space<vmem>>
      %dma_start3A_768 = tpu.memref_slice %arg5[%add3A_18] : memref<81920xi32, #tpu.memory_space<hbm>> -> memref<512xi32, #tpu.memory_space<hbm>>
      tpu.enqueue_dma source(%dma_start3A_768 : memref<512xi32, #tpu.memory_space<hbm>>) target(%dma_start3A_767 : memref<512xi32, #tpu.memory_space<vmem>>) target_semaphore(%run_scoped3A_760 : memref<!tpu.dma_semaphore, #tpu.memory_space<semaphore_mem>>)
      %dma_wait3A_769 = arith.constant 0 : i32
      %dma_wait3A_770 = tpu.memref_slice %arg11[%run_scoped3A_19, %dma_wait3A_769] : memref<5x512xi32, #tpu.memory_space<vmem>> -> memref<1x512xi32, #tpu.memory_space<vmem>>
      %dma_wait3A_771 = tpu.memref_squeeze %dma_wait3A_770 : memref<1x512xi32, #tpu.memory_space<vmem>> -> memref<512xi32, #tpu.memory_space<vmem>>
      %dma_wait3A_772 = tpu.memref_slice %arg5[%add3A_18] : memref<81920xi32, #tpu.memory_space<hbm>> -> memref<512xi32, #tpu.memory_space<hbm>>
      %dma_wait3A_773 = arith.constant 0 : i32
      %dma_wait3A_774 = tpu.memref_slice %arg11[%run_scoped3A_19, %dma_wait3A_773] : memref<5x512xi32, #tpu.memory_space<vmem>> -> memref<1x512xi32, #tpu.memory_space<vmem>>
      %dma_wait3A_775 = tpu.memref_squeeze %dma_wait3A_774 : memref<1x512xi32, #tpu.memory_space<vmem>> -> memref<512xi32, #tpu.memory_space<vmem>>
      %dma_wait3A_776 = tpu.memref_slice %arg5[%add3A_18] : memref<81920xi32, #tpu.memory_space<hbm>> -> memref<512xi32, #tpu.memory_space<hbm>>
      tpu.wait_dma2 semaphore(%run_scoped3A_760 : memref<!tpu.dma_semaphore, #tpu.memory_space<semaphore_mem>>) src(%dma_wait3A_776 : memref<512xi32, #tpu.memory_space<hbm>>) dst(%dma_wait3A_775 : memref<512xi32, #tpu.memory_space<vmem>>)
      tpu.yield
    }) : () -> ()
    %add3A_20 = arith.constant 16384 : i32
    %add3A_21 = arith.addi %add3A_20, %mul3A_2 : i32
    %run_scoped3A_22 = arith.constant 1 : i32
    "tpu.region"() ({
      %run_scoped3A_760 = tpu.sem_alloc : memref<!tpu.dma_semaphore, #tpu.memory_space<semaphore_mem>>
      %dma_start3A_761 = arith.constant 0 : i32
      %dma_start3A_762 = tpu.memref_slice %arg11[%run_scoped3A_22, %dma_start3A_761] : memref<5x512xi32, #tpu.memory_space<vmem>> -> memref<1x512xi32, #tpu.memory_space<vmem>>
      %dma_start3A_763 = tpu.memref_squeeze %dma_start3A_762 : memref<1x512xi32, #tpu.memory_space<vmem>> -> memref<512xi32, #tpu.memory_space<vmem>>
      %dma_start3A_764 = tpu.memref_slice %arg5[%add3A_21] : memref<81920xi32, #tpu.memory_space<hbm>> -> memref<512xi32, #tpu.memory_space<hbm>>
      %dma_start3A_765 = arith.constant 0 : i32
      %dma_start3A_766 = tpu.memref_slice %arg11[%run_scoped3A_22, %dma_start3A_765] : memref<5x512xi32, #tpu.memory_space<vmem>> -> memref<1x512xi32, #tpu.memory_space<vmem>>
      %dma_start3A_767 = tpu.memref_squeeze %dma_start3A_766 : memref<1x512xi32, #tpu.memory_space<vmem>> -> memref<512xi32, #tpu.memory_space<vmem>>
      %dma_start3A_768 = tpu.memref_slice %arg5[%add3A_21] : memref<81920xi32, #tpu.memory_space<hbm>> -> memref<512xi32, #tpu.memory_space<hbm>>
      tpu.enqueue_dma source(%dma_start3A_768 : memref<512xi32, #tpu.memory_space<hbm>>) target(%dma_start3A_767 : memref<512xi32, #tpu.memory_space<vmem>>) target_semaphore(%run_scoped3A_760 : memref<!tpu.dma_semaphore, #tpu.memory_space<semaphore_mem>>)
      %dma_wait3A_769 = arith.constant 0 : i32
      %dma_wait3A_770 = tpu.memref_slice %arg11[%run_scoped3A_22, %dma_wait3A_769] : memref<5x512xi32, #tpu.memory_space<vmem>> -> memref<1x512xi32, #tpu.memory_space<vmem>>
      %dma_wait3A_771 = tpu.memref_squeeze %dma_wait3A_770 : memref<1x512xi32, #tpu.memory_space<vmem>> -> memref<512xi32, #tpu.memory_space<vmem>>
      %dma_wait3A_772 = tpu.memref_slice %arg5[%add3A_21] : memref<81920xi32, #tpu.memory_space<hbm>> -> memref<512xi32, #tpu.memory_space<hbm>>
      %dma_wait3A_773 = arith.constant 0 : i32
      %dma_wait3A_774 = tpu.memref_slice %arg11[%run_scoped3A_22, %dma_wait3A_773] : memref<5x512xi32, #tpu.memory_space<vmem>> -> memref<1x512xi32, #tpu.memory_space<vmem>>
      %dma_wait3A_775 = tpu.memref_squeeze %dma_wait3A_774 : memref<1x512xi32, #tpu.memory_space<vmem>> -> memref<512xi32, #tpu.memory_space<vmem>>
      %dma_wait3A_776 = tpu.memref_slice %arg5[%add3A_21] : memref<81920xi32, #tpu.memory_space<hbm>> -> memref<512xi32, #tpu.memory_space<hbm>>
      tpu.wait_dma2 semaphore(%run_scoped3A_760 : memref<!tpu.dma_semaphore, #tpu.memory_space<semaphore_mem>>) src(%dma_wait3A_776 : memref<512xi32, #tpu.memory_space<hbm>>) dst(%dma_wait3A_775 : memref<512xi32, #tpu.memory_space<vmem>>)
      tpu.yield
    }) : () -> ()
    %add3A_23 = arith.constant 32768 : i32
    %add3A_24 = arith.addi %add3A_23, %mul3A_2 : i32
    %run_scoped3A_25 = arith.constant 2 : i32
    "tpu.region"() ({
      %run_scoped3A_760 = tpu.sem_alloc : memref<!tpu.dma_semaphore, #tpu.memory_space<semaphore_mem>>
      %dma_start3A_761 = arith.constant 0 : i32
      %dma_start3A_762 = tpu.memref_slice %arg11[%run_scoped3A_25, %dma_start3A_761] : memref<5x512xi32, #tpu.memory_space<vmem>> -> memref<1x512xi32, #tpu.memory_space<vmem>>
      %dma_start3A_763 = tpu.memref_squeeze %dma_start3A_762 : memref<1x512xi32, #tpu.memory_space<vmem>> -> memref<512xi32, #tpu.memory_space<vmem>>
      %dma_start3A_764 = tpu.memref_slice %arg5[%add3A_24] : memref<81920xi32, #tpu.memory_space<hbm>> -> memref<512xi32, #tpu.memory_space<hbm>>
      %dma_start3A_765 = arith.constant 0 : i32
      %dma_start3A_766 = tpu.memref_slice %arg11[%run_scoped3A_25, %dma_start3A_765] : memref<5x512xi32, #tpu.memory_space<vmem>> -> memref<1x512xi32, #tpu.memory_space<vmem>>
      %dma_start3A_767 = tpu.memref_squeeze %dma_start3A_766 : memref<1x512xi32, #tpu.memory_space<vmem>> -> memref<512xi32, #tpu.memory_space<vmem>>
      %dma_start3A_768 = tpu.memref_slice %arg5[%add3A_24] : memref<81920xi32, #tpu.memory_space<hbm>> -> memref<512xi32, #tpu.memory_space<hbm>>
      tpu.enqueue_dma source(%dma_start3A_768 : memref<512xi32, #tpu.memory_space<hbm>>) target(%dma_start3A_767 : memref<512xi32, #tpu.memory_space<vmem>>) target_semaphore(%run_scoped3A_760 : memref<!tpu.dma_semaphore, #tpu.memory_space<semaphore_mem>>)
      %dma_wait3A_769 = arith.constant 0 : i32
      %dma_wait3A_770 = tpu.memref_slice %arg11[%run_scoped3A_25, %dma_wait3A_769] : memref<5x512xi32, #tpu.memory_space<vmem>> -> memref<1x512xi32, #tpu.memory_space<vmem>>
      %dma_wait3A_771 = tpu.memref_squeeze %dma_wait3A_770 : memref<1x512xi32, #tpu.memory_space<vmem>> -> memref<512xi32, #tpu.memory_space<vmem>>
      %dma_wait3A_772 = tpu.memref_slice %arg5[%add3A_24] : memref<81920xi32, #tpu.memory_space<hbm>> -> memref<512xi32, #tpu.memory_space<hbm>>
      %dma_wait3A_773 = arith.constant 0 : i32
      %dma_wait3A_774 = tpu.memref_slice %arg11[%run_scoped3A_25, %dma_wait3A_773] : memref<5x512xi32, #tpu.memory_space<vmem>> -> memref<1x512xi32, #tpu.memory_space<vmem>>
      %dma_wait3A_775 = tpu.memref_squeeze %dma_wait3A_774 : memref<1x512xi32, #tpu.memory_space<vmem>> -> memref<512xi32, #tpu.memory_space<vmem>>
      %dma_wait3A_776 = tpu.memref_slice %arg5[%add3A_24] : memref<81920xi32, #tpu.memory_space<hbm>> -> memref<512xi32, #tpu.memory_space<hbm>>
      tpu.wait_dma2 semaphore(%run_scoped3A_760 : memref<!tpu.dma_semaphore, #tpu.memory_space<semaphore_mem>>) src(%dma_wait3A_776 : memref<512xi32, #tpu.memory_space<hbm>>) dst(%dma_wait3A_775 : memref<512xi32, #tpu.memory_space<vmem>>)
      tpu.yield
    }) : () -> ()
    %add3A_26 = arith.constant 49152 : i32
    %add3A_27 = arith.addi %add3A_26, %mul3A_2 : i32
    %run_scoped3A_28 = arith.constant 3 : i32
    "tpu.region"() ({
      %run_scoped3A_760 = tpu.sem_alloc : memref<!tpu.dma_semaphore, #tpu.memory_space<semaphore_mem>>
      %dma_start3A_761 = arith.constant 0 : i32
      %dma_start3A_762 = tpu.memref_slice %arg11[%run_scoped3A_28, %dma_start3A_761] : memref<5x512xi32, #tpu.memory_space<vmem>> -> memref<1x512xi32, #tpu.memory_space<vmem>>
      %dma_start3A_763 = tpu.memref_squeeze %dma_start3A_762 : memref<1x512xi32, #tpu.memory_space<vmem>> -> memref<512xi32, #tpu.memory_space<vmem>>
      %dma_start3A_764 = tpu.memref_slice %arg5[%add3A_27] : memref<81920xi32, #tpu.memory_space<hbm>> -> memref<512xi32, #tpu.memory_space<hbm>>
      %dma_start3A_765 = arith.constant 0 : i32
      %dma_start3A_766 = tpu.memref_slice %arg11[%run_scoped3A_28, %dma_start3A_765] : memref<5x512xi32, #tpu.memory_space<vmem>> -> memref<1x512xi32, #tpu.memory_space<vmem>>
      %dma_start3A_767 = tpu.memref_squeeze %dma_start3A_766 : memref<1x512xi32, #tpu.memory_space<vmem>> -> memref<512xi32, #tpu.memory_space<vmem>>
      %dma_start3A_768 = tpu.memref_slice %arg5[%add3A_27] : memref<81920xi32, #tpu.memory_space<hbm>> -> memref<512xi32, #tpu.memory_space<hbm>>
      tpu.enqueue_dma source(%dma_start3A_768 : memref<512xi32, #tpu.memory_space<hbm>>) target(%dma_start3A_767 : memref<512xi32, #tpu.memory_space<vmem>>) target_semaphore(%run_scoped3A_760 : memref<!tpu.dma_semaphore, #tpu.memory_space<semaphore_mem>>)
      %dma_wait3A_769 = arith.constant 0 : i32
      %dma_wait3A_770 = tpu.memref_slice %arg11[%run_scoped3A_28, %dma_wait3A_769] : memref<5x512xi32, #tpu.memory_space<vmem>> -> memref<1x512xi32, #tpu.memory_space<vmem>>
      %dma_wait3A_771 = tpu.memref_squeeze %dma_wait3A_770 : memref<1x512xi32, #tpu.memory_space<vmem>> -> memref<512xi32, #tpu.memory_space<vmem>>
      %dma_wait3A_772 = tpu.memref_slice %arg5[%add3A_27] : memref<81920xi32, #tpu.memory_space<hbm>> -> memref<512xi32, #tpu.memory_space<hbm>>
      %dma_wait3A_773 = arith.constant 0 : i32
      %dma_wait3A_774 = tpu.memref_slice %arg11[%run_scoped3A_28, %dma_wait3A_773] : memref<5x512xi32, #tpu.memory_space<vmem>> -> memref<1x512xi32, #tpu.memory_space<vmem>>
      %dma_wait3A_775 = tpu.memref_squeeze %dma_wait3A_774 : memref<1x512xi32, #tpu.memory_space<vmem>> -> memref<512xi32, #tpu.memory_space<vmem>>
      %dma_wait3A_776 = tpu.memref_slice %arg5[%add3A_27] : memref<81920xi32, #tpu.memory_space<hbm>> -> memref<512xi32, #tpu.memory_space<hbm>>
      tpu.wait_dma2 semaphore(%run_scoped3A_760 : memref<!tpu.dma_semaphore, #tpu.memory_space<semaphore_mem>>) src(%dma_wait3A_776 : memref<512xi32, #tpu.memory_space<hbm>>) dst(%dma_wait3A_775 : memref<512xi32, #tpu.memory_space<vmem>>)
      tpu.yield
    }) : () -> ()
    %add3A_29 = arith.constant 65536 : i32
    %add3A_30 = arith.addi %add3A_29, %mul3A_2 : i32
    %run_scoped3A_31 = arith.constant 4 : i32
    "tpu.region"() ({
      %run_scoped3A_760 = tpu.sem_alloc : memref<!tpu.dma_semaphore, #tpu.memory_space<semaphore_mem>>
      %dma_start3A_761 = arith.constant 0 : i32
      %dma_start3A_762 = tpu.memref_slice %arg11[%run_scoped3A_31, %dma_start3A_761] : memref<5x512xi32, #tpu.memory_space<vmem>> -> memref<1x512xi32, #tpu.memory_space<vmem>>
      %dma_start3A_763 = tpu.memref_squeeze %dma_start3A_762 : memref<1x512xi32, #tpu.memory_space<vmem>> -> memref<512xi32, #tpu.memory_space<vmem>>
      %dma_start3A_764 = tpu.memref_slice %arg5[%add3A_30] : memref<81920xi32, #tpu.memory_space<hbm>> -> memref<512xi32, #tpu.memory_space<hbm>>
      %dma_start3A_765 = arith.constant 0 : i32
      %dma_start3A_766 = tpu.memref_slice %arg11[%run_scoped3A_31, %dma_start3A_765] : memref<5x512xi32, #tpu.memory_space<vmem>> -> memref<1x512xi32, #tpu.memory_space<vmem>>
      %dma_start3A_767 = tpu.memref_squeeze %dma_start3A_766 : memref<1x512xi32, #tpu.memory_space<vmem>> -> memref<512xi32, #tpu.memory_space<vmem>>
      %dma_start3A_768 = tpu.memref_slice %arg5[%add3A_30] : memref<81920xi32, #tpu.memory_space<hbm>> -> memref<512xi32, #tpu.memory_space<hbm>>
      tpu.enqueue_dma source(%dma_start3A_768 : memref<512xi32, #tpu.memory_space<hbm>>) target(%dma_start3A_767 : memref<512xi32, #tpu.memory_space<vmem>>) target_semaphore(%run_scoped3A_760 : memref<!tpu.dma_semaphore, #tpu.memory_space<semaphore_mem>>)
      %dma_wait3A_769 = arith.constant 0 : i32
      %dma_wait3A_770 = tpu.memref_slice %arg11[%run_scoped3A_31, %dma_wait3A_769] : memref<5x512xi32, #tpu.memory_space<vmem>> -> memref<1x512xi32, #tpu.memory_space<vmem>>
      %dma_wait3A_771 = tpu.memref_squeeze %dma_wait3A_770 : memref<1x512xi32, #tpu.memory_space<vmem>> -> memref<512xi32, #tpu.memory_space<vmem>>
      %dma_wait3A_772 = tpu.memref_slice %arg5[%add3A_30] : memref<81920xi32, #tpu.memory_space<hbm>> -> memref<512xi32, #tpu.memory_space<hbm>>
      %dma_wait3A_773 = arith.constant 0 : i32
      %dma_wait3A_774 = tpu.memref_slice %arg11[%run_scoped3A_31, %dma_wait3A_773] : memref<5x512xi32, #tpu.memory_space<vmem>> -> memref<1x512xi32, #tpu.memory_space<vmem>>
      %dma_wait3A_775 = tpu.memref_squeeze %dma_wait3A_774 : memref<1x512xi32, #tpu.memory_space<vmem>> -> memref<512xi32, #tpu.memory_space<vmem>>
      %dma_wait3A_776 = tpu.memref_slice %arg5[%add3A_30] : memref<81920xi32, #tpu.memory_space<hbm>> -> memref<512xi32, #tpu.memory_space<hbm>>
      tpu.wait_dma2 semaphore(%run_scoped3A_760 : memref<!tpu.dma_semaphore, #tpu.memory_space<semaphore_mem>>) src(%dma_wait3A_776 : memref<512xi32, #tpu.memory_space<hbm>>) dst(%dma_wait3A_775 : memref<512xi32, #tpu.memory_space<vmem>>)
      tpu.yield
    }) : () -> ()
    %add3A_32 = arith.constant 0 : i32
    %add3A_33 = arith.addi %add3A_32, %mul3A_2 : i32
    %run_scoped3A_34 = arith.constant 0 : i32
    "tpu.region"() ({
      %run_scoped3A_760 = tpu.sem_alloc : memref<!tpu.dma_semaphore, #tpu.memory_space<semaphore_mem>>
      %dma_start3A_761 = arith.constant 0 : i32
      %dma_start3A_762 = tpu.memref_slice %arg12[%run_scoped3A_34, %dma_start3A_761] : memref<5x512xi32, #tpu.memory_space<vmem>> -> memref<1x512xi32, #tpu.memory_space<vmem>>
      %dma_start3A_763 = tpu.memref_squeeze %dma_start3A_762 : memref<1x512xi32, #tpu.memory_space<vmem>> -> memref<512xi32, #tpu.memory_space<vmem>>
      %dma_start3A_764 = tpu.memref_slice %arg6[%add3A_33] : memref<81920xi32, #tpu.memory_space<hbm>> -> memref<512xi32, #tpu.memory_space<hbm>>
      %dma_start3A_765 = arith.constant 0 : i32
      %dma_start3A_766 = tpu.memref_slice %arg12[%run_scoped3A_34, %dma_start3A_765] : memref<5x512xi32, #tpu.memory_space<vmem>> -> memref<1x512xi32, #tpu.memory_space<vmem>>
      %dma_start3A_767 = tpu.memref_squeeze %dma_start3A_766 : memref<1x512xi32, #tpu.memory_space<vmem>> -> memref<512xi32, #tpu.memory_space<vmem>>
      %dma_start3A_768 = tpu.memref_slice %arg6[%add3A_33] : memref<81920xi32, #tpu.memory_space<hbm>> -> memref<512xi32, #tpu.memory_space<hbm>>
      tpu.enqueue_dma source(%dma_start3A_768 : memref<512xi32, #tpu.memory_space<hbm>>) target(%dma_start3A_767 : memref<512xi32, #tpu.memory_space<vmem>>) target_semaphore(%run_scoped3A_760 : memref<!tpu.dma_semaphore, #tpu.memory_space<semaphore_mem>>)
      %dma_wait3A_769 = arith.constant 0 : i32
      %dma_wait3A_770 = tpu.memref_slice %arg12[%run_scoped3A_34, %dma_wait3A_769] : memref<5x512xi32, #tpu.memory_space<vmem>> -> memref<1x512xi32, #tpu.memory_space<vmem>>
      %dma_wait3A_771 = tpu.memref_squeeze %dma_wait3A_770 : memref<1x512xi32, #tpu.memory_space<vmem>> -> memref<512xi32, #tpu.memory_space<vmem>>
      %dma_wait3A_772 = tpu.memref_slice %arg6[%add3A_33] : memref<81920xi32, #tpu.memory_space<hbm>> -> memref<512xi32, #tpu.memory_space<hbm>>
      %dma_wait3A_773 = arith.constant 0 : i32
      %dma_wait3A_774 = tpu.memref_slice %arg12[%run_scoped3A_34, %dma_wait3A_773] : memref<5x512xi32, #tpu.memory_space<vmem>> -> memref<1x512xi32, #tpu.memory_space<vmem>>
      %dma_wait3A_775 = tpu.memref_squeeze %dma_wait3A_774 : memref<1x512xi32, #tpu.memory_space<vmem>> -> memref<512xi32, #tpu.memory_space<vmem>>
      %dma_wait3A_776 = tpu.memref_slice %arg6[%add3A_33] : memref<81920xi32, #tpu.memory_space<hbm>> -> memref<512xi32, #tpu.memory_space<hbm>>
      tpu.wait_dma2 semaphore(%run_scoped3A_760 : memref<!tpu.dma_semaphore, #tpu.memory_space<semaphore_mem>>) src(%dma_wait3A_776 : memref<512xi32, #tpu.memory_space<hbm>>) dst(%dma_wait3A_775 : memref<512xi32, #tpu.memory_space<vmem>>)
      tpu.yield
    }) : () -> ()
    %add3A_35 = arith.constant 16384 : i32
    %add3A_36 = arith.addi %add3A_35, %mul3A_2 : i32
    %run_scoped3A_37 = arith.constant 1 : i32
    "tpu.region"() ({
      %run_scoped3A_760 = tpu.sem_alloc : memref<!tpu.dma_semaphore, #tpu.memory_space<semaphore_mem>>
      %dma_start3A_761 = arith.constant 0 : i32
      %dma_start3A_762 = tpu.memref_slice %arg12[%run_scoped3A_37, %dma_start3A_761] : memref<5x512xi32, #tpu.memory_space<vmem>> -> memref<1x512xi32, #tpu.memory_space<vmem>>
      %dma_start3A_763 = tpu.memref_squeeze %dma_start3A_762 : memref<1x512xi32, #tpu.memory_space<vmem>> -> memref<512xi32, #tpu.memory_space<vmem>>
      %dma_start3A_764 = tpu.memref_slice %arg6[%add3A_36] : memref<81920xi32, #tpu.memory_space<hbm>> -> memref<512xi32, #tpu.memory_space<hbm>>
      %dma_start3A_765 = arith.constant 0 : i32
      %dma_start3A_766 = tpu.memref_slice %arg12[%run_scoped3A_37, %dma_start3A_765] : memref<5x512xi32, #tpu.memory_space<vmem>> -> memref<1x512xi32, #tpu.memory_space<vmem>>
      %dma_start3A_767 = tpu.memref_squeeze %dma_start3A_766 : memref<1x512xi32, #tpu.memory_space<vmem>> -> memref<512xi32, #tpu.memory_space<vmem>>
      %dma_start3A_768 = tpu.memref_slice %arg6[%add3A_36] : memref<81920xi32, #tpu.memory_space<hbm>> -> memref<512xi32, #tpu.memory_space<hbm>>
      tpu.enqueue_dma source(%dma_start3A_768 : memref<512xi32, #tpu.memory_space<hbm>>) target(%dma_start3A_767 : memref<512xi32, #tpu.memory_space<vmem>>) target_semaphore(%run_scoped3A_760 : memref<!tpu.dma_semaphore, #tpu.memory_space<semaphore_mem>>)
      %dma_wait3A_769 = arith.constant 0 : i32
      %dma_wait3A_770 = tpu.memref_slice %arg12[%run_scoped3A_37, %dma_wait3A_769] : memref<5x512xi32, #tpu.memory_space<vmem>> -> memref<1x512xi32, #tpu.memory_space<vmem>>
      %dma_wait3A_771 = tpu.memref_squeeze %dma_wait3A_770 : memref<1x512xi32, #tpu.memory_space<vmem>> -> memref<512xi32, #tpu.memory_space<vmem>>
      %dma_wait3A_772 = tpu.memref_slice %arg6[%add3A_36] : memref<81920xi32, #tpu.memory_space<hbm>> -> memref<512xi32, #tpu.memory_space<hbm>>
      %dma_wait3A_773 = arith.constant 0 : i32
      %dma_wait3A_774 = tpu.memref_slice %arg12[%run_scoped3A_37, %dma_wait3A_773] : memref<5x512xi32, #tpu.memory_space<vmem>> -> memref<1x512xi32, #tpu.memory_space<vmem>>
      %dma_wait3A_775 = tpu.memref_squeeze %dma_wait3A_774 : memref<1x512xi32, #tpu.memory_space<vmem>> -> memref<512xi32, #tpu.memory_space<vmem>>
      %dma_wait3A_776 = tpu.memref_slice %arg6[%add3A_36] : memref<81920xi32, #tpu.memory_space<hbm>> -> memref<512xi32, #tpu.memory_space<hbm>>
      tpu.wait_dma2 semaphore(%run_scoped3A_760 : memref<!tpu.dma_semaphore, #tpu.memory_space<semaphore_mem>>) src(%dma_wait3A_776 : memref<512xi32, #tpu.memory_space<hbm>>) dst(%dma_wait3A_775 : memref<512xi32, #tpu.memory_space<vmem>>)
      tpu.yield
    }) : () -> ()
    %add3A_38 = arith.constant 32768 : i32
    %add3A_39 = arith.addi %add3A_38, %mul3A_2 : i32
    %run_scoped3A_40 = arith.constant 2 : i32
    "tpu.region"() ({
      %run_scoped3A_760 = tpu.sem_alloc : memref<!tpu.dma_semaphore, #tpu.memory_space<semaphore_mem>>
      %dma_start3A_761 = arith.constant 0 : i32
      %dma_start3A_762 = tpu.memref_slice %arg12[%run_scoped3A_40, %dma_start3A_761] : memref<5x512xi32, #tpu.memory_space<vmem>> -> memref<1x512xi32, #tpu.memory_space<vmem>>
      %dma_start3A_763 = tpu.memref_squeeze %dma_start3A_762 : memref<1x512xi32, #tpu.memory_space<vmem>> -> memref<512xi32, #tpu.memory_space<vmem>>
      %dma_start3A_764 = tpu.memref_slice %arg6[%add3A_39] : memref<81920xi32, #tpu.memory_space<hbm>> -> memref<512xi32, #tpu.memory_space<hbm>>
      %dma_start3A_765 = arith.constant 0 : i32
      %dma_start3A_766 = tpu.memref_slice %arg12[%run_scoped3A_40, %dma_start3A_765] : memref<5x512xi32, #tpu.memory_space<vmem>> -> memref<1x512xi32, #tpu.memory_space<vmem>>
      %dma_start3A_767 = tpu.memref_squeeze %dma_start3A_766 : memref<1x512xi32, #tpu.memory_space<vmem>> -> memref<512xi32, #tpu.memory_space<vmem>>
      %dma_start3A_768 = tpu.memref_slice %arg6[%add3A_39] : memref<81920xi32, #tpu.memory_space<hbm>> -> memref<512xi32, #tpu.memory_space<hbm>>
      tpu.enqueue_dma source(%dma_start3A_768 : memref<512xi32, #tpu.memory_space<hbm>>) target(%dma_start3A_767 : memref<512xi32, #tpu.memory_space<vmem>>) target_semaphore(%run_scoped3A_760 : memref<!tpu.dma_semaphore, #tpu.memory_space<semaphore_mem>>)
      %dma_wait3A_769 = arith.constant 0 : i32
      %dma_wait3A_770 = tpu.memref_slice %arg12[%run_scoped3A_40, %dma_wait3A_769] : memref<5x512xi32, #tpu.memory_space<vmem>> -> memref<1x512xi32, #tpu.memory_space<vmem>>
      %dma_wait3A_771 = tpu.memref_squeeze %dma_wait3A_770 : memref<1x512xi32, #tpu.memory_space<vmem>> -> memref<512xi32, #tpu.memory_space<vmem>>
      %dma_wait3A_772 = tpu.memref_slice %arg6[%add3A_39] : memref<81920xi32, #tpu.memory_space<hbm>> -> memref<512xi32, #tpu.memory_space<hbm>>
      %dma_wait3A_773 = arith.constant 0 : i32
      %dma_wait3A_774 = tpu.memref_slice %arg12[%run_scoped3A_40, %dma_wait3A_773] : memref<5x512xi32, #tpu.memory_space<vmem>> -> memref<1x512xi32, #tpu.memory_space<vmem>>
      %dma_wait3A_775 = tpu.memref_squeeze %dma_wait3A_774 : memref<1x512xi32, #tpu.memory_space<vmem>> -> memref<512xi32, #tpu.memory_space<vmem>>
      %dma_wait3A_776 = tpu.memref_slice %arg6[%add3A_39] : memref<81920xi32, #tpu.memory_space<hbm>> -> memref<512xi32, #tpu.memory_space<hbm>>
      tpu.wait_dma2 semaphore(%run_scoped3A_760 : memref<!tpu.dma_semaphore, #tpu.memory_space<semaphore_mem>>) src(%dma_wait3A_776 : memref<512xi32, #tpu.memory_space<hbm>>) dst(%dma_wait3A_775 : memref<512xi32, #tpu.memory_space<vmem>>)
      tpu.yield
    }) : () -> ()
    %add3A_41 = arith.constant 49152 : i32
    %add3A_42 = arith.addi %add3A_41, %mul3A_2 : i32
    %run_scoped3A_43 = arith.constant 3 : i32
    "tpu.region"() ({
      %run_scoped3A_760 = tpu.sem_alloc : memref<!tpu.dma_semaphore, #tpu.memory_space<semaphore_mem>>
      %dma_start3A_761 = arith.constant 0 : i32
      %dma_start3A_762 = tpu.memref_slice %arg12[%run_scoped3A_43, %dma_start3A_761] : memref<5x512xi32, #tpu.memory_space<vmem>> -> memref<1x512xi32, #tpu.memory_space<vmem>>
      %dma_start3A_763 = tpu.memref_squeeze %dma_start3A_762 : memref<1x512xi32, #tpu.memory_space<vmem>> -> memref<512xi32, #tpu.memory_space<vmem>>
      %dma_start3A_764 = tpu.memref_slice %arg6[%add3A_42] : memref<81920xi32, #tpu.memory_space<hbm>> -> memref<512xi32, #tpu.memory_space<hbm>>
      %dma_start3A_765 = arith.constant 0 : i32
      %dma_start3A_766 = tpu.memref_slice %arg12[%run_scoped3A_43, %dma_start3A_765] : memref<5x512xi32, #tpu.memory_space<vmem>> -> memref<1x512xi32, #tpu.memory_space<vmem>>
      %dma_start3A_767 = tpu.memref_squeeze %dma_start3A_766 : memref<1x512xi32, #tpu.memory_space<vmem>> -> memref<512xi32, #tpu.memory_space<vmem>>
      %dma_start3A_768 = tpu.memref_slice %arg6[%add3A_42] : memref<81920xi32, #tpu.memory_space<hbm>> -> memref<512xi32, #tpu.memory_space<hbm>>
      tpu.enqueue_dma source(%dma_start3A_768 : memref<512xi32, #tpu.memory_space<hbm>>) target(%dma_start3A_767 : memref<512xi32, #tpu.memory_space<vmem>>) target_semaphore(%run_scoped3A_760 : memref<!tpu.dma_semaphore, #tpu.memory_space<semaphore_mem>>)
      %dma_wait3A_769 = arith.constant 0 : i32
      %dma_wait3A_770 = tpu.memref_slice %arg12[%run_scoped3A_43, %dma_wait3A_769] : memref<5x512xi32, #tpu.memory_space<vmem>> -> memref<1x512xi32, #tpu.memory_space<vmem>>
      %dma_wait3A_771 = tpu.memref_squeeze %dma_wait3A_770 : memref<1x512xi32, #tpu.memory_space<vmem>> -> memref<512xi32, #tpu.memory_space<vmem>>
      %dma_wait3A_772 = tpu.memref_slice %arg6[%add3A_42] : memref<81920xi32, #tpu.memory_space<hbm>> -> memref<512xi32, #tpu.memory_space<hbm>>
      %dma_wait3A_773 = arith.constant 0 : i32
      %dma_wait3A_774 = tpu.memref_slice %arg12[%run_scoped3A_43, %dma_wait3A_773] : memref<5x512xi32, #tpu.memory_space<vmem>> -> memref<1x512xi32, #tpu.memory_space<vmem>>
      %dma_wait3A_775 = tpu.memref_squeeze %dma_wait3A_774 : memref<1x512xi32, #tpu.memory_space<vmem>> -> memref<512xi32, #tpu.memory_space<vmem>>
      %dma_wait3A_776 = tpu.memref_slice %arg6[%add3A_42] : memref<81920xi32, #tpu.memory_space<hbm>> -> memref<512xi32, #tpu.memory_space<hbm>>
      tpu.wait_dma2 semaphore(%run_scoped3A_760 : memref<!tpu.dma_semaphore, #tpu.memory_space<semaphore_mem>>) src(%dma_wait3A_776 : memref<512xi32, #tpu.memory_space<hbm>>) dst(%dma_wait3A_775 : memref<512xi32, #tpu.memory_space<vmem>>)
      tpu.yield
    }) : () -> ()
    %add3A_44 = arith.constant 65536 : i32
    %add3A_45 = arith.addi %add3A_44, %mul3A_2 : i32
    %run_scoped3A_46 = arith.constant 4 : i32
    "tpu.region"() ({
      %run_scoped3A_760 = tpu.sem_alloc : memref<!tpu.dma_semaphore, #tpu.memory_space<semaphore_mem>>
      %dma_start3A_761 = arith.constant 0 : i32
      %dma_start3A_762 = tpu.memref_slice %arg12[%run_scoped3A_46, %dma_start3A_761] : memref<5x512xi32, #tpu.memory_space<vmem>> -> memref<1x512xi32, #tpu.memory_space<vmem>>
      %dma_start3A_763 = tpu.memref_squeeze %dma_start3A_762 : memref<1x512xi32, #tpu.memory_space<vmem>> -> memref<512xi32, #tpu.memory_space<vmem>>
      %dma_start3A_764 = tpu.memref_slice %arg6[%add3A_45] : memref<81920xi32, #tpu.memory_space<hbm>> -> memref<512xi32, #tpu.memory_space<hbm>>
      %dma_start3A_765 = arith.constant 0 : i32
      %dma_start3A_766 = tpu.memref_slice %arg12[%run_scoped3A_46, %dma_start3A_765] : memref<5x512xi32, #tpu.memory_space<vmem>> -> memref<1x512xi32, #tpu.memory_space<vmem>>
      %dma_start3A_767 = tpu.memref_squeeze %dma_start3A_766 : memref<1x512xi32, #tpu.memory_space<vmem>> -> memref<512xi32, #tpu.memory_space<vmem>>
      %dma_start3A_768 = tpu.memref_slice %arg6[%add3A_45] : memref<81920xi32, #tpu.memory_space<hbm>> -> memref<512xi32, #tpu.memory_space<hbm>>
      tpu.enqueue_dma source(%dma_start3A_768 : memref<512xi32, #tpu.memory_space<hbm>>) target(%dma_start3A_767 : memref<512xi32, #tpu.memory_space<vmem>>) target_semaphore(%run_scoped3A_760 : memref<!tpu.dma_semaphore, #tpu.memory_space<semaphore_mem>>)
      %dma_wait3A_769 = arith.constant 0 : i32
      %dma_wait3A_770 = tpu.memref_slice %arg12[%run_scoped3A_46, %dma_wait3A_769] : memref<5x512xi32, #tpu.memory_space<vmem>> -> memref<1x512xi32, #tpu.memory_space<vmem>>
      %dma_wait3A_771 = tpu.memref_squeeze %dma_wait3A_770 : memref<1x512xi32, #tpu.memory_space<vmem>> -> memref<512xi32, #tpu.memory_space<vmem>>
      %dma_wait3A_772 = tpu.memref_slice %arg6[%add3A_45] : memref<81920xi32, #tpu.memory_space<hbm>> -> memref<512xi32, #tpu.memory_space<hbm>>
      %dma_wait3A_773 = arith.constant 0 : i32
      %dma_wait3A_774 = tpu.memref_slice %arg12[%run_scoped3A_46, %dma_wait3A_773] : memref<5x512xi32, #tpu.memory_space<vmem>> -> memref<1x512xi32, #tpu.memory_space<vmem>>
      %dma_wait3A_775 = tpu.memref_squeeze %dma_wait3A_774 : memref<1x512xi32, #tpu.memory_space<vmem>> -> memref<512xi32, #tpu.memory_space<vmem>>
      %dma_wait3A_776 = tpu.memref_slice %arg6[%add3A_45] : memref<81920xi32, #tpu.memory_space<hbm>> -> memref<512xi32, #tpu.memory_space<hbm>>
      tpu.wait_dma2 semaphore(%run_scoped3A_760 : memref<!tpu.dma_semaphore, #tpu.memory_space<semaphore_mem>>) src(%dma_wait3A_776 : memref<512xi32, #tpu.memory_space<hbm>>) dst(%dma_wait3A_775 : memref<512xi32, #tpu.memory_space<vmem>>)
      tpu.yield
    }) : () -> ()
    %add3A_47 = arith.constant 0 : i32
    %add3A_48 = arith.addi %add3A_47, %mul3A_2 : i32
    %run_scoped3A_49 = arith.constant 0 : i32
    "tpu.region"() ({
      %run_scoped3A_760 = tpu.sem_alloc : memref<!tpu.dma_semaphore, #tpu.memory_space<semaphore_mem>>
      %dma_start3A_761 = arith.constant 0 : i32
      %dma_start3A_762 = tpu.memref_slice %arg13[%run_scoped3A_49, %dma_start3A_761] : memref<5x512xi32, #tpu.memory_space<vmem>> -> memref<1x512xi32, #tpu.memory_space<vmem>>
      %dma_start3A_763 = tpu.memref_squeeze %dma_start3A_762 : memref<1x512xi32, #tpu.memory_space<vmem>> -> memref<512xi32, #tpu.memory_space<vmem>>
      %dma_start3A_764 = tpu.memref_slice %arg7[%add3A_48] : memref<81920xi32, #tpu.memory_space<hbm>> -> memref<512xi32, #tpu.memory_space<hbm>>
      %dma_start3A_765 = arith.constant 0 : i32
      %dma_start3A_766 = tpu.memref_slice %arg13[%run_scoped3A_49, %dma_start3A_765] : memref<5x512xi32, #tpu.memory_space<vmem>> -> memref<1x512xi32, #tpu.memory_space<vmem>>
      %dma_start3A_767 = tpu.memref_squeeze %dma_start3A_766 : memref<1x512xi32, #tpu.memory_space<vmem>> -> memref<512xi32, #tpu.memory_space<vmem>>
      %dma_start3A_768 = tpu.memref_slice %arg7[%add3A_48] : memref<81920xi32, #tpu.memory_space<hbm>> -> memref<512xi32, #tpu.memory_space<hbm>>
      tpu.enqueue_dma source(%dma_start3A_768 : memref<512xi32, #tpu.memory_space<hbm>>) target(%dma_start3A_767 : memref<512xi32, #tpu.memory_space<vmem>>) target_semaphore(%run_scoped3A_760 : memref<!tpu.dma_semaphore, #tpu.memory_space<semaphore_mem>>)
      %dma_wait3A_769 = arith.constant 0 : i32
      %dma_wait3A_770 = tpu.memref_slice %arg13[%run_scoped3A_49, %dma_wait3A_769] : memref<5x512xi32, #tpu.memory_space<vmem>> -> memref<1x512xi32, #tpu.memory_space<vmem>>
      %dma_wait3A_771 = tpu.memref_squeeze %dma_wait3A_770 : memref<1x512xi32, #tpu.memory_space<vmem>> -> memref<512xi32, #tpu.memory_space<vmem>>
      %dma_wait3A_772 = tpu.memref_slice %arg7[%add3A_48] : memref<81920xi32, #tpu.memory_space<hbm>> -> memref<512xi32, #tpu.memory_space<hbm>>
      %dma_wait3A_773 = arith.constant 0 : i32
      %dma_wait3A_774 = tpu.memref_slice %arg13[%run_scoped3A_49, %dma_wait3A_773] : memref<5x512xi32, #tpu.memory_space<vmem>> -> memref<1x512xi32, #tpu.memory_space<vmem>>
      %dma_wait3A_775 = tpu.memref_squeeze %dma_wait3A_774 : memref<1x512xi32, #tpu.memory_space<vmem>> -> memref<512xi32, #tpu.memory_space<vmem>>
      %dma_wait3A_776 = tpu.memref_slice %arg7[%add3A_48] : memref<81920xi32, #tpu.memory_space<hbm>> -> memref<512xi32, #tpu.memory_space<hbm>>
      tpu.wait_dma2 semaphore(%run_scoped3A_760 : memref<!tpu.dma_semaphore, #tpu.memory_space<semaphore_mem>>) src(%dma_wait3A_776 : memref<512xi32, #tpu.memory_space<hbm>>) dst(%dma_wait3A_775 : memref<512xi32, #tpu.memory_space<vmem>>)
      tpu.yield
    }) : () -> ()
    %add3A_50 = arith.constant 16384 : i32
    %add3A_51 = arith.addi %add3A_50, %mul3A_2 : i32
    %run_scoped3A_52 = arith.constant 1 : i32
    "tpu.region"() ({
      %run_scoped3A_760 = tpu.sem_alloc : memref<!tpu.dma_semaphore, #tpu.memory_space<semaphore_mem>>
      %dma_start3A_761 = arith.constant 0 : i32
      %dma_start3A_762 = tpu.memref_slice %arg13[%run_scoped3A_52, %dma_start3A_761] : memref<5x512xi32, #tpu.memory_space<vmem>> -> memref<1x512xi32, #tpu.memory_space<vmem>>
      %dma_start3A_763 = tpu.memref_squeeze %dma_start3A_762 : memref<1x512xi32, #tpu.memory_space<vmem>> -> memref<512xi32, #tpu.memory_space<vmem>>
      %dma_start3A_764 = tpu.memref_slice %arg7[%add3A_51] : memref<81920xi32, #tpu.memory_space<hbm>> -> memref<512xi32, #tpu.memory_space<hbm>>
      %dma_start3A_765 = arith.constant 0 : i32
      %dma_start3A_766 = tpu.memref_slice %arg13[%run_scoped3A_52, %dma_start3A_765] : memref<5x512xi32, #tpu.memory_space<vmem>> -> memref<1x512xi32, #tpu.memory_space<vmem>>
      %dma_start3A_767 = tpu.memref_squeeze %dma_start3A_766 : memref<1x512xi32, #tpu.memory_space<vmem>> -> memref<512xi32, #tpu.memory_space<vmem>>
      %dma_start3A_768 = tpu.memref_slice %arg7[%add3A_51] : memref<81920xi32, #tpu.memory_space<hbm>> -> memref<512xi32, #tpu.memory_space<hbm>>
      tpu.enqueue_dma source(%dma_start3A_768 : memref<512xi32, #tpu.memory_space<hbm>>) target(%dma_start3A_767 : memref<512xi32, #tpu.memory_space<vmem>>) target_semaphore(%run_scoped3A_760 : memref<!tpu.dma_semaphore, #tpu.memory_space<semaphore_mem>>)
      %dma_wait3A_769 = arith.constant 0 : i32
      %dma_wait3A_770 = tpu.memref_slice %arg13[%run_scoped3A_52, %dma_wait3A_769] : memref<5x512xi32, #tpu.memory_space<vmem>> -> memref<1x512xi32, #tpu.memory_space<vmem>>
      %dma_wait3A_771 = tpu.memref_squeeze %dma_wait3A_770 : memref<1x512xi32, #tpu.memory_space<vmem>> -> memref<512xi32, #tpu.memory_space<vmem>>
      %dma_wait3A_772 = tpu.memref_slice %arg7[%add3A_51] : memref<81920xi32, #tpu.memory_space<hbm>> -> memref<512xi32, #tpu.memory_space<hbm>>
      %dma_wait3A_773 = arith.constant 0 : i32
      %dma_wait3A_774 = tpu.memref_slice %arg13[%run_scoped3A_52, %dma_wait3A_773] : memref<5x512xi32, #tpu.memory_space<vmem>> -> memref<1x512xi32, #tpu.memory_space<vmem>>
      %dma_wait3A_775 = tpu.memref_squeeze %dma_wait3A_774 : memref<1x512xi32, #tpu.memory_space<vmem>> -> memref<512xi32, #tpu.memory_space<vmem>>
      %dma_wait3A_776 = tpu.memref_slice %arg7[%add3A_51] : memref<81920xi32, #tpu.memory_space<hbm>> -> memref<512xi32, #tpu.memory_space<hbm>>
      tpu.wait_dma2 semaphore(%run_scoped3A_760 : memref<!tpu.dma_semaphore, #tpu.memory_space<semaphore_mem>>) src(%dma_wait3A_776 : memref<512xi32, #tpu.memory_space<hbm>>) dst(%dma_wait3A_775 : memref<512xi32, #tpu.memory_space<vmem>>)
      tpu.yield
    }) : () -> ()
    %add3A_53 = arith.constant 32768 : i32
    %add3A_54 = arith.addi %add3A_53, %mul3A_2 : i32
    %run_scoped3A_55 = arith.constant 2 : i32
    "tpu.region"() ({
      %run_scoped3A_760 = tpu.sem_alloc : memref<!tpu.dma_semaphore, #tpu.memory_space<semaphore_mem>>
      %dma_start3A_761 = arith.constant 0 : i32
      %dma_start3A_762 = tpu.memref_slice %arg13[%run_scoped3A_55, %dma_start3A_761] : memref<5x512xi32, #tpu.memory_space<vmem>> -> memref<1x512xi32, #tpu.memory_space<vmem>>
      %dma_start3A_763 = tpu.memref_squeeze %dma_start3A_762 : memref<1x512xi32, #tpu.memory_space<vmem>> -> memref<512xi32, #tpu.memory_space<vmem>>
      %dma_start3A_764 = tpu.memref_slice %arg7[%add3A_54] : memref<81920xi32, #tpu.memory_space<hbm>> -> memref<512xi32, #tpu.memory_space<hbm>>
      %dma_start3A_765 = arith.constant 0 : i32
      %dma_start3A_766 = tpu.memref_slice %arg13[%run_scoped3A_55, %dma_start3A_765] : memref<5x512xi32, #tpu.memory_space<vmem>> -> memref<1x512xi32, #tpu.memory_space<vmem>>
      %dma_start3A_767 = tpu.memref_squeeze %dma_start3A_766 : memref<1x512xi32, #tpu.memory_space<vmem>> -> memref<512xi32, #tpu.memory_space<vmem>>
      %dma_start3A_768 = tpu.memref_slice %arg7[%add3A_54] : memref<81920xi32, #tpu.memory_space<hbm>> -> memref<512xi32, #tpu.memory_space<hbm>>
      tpu.enqueue_dma source(%dma_start3A_768 : memref<512xi32, #tpu.memory_space<hbm>>) target(%dma_start3A_767 : memref<512xi32, #tpu.memory_space<vmem>>) target_semaphore(%run_scoped3A_760 : memref<!tpu.dma_semaphore, #tpu.memory_space<semaphore_mem>>)
      %dma_wait3A_769 = arith.constant 0 : i32
      %dma_wait3A_770 = tpu.memref_slice %arg13[%run_scoped3A_55, %dma_wait3A_769] : memref<5x512xi32, #tpu.memory_space<vmem>> -> memref<1x512xi32, #tpu.memory_space<vmem>>
      %dma_wait3A_771 = tpu.memref_squeeze %dma_wait3A_770 : memref<1x512xi32, #tpu.memory_space<vmem>> -> memref<512xi32, #tpu.memory_space<vmem>>
      %dma_wait3A_772 = tpu.memref_slice %arg7[%add3A_54] : memref<81920xi32, #tpu.memory_space<hbm>> -> memref<512xi32, #tpu.memory_space<hbm>>
      %dma_wait3A_773 = arith.constant 0 : i32
      %dma_wait3A_774 = tpu.memref_slice %arg13[%run_scoped3A_55, %dma_wait3A_773] : memref<5x512xi32, #tpu.memory_space<vmem>> -> memref<1x512xi32, #tpu.memory_space<vmem>>
      %dma_wait3A_775 = tpu.memref_squeeze %dma_wait3A_774 : memref<1x512xi32, #tpu.memory_space<vmem>> -> memref<512xi32, #tpu.memory_space<vmem>>
      %dma_wait3A_776 = tpu.memref_slice %arg7[%add3A_54] : memref<81920xi32, #tpu.memory_space<hbm>> -> memref<512xi32, #tpu.memory_space<hbm>>
      tpu.wait_dma2 semaphore(%run_scoped3A_760 : memref<!tpu.dma_semaphore, #tpu.memory_space<semaphore_mem>>) src(%dma_wait3A_776 : memref<512xi32, #tpu.memory_space<hbm>>) dst(%dma_wait3A_775 : memref<512xi32, #tpu.memory_space<vmem>>)
      tpu.yield
    }) : () -> ()
    %add3A_56 = arith.constant 49152 : i32
    %add3A_57 = arith.addi %add3A_56, %mul3A_2 : i32
    %run_scoped3A_58 = arith.constant 3 : i32
    "tpu.region"() ({
      %run_scoped3A_760 = tpu.sem_alloc : memref<!tpu.dma_semaphore, #tpu.memory_space<semaphore_mem>>
      %dma_start3A_761 = arith.constant 0 : i32
      %dma_start3A_762 = tpu.memref_slice %arg13[%run_scoped3A_58, %dma_start3A_761] : memref<5x512xi32, #tpu.memory_space<vmem>> -> memref<1x512xi32, #tpu.memory_space<vmem>>
      %dma_start3A_763 = tpu.memref_squeeze %dma_start3A_762 : memref<1x512xi32, #tpu.memory_space<vmem>> -> memref<512xi32, #tpu.memory_space<vmem>>
      %dma_start3A_764 = tpu.memref_slice %arg7[%add3A_57] : memref<81920xi32, #tpu.memory_space<hbm>> -> memref<512xi32, #tpu.memory_space<hbm>>
      %dma_start3A_765 = arith.constant 0 : i32
      %dma_start3A_766 = tpu.memref_slice %arg13[%run_scoped3A_58, %dma_start3A_765] : memref<5x512xi32, #tpu.memory_space<vmem>> -> memref<1x512xi32, #tpu.memory_space<vmem>>
      %dma_start3A_767 = tpu.memref_squeeze %dma_start3A_766 : memref<1x512xi32, #tpu.memory_space<vmem>> -> memref<512xi32, #tpu.memory_space<vmem>>
      %dma_start3A_768 = tpu.memref_slice %arg7[%add3A_57] : memref<81920xi32, #tpu.memory_space<hbm>> -> memref<512xi32, #tpu.memory_space<hbm>>
      tpu.enqueue_dma source(%dma_start3A_768 : memref<512xi32, #tpu.memory_space<hbm>>) target(%dma_start3A_767 : memref<512xi32, #tpu.memory_space<vmem>>) target_semaphore(%run_scoped3A_760 : memref<!tpu.dma_semaphore, #tpu.memory_space<semaphore_mem>>)
      %dma_wait3A_769 = arith.constant 0 : i32
      %dma_wait3A_770 = tpu.memref_slice %arg13[%run_scoped3A_58, %dma_wait3A_769] : memref<5x512xi32, #tpu.memory_space<vmem>> -> memref<1x512xi32, #tpu.memory_space<vmem>>
      %dma_wait3A_771 = tpu.memref_squeeze %dma_wait3A_770 : memref<1x512xi32, #tpu.memory_space<vmem>> -> memref<512xi32, #tpu.memory_space<vmem>>
      %dma_wait3A_772 = tpu.memref_slice %arg7[%add3A_57] : memref<81920xi32, #tpu.memory_space<hbm>> -> memref<512xi32, #tpu.memory_space<hbm>>
      %dma_wait3A_773 = arith.constant 0 : i32
      %dma_wait3A_774 = tpu.memref_slice %arg13[%run_scoped3A_58, %dma_wait3A_773] : memref<5x512xi32, #tpu.memory_space<vmem>> -> memref<1x512xi32, #tpu.memory_space<vmem>>
      %dma_wait3A_775 = tpu.memref_squeeze %dma_wait3A_774 : memref<1x512xi32, #tpu.memory_space<vmem>> -> memref<512xi32, #tpu.memory_space<vmem>>
      %dma_wait3A_776 = tpu.memref_slice %arg7[%add3A_57] : memref<81920xi32, #tpu.memory_space<hbm>> -> memref<512xi32, #tpu.memory_space<hbm>>
      tpu.wait_dma2 semaphore(%run_scoped3A_760 : memref<!tpu.dma_semaphore, #tpu.memory_space<semaphore_mem>>) src(%dma_wait3A_776 : memref<512xi32, #tpu.memory_space<hbm>>) dst(%dma_wait3A_775 : memref<512xi32, #tpu.memory_space<vmem>>)
      tpu.yield
    }) : () -> ()
    %add3A_59 = arith.constant 65536 : i32
    %add3A_60 = arith.addi %add3A_59, %mul3A_2 : i32
    %run_scoped3A_61 = arith.constant 4 : i32
    "tpu.region"() ({
      %run_scoped3A_760 = tpu.sem_alloc : memref<!tpu.dma_semaphore, #tpu.memory_space<semaphore_mem>>
      %dma_start3A_761 = arith.constant 0 : i32
      %dma_start3A_762 = tpu.memref_slice %arg13[%run_scoped3A_61, %dma_start3A_761] : memref<5x512xi32, #tpu.memory_space<vmem>> -> memref<1x512xi32, #tpu.memory_space<vmem>>
      %dma_start3A_763 = tpu.memref_squeeze %dma_start3A_762 : memref<1x512xi32, #tpu.memory_space<vmem>> -> memref<512xi32, #tpu.memory_space<vmem>>
      %dma_start3A_764 = tpu.memref_slice %arg7[%add3A_60] : memref<81920xi32, #tpu.memory_space<hbm>> -> memref<512xi32, #tpu.memory_space<hbm>>
      %dma_start3A_765 = arith.constant 0 : i32
      %dma_start3A_766 = tpu.memref_slice %arg13[%run_scoped3A_61, %dma_start3A_765] : memref<5x512xi32, #tpu.memory_space<vmem>> -> memref<1x512xi32, #tpu.memory_space<vmem>>
      %dma_start3A_767 = tpu.memref_squeeze %dma_start3A_766 : memref<1x512xi32, #tpu.memory_space<vmem>> -> memref<512xi32, #tpu.memory_space<vmem>>
      %dma_start3A_768 = tpu.memref_slice %arg7[%add3A_60] : memref<81920xi32, #tpu.memory_space<hbm>> -> memref<512xi32, #tpu.memory_space<hbm>>
      tpu.enqueue_dma source(%dma_start3A_768 : memref<512xi32, #tpu.memory_space<hbm>>) target(%dma_start3A_767 : memref<512xi32, #tpu.memory_space<vmem>>) target_semaphore(%run_scoped3A_760 : memref<!tpu.dma_semaphore, #tpu.memory_space<semaphore_mem>>)
      %dma_wait3A_769 = arith.constant 0 : i32
      %dma_wait3A_770 = tpu.memref_slice %arg13[%run_scoped3A_61, %dma_wait3A_769] : memref<5x512xi32, #tpu.memory_space<vmem>> -> memref<1x512xi32, #tpu.memory_space<vmem>>
      %dma_wait3A_771 = tpu.memref_squeeze %dma_wait3A_770 : memref<1x512xi32, #tpu.memory_space<vmem>> -> memref<512xi32, #tpu.memory_space<vmem>>
      %dma_wait3A_772 = tpu.memref_slice %arg7[%add3A_60] : memref<81920xi32, #tpu.memory_space<hbm>> -> memref<512xi32, #tpu.memory_space<hbm>>
      %dma_wait3A_773 = arith.constant 0 : i32
      %dma_wait3A_774 = tpu.memref_slice %arg13[%run_scoped3A_61, %dma_wait3A_773] : memref<5x512xi32, #tpu.memory_space<vmem>> -> memref<1x512xi32, #tpu.memory_space<vmem>>
      %dma_wait3A_775 = tpu.memref_squeeze %dma_wait3A_774 : memref<1x512xi32, #tpu.memory_space<vmem>> -> memref<512xi32, #tpu.memory_space<vmem>>
      %dma_wait3A_776 = tpu.memref_slice %arg7[%add3A_60] : memref<81920xi32, #tpu.memory_space<hbm>> -> memref<512xi32, #tpu.memory_space<hbm>>
      tpu.wait_dma2 semaphore(%run_scoped3A_760 : memref<!tpu.dma_semaphore, #tpu.memory_space<semaphore_mem>>) src(%dma_wait3A_776 : memref<512xi32, #tpu.memory_space<hbm>>) dst(%dma_wait3A_775 : memref<512xi32, #tpu.memory_space<vmem>>)
      tpu.yield
    }) : () -> ()
    %broadcast_in_dim3A = arith.constant 0.000000e+00 : f32
    %broadcast_in_dim3A_62 = vector.broadcast %broadcast_in_dim3A : f32 to vector<16xf32>
    %scan3A = arith.constant 0 : i32
    %scan3A_63 = arith.constant 0 : i32
    %scan3A_64 = arith.constant 128 : i32
    %scan3A_65 = arith.addi %scan3A_63, %scan3A_64 : i32
    %scan3A_66 = arith.constant 1 : i32
    scf.for %scan3A_760 = %scan3A_63 to %scan3A_65 step %scan3A_66  : i32 {
      %swap3A = arith.index_cast %scan3A_760 : i32 to index
      %swap3A_761 = arith.constant 0 : index
      %swap3A_762 = tpu.vector_load %arg15[%swap3A, %swap3A_761] {strides = array<i32>} : memref<128x64xf32, #tpu.memory_space<vmem>>, vector<1x16xf32>,
      %swap3A_763 = vector.shape_cast %swap3A_762 : vector<1x16xf32> to vector<16xf32>
      %swap3A_764 = vector.shape_cast %broadcast_in_dim3A_62 : vector<16xf32> to vector<1x16xf32>
      tpu.vector_store %arg15[%swap3A, %swap3A_761], %swap3A_764 {strides = array<i32>} : memref<128x64xf32, #tpu.memory_space<vmem>>, vector<1x16xf32>,
      %swap3A_765 = arith.index_cast %scan3A_760 : i32 to index
      %swap3A_766 = arith.constant 16 : index
      %swap3A_767 = tpu.vector_load %arg15[%swap3A_765, %swap3A_766] {strides = array<i32>} : memref<128x64xf32, #tpu.memory_space<vmem>>, vector<1x16xf32>,
      %swap3A_768 = vector.shape_cast %swap3A_767 : vector<1x16xf32> to vector<16xf32>
      %swap3A_769 = vector.shape_cast %broadcast_in_dim3A_62 : vector<16xf32> to vector<1x16xf32>
      tpu.vector_store %arg15[%swap3A_765, %swap3A_766], %swap3A_769 {strides = array<i32>} : memref<128x64xf32, #tpu.memory_space<vmem>>, vector<1x16xf32>,
      %swap3A_770 = arith.index_cast %scan3A_760 : i32 to index
      %swap3A_771 = arith.constant 32 : index
      %swap3A_772 = tpu.vector_load %arg15[%swap3A_770, %swap3A_771] {strides = array<i32>} : memref<128x64xf32, #tpu.memory_space<vmem>>, vector<1x16xf32>,
      %swap3A_773 = vector.shape_cast %swap3A_772 : vector<1x16xf32> to vector<16xf32>
      %swap3A_774 = vector.shape_cast %broadcast_in_dim3A_62 : vector<16xf32> to vector<1x16xf32>
      tpu.vector_store %arg15[%swap3A_770, %swap3A_771], %swap3A_774 {strides = array<i32>} : memref<128x64xf32, #tpu.memory_space<vmem>>, vector<1x16xf32>,
      %swap3A_775 = arith.index_cast %scan3A_760 : i32 to index
      %swap3A_776 = arith.constant 48 : index
      %swap3A_777 = tpu.vector_load %arg15[%swap3A_775, %swap3A_776] {strides = array<i32>} : memref<128x64xf32, #tpu.memory_space<vmem>>, vector<1x16xf32>,
      %swap3A_778 = vector.shape_cast %swap3A_777 : vector<1x16xf32> to vector<16xf32>
      %swap3A_779 = vector.shape_cast %broadcast_in_dim3A_62 : vector<16xf32> to vector<1x16xf32>
      tpu.vector_store %arg15[%swap3A_775, %swap3A_776], %swap3A_779 {strides = array<i32>} : memref<128x64xf32, #tpu.memory_space<vmem>>, vector<1x16xf32>,
    }
    %scan3A_67 = arith.constant 128 : i32
    %scan3A_68 = arith.constant 0 : i32
    %scan3A_69 = arith.constant 0 : i32
    %scan3A_70 = arith.constant 128 : i32
    %scan3A_71 = arith.addi %scan3A_69, %scan3A_70 : i32
    %scan3A_72 = arith.constant 1 : i32
    scf.for %scan3A_760 = %scan3A_69 to %scan3A_71 step %scan3A_72  : i32 {
      %swap3A = arith.index_cast %scan3A_760 : i32 to index
      %swap3A_761 = arith.constant 0 : index
      %swap3A_762 = tpu.vector_load %arg16[%swap3A, %swap3A_761] {strides = array<i32>} : memref<128x64xf32, #tpu.memory_space<vmem>>, vector<1x16xf32>,
      %swap3A_763 = vector.shape_cast %swap3A_762 : vector<1x16xf32> to vector<16xf32>
      %swap3A_764 = vector.shape_cast %broadcast_in_dim3A_62 : vector<16xf32> to vector<1x16xf32>
      tpu.vector_store %arg16[%swap3A, %swap3A_761], %swap3A_764 {strides = array<i32>} : memref<128x64xf32, #tpu.memory_space<vmem>>, vector<1x16xf32>,
      %swap3A_765 = arith.index_cast %scan3A_760 : i32 to index
      %swap3A_766 = arith.constant 16 : index
      %swap3A_767 = tpu.vector_load %arg16[%swap3A_765, %swap3A_766] {strides = array<i32>} : memref<128x64xf32, #tpu.memory_space<vmem>>, vector<1x16xf32>,
      %swap3A_768 = vector.shape_cast %swap3A_767 : vector<1x16xf32> to vector<16xf32>
      %swap3A_769 = vector.shape_cast %broadcast_in_dim3A_62 : vector<16xf32> to vector<1x16xf32>
      tpu.vector_store %arg16[%swap3A_765, %swap3A_766], %swap3A_769 {strides = array<i32>} : memref<128x64xf32, #tpu.memory_space<vmem>>, vector<1x16xf32>,
      %swap3A_770 = arith.index_cast %scan3A_760 : i32 to index
      %swap3A_771 = arith.constant 32 : index
      %swap3A_772 = tpu.vector_load %arg16[%swap3A_770, %swap3A_771] {strides = array<i32>} : memref<128x64xf32, #tpu.memory_space<vmem>>, vector<1x16xf32>,
      %swap3A_773 = vector.shape_cast %swap3A_772 : vector<1x16xf32> to vector<16xf32>
      %swap3A_774 = vector.shape_cast %broadcast_in_dim3A_62 : vector<16xf32> to vector<1x16xf32>
      tpu.vector_store %arg16[%swap3A_770, %swap3A_771], %swap3A_774 {strides = array<i32>} : memref<128x64xf32, #tpu.memory_space<vmem>>, vector<1x16xf32>,
      %swap3A_775 = arith.index_cast %scan3A_760 : i32 to index
      %swap3A_776 = arith.constant 48 : index
      %swap3A_777 = tpu.vector_load %arg16[%swap3A_775, %swap3A_776] {strides = array<i32>} : memref<128x64xf32, #tpu.memory_space<vmem>>, vector<1x16xf32>,
      %swap3A_778 = vector.shape_cast %swap3A_777 : vector<1x16xf32> to vector<16xf32>
      %swap3A_779 = vector.shape_cast %broadcast_in_dim3A_62 : vector<16xf32> to vector<1x16xf32>
      tpu.vector_store %arg16[%swap3A_775, %swap3A_776], %swap3A_779 {strides = array<i32>} : memref<128x64xf32, #tpu.memory_space<vmem>>, vector<1x16xf32>,
    }
    %scan3A_73 = arith.constant 128 : i32
    %dma_start3A = arith.constant 0 : i32
    %dma_start3A_74 = arith.constant 0 : i32
    %dma_start3A_75 = tpu.memref_slice %arg10[%dma_start3A, %dma_start3A_74] : memref<5x512xi32, #tpu.memory_space<vmem>> -> memref<1x128xi32, #tpu.memory_space<vmem>>
    %dma_start3A_76 = tpu.memref_squeeze %dma_start3A_75 : memref<1x128xi32, #tpu.memory_space<vmem>> -> memref<128xi32, #tpu.memory_space<vmem>>
    %dma_start3A_77 = arith.constant 0 : i32
    %dma_start3A_78 = arith.constant 0 : i32
    %dma_start3A_79 = tpu.memref_slice %arg2[%dma_start3A_77, %dma_start3A_78] : memref<100000x64xf32, #tpu.memory_space<hbm>> -> memref<100000x64xf32, #tpu.memory_space<hbm>>
    tpu.enqueue_indirect_dma source(%dma_start3A_79 : memref<100000x64xf32, #tpu.memory_space<hbm>>) target(%arg15 : memref<128x64xf32, #tpu.memory_space<vmem>>) offsets(%dma_start3A_76 : memref<128xi32, #tpu.memory_space<vmem>>) semaphore(%arg18 : memref<!tpu.dma_semaphore, #tpu.memory_space<semaphore_mem>>) {add = true}
    %dma_start3A_80 = arith.constant 1 : i32
    %dma_start3A_81 = arith.constant 0 : i32
    %dma_start3A_82 = tpu.memref_slice %arg10[%dma_start3A_80, %dma_start3A_81] : memref<5x512xi32, #tpu.memory_space<vmem>> -> memref<1x128xi32, #tpu.memory_space<vmem>>
    %dma_start3A_83 = tpu.memref_squeeze %dma_start3A_82 : memref<1x128xi32, #tpu.memory_space<vmem>> -> memref<128xi32, #tpu.memory_space<vmem>>
    %dma_start3A_84 = arith.constant 0 : i32
    %dma_start3A_85 = arith.constant 0 : i32
    %dma_start3A_86 = tpu.memref_slice %arg2[%dma_start3A_84, %dma_start3A_85] : memref<100000x64xf32, #tpu.memory_space<hbm>> -> memref<100000x64xf32, #tpu.memory_space<hbm>>
    tpu.enqueue_indirect_dma source(%dma_start3A_86 : memref<100000x64xf32, #tpu.memory_space<hbm>>) target(%arg15 : memref<128x64xf32, #tpu.memory_space<vmem>>) offsets(%dma_start3A_83 : memref<128xi32, #tpu.memory_space<vmem>>) semaphore(%arg18 : memref<!tpu.dma_semaphore, #tpu.memory_space<semaphore_mem>>) {add = true}
    %dma_start3A_87 = arith.constant 2 : i32
    %dma_start3A_88 = arith.constant 0 : i32
    %dma_start3A_89 = tpu.memref_slice %arg10[%dma_start3A_87, %dma_start3A_88] : memref<5x512xi32, #tpu.memory_space<vmem>> -> memref<1x128xi32, #tpu.memory_space<vmem>>
    %dma_start3A_90 = tpu.memref_squeeze %dma_start3A_89 : memref<1x128xi32, #tpu.memory_space<vmem>> -> memref<128xi32, #tpu.memory_space<vmem>>
    %dma_start3A_91 = arith.constant 0 : i32
    %dma_start3A_92 = arith.constant 0 : i32
    %dma_start3A_93 = tpu.memref_slice %arg2[%dma_start3A_91, %dma_start3A_92] : memref<100000x64xf32, #tpu.memory_space<hbm>> -> memref<100000x64xf32, #tpu.memory_space<hbm>>
    tpu.enqueue_indirect_dma source(%dma_start3A_93 : memref<100000x64xf32, #tpu.memory_space<hbm>>) target(%arg15 : memref<128x64xf32, #tpu.memory_space<vmem>>) offsets(%dma_start3A_90 : memref<128xi32, #tpu.memory_space<vmem>>) semaphore(%arg18 : memref<!tpu.dma_semaphore, #tpu.memory_space<semaphore_mem>>) {add = true}
    %dma_start3A_94 = arith.constant 3 : i32
    %dma_start3A_95 = arith.constant 0 : i32
    %dma_start3A_96 = tpu.memref_slice %arg10[%dma_start3A_94, %dma_start3A_95] : memref<5x512xi32, #tpu.memory_space<vmem>> -> memref<1x128xi32, #tpu.memory_space<vmem>>
    %dma_start3A_97 = tpu.memref_squeeze %dma_start3A_96 : memref<1x128xi32, #tpu.memory_space<vmem>> -> memref<128xi32, #tpu.memory_space<vmem>>
    %dma_start3A_98 = arith.constant 0 : i32
    %dma_start3A_99 = arith.constant 0 : i32
    %dma_start3A_100 = tpu.memref_slice %arg2[%dma_start3A_98, %dma_start3A_99] : memref<100000x64xf32, #tpu.memory_space<hbm>> -> memref<100000x64xf32, #tpu.memory_space<hbm>>
    tpu.enqueue_indirect_dma source(%dma_start3A_100 : memref<100000x64xf32, #tpu.memory_space<hbm>>) target(%arg15 : memref<128x64xf32, #tpu.memory_space<vmem>>) offsets(%dma_start3A_97 : memref<128xi32, #tpu.memory_space<vmem>>) semaphore(%arg18 : memref<!tpu.dma_semaphore, #tpu.memory_space<semaphore_mem>>) {add = true}
    %dma_start3A_101 = arith.constant 4 : i32
    %dma_start3A_102 = arith.constant 0 : i32
    %dma_start3A_103 = tpu.memref_slice %arg10[%dma_start3A_101, %dma_start3A_102] : memref<5x512xi32, #tpu.memory_space<vmem>> -> memref<1x128xi32, #tpu.memory_space<vmem>>
    %dma_start3A_104 = tpu.memref_squeeze %dma_start3A_103 : memref<1x128xi32, #tpu.memory_space<vmem>> -> memref<128xi32, #tpu.memory_space<vmem>>
    %dma_start3A_105 = arith.constant 0 : i32
    %dma_start3A_106 = arith.constant 0 : i32
    %dma_start3A_107 = tpu.memref_slice %arg2[%dma_start3A_105, %dma_start3A_106] : memref<100000x64xf32, #tpu.memory_space<hbm>> -> memref<100000x64xf32, #tpu.memory_space<hbm>>
    tpu.enqueue_indirect_dma source(%dma_start3A_107 : memref<100000x64xf32, #tpu.memory_space<hbm>>) target(%arg15 : memref<128x64xf32, #tpu.memory_space<vmem>>) offsets(%dma_start3A_104 : memref<128xi32, #tpu.memory_space<vmem>>) semaphore(%arg18 : memref<!tpu.dma_semaphore, #tpu.memory_space<semaphore_mem>>) {add = true}
    %dma_start3A_108 = arith.constant 0 : i32
    %dma_start3A_109 = arith.constant 128 : i32
    %dma_start3A_110 = tpu.memref_slice %arg10[%dma_start3A_108, %dma_start3A_109] : memref<5x512xi32, #tpu.memory_space<vmem>> -> memref<1x128xi32, #tpu.memory_space<vmem>>
    %dma_start3A_111 = tpu.memref_squeeze %dma_start3A_110 : memref<1x128xi32, #tpu.memory_space<vmem>> -> memref<128xi32, #tpu.memory_space<vmem>>
    %dma_start3A_112 = arith.constant 0 : i32
    %dma_start3A_113 = arith.constant 0 : i32
    %dma_start3A_114 = tpu.memref_slice %arg2[%dma_start3A_112, %dma_start3A_113] : memref<100000x64xf32, #tpu.memory_space<hbm>> -> memref<100000x64xf32, #tpu.memory_space<hbm>>
    tpu.enqueue_indirect_dma source(%dma_start3A_114 : memref<100000x64xf32, #tpu.memory_space<hbm>>) target(%arg16 : memref<128x64xf32, #tpu.memory_space<vmem>>) offsets(%dma_start3A_111 : memref<128xi32, #tpu.memory_space<vmem>>) semaphore(%arg19 : memref<!tpu.dma_semaphore, #tpu.memory_space<semaphore_mem>>) {add = true}
    %dma_start3A_115 = arith.constant 1 : i32
    %dma_start3A_116 = arith.constant 128 : i32
    %dma_start3A_117 = tpu.memref_slice %arg10[%dma_start3A_115, %dma_start3A_116] : memref<5x512xi32, #tpu.memory_space<vmem>> -> memref<1x128xi32, #tpu.memory_space<vmem>>
    %dma_start3A_118 = tpu.memref_squeeze %dma_start3A_117 : memref<1x128xi32, #tpu.memory_space<vmem>> -> memref<128xi32, #tpu.memory_space<vmem>>
    %dma_start3A_119 = arith.constant 0 : i32
    %dma_start3A_120 = arith.constant 0 : i32
    %dma_start3A_121 = tpu.memref_slice %arg2[%dma_start3A_119, %dma_start3A_120] : memref<100000x64xf32, #tpu.memory_space<hbm>> -> memref<100000x64xf32, #tpu.memory_space<hbm>>
    tpu.enqueue_indirect_dma source(%dma_start3A_121 : memref<100000x64xf32, #tpu.memory_space<hbm>>) target(%arg16 : memref<128x64xf32, #tpu.memory_space<vmem>>) offsets(%dma_start3A_118 : memref<128xi32, #tpu.memory_space<vmem>>) semaphore(%arg19 : memref<!tpu.dma_semaphore, #tpu.memory_space<semaphore_mem>>) {add = true}
    %dma_start3A_122 = arith.constant 2 : i32
    %dma_start3A_123 = arith.constant 128 : i32
    %dma_start3A_124 = tpu.memref_slice %arg10[%dma_start3A_122, %dma_start3A_123] : memref<5x512xi32, #tpu.memory_space<vmem>> -> memref<1x128xi32, #tpu.memory_space<vmem>>
    %dma_start3A_125 = tpu.memref_squeeze %dma_start3A_124 : memref<1x128xi32, #tpu.memory_space<vmem>> -> memref<128xi32, #tpu.memory_space<vmem>>
    %dma_start3A_126 = arith.constant 0 : i32
    %dma_start3A_127 = arith.constant 0 : i32
    %dma_start3A_128 = tpu.memref_slice %arg2[%dma_start3A_126, %dma_start3A_127] : memref<100000x64xf32, #tpu.memory_space<hbm>> -> memref<100000x64xf32, #tpu.memory_space<hbm>>
    tpu.enqueue_indirect_dma source(%dma_start3A_128 : memref<100000x64xf32, #tpu.memory_space<hbm>>) target(%arg16 : memref<128x64xf32, #tpu.memory_space<vmem>>) offsets(%dma_start3A_125 : memref<128xi32, #tpu.memory_space<vmem>>) semaphore(%arg19 : memref<!tpu.dma_semaphore, #tpu.memory_space<semaphore_mem>>) {add = true}
    %dma_start3A_129 = arith.constant 3 : i32
    %dma_start3A_130 = arith.constant 128 : i32
    %dma_start3A_131 = tpu.memref_slice %arg10[%dma_start3A_129, %dma_start3A_130] : memref<5x512xi32, #tpu.memory_space<vmem>> -> memref<1x128xi32, #tpu.memory_space<vmem>>
    %dma_start3A_132 = tpu.memref_squeeze %dma_start3A_131 : memref<1x128xi32, #tpu.memory_space<vmem>> -> memref<128xi32, #tpu.memory_space<vmem>>
    %dma_start3A_133 = arith.constant 0 : i32
    %dma_start3A_134 = arith.constant 0 : i32
    %dma_start3A_135 = tpu.memref_slice %arg2[%dma_start3A_133, %dma_start3A_134] : memref<100000x64xf32, #tpu.memory_space<hbm>> -> memref<100000x64xf32, #tpu.memory_space<hbm>>
    tpu.enqueue_indirect_dma source(%dma_start3A_135 : memref<100000x64xf32, #tpu.memory_space<hbm>>) target(%arg16 : memref<128x64xf32, #tpu.memory_space<vmem>>) offsets(%dma_start3A_132 : memref<128xi32, #tpu.memory_space<vmem>>) semaphore(%arg19 : memref<!tpu.dma_semaphore, #tpu.memory_space<semaphore_mem>>) {add = true}
    %dma_start3A_136 = arith.constant 4 : i32
    %dma_start3A_137 = arith.constant 128 : i32
    %dma_start3A_138 = tpu.memref_slice %arg10[%dma_start3A_136, %dma_start3A_137] : memref<5x512xi32, #tpu.memory_space<vmem>> -> memref<1x128xi32, #tpu.memory_space<vmem>>
    %dma_start3A_139 = tpu.memref_squeeze %dma_start3A_138 : memref<1x128xi32, #tpu.memory_space<vmem>> -> memref<128xi32, #tpu.memory_space<vmem>>
    %dma_start3A_140 = arith.constant 0 : i32
    %dma_start3A_141 = arith.constant 0 : i32
    %dma_start3A_142 = tpu.memref_slice %arg2[%dma_start3A_140, %dma_start3A_141] : memref<100000x64xf32, #tpu.memory_space<hbm>> -> memref<100000x64xf32, #tpu.memory_space<hbm>>
    tpu.enqueue_indirect_dma source(%dma_start3A_142 : memref<100000x64xf32, #tpu.memory_space<hbm>>) target(%arg16 : memref<128x64xf32, #tpu.memory_space<vmem>>) offsets(%dma_start3A_139 : memref<128xi32, #tpu.memory_space<vmem>>) semaphore(%arg19 : memref<!tpu.dma_semaphore, #tpu.memory_space<semaphore_mem>>) {add = true}
    %dma_wait3A = arith.constant 0 : i32
    %dma_wait3A_143 = arith.constant 0 : i32
    %dma_wait3A_144 = tpu.memref_slice %arg10[%dma_wait3A, %dma_wait3A_143] : memref<5x512xi32, #tpu.memory_space<vmem>> -> memref<1x128xi32, #tpu.memory_space<vmem>>
    %dma_wait3A_145 = tpu.memref_squeeze %dma_wait3A_144 : memref<1x128xi32, #tpu.memory_space<vmem>> -> memref<128xi32, #tpu.memory_space<vmem>>
    %dma_wait3A_146 = arith.constant 0 : i32
    %dma_wait3A_147 = arith.constant 0 : i32
    %dma_wait3A_148 = tpu.memref_slice %arg2[%dma_wait3A_146, %dma_wait3A_147] : memref<100000x64xf32, #tpu.memory_space<hbm>> -> memref<100000x64xf32, #tpu.memory_space<hbm>>
    tpu.wait_indirect_dma semaphore(%arg18 : memref<!tpu.dma_semaphore, #tpu.memory_space<semaphore_mem>>) src(%dma_wait3A_148 : memref<100000x64xf32, #tpu.memory_space<hbm>>) dst(%arg15 : memref<128x64xf32, #tpu.memory_space<vmem>>)
    %dma_wait3A_149 = arith.constant 1 : i32
    %dma_wait3A_150 = arith.constant 0 : i32
    %dma_wait3A_151 = tpu.memref_slice %arg10[%dma_wait3A_149, %dma_wait3A_150] : memref<5x512xi32, #tpu.memory_space<vmem>> -> memref<1x128xi32, #tpu.memory_space<vmem>>
    %dma_wait3A_152 = tpu.memref_squeeze %dma_wait3A_151 : memref<1x128xi32, #tpu.memory_space<vmem>> -> memref<128xi32, #tpu.memory_space<vmem>>
    %dma_wait3A_153 = arith.constant 0 : i32
    %dma_wait3A_154 = arith.constant 0 : i32
    %dma_wait3A_155 = tpu.memref_slice %arg2[%dma_wait3A_153, %dma_wait3A_154] : memref<100000x64xf32, #tpu.memory_space<hbm>> -> memref<100000x64xf32, #tpu.memory_space<hbm>>
    tpu.wait_indirect_dma semaphore(%arg18 : memref<!tpu.dma_semaphore, #tpu.memory_space<semaphore_mem>>) src(%dma_wait3A_155 : memref<100000x64xf32, #tpu.memory_space<hbm>>) dst(%arg15 : memref<128x64xf32, #tpu.memory_space<vmem>>)
    %dma_wait3A_156 = arith.constant 2 : i32
    %dma_wait3A_157 = arith.constant 0 : i32
    %dma_wait3A_158 = tpu.memref_slice %arg10[%dma_wait3A_156, %dma_wait3A_157] : memref<5x512xi32, #tpu.memory_space<vmem>> -> memref<1x128xi32, #tpu.memory_space<vmem>>
    %dma_wait3A_159 = tpu.memref_squeeze %dma_wait3A_158 : memref<1x128xi32, #tpu.memory_space<vmem>> -> memref<128xi32, #tpu.memory_space<vmem>>
    %dma_wait3A_160 = arith.constant 0 : i32
    %dma_wait3A_161 = arith.constant 0 : i32
    %dma_wait3A_162 = tpu.memref_slice %arg2[%dma_wait3A_160, %dma_wait3A_161] : memref<100000x64xf32, #tpu.memory_space<hbm>> -> memref<100000x64xf32, #tpu.memory_space<hbm>>
    tpu.wait_indirect_dma semaphore(%arg18 : memref<!tpu.dma_semaphore, #tpu.memory_space<semaphore_mem>>) src(%dma_wait3A_162 : memref<100000x64xf32, #tpu.memory_space<hbm>>) dst(%arg15 : memref<128x64xf32, #tpu.memory_space<vmem>>)
    %dma_wait3A_163 = arith.constant 3 : i32
    %dma_wait3A_164 = arith.constant 0 : i32
    %dma_wait3A_165 = tpu.memref_slice %arg10[%dma_wait3A_163, %dma_wait3A_164] : memref<5x512xi32, #tpu.memory_space<vmem>> -> memref<1x128xi32, #tpu.memory_space<vmem>>
    %dma_wait3A_166 = tpu.memref_squeeze %dma_wait3A_165 : memref<1x128xi32, #tpu.memory_space<vmem>> -> memref<128xi32, #tpu.memory_space<vmem>>
    %dma_wait3A_167 = arith.constant 0 : i32
    %dma_wait3A_168 = arith.constant 0 : i32
    %dma_wait3A_169 = tpu.memref_slice %arg2[%dma_wait3A_167, %dma_wait3A_168] : memref<100000x64xf32, #tpu.memory_space<hbm>> -> memref<100000x64xf32, #tpu.memory_space<hbm>>
    tpu.wait_indirect_dma semaphore(%arg18 : memref<!tpu.dma_semaphore, #tpu.memory_space<semaphore_mem>>) src(%dma_wait3A_169 : memref<100000x64xf32, #tpu.memory_space<hbm>>) dst(%arg15 : memref<128x64xf32, #tpu.memory_space<vmem>>)
    %dma_wait3A_170 = arith.constant 4 : i32
    %dma_wait3A_171 = arith.constant 0 : i32
    %dma_wait3A_172 = tpu.memref_slice %arg10[%dma_wait3A_170, %dma_wait3A_171] : memref<5x512xi32, #tpu.memory_space<vmem>> -> memref<1x128xi32, #tpu.memory_space<vmem>>
    %dma_wait3A_173 = tpu.memref_squeeze %dma_wait3A_172 : memref<1x128xi32, #tpu.memory_space<vmem>> -> memref<128xi32, #tpu.memory_space<vmem>>
    %dma_wait3A_174 = arith.constant 0 : i32
    %dma_wait3A_175 = arith.constant 0 : i32
    %dma_wait3A_176 = tpu.memref_slice %arg2[%dma_wait3A_174, %dma_wait3A_175] : memref<100000x64xf32, #tpu.memory_space<hbm>> -> memref<100000x64xf32, #tpu.memory_space<hbm>>
    tpu.wait_indirect_dma semaphore(%arg18 : memref<!tpu.dma_semaphore, #tpu.memory_space<semaphore_mem>>) src(%dma_wait3A_176 : memref<100000x64xf32, #tpu.memory_space<hbm>>) dst(%arg15 : memref<128x64xf32, #tpu.memory_space<vmem>>)
    %scan3A_177 = arith.constant 0 : i32
    %scan3A_178 = arith.constant 0 : i32
    %scan3A_179 = arith.constant 128 : i32
    %scan3A_180 = arith.addi %scan3A_178, %scan3A_179 : i32
    %scan3A_181 = arith.constant 1 : i32
    scf.for %scan3A_760 = %scan3A_178 to %scan3A_180 step %scan3A_181  : i32 {
      %get3A = arith.index_cast %scan3A_760 : i32 to index
      %get3A_761 = arith.constant 0 : index
      %get3A_762 = tpu.vector_load %arg15[%get3A, %get3A_761] {strides = array<i32>} : memref<128x64xf32, #tpu.memory_space<vmem>>, vector<1x16xf32>,
      %get3A_763 = vector.shape_cast %get3A_762 : vector<1x16xf32> to vector<16xf32>
      %swap3A = arith.index_cast %scan3A_760 : i32 to index
      %swap3A_764 = arith.constant 0 : index
      %swap3A_765 = tpu.vector_load %arg17[%swap3A, %swap3A_764] {strides = array<i32>} : memref<128x80xf32, #tpu.memory_space<vmem>>, vector<1x16xf32>,
      %swap3A_766 = vector.shape_cast %swap3A_765 : vector<1x16xf32> to vector<16xf32>
      %swap3A_767 = vector.shape_cast %get3A_763 : vector<16xf32> to vector<1x16xf32>
      tpu.vector_store %arg17[%swap3A, %swap3A_764], %swap3A_767 {strides = array<i32>} : memref<128x80xf32, #tpu.memory_space<vmem>>, vector<1x16xf32>,
      %swap3A_768 = arith.index_cast %scan3A_760 : i32 to index
      %swap3A_769 = arith.constant 0 : index
      %swap3A_770 = tpu.vector_load %arg15[%swap3A_768, %swap3A_769] {strides = array<i32>} : memref<128x64xf32, #tpu.memory_space<vmem>>, vector<1x16xf32>,
      %swap3A_771 = vector.shape_cast %swap3A_770 : vector<1x16xf32> to vector<16xf32>
      %swap3A_772 = vector.shape_cast %broadcast_in_dim3A_62 : vector<16xf32> to vector<1x16xf32>
      tpu.vector_store %arg15[%swap3A_768, %swap3A_769], %swap3A_772 {strides = array<i32>} : memref<128x64xf32, #tpu.memory_space<vmem>>, vector<1x16xf32>,
      %get3A_773 = arith.index_cast %scan3A_760 : i32 to index
      %get3A_774 = arith.constant 16 : index
      %get3A_775 = tpu.vector_load %arg15[%get3A_773, %get3A_774] {strides = array<i32>} : memref<128x64xf32, #tpu.memory_space<vmem>>, vector<1x16xf32>,
      %get3A_776 = vector.shape_cast %get3A_775 : vector<1x16xf32> to vector<16xf32>
      %swap3A_777 = arith.index_cast %scan3A_760 : i32 to index
      %swap3A_778 = arith.constant 16 : index
      %swap3A_779 = tpu.vector_load %arg17[%swap3A_777, %swap3A_778] {strides = array<i32>} : memref<128x80xf32, #tpu.memory_space<vmem>>, vector<1x16xf32>,
      %swap3A_780 = vector.shape_cast %swap3A_779 : vector<1x16xf32> to vector<16xf32>
      %swap3A_781 = vector.shape_cast %get3A_776 : vector<16xf32> to vector<1x16xf32>
      tpu.vector_store %arg17[%swap3A_777, %swap3A_778], %swap3A_781 {strides = array<i32>} : memref<128x80xf32, #tpu.memory_space<vmem>>, vector<1x16xf32>,
      %swap3A_782 = arith.index_cast %scan3A_760 : i32 to index
      %swap3A_783 = arith.constant 16 : index
      %swap3A_784 = tpu.vector_load %arg15[%swap3A_782, %swap3A_783] {strides = array<i32>} : memref<128x64xf32, #tpu.memory_space<vmem>>, vector<1x16xf32>,
      %swap3A_785 = vector.shape_cast %swap3A_784 : vector<1x16xf32> to vector<16xf32>
      %swap3A_786 = vector.shape_cast %broadcast_in_dim3A_62 : vector<16xf32> to vector<1x16xf32>
      tpu.vector_store %arg15[%swap3A_782, %swap3A_783], %swap3A_786 {strides = array<i32>} : memref<128x64xf32, #tpu.memory_space<vmem>>, vector<1x16xf32>,
      %get3A_787 = arith.index_cast %scan3A_760 : i32 to index
      %get3A_788 = arith.constant 32 : index
      %get3A_789 = tpu.vector_load %arg15[%get3A_787, %get3A_788] {strides = array<i32>} : memref<128x64xf32, #tpu.memory_space<vmem>>, vector<1x16xf32>,
      %get3A_790 = vector.shape_cast %get3A_789 : vector<1x16xf32> to vector<16xf32>
      %swap3A_791 = arith.index_cast %scan3A_760 : i32 to index
      %swap3A_792 = arith.constant 32 : index
      %swap3A_793 = tpu.vector_load %arg17[%swap3A_791, %swap3A_792] {strides = array<i32>} : memref<128x80xf32, #tpu.memory_space<vmem>>, vector<1x16xf32>,
      %swap3A_794 = vector.shape_cast %swap3A_793 : vector<1x16xf32> to vector<16xf32>
      %swap3A_795 = vector.shape_cast %get3A_790 : vector<16xf32> to vector<1x16xf32>
      tpu.vector_store %arg17[%swap3A_791, %swap3A_792], %swap3A_795 {strides = array<i32>} : memref<128x80xf32, #tpu.memory_space<vmem>>, vector<1x16xf32>,
      %swap3A_796 = arith.index_cast %scan3A_760 : i32 to index
      %swap3A_797 = arith.constant 32 : index
      %swap3A_798 = tpu.vector_load %arg15[%swap3A_796, %swap3A_797] {strides = array<i32>} : memref<128x64xf32, #tpu.memory_space<vmem>>, vector<1x16xf32>,
      %swap3A_799 = vector.shape_cast %swap3A_798 : vector<1x16xf32> to vector<16xf32>
      %swap3A_800 = vector.shape_cast %broadcast_in_dim3A_62 : vector<16xf32> to vector<1x16xf32>
      tpu.vector_store %arg15[%swap3A_796, %swap3A_797], %swap3A_800 {strides = array<i32>} : memref<128x64xf32, #tpu.memory_space<vmem>>, vector<1x16xf32>,
      %get3A_801 = arith.index_cast %scan3A_760 : i32 to index
      %get3A_802 = arith.constant 48 : index
      %get3A_803 = tpu.vector_load %arg15[%get3A_801, %get3A_802] {strides = array<i32>} : memref<128x64xf32, #tpu.memory_space<vmem>>, vector<1x16xf32>,
      %get3A_804 = vector.shape_cast %get3A_803 : vector<1x16xf32> to vector<16xf32>
      %swap3A_805 = arith.index_cast %scan3A_760 : i32 to index
      %swap3A_806 = arith.constant 48 : index
      %swap3A_807 = tpu.vector_load %arg17[%swap3A_805, %swap3A_806] {strides = array<i32>} : memref<128x80xf32, #tpu.memory_space<vmem>>, vector<1x16xf32>,
      %swap3A_808 = vector.shape_cast %swap3A_807 : vector<1x16xf32> to vector<16xf32>
      %swap3A_809 = vector.shape_cast %get3A_804 : vector<16xf32> to vector<1x16xf32>
      tpu.vector_store %arg17[%swap3A_805, %swap3A_806], %swap3A_809 {strides = array<i32>} : memref<128x80xf32, #tpu.memory_space<vmem>>, vector<1x16xf32>,
      %swap3A_810 = arith.index_cast %scan3A_760 : i32 to index
      %swap3A_811 = arith.constant 48 : index
      %swap3A_812 = tpu.vector_load %arg15[%swap3A_810, %swap3A_811] {strides = array<i32>} : memref<128x64xf32, #tpu.memory_space<vmem>>, vector<1x16xf32>,
      %swap3A_813 = vector.shape_cast %swap3A_812 : vector<1x16xf32> to vector<16xf32>
      %swap3A_814 = vector.shape_cast %broadcast_in_dim3A_62 : vector<16xf32> to vector<1x16xf32>
      tpu.vector_store %arg15[%swap3A_810, %swap3A_811], %swap3A_814 {strides = array<i32>} : memref<128x64xf32, #tpu.memory_space<vmem>>, vector<1x16xf32>,
      %add3A_815 = arith.constant 0 : i32
      %add3A_816 = arith.addi %add3A_815, %scan3A_760 : i32
      %get3A_817 = arith.constant 0 : i32
      %get3A_818 = arith.index_cast %get3A_817 : i32 to index
      %get3A_819 = arith.index_cast %add3A_816 : i32 to index
      %get3A_820 = tpu.vector_load %arg11[%get3A_818, %get3A_819] {strides = array<i32>} : memref<5x512xi32, #tpu.memory_space<vmem>>, vector<1x1xi32>,
      %get3A_821 = vector.shape_cast %get3A_820 : vector<1x1xi32> to vector<1xi32>
      %squeeze3A = vector.extract %get3A_821[0] : i32 from vector<1xi32>
      %get3A_822 = arith.index_cast %squeeze3A : i32 to index
      %get3A_823 = arith.constant 0 : index
      %get3A_824 = tpu.vector_load %arg14[%get3A_822, %get3A_823] {strides = array<i32>} : memref<1000x16xf32, #tpu.memory_space<vmem>>, vector<1x16xf32>,
      %get3A_825 = vector.shape_cast %get3A_824 : vector<1x16xf32> to vector<16xf32>
      %add3A_826 = arith.constant 0 : i32
      %add3A_827 = arith.addi %add3A_826, %scan3A_760 : i32
      %get3A_828 = arith.constant 1 : i32
      %get3A_829 = arith.index_cast %get3A_828 : i32 to index
      %get3A_830 = arith.index_cast %add3A_827 : i32 to index
      %get3A_831 = tpu.vector_load %arg11[%get3A_829, %get3A_830] {strides = array<i32>} : memref<5x512xi32, #tpu.memory_space<vmem>>, vector<1x1xi32>,
      %get3A_832 = vector.shape_cast %get3A_831 : vector<1x1xi32> to vector<1xi32>
      %squeeze3A_833 = vector.extract %get3A_832[0] : i32 from vector<1xi32>
      %get3A_834 = arith.index_cast %squeeze3A_833 : i32 to index
      %get3A_835 = arith.constant 0 : index
      %get3A_836 = tpu.vector_load %arg14[%get3A_834, %get3A_835] {strides = array<i32>} : memref<1000x16xf32, #tpu.memory_space<vmem>>, vector<1x16xf32>,
      %get3A_837 = vector.shape_cast %get3A_836 : vector<1x16xf32> to vector<16xf32>
      %add3A_838 = arith.addf %get3A_825, %get3A_837 : vector<16xf32>
      %add3A_839 = arith.constant 0 : i32
      %add3A_840 = arith.addi %add3A_839, %scan3A_760 : i32
      %get3A_841 = arith.constant 2 : i32
      %get3A_842 = arith.index_cast %get3A_841 : i32 to index
      %get3A_843 = arith.index_cast %add3A_840 : i32 to index
      %get3A_844 = tpu.vector_load %arg11[%get3A_842, %get3A_843] {strides = array<i32>} : memref<5x512xi32, #tpu.memory_space<vmem>>, vector<1x1xi32>,
      %get3A_845 = vector.shape_cast %get3A_844 : vector<1x1xi32> to vector<1xi32>
      %squeeze3A_846 = vector.extract %get3A_845[0] : i32 from vector<1xi32>
      %get3A_847 = arith.index_cast %squeeze3A_846 : i32 to index
      %get3A_848 = arith.constant 0 : index
      %get3A_849 = tpu.vector_load %arg14[%get3A_847, %get3A_848] {strides = array<i32>} : memref<1000x16xf32, #tpu.memory_space<vmem>>, vector<1x16xf32>,
      %get3A_850 = vector.shape_cast %get3A_849 : vector<1x16xf32> to vector<16xf32>
      %add3A_851 = arith.addf %add3A_838, %get3A_850 : vector<16xf32>
      %add3A_852 = arith.constant 0 : i32
      %add3A_853 = arith.addi %add3A_852, %scan3A_760 : i32
      %get3A_854 = arith.constant 3 : i32
      %get3A_855 = arith.index_cast %get3A_854 : i32 to index
      %get3A_856 = arith.index_cast %add3A_853 : i32 to index
      %get3A_857 = tpu.vector_load %arg11[%get3A_855, %get3A_856] {strides = array<i32>} : memref<5x512xi32, #tpu.memory_space<vmem>>, vector<1x1xi32>,
      %get3A_858 = vector.shape_cast %get3A_857 : vector<1x1xi32> to vector<1xi32>
      %squeeze3A_859 = vector.extract %get3A_858[0] : i32 from vector<1xi32>
      %get3A_860 = arith.index_cast %squeeze3A_859 : i32 to index
      %get3A_861 = arith.constant 0 : index
      %get3A_862 = tpu.vector_load %arg14[%get3A_860, %get3A_861] {strides = array<i32>} : memref<1000x16xf32, #tpu.memory_space<vmem>>, vector<1x16xf32>,
      %get3A_863 = vector.shape_cast %get3A_862 : vector<1x16xf32> to vector<16xf32>
      %add3A_864 = arith.addf %add3A_851, %get3A_863 : vector<16xf32>
      %add3A_865 = arith.constant 0 : i32
      %add3A_866 = arith.addi %add3A_865, %scan3A_760 : i32
      %get3A_867 = arith.constant 4 : i32
      %get3A_868 = arith.index_cast %get3A_867 : i32 to index
      %get3A_869 = arith.index_cast %add3A_866 : i32 to index
      %get3A_870 = tpu.vector_load %arg11[%get3A_868, %get3A_869] {strides = array<i32>} : memref<5x512xi32, #tpu.memory_space<vmem>>, vector<1x1xi32>,
      %get3A_871 = vector.shape_cast %get3A_870 : vector<1x1xi32> to vector<1xi32>
      %squeeze3A_872 = vector.extract %get3A_871[0] : i32 from vector<1xi32>
      %get3A_873 = arith.index_cast %squeeze3A_872 : i32 to index
      %get3A_874 = arith.constant 0 : index
      %get3A_875 = tpu.vector_load %arg14[%get3A_873, %get3A_874] {strides = array<i32>} : memref<1000x16xf32, #tpu.memory_space<vmem>>, vector<1x16xf32>,
      %get3A_876 = vector.shape_cast %get3A_875 : vector<1x16xf32> to vector<16xf32>
      %add3A_877 = arith.addf %add3A_864, %get3A_876 : vector<16xf32>
      %swap3A_878 = arith.index_cast %scan3A_760 : i32 to index
      %swap3A_879 = arith.constant 64 : index
      %swap3A_880 = tpu.vector_load %arg17[%swap3A_878, %swap3A_879] {strides = array<i32>} : memref<128x80xf32, #tpu.memory_space<vmem>>, vector<1x16xf32>,
      %swap3A_881 = vector.shape_cast %swap3A_880 : vector<1x16xf32> to vector<16xf32>
      %swap3A_882 = vector.shape_cast %add3A_877 : vector<16xf32> to vector<1x16xf32>
      tpu.vector_store %arg17[%swap3A_878, %swap3A_879], %swap3A_882 {strides = array<i32>} : memref<128x80xf32, #tpu.memory_space<vmem>>, vector<1x16xf32>,
    }
    %scan3A_182 = arith.constant 128 : i32
    %add3A_183 = arith.constant 0 : i32
    %add3A_184 = arith.addi %mul3A_2, %add3A_183 : i32
    %dma_start3A_185 = arith.constant 0 : i32
    %dma_start3A_186 = tpu.memref_slice %arg8[%add3A_184, %dma_start3A_185] : memref<16384x128xf32, #tpu.memory_space<hbm>> -> memref<128x80xf32, #tpu.memory_space<hbm>>
    %dma_start3A_187 = arith.constant 0 : i32
    %dma_start3A_188 = tpu.memref_slice %arg8[%add3A_184, %dma_start3A_187] : memref<16384x128xf32, #tpu.memory_space<hbm>> -> memref<128x80xf32, #tpu.memory_space<hbm>>
    tpu.enqueue_dma source(%arg17 : memref<128x80xf32, #tpu.memory_space<vmem>>) target(%dma_start3A_188 : memref<128x80xf32, #tpu.memory_space<hbm>>) target_semaphore(%arg20 : memref<!tpu.dma_semaphore, #tpu.memory_space<semaphore_mem>>)
    %dma_start3A_189 = arith.constant 0 : i32
    %dma_start3A_190 = arith.constant 256 : i32
    %dma_start3A_191 = tpu.memref_slice %arg10[%dma_start3A_189, %dma_start3A_190] : memref<5x512xi32, #tpu.memory_space<vmem>> -> memref<1x128xi32, #tpu.memory_space<vmem>>
    %dma_start3A_192 = tpu.memref_squeeze %dma_start3A_191 : memref<1x128xi32, #tpu.memory_space<vmem>> -> memref<128xi32, #tpu.memory_space<vmem>>
    %dma_start3A_193 = arith.constant 0 : i32
    %dma_start3A_194 = arith.constant 0 : i32
    %dma_start3A_195 = tpu.memref_slice %arg2[%dma_start3A_193, %dma_start3A_194] : memref<100000x64xf32, #tpu.memory_space<hbm>> -> memref<100000x64xf32, #tpu.memory_space<hbm>>
    tpu.enqueue_indirect_dma source(%dma_start3A_195 : memref<100000x64xf32, #tpu.memory_space<hbm>>) target(%arg15 : memref<128x64xf32, #tpu.memory_space<vmem>>) offsets(%dma_start3A_192 : memref<128xi32, #tpu.memory_space<vmem>>) semaphore(%arg18 : memref<!tpu.dma_semaphore, #tpu.memory_space<semaphore_mem>>) {add = true}
    %dma_start3A_196 = arith.constant 1 : i32
    %dma_start3A_197 = arith.constant 256 : i32
    %dma_start3A_198 = tpu.memref_slice %arg10[%dma_start3A_196, %dma_start3A_197] : memref<5x512xi32, #tpu.memory_space<vmem>> -> memref<1x128xi32, #tpu.memory_space<vmem>>
    %dma_start3A_199 = tpu.memref_squeeze %dma_start3A_198 : memref<1x128xi32, #tpu.memory_space<vmem>> -> memref<128xi32, #tpu.memory_space<vmem>>
    %dma_start3A_200 = arith.constant 0 : i32
    %dma_start3A_201 = arith.constant 0 : i32
    %dma_start3A_202 = tpu.memref_slice %arg2[%dma_start3A_200, %dma_start3A_201] : memref<100000x64xf32, #tpu.memory_space<hbm>> -> memref<100000x64xf32, #tpu.memory_space<hbm>>
    tpu.enqueue_indirect_dma source(%dma_start3A_202 : memref<100000x64xf32, #tpu.memory_space<hbm>>) target(%arg15 : memref<128x64xf32, #tpu.memory_space<vmem>>) offsets(%dma_start3A_199 : memref<128xi32, #tpu.memory_space<vmem>>) semaphore(%arg18 : memref<!tpu.dma_semaphore, #tpu.memory_space<semaphore_mem>>) {add = true}
    %dma_start3A_203 = arith.constant 2 : i32
    %dma_start3A_204 = arith.constant 256 : i32
    %dma_start3A_205 = tpu.memref_slice %arg10[%dma_start3A_203, %dma_start3A_204] : memref<5x512xi32, #tpu.memory_space<vmem>> -> memref<1x128xi32, #tpu.memory_space<vmem>>
    %dma_start3A_206 = tpu.memref_squeeze %dma_start3A_205 : memref<1x128xi32, #tpu.memory_space<vmem>> -> memref<128xi32, #tpu.memory_space<vmem>>
    %dma_start3A_207 = arith.constant 0 : i32
    %dma_start3A_208 = arith.constant 0 : i32
    %dma_start3A_209 = tpu.memref_slice %arg2[%dma_start3A_207, %dma_start3A_208] : memref<100000x64xf32, #tpu.memory_space<hbm>> -> memref<100000x64xf32, #tpu.memory_space<hbm>>
    tpu.enqueue_indirect_dma source(%dma_start3A_209 : memref<100000x64xf32, #tpu.memory_space<hbm>>) target(%arg15 : memref<128x64xf32, #tpu.memory_space<vmem>>) offsets(%dma_start3A_206 : memref<128xi32, #tpu.memory_space<vmem>>) semaphore(%arg18 : memref<!tpu.dma_semaphore, #tpu.memory_space<semaphore_mem>>) {add = true}
    %dma_start3A_210 = arith.constant 3 : i32
    %dma_start3A_211 = arith.constant 256 : i32
    %dma_start3A_212 = tpu.memref_slice %arg10[%dma_start3A_210, %dma_start3A_211] : memref<5x512xi32, #tpu.memory_space<vmem>> -> memref<1x128xi32, #tpu.memory_space<vmem>>
    %dma_start3A_213 = tpu.memref_squeeze %dma_start3A_212 : memref<1x128xi32, #tpu.memory_space<vmem>> -> memref<128xi32, #tpu.memory_space<vmem>>
    %dma_start3A_214 = arith.constant 0 : i32
    %dma_start3A_215 = arith.constant 0 : i32
    %dma_start3A_216 = tpu.memref_slice %arg2[%dma_start3A_214, %dma_start3A_215] : memref<100000x64xf32, #tpu.memory_space<hbm>> -> memref<100000x64xf32, #tpu.memory_space<hbm>>
    tpu.enqueue_indirect_dma source(%dma_start3A_216 : memref<100000x64xf32, #tpu.memory_space<hbm>>) target(%arg15 : memref<128x64xf32, #tpu.memory_space<vmem>>) offsets(%dma_start3A_213 : memref<128xi32, #tpu.memory_space<vmem>>) semaphore(%arg18 : memref<!tpu.dma_semaphore, #tpu.memory_space<semaphore_mem>>) {add = true}
    %dma_start3A_217 = arith.constant 4 : i32
    %dma_start3A_218 = arith.constant 256 : i32
    %dma_start3A_219 = tpu.memref_slice %arg10[%dma_start3A_217, %dma_start3A_218] : memref<5x512xi32, #tpu.memory_space<vmem>> -> memref<1x128xi32, #tpu.memory_space<vmem>>
    %dma_start3A_220 = tpu.memref_squeeze %dma_start3A_219 : memref<1x128xi32, #tpu.memory_space<vmem>> -> memref<128xi32, #tpu.memory_space<vmem>>
    %dma_start3A_221 = arith.constant 0 : i32
    %dma_start3A_222 = arith.constant 0 : i32
    %dma_start3A_223 = tpu.memref_slice %arg2[%dma_start3A_221, %dma_start3A_222] : memref<100000x64xf32, #tpu.memory_space<hbm>> -> memref<100000x64xf32, #tpu.memory_space<hbm>>
    tpu.enqueue_indirect_dma source(%dma_start3A_223 : memref<100000x64xf32, #tpu.memory_space<hbm>>) target(%arg15 : memref<128x64xf32, #tpu.memory_space<vmem>>) offsets(%dma_start3A_220 : memref<128xi32, #tpu.memory_space<vmem>>) semaphore(%arg18 : memref<!tpu.dma_semaphore, #tpu.memory_space<semaphore_mem>>) {add = true}
    %dma_wait3A_224 = arith.constant 0 : i32
    %dma_wait3A_225 = arith.constant 128 : i32
    %dma_wait3A_226 = tpu.memref_slice %arg10[%dma_wait3A_224, %dma_wait3A_225] : memref<5x512xi32, #tpu.memory_space<vmem>> -> memref<1x128xi32, #tpu.memory_space<vmem>>
    %dma_wait3A_227 = tpu.memref_squeeze %dma_wait3A_226 : memref<1x128xi32, #tpu.memory_space<vmem>> -> memref<128xi32, #tpu.memory_space<vmem>>
    %dma_wait3A_228 = arith.constant 0 : i32
    %dma_wait3A_229 = arith.constant 0 : i32
    %dma_wait3A_230 = tpu.memref_slice %arg2[%dma_wait3A_228, %dma_wait3A_229] : memref<100000x64xf32, #tpu.memory_space<hbm>> -> memref<100000x64xf32, #tpu.memory_space<hbm>>
    tpu.wait_indirect_dma semaphore(%arg19 : memref<!tpu.dma_semaphore, #tpu.memory_space<semaphore_mem>>) src(%dma_wait3A_230 : memref<100000x64xf32, #tpu.memory_space<hbm>>) dst(%arg16 : memref<128x64xf32, #tpu.memory_space<vmem>>)
    %dma_wait3A_231 = arith.constant 1 : i32
    %dma_wait3A_232 = arith.constant 128 : i32
    %dma_wait3A_233 = tpu.memref_slice %arg10[%dma_wait3A_231, %dma_wait3A_232] : memref<5x512xi32, #tpu.memory_space<vmem>> -> memref<1x128xi32, #tpu.memory_space<vmem>>
    %dma_wait3A_234 = tpu.memref_squeeze %dma_wait3A_233 : memref<1x128xi32, #tpu.memory_space<vmem>> -> memref<128xi32, #tpu.memory_space<vmem>>
    %dma_wait3A_235 = arith.constant 0 : i32
    %dma_wait3A_236 = arith.constant 0 : i32
    %dma_wait3A_237 = tpu.memref_slice %arg2[%dma_wait3A_235, %dma_wait3A_236] : memref<100000x64xf32, #tpu.memory_space<hbm>> -> memref<100000x64xf32, #tpu.memory_space<hbm>>
    tpu.wait_indirect_dma semaphore(%arg19 : memref<!tpu.dma_semaphore, #tpu.memory_space<semaphore_mem>>) src(%dma_wait3A_237 : memref<100000x64xf32, #tpu.memory_space<hbm>>) dst(%arg16 : memref<128x64xf32, #tpu.memory_space<vmem>>)
    %dma_wait3A_238 = arith.constant 2 : i32
    %dma_wait3A_239 = arith.constant 128 : i32
    %dma_wait3A_240 = tpu.memref_slice %arg10[%dma_wait3A_238, %dma_wait3A_239] : memref<5x512xi32, #tpu.memory_space<vmem>> -> memref<1x128xi32, #tpu.memory_space<vmem>>
    %dma_wait3A_241 = tpu.memref_squeeze %dma_wait3A_240 : memref<1x128xi32, #tpu.memory_space<vmem>> -> memref<128xi32, #tpu.memory_space<vmem>>
    %dma_wait3A_242 = arith.constant 0 : i32
    %dma_wait3A_243 = arith.constant 0 : i32
    %dma_wait3A_244 = tpu.memref_slice %arg2[%dma_wait3A_242, %dma_wait3A_243] : memref<100000x64xf32, #tpu.memory_space<hbm>> -> memref<100000x64xf32, #tpu.memory_space<hbm>>
    tpu.wait_indirect_dma semaphore(%arg19 : memref<!tpu.dma_semaphore, #tpu.memory_space<semaphore_mem>>) src(%dma_wait3A_244 : memref<100000x64xf32, #tpu.memory_space<hbm>>) dst(%arg16 : memref<128x64xf32, #tpu.memory_space<vmem>>)
    %dma_wait3A_245 = arith.constant 3 : i32
    %dma_wait3A_246 = arith.constant 128 : i32
    %dma_wait3A_247 = tpu.memref_slice %arg10[%dma_wait3A_245, %dma_wait3A_246] : memref<5x512xi32, #tpu.memory_space<vmem>> -> memref<1x128xi32, #tpu.memory_space<vmem>>
    %dma_wait3A_248 = tpu.memref_squeeze %dma_wait3A_247 : memref<1x128xi32, #tpu.memory_space<vmem>> -> memref<128xi32, #tpu.memory_space<vmem>>
    %dma_wait3A_249 = arith.constant 0 : i32
    %dma_wait3A_250 = arith.constant 0 : i32
    %dma_wait3A_251 = tpu.memref_slice %arg2[%dma_wait3A_249, %dma_wait3A_250] : memref<100000x64xf32, #tpu.memory_space<hbm>> -> memref<100000x64xf32, #tpu.memory_space<hbm>>
    tpu.wait_indirect_dma semaphore(%arg19 : memref<!tpu.dma_semaphore, #tpu.memory_space<semaphore_mem>>) src(%dma_wait3A_251 : memref<100000x64xf32, #tpu.memory_space<hbm>>) dst(%arg16 : memref<128x64xf32, #tpu.memory_space<vmem>>)
    %dma_wait3A_252 = arith.constant 4 : i32
    %dma_wait3A_253 = arith.constant 128 : i32
    %dma_wait3A_254 = tpu.memref_slice %arg10[%dma_wait3A_252, %dma_wait3A_253] : memref<5x512xi32, #tpu.memory_space<vmem>> -> memref<1x128xi32, #tpu.memory_space<vmem>>
    %dma_wait3A_255 = tpu.memref_squeeze %dma_wait3A_254 : memref<1x128xi32, #tpu.memory_space<vmem>> -> memref<128xi32, #tpu.memory_space<vmem>>
    %dma_wait3A_256 = arith.constant 0 : i32
    %dma_wait3A_257 = arith.constant 0 : i32
    %dma_wait3A_258 = tpu.memref_slice %arg2[%dma_wait3A_256, %dma_wait3A_257] : memref<100000x64xf32, #tpu.memory_space<hbm>> -> memref<100000x64xf32, #tpu.memory_space<hbm>>
    tpu.wait_indirect_dma semaphore(%arg19 : memref<!tpu.dma_semaphore, #tpu.memory_space<semaphore_mem>>) src(%dma_wait3A_258 : memref<100000x64xf32, #tpu.memory_space<hbm>>) dst(%arg16 : memref<128x64xf32, #tpu.memory_space<vmem>>)
    %dma_wait3A_259 = arith.constant 0 : i32
    %dma_wait3A_260 = tpu.memref_slice %arg8[%add3A_184, %dma_wait3A_259] : memref<16384x128xf32, #tpu.memory_space<hbm>> -> memref<128x80xf32, #tpu.memory_space<hbm>>
    %dma_wait3A_261 = arith.constant 0 : i32
    %dma_wait3A_262 = tpu.memref_slice %arg8[%add3A_184, %dma_wait3A_261] : memref<16384x128xf32, #tpu.memory_space<hbm>> -> memref<128x80xf32, #tpu.memory_space<hbm>>
    tpu.wait_dma2 semaphore(%arg20 : memref<!tpu.dma_semaphore, #tpu.memory_space<semaphore_mem>>) src(%arg17 : memref<128x80xf32, #tpu.memory_space<vmem>>) dst(%dma_wait3A_262 : memref<128x80xf32, #tpu.memory_space<hbm>>)
    %scan3A_263 = arith.constant 0 : i32
    %scan3A_264 = arith.constant 0 : i32
    %scan3A_265 = arith.constant 128 : i32
    %scan3A_266 = arith.addi %scan3A_264, %scan3A_265 : i32
    %scan3A_267 = arith.constant 1 : i32
    scf.for %scan3A_760 = %scan3A_264 to %scan3A_266 step %scan3A_267  : i32 {
      %get3A = arith.index_cast %scan3A_760 : i32 to index
      %get3A_761 = arith.constant 0 : index
      %get3A_762 = tpu.vector_load %arg16[%get3A, %get3A_761] {strides = array<i32>} : memref<128x64xf32, #tpu.memory_space<vmem>>, vector<1x16xf32>,
      %get3A_763 = vector.shape_cast %get3A_762 : vector<1x16xf32> to vector<16xf32>
      %swap3A = arith.index_cast %scan3A_760 : i32 to index
      %swap3A_764 = arith.constant 0 : index
      %swap3A_765 = tpu.vector_load %arg17[%swap3A, %swap3A_764] {strides = array<i32>} : memref<128x80xf32, #tpu.memory_space<vmem>>, vector<1x16xf32>,
      %swap3A_766 = vector.shape_cast %swap3A_765 : vector<1x16xf32> to vector<16xf32>
      %swap3A_767 = vector.shape_cast %get3A_763 : vector<16xf32> to vector<1x16xf32>
      tpu.vector_store %arg17[%swap3A, %swap3A_764], %swap3A_767 {strides = array<i32>} : memref<128x80xf32, #tpu.memory_space<vmem>>, vector<1x16xf32>,
      %swap3A_768 = arith.index_cast %scan3A_760 : i32 to index
      %swap3A_769 = arith.constant 0 : index
      %swap3A_770 = tpu.vector_load %arg16[%swap3A_768, %swap3A_769] {strides = array<i32>} : memref<128x64xf32, #tpu.memory_space<vmem>>, vector<1x16xf32>,
      %swap3A_771 = vector.shape_cast %swap3A_770 : vector<1x16xf32> to vector<16xf32>
      %swap3A_772 = vector.shape_cast %broadcast_in_dim3A_62 : vector<16xf32> to vector<1x16xf32>
      tpu.vector_store %arg16[%swap3A_768, %swap3A_769], %swap3A_772 {strides = array<i32>} : memref<128x64xf32, #tpu.memory_space<vmem>>, vector<1x16xf32>,
      %get3A_773 = arith.index_cast %scan3A_760 : i32 to index
      %get3A_774 = arith.constant 16 : index
      %get3A_775 = tpu.vector_load %arg16[%get3A_773, %get3A_774] {strides = array<i32>} : memref<128x64xf32, #tpu.memory_space<vmem>>, vector<1x16xf32>,
      %get3A_776 = vector.shape_cast %get3A_775 : vector<1x16xf32> to vector<16xf32>
      %swap3A_777 = arith.index_cast %scan3A_760 : i32 to index
      %swap3A_778 = arith.constant 16 : index
      %swap3A_779 = tpu.vector_load %arg17[%swap3A_777, %swap3A_778] {strides = array<i32>} : memref<128x80xf32, #tpu.memory_space<vmem>>, vector<1x16xf32>,
      %swap3A_780 = vector.shape_cast %swap3A_779 : vector<1x16xf32> to vector<16xf32>
      %swap3A_781 = vector.shape_cast %get3A_776 : vector<16xf32> to vector<1x16xf32>
      tpu.vector_store %arg17[%swap3A_777, %swap3A_778], %swap3A_781 {strides = array<i32>} : memref<128x80xf32, #tpu.memory_space<vmem>>, vector<1x16xf32>,
      %swap3A_782 = arith.index_cast %scan3A_760 : i32 to index
      %swap3A_783 = arith.constant 16 : index
      %swap3A_784 = tpu.vector_load %arg16[%swap3A_782, %swap3A_783] {strides = array<i32>} : memref<128x64xf32, #tpu.memory_space<vmem>>, vector<1x16xf32>,
      %swap3A_785 = vector.shape_cast %swap3A_784 : vector<1x16xf32> to vector<16xf32>
      %swap3A_786 = vector.shape_cast %broadcast_in_dim3A_62 : vector<16xf32> to vector<1x16xf32>
      tpu.vector_store %arg16[%swap3A_782, %swap3A_783], %swap3A_786 {strides = array<i32>} : memref<128x64xf32, #tpu.memory_space<vmem>>, vector<1x16xf32>,
      %get3A_787 = arith.index_cast %scan3A_760 : i32 to index
      %get3A_788 = arith.constant 32 : index
      %get3A_789 = tpu.vector_load %arg16[%get3A_787, %get3A_788] {strides = array<i32>} : memref<128x64xf32, #tpu.memory_space<vmem>>, vector<1x16xf32>,
      %get3A_790 = vector.shape_cast %get3A_789 : vector<1x16xf32> to vector<16xf32>
      %swap3A_791 = arith.index_cast %scan3A_760 : i32 to index
      %swap3A_792 = arith.constant 32 : index
      %swap3A_793 = tpu.vector_load %arg17[%swap3A_791, %swap3A_792] {strides = array<i32>} : memref<128x80xf32, #tpu.memory_space<vmem>>, vector<1x16xf32>,
      %swap3A_794 = vector.shape_cast %swap3A_793 : vector<1x16xf32> to vector<16xf32>
      %swap3A_795 = vector.shape_cast %get3A_790 : vector<16xf32> to vector<1x16xf32>
      tpu.vector_store %arg17[%swap3A_791, %swap3A_792], %swap3A_795 {strides = array<i32>} : memref<128x80xf32, #tpu.memory_space<vmem>>, vector<1x16xf32>,
      %swap3A_796 = arith.index_cast %scan3A_760 : i32 to index
      %swap3A_797 = arith.constant 32 : index
      %swap3A_798 = tpu.vector_load %arg16[%swap3A_796, %swap3A_797] {strides = array<i32>} : memref<128x64xf32, #tpu.memory_space<vmem>>, vector<1x16xf32>,
      %swap3A_799 = vector.shape_cast %swap3A_798 : vector<1x16xf32> to vector<16xf32>
      %swap3A_800 = vector.shape_cast %broadcast_in_dim3A_62 : vector<16xf32> to vector<1x16xf32>
      tpu.vector_store %arg16[%swap3A_796, %swap3A_797], %swap3A_800 {strides = array<i32>} : memref<128x64xf32, #tpu.memory_space<vmem>>, vector<1x16xf32>,
      %get3A_801 = arith.index_cast %scan3A_760 : i32 to index
      %get3A_802 = arith.constant 48 : index
      %get3A_803 = tpu.vector_load %arg16[%get3A_801, %get3A_802] {strides = array<i32>} : memref<128x64xf32, #tpu.memory_space<vmem>>, vector<1x16xf32>,
      %get3A_804 = vector.shape_cast %get3A_803 : vector<1x16xf32> to vector<16xf32>
      %swap3A_805 = arith.index_cast %scan3A_760 : i32 to index
      %swap3A_806 = arith.constant 48 : index
      %swap3A_807 = tpu.vector_load %arg17[%swap3A_805, %swap3A_806] {strides = array<i32>} : memref<128x80xf32, #tpu.memory_space<vmem>>, vector<1x16xf32>,
      %swap3A_808 = vector.shape_cast %swap3A_807 : vector<1x16xf32> to vector<16xf32>
      %swap3A_809 = vector.shape_cast %get3A_804 : vector<16xf32> to vector<1x16xf32>
      tpu.vector_store %arg17[%swap3A_805, %swap3A_806], %swap3A_809 {strides = array<i32>} : memref<128x80xf32, #tpu.memory_space<vmem>>, vector<1x16xf32>,
      %swap3A_810 = arith.index_cast %scan3A_760 : i32 to index
      %swap3A_811 = arith.constant 48 : index
      %swap3A_812 = tpu.vector_load %arg16[%swap3A_810, %swap3A_811] {strides = array<i32>} : memref<128x64xf32, #tpu.memory_space<vmem>>, vector<1x16xf32>,
      %swap3A_813 = vector.shape_cast %swap3A_812 : vector<1x16xf32> to vector<16xf32>
      %swap3A_814 = vector.shape_cast %broadcast_in_dim3A_62 : vector<16xf32> to vector<1x16xf32>
      tpu.vector_store %arg16[%swap3A_810, %swap3A_811], %swap3A_814 {strides = array<i32>} : memref<128x64xf32, #tpu.memory_space<vmem>>, vector<1x16xf32>,
      %add3A_815 = arith.constant 128 : i32
      %add3A_816 = arith.addi %add3A_815, %scan3A_760 : i32
      %get3A_817 = arith.constant 0 : i32
      %get3A_818 = arith.index_cast %get3A_817 : i32 to index
      %get3A_819 = arith.index_cast %add3A_816 : i32 to index
      %get3A_820 = tpu.vector_load %arg11[%get3A_818, %get3A_819] {strides = array<i32>} : memref<5x512xi32, #tpu.memory_space<vmem>>, vector<1x1xi32>,
      %get3A_821 = vector.shape_cast %get3A_820 : vector<1x1xi32> to vector<1xi32>
      %squeeze3A = vector.extract %get3A_821[0] : i32 from vector<1xi32>
      %get3A_822 = arith.index_cast %squeeze3A : i32 to index
      %get3A_823 = arith.constant 0 : index
      %get3A_824 = tpu.vector_load %arg14[%get3A_822, %get3A_823] {strides = array<i32>} : memref<1000x16xf32, #tpu.memory_space<vmem>>, vector<1x16xf32>,
      %get3A_825 = vector.shape_cast %get3A_824 : vector<1x16xf32> to vector<16xf32>
      %add3A_826 = arith.constant 128 : i32
      %add3A_827 = arith.addi %add3A_826, %scan3A_760 : i32
      %get3A_828 = arith.constant 1 : i32
      %get3A_829 = arith.index_cast %get3A_828 : i32 to index
      %get3A_830 = arith.index_cast %add3A_827 : i32 to index
      %get3A_831 = tpu.vector_load %arg11[%get3A_829, %get3A_830] {strides = array<i32>} : memref<5x512xi32, #tpu.memory_space<vmem>>, vector<1x1xi32>,
      %get3A_832 = vector.shape_cast %get3A_831 : vector<1x1xi32> to vector<1xi32>
      %squeeze3A_833 = vector.extract %get3A_832[0] : i32 from vector<1xi32>
      %get3A_834 = arith.index_cast %squeeze3A_833 : i32 to index
      %get3A_835 = arith.constant 0 : index
      %get3A_836 = tpu.vector_load %arg14[%get3A_834, %get3A_835] {strides = array<i32>} : memref<1000x16xf32, #tpu.memory_space<vmem>>, vector<1x16xf32>,
      %get3A_837 = vector.shape_cast %get3A_836 : vector<1x16xf32> to vector<16xf32>
      %add3A_838 = arith.addf %get3A_825, %get3A_837 : vector<16xf32>
      %add3A_839 = arith.constant 128 : i32
      %add3A_840 = arith.addi %add3A_839, %scan3A_760 : i32
      %get3A_841 = arith.constant 2 : i32
      %get3A_842 = arith.index_cast %get3A_841 : i32 to index
      %get3A_843 = arith.index_cast %add3A_840 : i32 to index
      %get3A_844 = tpu.vector_load %arg11[%get3A_842, %get3A_843] {strides = array<i32>} : memref<5x512xi32, #tpu.memory_space<vmem>>, vector<1x1xi32>,
      %get3A_845 = vector.shape_cast %get3A_844 : vector<1x1xi32> to vector<1xi32>
      %squeeze3A_846 = vector.extract %get3A_845[0] : i32 from vector<1xi32>
      %get3A_847 = arith.index_cast %squeeze3A_846 : i32 to index
      %get3A_848 = arith.constant 0 : index
      %get3A_849 = tpu.vector_load %arg14[%get3A_847, %get3A_848] {strides = array<i32>} : memref<1000x16xf32, #tpu.memory_space<vmem>>, vector<1x16xf32>,
      %get3A_850 = vector.shape_cast %get3A_849 : vector<1x16xf32> to vector<16xf32>
      %add3A_851 = arith.addf %add3A_838, %get3A_850 : vector<16xf32>
      %add3A_852 = arith.constant 128 : i32
      %add3A_853 = arith.addi %add3A_852, %scan3A_760 : i32
      %get3A_854 = arith.constant 3 : i32
      %get3A_855 = arith.index_cast %get3A_854 : i32 to index
      %get3A_856 = arith.index_cast %add3A_853 : i32 to index
      %get3A_857 = tpu.vector_load %arg11[%get3A_855, %get3A_856] {strides = array<i32>} : memref<5x512xi32, #tpu.memory_space<vmem>>, vector<1x1xi32>,
      %get3A_858 = vector.shape_cast %get3A_857 : vector<1x1xi32> to vector<1xi32>
      %squeeze3A_859 = vector.extract %get3A_858[0] : i32 from vector<1xi32>
      %get3A_860 = arith.index_cast %squeeze3A_859 : i32 to index
      %get3A_861 = arith.constant 0 : index
      %get3A_862 = tpu.vector_load %arg14[%get3A_860, %get3A_861] {strides = array<i32>} : memref<1000x16xf32, #tpu.memory_space<vmem>>, vector<1x16xf32>,
      %get3A_863 = vector.shape_cast %get3A_862 : vector<1x16xf32> to vector<16xf32>
      %add3A_864 = arith.addf %add3A_851, %get3A_863 : vector<16xf32>
      %add3A_865 = arith.constant 128 : i32
      %add3A_866 = arith.addi %add3A_865, %scan3A_760 : i32
      %get3A_867 = arith.constant 4 : i32
      %get3A_868 = arith.index_cast %get3A_867 : i32 to index
      %get3A_869 = arith.index_cast %add3A_866 : i32 to index
      %get3A_870 = tpu.vector_load %arg11[%get3A_868, %get3A_869] {strides = array<i32>} : memref<5x512xi32, #tpu.memory_space<vmem>>, vector<1x1xi32>,
      %get3A_871 = vector.shape_cast %get3A_870 : vector<1x1xi32> to vector<1xi32>
      %squeeze3A_872 = vector.extract %get3A_871[0] : i32 from vector<1xi32>
      %get3A_873 = arith.index_cast %squeeze3A_872 : i32 to index
      %get3A_874 = arith.constant 0 : index
      %get3A_875 = tpu.vector_load %arg14[%get3A_873, %get3A_874] {strides = array<i32>} : memref<1000x16xf32, #tpu.memory_space<vmem>>, vector<1x16xf32>,
      %get3A_876 = vector.shape_cast %get3A_875 : vector<1x16xf32> to vector<16xf32>
      %add3A_877 = arith.addf %add3A_864, %get3A_876 : vector<16xf32>
      %swap3A_878 = arith.index_cast %scan3A_760 : i32 to index
      %swap3A_879 = arith.constant 64 : index
      %swap3A_880 = tpu.vector_load %arg17[%swap3A_878, %swap3A_879] {strides = array<i32>} : memref<128x80xf32, #tpu.memory_space<vmem>>, vector<1x16xf32>,
      %swap3A_881 = vector.shape_cast %swap3A_880 : vector<1x16xf32> to vector<16xf32>
      %swap3A_882 = vector.shape_cast %add3A_877 : vector<16xf32> to vector<1x16xf32>
      tpu.vector_store %arg17[%swap3A_878, %swap3A_879], %swap3A_882 {strides = array<i32>} : memref<128x80xf32, #tpu.memory_space<vmem>>, vector<1x16xf32>,
    }
    %scan3A_268 = arith.constant 128 : i32
    %add3A_269 = arith.constant 128 : i32
    %add3A_270 = arith.addi %mul3A_2, %add3A_269 : i32
    %dma_start3A_271 = arith.constant 0 : i32
    %dma_start3A_272 = tpu.memref_slice %arg8[%add3A_270, %dma_start3A_271] : memref<16384x128xf32, #tpu.memory_space<hbm>> -> memref<128x80xf32, #tpu.memory_space<hbm>>
    %dma_start3A_273 = arith.constant 0 : i32
    %dma_start3A_274 = tpu.memref_slice %arg8[%add3A_270, %dma_start3A_273] : memref<16384x128xf32, #tpu.memory_space<hbm>> -> memref<128x80xf32, #tpu.memory_space<hbm>>
    tpu.enqueue_dma source(%arg17 : memref<128x80xf32, #tpu.memory_space<vmem>>) target(%dma_start3A_274 : memref<128x80xf32, #tpu.memory_space<hbm>>) target_semaphore(%arg20 : memref<!tpu.dma_semaphore, #tpu.memory_space<semaphore_mem>>)
    %dma_start3A_275 = arith.constant 0 : i32
    %dma_start3A_276 = arith.constant 384 : i32
    %dma_start3A_277 = tpu.memref_slice %arg10[%dma_start3A_275, %dma_start3A_276] : memref<5x512xi32, #tpu.memory_space<vmem>> -> memref<1x128xi32, #tpu.memory_space<vmem>>
    %dma_start3A_278 = tpu.memref_squeeze %dma_start3A_277 : memref<1x128xi32, #tpu.memory_space<vmem>> -> memref<128xi32, #tpu.memory_space<vmem>>
    %dma_start3A_279 = arith.constant 0 : i32
    %dma_start3A_280 = arith.constant 0 : i32
    %dma_start3A_281 = tpu.memref_slice %arg2[%dma_start3A_279, %dma_start3A_280] : memref<100000x64xf32, #tpu.memory_space<hbm>> -> memref<100000x64xf32, #tpu.memory_space<hbm>>
    tpu.enqueue_indirect_dma source(%dma_start3A_281 : memref<100000x64xf32, #tpu.memory_space<hbm>>) target(%arg16 : memref<128x64xf32, #tpu.memory_space<vmem>>) offsets(%dma_start3A_278 : memref<128xi32, #tpu.memory_space<vmem>>) semaphore(%arg19 : memref<!tpu.dma_semaphore, #tpu.memory_space<semaphore_mem>>) {add = true}
    %dma_start3A_282 = arith.constant 1 : i32
    %dma_start3A_283 = arith.constant 384 : i32
    %dma_start3A_284 = tpu.memref_slice %arg10[%dma_start3A_282, %dma_start3A_283] : memref<5x512xi32, #tpu.memory_space<vmem>> -> memref<1x128xi32, #tpu.memory_space<vmem>>
    %dma_start3A_285 = tpu.memref_squeeze %dma_start3A_284 : memref<1x128xi32, #tpu.memory_space<vmem>> -> memref<128xi32, #tpu.memory_space<vmem>>
    %dma_start3A_286 = arith.constant 0 : i32
    %dma_start3A_287 = arith.constant 0 : i32
    %dma_start3A_288 = tpu.memref_slice %arg2[%dma_start3A_286, %dma_start3A_287] : memref<100000x64xf32, #tpu.memory_space<hbm>> -> memref<100000x64xf32, #tpu.memory_space<hbm>>
    tpu.enqueue_indirect_dma source(%dma_start3A_288 : memref<100000x64xf32, #tpu.memory_space<hbm>>) target(%arg16 : memref<128x64xf32, #tpu.memory_space<vmem>>) offsets(%dma_start3A_285 : memref<128xi32, #tpu.memory_space<vmem>>) semaphore(%arg19 : memref<!tpu.dma_semaphore, #tpu.memory_space<semaphore_mem>>) {add = true}
    %dma_start3A_289 = arith.constant 2 : i32
    %dma_start3A_290 = arith.constant 384 : i32
    %dma_start3A_291 = tpu.memref_slice %arg10[%dma_start3A_289, %dma_start3A_290] : memref<5x512xi32, #tpu.memory_space<vmem>> -> memref<1x128xi32, #tpu.memory_space<vmem>>
    %dma_start3A_292 = tpu.memref_squeeze %dma_start3A_291 : memref<1x128xi32, #tpu.memory_space<vmem>> -> memref<128xi32, #tpu.memory_space<vmem>>
    %dma_start3A_293 = arith.constant 0 : i32
    %dma_start3A_294 = arith.constant 0 : i32
    %dma_start3A_295 = tpu.memref_slice %arg2[%dma_start3A_293, %dma_start3A_294] : memref<100000x64xf32, #tpu.memory_space<hbm>> -> memref<100000x64xf32, #tpu.memory_space<hbm>>
    tpu.enqueue_indirect_dma source(%dma_start3A_295 : memref<100000x64xf32, #tpu.memory_space<hbm>>) target(%arg16 : memref<128x64xf32, #tpu.memory_space<vmem>>) offsets(%dma_start3A_292 : memref<128xi32, #tpu.memory_space<vmem>>) semaphore(%arg19 : memref<!tpu.dma_semaphore, #tpu.memory_space<semaphore_mem>>) {add = true}
    %dma_start3A_296 = arith.constant 3 : i32
    %dma_start3A_297 = arith.constant 384 : i32
    %dma_start3A_298 = tpu.memref_slice %arg10[%dma_start3A_296, %dma_start3A_297] : memref<5x512xi32, #tpu.memory_space<vmem>> -> memref<1x128xi32, #tpu.memory_space<vmem>>
    %dma_start3A_299 = tpu.memref_squeeze %dma_start3A_298 : memref<1x128xi32, #tpu.memory_space<vmem>> -> memref<128xi32, #tpu.memory_space<vmem>>
    %dma_start3A_300 = arith.constant 0 : i32
    %dma_start3A_301 = arith.constant 0 : i32
    %dma_start3A_302 = tpu.memref_slice %arg2[%dma_start3A_300, %dma_start3A_301] : memref<100000x64xf32, #tpu.memory_space<hbm>> -> memref<100000x64xf32, #tpu.memory_space<hbm>>
    tpu.enqueue_indirect_dma source(%dma_start3A_302 : memref<100000x64xf32, #tpu.memory_space<hbm>>) target(%arg16 : memref<128x64xf32, #tpu.memory_space<vmem>>) offsets(%dma_start3A_299 : memref<128xi32, #tpu.memory_space<vmem>>) semaphore(%arg19 : memref<!tpu.dma_semaphore, #tpu.memory_space<semaphore_mem>>) {add = true}
    %dma_start3A_303 = arith.constant 4 : i32
    %dma_start3A_304 = arith.constant 384 : i32
    %dma_start3A_305 = tpu.memref_slice %arg10[%dma_start3A_303, %dma_start3A_304] : memref<5x512xi32, #tpu.memory_space<vmem>> -> memref<1x128xi32, #tpu.memory_space<vmem>>
    %dma_start3A_306 = tpu.memref_squeeze %dma_start3A_305 : memref<1x128xi32, #tpu.memory_space<vmem>> -> memref<128xi32, #tpu.memory_space<vmem>>
    %dma_start3A_307 = arith.constant 0 : i32
    %dma_start3A_308 = arith.constant 0 : i32
    %dma_start3A_309 = tpu.memref_slice %arg2[%dma_start3A_307, %dma_start3A_308] : memref<100000x64xf32, #tpu.memory_space<hbm>> -> memref<100000x64xf32, #tpu.memory_space<hbm>>
    tpu.enqueue_indirect_dma source(%dma_start3A_309 : memref<100000x64xf32, #tpu.memory_space<hbm>>) target(%arg16 : memref<128x64xf32, #tpu.memory_space<vmem>>) offsets(%dma_start3A_306 : memref<128xi32, #tpu.memory_space<vmem>>) semaphore(%arg19 : memref<!tpu.dma_semaphore, #tpu.memory_space<semaphore_mem>>) {add = true}
    %dma_wait3A_310 = arith.constant 0 : i32
    %dma_wait3A_311 = arith.constant 256 : i32
    %dma_wait3A_312 = tpu.memref_slice %arg10[%dma_wait3A_310, %dma_wait3A_311] : memref<5x512xi32, #tpu.memory_space<vmem>> -> memref<1x128xi32, #tpu.memory_space<vmem>>
    %dma_wait3A_313 = tpu.memref_squeeze %dma_wait3A_312 : memref<1x128xi32, #tpu.memory_space<vmem>> -> memref<128xi32, #tpu.memory_space<vmem>>
    %dma_wait3A_314 = arith.constant 0 : i32
    %dma_wait3A_315 = arith.constant 0 : i32
    %dma_wait3A_316 = tpu.memref_slice %arg2[%dma_wait3A_314, %dma_wait3A_315] : memref<100000x64xf32, #tpu.memory_space<hbm>> -> memref<100000x64xf32, #tpu.memory_space<hbm>>
    tpu.wait_indirect_dma semaphore(%arg18 : memref<!tpu.dma_semaphore, #tpu.memory_space<semaphore_mem>>) src(%dma_wait3A_316 : memref<100000x64xf32, #tpu.memory_space<hbm>>) dst(%arg15 : memref<128x64xf32, #tpu.memory_space<vmem>>)
    %dma_wait3A_317 = arith.constant 1 : i32
    %dma_wait3A_318 = arith.constant 256 : i32
    %dma_wait3A_319 = tpu.memref_slice %arg10[%dma_wait3A_317, %dma_wait3A_318] : memref<5x512xi32, #tpu.memory_space<vmem>> -> memref<1x128xi32, #tpu.memory_space<vmem>>
    %dma_wait3A_320 = tpu.memref_squeeze %dma_wait3A_319 : memref<1x128xi32, #tpu.memory_space<vmem>> -> memref<128xi32, #tpu.memory_space<vmem>>
    %dma_wait3A_321 = arith.constant 0 : i32
    %dma_wait3A_322 = arith.constant 0 : i32
    %dma_wait3A_323 = tpu.memref_slice %arg2[%dma_wait3A_321, %dma_wait3A_322] : memref<100000x64xf32, #tpu.memory_space<hbm>> -> memref<100000x64xf32, #tpu.memory_space<hbm>>
    tpu.wait_indirect_dma semaphore(%arg18 : memref<!tpu.dma_semaphore, #tpu.memory_space<semaphore_mem>>) src(%dma_wait3A_323 : memref<100000x64xf32, #tpu.memory_space<hbm>>) dst(%arg15 : memref<128x64xf32, #tpu.memory_space<vmem>>)
    %dma_wait3A_324 = arith.constant 2 : i32
    %dma_wait3A_325 = arith.constant 256 : i32
    %dma_wait3A_326 = tpu.memref_slice %arg10[%dma_wait3A_324, %dma_wait3A_325] : memref<5x512xi32, #tpu.memory_space<vmem>> -> memref<1x128xi32, #tpu.memory_space<vmem>>
    %dma_wait3A_327 = tpu.memref_squeeze %dma_wait3A_326 : memref<1x128xi32, #tpu.memory_space<vmem>> -> memref<128xi32, #tpu.memory_space<vmem>>
    %dma_wait3A_328 = arith.constant 0 : i32
    %dma_wait3A_329 = arith.constant 0 : i32
    %dma_wait3A_330 = tpu.memref_slice %arg2[%dma_wait3A_328, %dma_wait3A_329] : memref<100000x64xf32, #tpu.memory_space<hbm>> -> memref<100000x64xf32, #tpu.memory_space<hbm>>
    tpu.wait_indirect_dma semaphore(%arg18 : memref<!tpu.dma_semaphore, #tpu.memory_space<semaphore_mem>>) src(%dma_wait3A_330 : memref<100000x64xf32, #tpu.memory_space<hbm>>) dst(%arg15 : memref<128x64xf32, #tpu.memory_space<vmem>>)
    %dma_wait3A_331 = arith.constant 3 : i32
    %dma_wait3A_332 = arith.constant 256 : i32
    %dma_wait3A_333 = tpu.memref_slice %arg10[%dma_wait3A_331, %dma_wait3A_332] : memref<5x512xi32, #tpu.memory_space<vmem>> -> memref<1x128xi32, #tpu.memory_space<vmem>>
    %dma_wait3A_334 = tpu.memref_squeeze %dma_wait3A_333 : memref<1x128xi32, #tpu.memory_space<vmem>> -> memref<128xi32, #tpu.memory_space<vmem>>
    %dma_wait3A_335 = arith.constant 0 : i32
    %dma_wait3A_336 = arith.constant 0 : i32
    %dma_wait3A_337 = tpu.memref_slice %arg2[%dma_wait3A_335, %dma_wait3A_336] : memref<100000x64xf32, #tpu.memory_space<hbm>> -> memref<100000x64xf32, #tpu.memory_space<hbm>>
    tpu.wait_indirect_dma semaphore(%arg18 : memref<!tpu.dma_semaphore, #tpu.memory_space<semaphore_mem>>) src(%dma_wait3A_337 : memref<100000x64xf32, #tpu.memory_space<hbm>>) dst(%arg15 : memref<128x64xf32, #tpu.memory_space<vmem>>)
    %dma_wait3A_338 = arith.constant 4 : i32
    %dma_wait3A_339 = arith.constant 256 : i32
    %dma_wait3A_340 = tpu.memref_slice %arg10[%dma_wait3A_338, %dma_wait3A_339] : memref<5x512xi32, #tpu.memory_space<vmem>> -> memref<1x128xi32, #tpu.memory_space<vmem>>
    %dma_wait3A_341 = tpu.memref_squeeze %dma_wait3A_340 : memref<1x128xi32, #tpu.memory_space<vmem>> -> memref<128xi32, #tpu.memory_space<vmem>>
    %dma_wait3A_342 = arith.constant 0 : i32
    %dma_wait3A_343 = arith.constant 0 : i32
    %dma_wait3A_344 = tpu.memref_slice %arg2[%dma_wait3A_342, %dma_wait3A_343] : memref<100000x64xf32, #tpu.memory_space<hbm>> -> memref<100000x64xf32, #tpu.memory_space<hbm>>
    tpu.wait_indirect_dma semaphore(%arg18 : memref<!tpu.dma_semaphore, #tpu.memory_space<semaphore_mem>>) src(%dma_wait3A_344 : memref<100000x64xf32, #tpu.memory_space<hbm>>) dst(%arg15 : memref<128x64xf32, #tpu.memory_space<vmem>>)
    %dma_wait3A_345 = arith.constant 0 : i32
    %dma_wait3A_346 = tpu.memref_slice %arg8[%add3A_270, %dma_wait3A_345] : memref<16384x128xf32, #tpu.memory_space<hbm>> -> memref<128x80xf32, #tpu.memory_space<hbm>>
    %dma_wait3A_347 = arith.constant 0 : i32
    %dma_wait3A_348 = tpu.memref_slice %arg8[%add3A_270, %dma_wait3A_347] : memref<16384x128xf32, #tpu.memory_space<hbm>> -> memref<128x80xf32, #tpu.memory_space<hbm>>
    tpu.wait_dma2 semaphore(%arg20 : memref<!tpu.dma_semaphore, #tpu.memory_space<semaphore_mem>>) src(%arg17 : memref<128x80xf32, #tpu.memory_space<vmem>>) dst(%dma_wait3A_348 : memref<128x80xf32, #tpu.memory_space<hbm>>)
    %scan3A_349 = arith.constant 0 : i32
    %scan3A_350 = arith.constant 0 : i32
    %scan3A_351 = arith.constant 128 : i32
    %scan3A_352 = arith.addi %scan3A_350, %scan3A_351 : i32
    %scan3A_353 = arith.constant 1 : i32
    scf.for %scan3A_760 = %scan3A_350 to %scan3A_352 step %scan3A_353  : i32 {
      %get3A = arith.index_cast %scan3A_760 : i32 to index
      %get3A_761 = arith.constant 0 : index
      %get3A_762 = tpu.vector_load %arg15[%get3A, %get3A_761] {strides = array<i32>} : memref<128x64xf32, #tpu.memory_space<vmem>>, vector<1x16xf32>,
      %get3A_763 = vector.shape_cast %get3A_762 : vector<1x16xf32> to vector<16xf32>
      %swap3A = arith.index_cast %scan3A_760 : i32 to index
      %swap3A_764 = arith.constant 0 : index
      %swap3A_765 = tpu.vector_load %arg17[%swap3A, %swap3A_764] {strides = array<i32>} : memref<128x80xf32, #tpu.memory_space<vmem>>, vector<1x16xf32>,
      %swap3A_766 = vector.shape_cast %swap3A_765 : vector<1x16xf32> to vector<16xf32>
      %swap3A_767 = vector.shape_cast %get3A_763 : vector<16xf32> to vector<1x16xf32>
      tpu.vector_store %arg17[%swap3A, %swap3A_764], %swap3A_767 {strides = array<i32>} : memref<128x80xf32, #tpu.memory_space<vmem>>, vector<1x16xf32>,
      %swap3A_768 = arith.index_cast %scan3A_760 : i32 to index
      %swap3A_769 = arith.constant 0 : index
      %swap3A_770 = tpu.vector_load %arg15[%swap3A_768, %swap3A_769] {strides = array<i32>} : memref<128x64xf32, #tpu.memory_space<vmem>>, vector<1x16xf32>,
      %swap3A_771 = vector.shape_cast %swap3A_770 : vector<1x16xf32> to vector<16xf32>
      %swap3A_772 = vector.shape_cast %broadcast_in_dim3A_62 : vector<16xf32> to vector<1x16xf32>
      tpu.vector_store %arg15[%swap3A_768, %swap3A_769], %swap3A_772 {strides = array<i32>} : memref<128x64xf32, #tpu.memory_space<vmem>>, vector<1x16xf32>,
      %get3A_773 = arith.index_cast %scan3A_760 : i32 to index
      %get3A_774 = arith.constant 16 : index
      %get3A_775 = tpu.vector_load %arg15[%get3A_773, %get3A_774] {strides = array<i32>} : memref<128x64xf32, #tpu.memory_space<vmem>>, vector<1x16xf32>,
      %get3A_776 = vector.shape_cast %get3A_775 : vector<1x16xf32> to vector<16xf32>
      %swap3A_777 = arith.index_cast %scan3A_760 : i32 to index
      %swap3A_778 = arith.constant 16 : index
      %swap3A_779 = tpu.vector_load %arg17[%swap3A_777, %swap3A_778] {strides = array<i32>} : memref<128x80xf32, #tpu.memory_space<vmem>>, vector<1x16xf32>,
      %swap3A_780 = vector.shape_cast %swap3A_779 : vector<1x16xf32> to vector<16xf32>
      %swap3A_781 = vector.shape_cast %get3A_776 : vector<16xf32> to vector<1x16xf32>
      tpu.vector_store %arg17[%swap3A_777, %swap3A_778], %swap3A_781 {strides = array<i32>} : memref<128x80xf32, #tpu.memory_space<vmem>>, vector<1x16xf32>,
      %swap3A_782 = arith.index_cast %scan3A_760 : i32 to index
      %swap3A_783 = arith.constant 16 : index
      %swap3A_784 = tpu.vector_load %arg15[%swap3A_782, %swap3A_783] {strides = array<i32>} : memref<128x64xf32, #tpu.memory_space<vmem>>, vector<1x16xf32>,
      %swap3A_785 = vector.shape_cast %swap3A_784 : vector<1x16xf32> to vector<16xf32>
      %swap3A_786 = vector.shape_cast %broadcast_in_dim3A_62 : vector<16xf32> to vector<1x16xf32>
      tpu.vector_store %arg15[%swap3A_782, %swap3A_783], %swap3A_786 {strides = array<i32>} : memref<128x64xf32, #tpu.memory_space<vmem>>, vector<1x16xf32>,
      %get3A_787 = arith.index_cast %scan3A_760 : i32 to index
      %get3A_788 = arith.constant 32 : index
      %get3A_789 = tpu.vector_load %arg15[%get3A_787, %get3A_788] {strides = array<i32>} : memref<128x64xf32, #tpu.memory_space<vmem>>, vector<1x16xf32>,
      %get3A_790 = vector.shape_cast %get3A_789 : vector<1x16xf32> to vector<16xf32>
      %swap3A_791 = arith.index_cast %scan3A_760 : i32 to index
      %swap3A_792 = arith.constant 32 : index
      %swap3A_793 = tpu.vector_load %arg17[%swap3A_791, %swap3A_792] {strides = array<i32>} : memref<128x80xf32, #tpu.memory_space<vmem>>, vector<1x16xf32>,
      %swap3A_794 = vector.shape_cast %swap3A_793 : vector<1x16xf32> to vector<16xf32>
      %swap3A_795 = vector.shape_cast %get3A_790 : vector<16xf32> to vector<1x16xf32>
      tpu.vector_store %arg17[%swap3A_791, %swap3A_792], %swap3A_795 {strides = array<i32>} : memref<128x80xf32, #tpu.memory_space<vmem>>, vector<1x16xf32>,
      %swap3A_796 = arith.index_cast %scan3A_760 : i32 to index
      %swap3A_797 = arith.constant 32 : index
      %swap3A_798 = tpu.vector_load %arg15[%swap3A_796, %swap3A_797] {strides = array<i32>} : memref<128x64xf32, #tpu.memory_space<vmem>>, vector<1x16xf32>,
      %swap3A_799 = vector.shape_cast %swap3A_798 : vector<1x16xf32> to vector<16xf32>
      %swap3A_800 = vector.shape_cast %broadcast_in_dim3A_62 : vector<16xf32> to vector<1x16xf32>
      tpu.vector_store %arg15[%swap3A_796, %swap3A_797], %swap3A_800 {strides = array<i32>} : memref<128x64xf32, #tpu.memory_space<vmem>>, vector<1x16xf32>,
      %get3A_801 = arith.index_cast %scan3A_760 : i32 to index
      %get3A_802 = arith.constant 48 : index
      %get3A_803 = tpu.vector_load %arg15[%get3A_801, %get3A_802] {strides = array<i32>} : memref<128x64xf32, #tpu.memory_space<vmem>>, vector<1x16xf32>,
      %get3A_804 = vector.shape_cast %get3A_803 : vector<1x16xf32> to vector<16xf32>
      %swap3A_805 = arith.index_cast %scan3A_760 : i32 to index
      %swap3A_806 = arith.constant 48 : index
      %swap3A_807 = tpu.vector_load %arg17[%swap3A_805, %swap3A_806] {strides = array<i32>} : memref<128x80xf32, #tpu.memory_space<vmem>>, vector<1x16xf32>,
      %swap3A_808 = vector.shape_cast %swap3A_807 : vector<1x16xf32> to vector<16xf32>
      %swap3A_809 = vector.shape_cast %get3A_804 : vector<16xf32> to vector<1x16xf32>
      tpu.vector_store %arg17[%swap3A_805, %swap3A_806], %swap3A_809 {strides = array<i32>} : memref<128x80xf32, #tpu.memory_space<vmem>>, vector<1x16xf32>,
      %swap3A_810 = arith.index_cast %scan3A_760 : i32 to index
      %swap3A_811 = arith.constant 48 : index
      %swap3A_812 = tpu.vector_load %arg15[%swap3A_810, %swap3A_811] {strides = array<i32>} : memref<128x64xf32, #tpu.memory_space<vmem>>, vector<1x16xf32>,
      %swap3A_813 = vector.shape_cast %swap3A_812 : vector<1x16xf32> to vector<16xf32>
      %swap3A_814 = vector.shape_cast %broadcast_in_dim3A_62 : vector<16xf32> to vector<1x16xf32>
      tpu.vector_store %arg15[%swap3A_810, %swap3A_811], %swap3A_814 {strides = array<i32>} : memref<128x64xf32, #tpu.memory_space<vmem>>, vector<1x16xf32>,
      %add3A_815 = arith.constant 256 : i32
      %add3A_816 = arith.addi %add3A_815, %scan3A_760 : i32
      %get3A_817 = arith.constant 0 : i32
      %get3A_818 = arith.index_cast %get3A_817 : i32 to index
      %get3A_819 = arith.index_cast %add3A_816 : i32 to index
      %get3A_820 = tpu.vector_load %arg11[%get3A_818, %get3A_819] {strides = array<i32>} : memref<5x512xi32, #tpu.memory_space<vmem>>, vector<1x1xi32>,
      %get3A_821 = vector.shape_cast %get3A_820 : vector<1x1xi32> to vector<1xi32>
      %squeeze3A = vector.extract %get3A_821[0] : i32 from vector<1xi32>
      %get3A_822 = arith.index_cast %squeeze3A : i32 to index
      %get3A_823 = arith.constant 0 : index
      %get3A_824 = tpu.vector_load %arg14[%get3A_822, %get3A_823] {strides = array<i32>} : memref<1000x16xf32, #tpu.memory_space<vmem>>, vector<1x16xf32>,
      %get3A_825 = vector.shape_cast %get3A_824 : vector<1x16xf32> to vector<16xf32>
      %add3A_826 = arith.constant 256 : i32
      %add3A_827 = arith.addi %add3A_826, %scan3A_760 : i32
      %get3A_828 = arith.constant 1 : i32
      %get3A_829 = arith.index_cast %get3A_828 : i32 to index
      %get3A_830 = arith.index_cast %add3A_827 : i32 to index
      %get3A_831 = tpu.vector_load %arg11[%get3A_829, %get3A_830] {strides = array<i32>} : memref<5x512xi32, #tpu.memory_space<vmem>>, vector<1x1xi32>,
      %get3A_832 = vector.shape_cast %get3A_831 : vector<1x1xi32> to vector<1xi32>
      %squeeze3A_833 = vector.extract %get3A_832[0] : i32 from vector<1xi32>
      %get3A_834 = arith.index_cast %squeeze3A_833 : i32 to index
      %get3A_835 = arith.constant 0 : index
      %get3A_836 = tpu.vector_load %arg14[%get3A_834, %get3A_835] {strides = array<i32>} : memref<1000x16xf32, #tpu.memory_space<vmem>>, vector<1x16xf32>,
      %get3A_837 = vector.shape_cast %get3A_836 : vector<1x16xf32> to vector<16xf32>
      %add3A_838 = arith.addf %get3A_825, %get3A_837 : vector<16xf32>
      %add3A_839 = arith.constant 256 : i32
      %add3A_840 = arith.addi %add3A_839, %scan3A_760 : i32
      %get3A_841 = arith.constant 2 : i32
      %get3A_842 = arith.index_cast %get3A_841 : i32 to index
      %get3A_843 = arith.index_cast %add3A_840 : i32 to index
      %get3A_844 = tpu.vector_load %arg11[%get3A_842, %get3A_843] {strides = array<i32>} : memref<5x512xi32, #tpu.memory_space<vmem>>, vector<1x1xi32>,
      %get3A_845 = vector.shape_cast %get3A_844 : vector<1x1xi32> to vector<1xi32>
      %squeeze3A_846 = vector.extract %get3A_845[0] : i32 from vector<1xi32>
      %get3A_847 = arith.index_cast %squeeze3A_846 : i32 to index
      %get3A_848 = arith.constant 0 : index
      %get3A_849 = tpu.vector_load %arg14[%get3A_847, %get3A_848] {strides = array<i32>} : memref<1000x16xf32, #tpu.memory_space<vmem>>, vector<1x16xf32>,
      %get3A_850 = vector.shape_cast %get3A_849 : vector<1x16xf32> to vector<16xf32>
      %add3A_851 = arith.addf %add3A_838, %get3A_850 : vector<16xf32>
      %add3A_852 = arith.constant 256 : i32
      %add3A_853 = arith.addi %add3A_852, %scan3A_760 : i32
      %get3A_854 = arith.constant 3 : i32
      %get3A_855 = arith.index_cast %get3A_854 : i32 to index
      %get3A_856 = arith.index_cast %add3A_853 : i32 to index
      %get3A_857 = tpu.vector_load %arg11[%get3A_855, %get3A_856] {strides = array<i32>} : memref<5x512xi32, #tpu.memory_space<vmem>>, vector<1x1xi32>,
      %get3A_858 = vector.shape_cast %get3A_857 : vector<1x1xi32> to vector<1xi32>
      %squeeze3A_859 = vector.extract %get3A_858[0] : i32 from vector<1xi32>
      %get3A_860 = arith.index_cast %squeeze3A_859 : i32 to index
      %get3A_861 = arith.constant 0 : index
      %get3A_862 = tpu.vector_load %arg14[%get3A_860, %get3A_861] {strides = array<i32>} : memref<1000x16xf32, #tpu.memory_space<vmem>>, vector<1x16xf32>,
      %get3A_863 = vector.shape_cast %get3A_862 : vector<1x16xf32> to vector<16xf32>
      %add3A_864 = arith.addf %add3A_851, %get3A_863 : vector<16xf32>
      %add3A_865 = arith.constant 256 : i32
      %add3A_866 = arith.addi %add3A_865, %scan3A_760 : i32
      %get3A_867 = arith.constant 4 : i32
      %get3A_868 = arith.index_cast %get3A_867 : i32 to index
      %get3A_869 = arith.index_cast %add3A_866 : i32 to index
      %get3A_870 = tpu.vector_load %arg11[%get3A_868, %get3A_869] {strides = array<i32>} : memref<5x512xi32, #tpu.memory_space<vmem>>, vector<1x1xi32>,
      %get3A_871 = vector.shape_cast %get3A_870 : vector<1x1xi32> to vector<1xi32>
      %squeeze3A_872 = vector.extract %get3A_871[0] : i32 from vector<1xi32>
      %get3A_873 = arith.index_cast %squeeze3A_872 : i32 to index
      %get3A_874 = arith.constant 0 : index
      %get3A_875 = tpu.vector_load %arg14[%get3A_873, %get3A_874] {strides = array<i32>} : memref<1000x16xf32, #tpu.memory_space<vmem>>, vector<1x16xf32>,
      %get3A_876 = vector.shape_cast %get3A_875 : vector<1x16xf32> to vector<16xf32>
      %add3A_877 = arith.addf %add3A_864, %get3A_876 : vector<16xf32>
      %swap3A_878 = arith.index_cast %scan3A_760 : i32 to index
      %swap3A_879 = arith.constant 64 : index
      %swap3A_880 = tpu.vector_load %arg17[%swap3A_878, %swap3A_879] {strides = array<i32>} : memref<128x80xf32, #tpu.memory_space<vmem>>, vector<1x16xf32>,
      %swap3A_881 = vector.shape_cast %swap3A_880 : vector<1x16xf32> to vector<16xf32>
      %swap3A_882 = vector.shape_cast %add3A_877 : vector<16xf32> to vector<1x16xf32>
      tpu.vector_store %arg17[%swap3A_878, %swap3A_879], %swap3A_882 {strides = array<i32>} : memref<128x80xf32, #tpu.memory_space<vmem>>, vector<1x16xf32>,
    }
    %scan3A_354 = arith.constant 128 : i32
    %add3A_355 = arith.constant 256 : i32
    %add3A_356 = arith.addi %mul3A_2, %add3A_355 : i32
    %dma_start3A_357 = arith.constant 0 : i32
    %dma_start3A_358 = tpu.memref_slice %arg8[%add3A_356, %dma_start3A_357] : memref<16384x128xf32, #tpu.memory_space<hbm>> -> memref<128x80xf32, #tpu.memory_space<hbm>>
    %dma_start3A_359 = arith.constant 0 : i32
    %dma_start3A_360 = tpu.memref_slice %arg8[%add3A_356, %dma_start3A_359] : memref<16384x128xf32, #tpu.memory_space<hbm>> -> memref<128x80xf32, #tpu.memory_space<hbm>>
    tpu.enqueue_dma source(%arg17 : memref<128x80xf32, #tpu.memory_space<vmem>>) target(%dma_start3A_360 : memref<128x80xf32, #tpu.memory_space<hbm>>) target_semaphore(%arg20 : memref<!tpu.dma_semaphore, #tpu.memory_space<semaphore_mem>>)
    %dma_start3A_361 = arith.constant 0 : i32
    %dma_start3A_362 = arith.constant 0 : i32
    %dma_start3A_363 = tpu.memref_slice %arg12[%dma_start3A_361, %dma_start3A_362] : memref<5x512xi32, #tpu.memory_space<vmem>> -> memref<1x128xi32, #tpu.memory_space<vmem>>
    %dma_start3A_364 = tpu.memref_squeeze %dma_start3A_363 : memref<1x128xi32, #tpu.memory_space<vmem>> -> memref<128xi32, #tpu.memory_space<vmem>>
    %dma_start3A_365 = arith.constant 0 : i32
    %dma_start3A_366 = arith.constant 0 : i32
    %dma_start3A_367 = tpu.memref_slice %arg2[%dma_start3A_365, %dma_start3A_366] : memref<100000x64xf32, #tpu.memory_space<hbm>> -> memref<100000x64xf32, #tpu.memory_space<hbm>>
    tpu.enqueue_indirect_dma source(%dma_start3A_367 : memref<100000x64xf32, #tpu.memory_space<hbm>>) target(%arg15 : memref<128x64xf32, #tpu.memory_space<vmem>>) offsets(%dma_start3A_364 : memref<128xi32, #tpu.memory_space<vmem>>) semaphore(%arg18 : memref<!tpu.dma_semaphore, #tpu.memory_space<semaphore_mem>>) {add = true}
    %dma_start3A_368 = arith.constant 1 : i32
    %dma_start3A_369 = arith.constant 0 : i32
    %dma_start3A_370 = tpu.memref_slice %arg12[%dma_start3A_368, %dma_start3A_369] : memref<5x512xi32, #tpu.memory_space<vmem>> -> memref<1x128xi32, #tpu.memory_space<vmem>>
    %dma_start3A_371 = tpu.memref_squeeze %dma_start3A_370 : memref<1x128xi32, #tpu.memory_space<vmem>> -> memref<128xi32, #tpu.memory_space<vmem>>
    %dma_start3A_372 = arith.constant 0 : i32
    %dma_start3A_373 = arith.constant 0 : i32
    %dma_start3A_374 = tpu.memref_slice %arg2[%dma_start3A_372, %dma_start3A_373] : memref<100000x64xf32, #tpu.memory_space<hbm>> -> memref<100000x64xf32, #tpu.memory_space<hbm>>
    tpu.enqueue_indirect_dma source(%dma_start3A_374 : memref<100000x64xf32, #tpu.memory_space<hbm>>) target(%arg15 : memref<128x64xf32, #tpu.memory_space<vmem>>) offsets(%dma_start3A_371 : memref<128xi32, #tpu.memory_space<vmem>>) semaphore(%arg18 : memref<!tpu.dma_semaphore, #tpu.memory_space<semaphore_mem>>) {add = true}
    %dma_start3A_375 = arith.constant 2 : i32
    %dma_start3A_376 = arith.constant 0 : i32
    %dma_start3A_377 = tpu.memref_slice %arg12[%dma_start3A_375, %dma_start3A_376] : memref<5x512xi32, #tpu.memory_space<vmem>> -> memref<1x128xi32, #tpu.memory_space<vmem>>
    %dma_start3A_378 = tpu.memref_squeeze %dma_start3A_377 : memref<1x128xi32, #tpu.memory_space<vmem>> -> memref<128xi32, #tpu.memory_space<vmem>>
    %dma_start3A_379 = arith.constant 0 : i32
    %dma_start3A_380 = arith.constant 0 : i32
    %dma_start3A_381 = tpu.memref_slice %arg2[%dma_start3A_379, %dma_start3A_380] : memref<100000x64xf32, #tpu.memory_space<hbm>> -> memref<100000x64xf32, #tpu.memory_space<hbm>>
    tpu.enqueue_indirect_dma source(%dma_start3A_381 : memref<100000x64xf32, #tpu.memory_space<hbm>>) target(%arg15 : memref<128x64xf32, #tpu.memory_space<vmem>>) offsets(%dma_start3A_378 : memref<128xi32, #tpu.memory_space<vmem>>) semaphore(%arg18 : memref<!tpu.dma_semaphore, #tpu.memory_space<semaphore_mem>>) {add = true}
    %dma_start3A_382 = arith.constant 3 : i32
    %dma_start3A_383 = arith.constant 0 : i32
    %dma_start3A_384 = tpu.memref_slice %arg12[%dma_start3A_382, %dma_start3A_383] : memref<5x512xi32, #tpu.memory_space<vmem>> -> memref<1x128xi32, #tpu.memory_space<vmem>>
    %dma_start3A_385 = tpu.memref_squeeze %dma_start3A_384 : memref<1x128xi32, #tpu.memory_space<vmem>> -> memref<128xi32, #tpu.memory_space<vmem>>
    %dma_start3A_386 = arith.constant 0 : i32
    %dma_start3A_387 = arith.constant 0 : i32
    %dma_start3A_388 = tpu.memref_slice %arg2[%dma_start3A_386, %dma_start3A_387] : memref<100000x64xf32, #tpu.memory_space<hbm>> -> memref<100000x64xf32, #tpu.memory_space<hbm>>
    tpu.enqueue_indirect_dma source(%dma_start3A_388 : memref<100000x64xf32, #tpu.memory_space<hbm>>) target(%arg15 : memref<128x64xf32, #tpu.memory_space<vmem>>) offsets(%dma_start3A_385 : memref<128xi32, #tpu.memory_space<vmem>>) semaphore(%arg18 : memref<!tpu.dma_semaphore, #tpu.memory_space<semaphore_mem>>) {add = true}
    %dma_start3A_389 = arith.constant 4 : i32
    %dma_start3A_390 = arith.constant 0 : i32
    %dma_start3A_391 = tpu.memref_slice %arg12[%dma_start3A_389, %dma_start3A_390] : memref<5x512xi32, #tpu.memory_space<vmem>> -> memref<1x128xi32, #tpu.memory_space<vmem>>
    %dma_start3A_392 = tpu.memref_squeeze %dma_start3A_391 : memref<1x128xi32, #tpu.memory_space<vmem>> -> memref<128xi32, #tpu.memory_space<vmem>>
    %dma_start3A_393 = arith.constant 0 : i32
    %dma_start3A_394 = arith.constant 0 : i32
    %dma_start3A_395 = tpu.memref_slice %arg2[%dma_start3A_393, %dma_start3A_394] : memref<100000x64xf32, #tpu.memory_space<hbm>> -> memref<100000x64xf32, #tpu.memory_space<hbm>>
    tpu.enqueue_indirect_dma source(%dma_start3A_395 : memref<100000x64xf32, #tpu.memory_space<hbm>>) target(%arg15 : memref<128x64xf32, #tpu.memory_space<vmem>>) offsets(%dma_start3A_392 : memref<128xi32, #tpu.memory_space<vmem>>) semaphore(%arg18 : memref<!tpu.dma_semaphore, #tpu.memory_space<semaphore_mem>>) {add = true}
    %dma_wait3A_396 = arith.constant 0 : i32
    %dma_wait3A_397 = arith.constant 384 : i32
    %dma_wait3A_398 = tpu.memref_slice %arg10[%dma_wait3A_396, %dma_wait3A_397] : memref<5x512xi32, #tpu.memory_space<vmem>> -> memref<1x128xi32, #tpu.memory_space<vmem>>
    %dma_wait3A_399 = tpu.memref_squeeze %dma_wait3A_398 : memref<1x128xi32, #tpu.memory_space<vmem>> -> memref<128xi32, #tpu.memory_space<vmem>>
    %dma_wait3A_400 = arith.constant 0 : i32
    %dma_wait3A_401 = arith.constant 0 : i32
    %dma_wait3A_402 = tpu.memref_slice %arg2[%dma_wait3A_400, %dma_wait3A_401] : memref<100000x64xf32, #tpu.memory_space<hbm>> -> memref<100000x64xf32, #tpu.memory_space<hbm>>
    tpu.wait_indirect_dma semaphore(%arg19 : memref<!tpu.dma_semaphore, #tpu.memory_space<semaphore_mem>>) src(%dma_wait3A_402 : memref<100000x64xf32, #tpu.memory_space<hbm>>) dst(%arg16 : memref<128x64xf32, #tpu.memory_space<vmem>>)
    %dma_wait3A_403 = arith.constant 1 : i32
    %dma_wait3A_404 = arith.constant 384 : i32
    %dma_wait3A_405 = tpu.memref_slice %arg10[%dma_wait3A_403, %dma_wait3A_404] : memref<5x512xi32, #tpu.memory_space<vmem>> -> memref<1x128xi32, #tpu.memory_space<vmem>>
    %dma_wait3A_406 = tpu.memref_squeeze %dma_wait3A_405 : memref<1x128xi32, #tpu.memory_space<vmem>> -> memref<128xi32, #tpu.memory_space<vmem>>
    %dma_wait3A_407 = arith.constant 0 : i32
    %dma_wait3A_408 = arith.constant 0 : i32
    %dma_wait3A_409 = tpu.memref_slice %arg2[%dma_wait3A_407, %dma_wait3A_408] : memref<100000x64xf32, #tpu.memory_space<hbm>> -> memref<100000x64xf32, #tpu.memory_space<hbm>>
    tpu.wait_indirect_dma semaphore(%arg19 : memref<!tpu.dma_semaphore, #tpu.memory_space<semaphore_mem>>) src(%dma_wait3A_409 : memref<100000x64xf32, #tpu.memory_space<hbm>>) dst(%arg16 : memref<128x64xf32, #tpu.memory_space<vmem>>)
    %dma_wait3A_410 = arith.constant 2 : i32
    %dma_wait3A_411 = arith.constant 384 : i32
    %dma_wait3A_412 = tpu.memref_slice %arg10[%dma_wait3A_410, %dma_wait3A_411] : memref<5x512xi32, #tpu.memory_space<vmem>> -> memref<1x128xi32, #tpu.memory_space<vmem>>
    %dma_wait3A_413 = tpu.memref_squeeze %dma_wait3A_412 : memref<1x128xi32, #tpu.memory_space<vmem>> -> memref<128xi32, #tpu.memory_space<vmem>>
    %dma_wait3A_414 = arith.constant 0 : i32
    %dma_wait3A_415 = arith.constant 0 : i32
    %dma_wait3A_416 = tpu.memref_slice %arg2[%dma_wait3A_414, %dma_wait3A_415] : memref<100000x64xf32, #tpu.memory_space<hbm>> -> memref<100000x64xf32, #tpu.memory_space<hbm>>
    tpu.wait_indirect_dma semaphore(%arg19 : memref<!tpu.dma_semaphore, #tpu.memory_space<semaphore_mem>>) src(%dma_wait3A_416 : memref<100000x64xf32, #tpu.memory_space<hbm>>) dst(%arg16 : memref<128x64xf32, #tpu.memory_space<vmem>>)
    %dma_wait3A_417 = arith.constant 3 : i32
    %dma_wait3A_418 = arith.constant 384 : i32
    %dma_wait3A_419 = tpu.memref_slice %arg10[%dma_wait3A_417, %dma_wait3A_418] : memref<5x512xi32, #tpu.memory_space<vmem>> -> memref<1x128xi32, #tpu.memory_space<vmem>>
    %dma_wait3A_420 = tpu.memref_squeeze %dma_wait3A_419 : memref<1x128xi32, #tpu.memory_space<vmem>> -> memref<128xi32, #tpu.memory_space<vmem>>
    %dma_wait3A_421 = arith.constant 0 : i32
    %dma_wait3A_422 = arith.constant 0 : i32
    %dma_wait3A_423 = tpu.memref_slice %arg2[%dma_wait3A_421, %dma_wait3A_422] : memref<100000x64xf32, #tpu.memory_space<hbm>> -> memref<100000x64xf32, #tpu.memory_space<hbm>>
    tpu.wait_indirect_dma semaphore(%arg19 : memref<!tpu.dma_semaphore, #tpu.memory_space<semaphore_mem>>) src(%dma_wait3A_423 : memref<100000x64xf32, #tpu.memory_space<hbm>>) dst(%arg16 : memref<128x64xf32, #tpu.memory_space<vmem>>)
    %dma_wait3A_424 = arith.constant 4 : i32
    %dma_wait3A_425 = arith.constant 384 : i32
    %dma_wait3A_426 = tpu.memref_slice %arg10[%dma_wait3A_424, %dma_wait3A_425] : memref<5x512xi32, #tpu.memory_space<vmem>> -> memref<1x128xi32, #tpu.memory_space<vmem>>
    %dma_wait3A_427 = tpu.memref_squeeze %dma_wait3A_426 : memref<1x128xi32, #tpu.memory_space<vmem>> -> memref<128xi32, #tpu.memory_space<vmem>>
    %dma_wait3A_428 = arith.constant 0 : i32
    %dma_wait3A_429 = arith.constant 0 : i32
    %dma_wait3A_430 = tpu.memref_slice %arg2[%dma_wait3A_428, %dma_wait3A_429] : memref<100000x64xf32, #tpu.memory_space<hbm>> -> memref<100000x64xf32, #tpu.memory_space<hbm>>
    tpu.wait_indirect_dma semaphore(%arg19 : memref<!tpu.dma_semaphore, #tpu.memory_space<semaphore_mem>>) src(%dma_wait3A_430 : memref<100000x64xf32, #tpu.memory_space<hbm>>) dst(%arg16 : memref<128x64xf32, #tpu.memory_space<vmem>>)
    %dma_wait3A_431 = arith.constant 0 : i32
    %dma_wait3A_432 = tpu.memref_slice %arg8[%add3A_356, %dma_wait3A_431] : memref<16384x128xf32, #tpu.memory_space<hbm>> -> memref<128x80xf32, #tpu.memory_space<hbm>>
    %dma_wait3A_433 = arith.constant 0 : i32
    %dma_wait3A_434 = tpu.memref_slice %arg8[%add3A_356, %dma_wait3A_433] : memref<16384x128xf32, #tpu.memory_space<hbm>> -> memref<128x80xf32, #tpu.memory_space<hbm>>
    tpu.wait_dma2 semaphore(%arg20 : memref<!tpu.dma_semaphore, #tpu.memory_space<semaphore_mem>>) src(%arg17 : memref<128x80xf32, #tpu.memory_space<vmem>>) dst(%dma_wait3A_434 : memref<128x80xf32, #tpu.memory_space<hbm>>)
    %scan3A_435 = arith.constant 0 : i32
    %scan3A_436 = arith.constant 0 : i32
    %scan3A_437 = arith.constant 128 : i32
    %scan3A_438 = arith.addi %scan3A_436, %scan3A_437 : i32
    %scan3A_439 = arith.constant 1 : i32
    scf.for %scan3A_760 = %scan3A_436 to %scan3A_438 step %scan3A_439  : i32 {
      %get3A = arith.index_cast %scan3A_760 : i32 to index
      %get3A_761 = arith.constant 0 : index
      %get3A_762 = tpu.vector_load %arg16[%get3A, %get3A_761] {strides = array<i32>} : memref<128x64xf32, #tpu.memory_space<vmem>>, vector<1x16xf32>,
      %get3A_763 = vector.shape_cast %get3A_762 : vector<1x16xf32> to vector<16xf32>
      %swap3A = arith.index_cast %scan3A_760 : i32 to index
      %swap3A_764 = arith.constant 0 : index
      %swap3A_765 = tpu.vector_load %arg17[%swap3A, %swap3A_764] {strides = array<i32>} : memref<128x80xf32, #tpu.memory_space<vmem>>, vector<1x16xf32>,
      %swap3A_766 = vector.shape_cast %swap3A_765 : vector<1x16xf32> to vector<16xf32>
      %swap3A_767 = vector.shape_cast %get3A_763 : vector<16xf32> to vector<1x16xf32>
      tpu.vector_store %arg17[%swap3A, %swap3A_764], %swap3A_767 {strides = array<i32>} : memref<128x80xf32, #tpu.memory_space<vmem>>, vector<1x16xf32>,
      %swap3A_768 = arith.index_cast %scan3A_760 : i32 to index
      %swap3A_769 = arith.constant 0 : index
      %swap3A_770 = tpu.vector_load %arg16[%swap3A_768, %swap3A_769] {strides = array<i32>} : memref<128x64xf32, #tpu.memory_space<vmem>>, vector<1x16xf32>,
      %swap3A_771 = vector.shape_cast %swap3A_770 : vector<1x16xf32> to vector<16xf32>
      %swap3A_772 = vector.shape_cast %broadcast_in_dim3A_62 : vector<16xf32> to vector<1x16xf32>
      tpu.vector_store %arg16[%swap3A_768, %swap3A_769], %swap3A_772 {strides = array<i32>} : memref<128x64xf32, #tpu.memory_space<vmem>>, vector<1x16xf32>,
      %get3A_773 = arith.index_cast %scan3A_760 : i32 to index
      %get3A_774 = arith.constant 16 : index
      %get3A_775 = tpu.vector_load %arg16[%get3A_773, %get3A_774] {strides = array<i32>} : memref<128x64xf32, #tpu.memory_space<vmem>>, vector<1x16xf32>,
      %get3A_776 = vector.shape_cast %get3A_775 : vector<1x16xf32> to vector<16xf32>
      %swap3A_777 = arith.index_cast %scan3A_760 : i32 to index
      %swap3A_778 = arith.constant 16 : index
      %swap3A_779 = tpu.vector_load %arg17[%swap3A_777, %swap3A_778] {strides = array<i32>} : memref<128x80xf32, #tpu.memory_space<vmem>>, vector<1x16xf32>,
      %swap3A_780 = vector.shape_cast %swap3A_779 : vector<1x16xf32> to vector<16xf32>
      %swap3A_781 = vector.shape_cast %get3A_776 : vector<16xf32> to vector<1x16xf32>
      tpu.vector_store %arg17[%swap3A_777, %swap3A_778], %swap3A_781 {strides = array<i32>} : memref<128x80xf32, #tpu.memory_space<vmem>>, vector<1x16xf32>,
      %swap3A_782 = arith.index_cast %scan3A_760 : i32 to index
      %swap3A_783 = arith.constant 16 : index
      %swap3A_784 = tpu.vector_load %arg16[%swap3A_782, %swap3A_783] {strides = array<i32>} : memref<128x64xf32, #tpu.memory_space<vmem>>, vector<1x16xf32>,
      %swap3A_785 = vector.shape_cast %swap3A_784 : vector<1x16xf32> to vector<16xf32>
      %swap3A_786 = vector.shape_cast %broadcast_in_dim3A_62 : vector<16xf32> to vector<1x16xf32>
      tpu.vector_store %arg16[%swap3A_782, %swap3A_783], %swap3A_786 {strides = array<i32>} : memref<128x64xf32, #tpu.memory_space<vmem>>, vector<1x16xf32>,
      %get3A_787 = arith.index_cast %scan3A_760 : i32 to index
      %get3A_788 = arith.constant 32 : index
      %get3A_789 = tpu.vector_load %arg16[%get3A_787, %get3A_788] {strides = array<i32>} : memref<128x64xf32, #tpu.memory_space<vmem>>, vector<1x16xf32>,
      %get3A_790 = vector.shape_cast %get3A_789 : vector<1x16xf32> to vector<16xf32>
      %swap3A_791 = arith.index_cast %scan3A_760 : i32 to index
      %swap3A_792 = arith.constant 32 : index
      %swap3A_793 = tpu.vector_load %arg17[%swap3A_791, %swap3A_792] {strides = array<i32>} : memref<128x80xf32, #tpu.memory_space<vmem>>, vector<1x16xf32>,
      %swap3A_794 = vector.shape_cast %swap3A_793 : vector<1x16xf32> to vector<16xf32>
      %swap3A_795 = vector.shape_cast %get3A_790 : vector<16xf32> to vector<1x16xf32>
      tpu.vector_store %arg17[%swap3A_791, %swap3A_792], %swap3A_795 {strides = array<i32>} : memref<128x80xf32, #tpu.memory_space<vmem>>, vector<1x16xf32>,
      %swap3A_796 = arith.index_cast %scan3A_760 : i32 to index
      %swap3A_797 = arith.constant 32 : index
      %swap3A_798 = tpu.vector_load %arg16[%swap3A_796, %swap3A_797] {strides = array<i32>} : memref<128x64xf32, #tpu.memory_space<vmem>>, vector<1x16xf32>,
      %swap3A_799 = vector.shape_cast %swap3A_798 : vector<1x16xf32> to vector<16xf32>
      %swap3A_800 = vector.shape_cast %broadcast_in_dim3A_62 : vector<16xf32> to vector<1x16xf32>
      tpu.vector_store %arg16[%swap3A_796, %swap3A_797], %swap3A_800 {strides = array<i32>} : memref<128x64xf32, #tpu.memory_space<vmem>>, vector<1x16xf32>,
      %get3A_801 = arith.index_cast %scan3A_760 : i32 to index
      %get3A_802 = arith.constant 48 : index
      %get3A_803 = tpu.vector_load %arg16[%get3A_801, %get3A_802] {strides = array<i32>} : memref<128x64xf32, #tpu.memory_space<vmem>>, vector<1x16xf32>,
      %get3A_804 = vector.shape_cast %get3A_803 : vector<1x16xf32> to vector<16xf32>
      %swap3A_805 = arith.index_cast %scan3A_760 : i32 to index
      %swap3A_806 = arith.constant 48 : index
      %swap3A_807 = tpu.vector_load %arg17[%swap3A_805, %swap3A_806] {strides = array<i32>} : memref<128x80xf32, #tpu.memory_space<vmem>>, vector<1x16xf32>,
      %swap3A_808 = vector.shape_cast %swap3A_807 : vector<1x16xf32> to vector<16xf32>
      %swap3A_809 = vector.shape_cast %get3A_804 : vector<16xf32> to vector<1x16xf32>
      tpu.vector_store %arg17[%swap3A_805, %swap3A_806], %swap3A_809 {strides = array<i32>} : memref<128x80xf32, #tpu.memory_space<vmem>>, vector<1x16xf32>,
      %swap3A_810 = arith.index_cast %scan3A_760 : i32 to index
      %swap3A_811 = arith.constant 48 : index
      %swap3A_812 = tpu.vector_load %arg16[%swap3A_810, %swap3A_811] {strides = array<i32>} : memref<128x64xf32, #tpu.memory_space<vmem>>, vector<1x16xf32>,
      %swap3A_813 = vector.shape_cast %swap3A_812 : vector<1x16xf32> to vector<16xf32>
      %swap3A_814 = vector.shape_cast %broadcast_in_dim3A_62 : vector<16xf32> to vector<1x16xf32>
      tpu.vector_store %arg16[%swap3A_810, %swap3A_811], %swap3A_814 {strides = array<i32>} : memref<128x64xf32, #tpu.memory_space<vmem>>, vector<1x16xf32>,
      %add3A_815 = arith.constant 384 : i32
      %add3A_816 = arith.addi %add3A_815, %scan3A_760 : i32
      %get3A_817 = arith.constant 0 : i32
      %get3A_818 = arith.index_cast %get3A_817 : i32 to index
      %get3A_819 = arith.index_cast %add3A_816 : i32 to index
      %get3A_820 = tpu.vector_load %arg11[%get3A_818, %get3A_819] {strides = array<i32>} : memref<5x512xi32, #tpu.memory_space<vmem>>, vector<1x1xi32>,
      %get3A_821 = vector.shape_cast %get3A_820 : vector<1x1xi32> to vector<1xi32>
      %squeeze3A = vector.extract %get3A_821[0] : i32 from vector<1xi32>
      %get3A_822 = arith.index_cast %squeeze3A : i32 to index
      %get3A_823 = arith.constant 0 : index
      %get3A_824 = tpu.vector_load %arg14[%get3A_822, %get3A_823] {strides = array<i32>} : memref<1000x16xf32, #tpu.memory_space<vmem>>, vector<1x16xf32>,
      %get3A_825 = vector.shape_cast %get3A_824 : vector<1x16xf32> to vector<16xf32>
      %add3A_826 = arith.constant 384 : i32
      %add3A_827 = arith.addi %add3A_826, %scan3A_760 : i32
      %get3A_828 = arith.constant 1 : i32
      %get3A_829 = arith.index_cast %get3A_828 : i32 to index
      %get3A_830 = arith.index_cast %add3A_827 : i32 to index
      %get3A_831 = tpu.vector_load %arg11[%get3A_829, %get3A_830] {strides = array<i32>} : memref<5x512xi32, #tpu.memory_space<vmem>>, vector<1x1xi32>,
      %get3A_832 = vector.shape_cast %get3A_831 : vector<1x1xi32> to vector<1xi32>
      %squeeze3A_833 = vector.extract %get3A_832[0] : i32 from vector<1xi32>
      %get3A_834 = arith.index_cast %squeeze3A_833 : i32 to index
      %get3A_835 = arith.constant 0 : index
      %get3A_836 = tpu.vector_load %arg14[%get3A_834, %get3A_835] {strides = array<i32>} : memref<1000x16xf32, #tpu.memory_space<vmem>>, vector<1x16xf32>,
      %get3A_837 = vector.shape_cast %get3A_836 : vector<1x16xf32> to vector<16xf32>
      %add3A_838 = arith.addf %get3A_825, %get3A_837 : vector<16xf32>
      %add3A_839 = arith.constant 384 : i32
      %add3A_840 = arith.addi %add3A_839, %scan3A_760 : i32
      %get3A_841 = arith.constant 2 : i32
      %get3A_842 = arith.index_cast %get3A_841 : i32 to index
      %get3A_843 = arith.index_cast %add3A_840 : i32 to index
      %get3A_844 = tpu.vector_load %arg11[%get3A_842, %get3A_843] {strides = array<i32>} : memref<5x512xi32, #tpu.memory_space<vmem>>, vector<1x1xi32>,
      %get3A_845 = vector.shape_cast %get3A_844 : vector<1x1xi32> to vector<1xi32>
      %squeeze3A_846 = vector.extract %get3A_845[0] : i32 from vector<1xi32>
      %get3A_847 = arith.index_cast %squeeze3A_846 : i32 to index
      %get3A_848 = arith.constant 0 : index
      %get3A_849 = tpu.vector_load %arg14[%get3A_847, %get3A_848] {strides = array<i32>} : memref<1000x16xf32, #tpu.memory_space<vmem>>, vector<1x16xf32>,
      %get3A_850 = vector.shape_cast %get3A_849 : vector<1x16xf32> to vector<16xf32>
      %add3A_851 = arith.addf %add3A_838, %get3A_850 : vector<16xf32>
      %add3A_852 = arith.constant 384 : i32
      %add3A_853 = arith.addi %add3A_852, %scan3A_760 : i32
      %get3A_854 = arith.constant 3 : i32
      %get3A_855 = arith.index_cast %get3A_854 : i32 to index
      %get3A_856 = arith.index_cast %add3A_853 : i32 to index
      %get3A_857 = tpu.vector_load %arg11[%get3A_855, %get3A_856] {strides = array<i32>} : memref<5x512xi32, #tpu.memory_space<vmem>>, vector<1x1xi32>,
      %get3A_858 = vector.shape_cast %get3A_857 : vector<1x1xi32> to vector<1xi32>
      %squeeze3A_859 = vector.extract %get3A_858[0] : i32 from vector<1xi32>
      %get3A_860 = arith.index_cast %squeeze3A_859 : i32 to index
      %get3A_861 = arith.constant 0 : index
      %get3A_862 = tpu.vector_load %arg14[%get3A_860, %get3A_861] {strides = array<i32>} : memref<1000x16xf32, #tpu.memory_space<vmem>>, vector<1x16xf32>,
      %get3A_863 = vector.shape_cast %get3A_862 : vector<1x16xf32> to vector<16xf32>
      %add3A_864 = arith.addf %add3A_851, %get3A_863 : vector<16xf32>
      %add3A_865 = arith.constant 384 : i32
      %add3A_866 = arith.addi %add3A_865, %scan3A_760 : i32
      %get3A_867 = arith.constant 4 : i32
      %get3A_868 = arith.index_cast %get3A_867 : i32 to index
      %get3A_869 = arith.index_cast %add3A_866 : i32 to index
      %get3A_870 = tpu.vector_load %arg11[%get3A_868, %get3A_869] {strides = array<i32>} : memref<5x512xi32, #tpu.memory_space<vmem>>, vector<1x1xi32>,
      %get3A_871 = vector.shape_cast %get3A_870 : vector<1x1xi32> to vector<1xi32>
      %squeeze3A_872 = vector.extract %get3A_871[0] : i32 from vector<1xi32>
      %get3A_873 = arith.index_cast %squeeze3A_872 : i32 to index
      %get3A_874 = arith.constant 0 : index
      %get3A_875 = tpu.vector_load %arg14[%get3A_873, %get3A_874] {strides = array<i32>} : memref<1000x16xf32, #tpu.memory_space<vmem>>, vector<1x16xf32>,
      %get3A_876 = vector.shape_cast %get3A_875 : vector<1x16xf32> to vector<16xf32>
      %add3A_877 = arith.addf %add3A_864, %get3A_876 : vector<16xf32>
      %swap3A_878 = arith.index_cast %scan3A_760 : i32 to index
      %swap3A_879 = arith.constant 64 : index
      %swap3A_880 = tpu.vector_load %arg17[%swap3A_878, %swap3A_879] {strides = array<i32>} : memref<128x80xf32, #tpu.memory_space<vmem>>, vector<1x16xf32>,
      %swap3A_881 = vector.shape_cast %swap3A_880 : vector<1x16xf32> to vector<16xf32>
      %swap3A_882 = vector.shape_cast %add3A_877 : vector<16xf32> to vector<1x16xf32>
      tpu.vector_store %arg17[%swap3A_878, %swap3A_879], %swap3A_882 {strides = array<i32>} : memref<128x80xf32, #tpu.memory_space<vmem>>, vector<1x16xf32>,
    }
    %scan3A_440 = arith.constant 128 : i32
    %add3A_441 = arith.constant 384 : i32
    %add3A_442 = arith.addi %mul3A_2, %add3A_441 : i32
    %dma_start3A_443 = arith.constant 0 : i32
    %dma_start3A_444 = tpu.memref_slice %arg8[%add3A_442, %dma_start3A_443] : memref<16384x128xf32, #tpu.memory_space<hbm>> -> memref<128x80xf32, #tpu.memory_space<hbm>>
    %dma_start3A_445 = arith.constant 0 : i32
    %dma_start3A_446 = tpu.memref_slice %arg8[%add3A_442, %dma_start3A_445] : memref<16384x128xf32, #tpu.memory_space<hbm>> -> memref<128x80xf32, #tpu.memory_space<hbm>>
    tpu.enqueue_dma source(%arg17 : memref<128x80xf32, #tpu.memory_space<vmem>>) target(%dma_start3A_446 : memref<128x80xf32, #tpu.memory_space<hbm>>) target_semaphore(%arg20 : memref<!tpu.dma_semaphore, #tpu.memory_space<semaphore_mem>>)
    %dma_start3A_447 = arith.constant 0 : i32
    %dma_start3A_448 = arith.constant 128 : i32
    %dma_start3A_449 = tpu.memref_slice %arg12[%dma_start3A_447, %dma_start3A_448] : memref<5x512xi32, #tpu.memory_space<vmem>> -> memref<1x128xi32, #tpu.memory_space<vmem>>
    %dma_start3A_450 = tpu.memref_squeeze %dma_start3A_449 : memref<1x128xi32, #tpu.memory_space<vmem>> -> memref<128xi32, #tpu.memory_space<vmem>>
    %dma_start3A_451 = arith.constant 0 : i32
    %dma_start3A_452 = arith.constant 0 : i32
    %dma_start3A_453 = tpu.memref_slice %arg2[%dma_start3A_451, %dma_start3A_452] : memref<100000x64xf32, #tpu.memory_space<hbm>> -> memref<100000x64xf32, #tpu.memory_space<hbm>>
    tpu.enqueue_indirect_dma source(%dma_start3A_453 : memref<100000x64xf32, #tpu.memory_space<hbm>>) target(%arg16 : memref<128x64xf32, #tpu.memory_space<vmem>>) offsets(%dma_start3A_450 : memref<128xi32, #tpu.memory_space<vmem>>) semaphore(%arg19 : memref<!tpu.dma_semaphore, #tpu.memory_space<semaphore_mem>>) {add = true}
    %dma_start3A_454 = arith.constant 1 : i32
    %dma_start3A_455 = arith.constant 128 : i32
    %dma_start3A_456 = tpu.memref_slice %arg12[%dma_start3A_454, %dma_start3A_455] : memref<5x512xi32, #tpu.memory_space<vmem>> -> memref<1x128xi32, #tpu.memory_space<vmem>>
    %dma_start3A_457 = tpu.memref_squeeze %dma_start3A_456 : memref<1x128xi32, #tpu.memory_space<vmem>> -> memref<128xi32, #tpu.memory_space<vmem>>
    %dma_start3A_458 = arith.constant 0 : i32
    %dma_start3A_459 = arith.constant 0 : i32
    %dma_start3A_460 = tpu.memref_slice %arg2[%dma_start3A_458, %dma_start3A_459] : memref<100000x64xf32, #tpu.memory_space<hbm>> -> memref<100000x64xf32, #tpu.memory_space<hbm>>
    tpu.enqueue_indirect_dma source(%dma_start3A_460 : memref<100000x64xf32, #tpu.memory_space<hbm>>) target(%arg16 : memref<128x64xf32, #tpu.memory_space<vmem>>) offsets(%dma_start3A_457 : memref<128xi32, #tpu.memory_space<vmem>>) semaphore(%arg19 : memref<!tpu.dma_semaphore, #tpu.memory_space<semaphore_mem>>) {add = true}
    %dma_start3A_461 = arith.constant 2 : i32
    %dma_start3A_462 = arith.constant 128 : i32
    %dma_start3A_463 = tpu.memref_slice %arg12[%dma_start3A_461, %dma_start3A_462] : memref<5x512xi32, #tpu.memory_space<vmem>> -> memref<1x128xi32, #tpu.memory_space<vmem>>
    %dma_start3A_464 = tpu.memref_squeeze %dma_start3A_463 : memref<1x128xi32, #tpu.memory_space<vmem>> -> memref<128xi32, #tpu.memory_space<vmem>>
    %dma_start3A_465 = arith.constant 0 : i32
    %dma_start3A_466 = arith.constant 0 : i32
    %dma_start3A_467 = tpu.memref_slice %arg2[%dma_start3A_465, %dma_start3A_466] : memref<100000x64xf32, #tpu.memory_space<hbm>> -> memref<100000x64xf32, #tpu.memory_space<hbm>>
    tpu.enqueue_indirect_dma source(%dma_start3A_467 : memref<100000x64xf32, #tpu.memory_space<hbm>>) target(%arg16 : memref<128x64xf32, #tpu.memory_space<vmem>>) offsets(%dma_start3A_464 : memref<128xi32, #tpu.memory_space<vmem>>) semaphore(%arg19 : memref<!tpu.dma_semaphore, #tpu.memory_space<semaphore_mem>>) {add = true}
    %dma_start3A_468 = arith.constant 3 : i32
    %dma_start3A_469 = arith.constant 128 : i32
    %dma_start3A_470 = tpu.memref_slice %arg12[%dma_start3A_468, %dma_start3A_469] : memref<5x512xi32, #tpu.memory_space<vmem>> -> memref<1x128xi32, #tpu.memory_space<vmem>>
    %dma_start3A_471 = tpu.memref_squeeze %dma_start3A_470 : memref<1x128xi32, #tpu.memory_space<vmem>> -> memref<128xi32, #tpu.memory_space<vmem>>
    %dma_start3A_472 = arith.constant 0 : i32
    %dma_start3A_473 = arith.constant 0 : i32
    %dma_start3A_474 = tpu.memref_slice %arg2[%dma_start3A_472, %dma_start3A_473] : memref<100000x64xf32, #tpu.memory_space<hbm>> -> memref<100000x64xf32, #tpu.memory_space<hbm>>
    tpu.enqueue_indirect_dma source(%dma_start3A_474 : memref<100000x64xf32, #tpu.memory_space<hbm>>) target(%arg16 : memref<128x64xf32, #tpu.memory_space<vmem>>) offsets(%dma_start3A_471 : memref<128xi32, #tpu.memory_space<vmem>>) semaphore(%arg19 : memref<!tpu.dma_semaphore, #tpu.memory_space<semaphore_mem>>) {add = true}
    %dma_start3A_475 = arith.constant 4 : i32
    %dma_start3A_476 = arith.constant 128 : i32
    %dma_start3A_477 = tpu.memref_slice %arg12[%dma_start3A_475, %dma_start3A_476] : memref<5x512xi32, #tpu.memory_space<vmem>> -> memref<1x128xi32, #tpu.memory_space<vmem>>
    %dma_start3A_478 = tpu.memref_squeeze %dma_start3A_477 : memref<1x128xi32, #tpu.memory_space<vmem>> -> memref<128xi32, #tpu.memory_space<vmem>>
    %dma_start3A_479 = arith.constant 0 : i32
    %dma_start3A_480 = arith.constant 0 : i32
    %dma_start3A_481 = tpu.memref_slice %arg2[%dma_start3A_479, %dma_start3A_480] : memref<100000x64xf32, #tpu.memory_space<hbm>> -> memref<100000x64xf32, #tpu.memory_space<hbm>>
    tpu.enqueue_indirect_dma source(%dma_start3A_481 : memref<100000x64xf32, #tpu.memory_space<hbm>>) target(%arg16 : memref<128x64xf32, #tpu.memory_space<vmem>>) offsets(%dma_start3A_478 : memref<128xi32, #tpu.memory_space<vmem>>) semaphore(%arg19 : memref<!tpu.dma_semaphore, #tpu.memory_space<semaphore_mem>>) {add = true}
    %dma_wait3A_482 = arith.constant 0 : i32
    %dma_wait3A_483 = arith.constant 0 : i32
    %dma_wait3A_484 = tpu.memref_slice %arg12[%dma_wait3A_482, %dma_wait3A_483] : memref<5x512xi32, #tpu.memory_space<vmem>> -> memref<1x128xi32, #tpu.memory_space<vmem>>
    %dma_wait3A_485 = tpu.memref_squeeze %dma_wait3A_484 : memref<1x128xi32, #tpu.memory_space<vmem>> -> memref<128xi32, #tpu.memory_space<vmem>>
    %dma_wait3A_486 = arith.constant 0 : i32
    %dma_wait3A_487 = arith.constant 0 : i32
    %dma_wait3A_488 = tpu.memref_slice %arg2[%dma_wait3A_486, %dma_wait3A_487] : memref<100000x64xf32, #tpu.memory_space<hbm>> -> memref<100000x64xf32, #tpu.memory_space<hbm>>
    tpu.wait_indirect_dma semaphore(%arg18 : memref<!tpu.dma_semaphore, #tpu.memory_space<semaphore_mem>>) src(%dma_wait3A_488 : memref<100000x64xf32, #tpu.memory_space<hbm>>) dst(%arg15 : memref<128x64xf32, #tpu.memory_space<vmem>>)
    %dma_wait3A_489 = arith.constant 1 : i32
    %dma_wait3A_490 = arith.constant 0 : i32
    %dma_wait3A_491 = tpu.memref_slice %arg12[%dma_wait3A_489, %dma_wait3A_490] : memref<5x512xi32, #tpu.memory_space<vmem>> -> memref<1x128xi32, #tpu.memory_space<vmem>>
    %dma_wait3A_492 = tpu.memref_squeeze %dma_wait3A_491 : memref<1x128xi32, #tpu.memory_space<vmem>> -> memref<128xi32, #tpu.memory_space<vmem>>
    %dma_wait3A_493 = arith.constant 0 : i32
    %dma_wait3A_494 = arith.constant 0 : i32
    %dma_wait3A_495 = tpu.memref_slice %arg2[%dma_wait3A_493, %dma_wait3A_494] : memref<100000x64xf32, #tpu.memory_space<hbm>> -> memref<100000x64xf32, #tpu.memory_space<hbm>>
    tpu.wait_indirect_dma semaphore(%arg18 : memref<!tpu.dma_semaphore, #tpu.memory_space<semaphore_mem>>) src(%dma_wait3A_495 : memref<100000x64xf32, #tpu.memory_space<hbm>>) dst(%arg15 : memref<128x64xf32, #tpu.memory_space<vmem>>)
    %dma_wait3A_496 = arith.constant 2 : i32
    %dma_wait3A_497 = arith.constant 0 : i32
    %dma_wait3A_498 = tpu.memref_slice %arg12[%dma_wait3A_496, %dma_wait3A_497] : memref<5x512xi32, #tpu.memory_space<vmem>> -> memref<1x128xi32, #tpu.memory_space<vmem>>
    %dma_wait3A_499 = tpu.memref_squeeze %dma_wait3A_498 : memref<1x128xi32, #tpu.memory_space<vmem>> -> memref<128xi32, #tpu.memory_space<vmem>>
    %dma_wait3A_500 = arith.constant 0 : i32
    %dma_wait3A_501 = arith.constant 0 : i32
    %dma_wait3A_502 = tpu.memref_slice %arg2[%dma_wait3A_500, %dma_wait3A_501] : memref<100000x64xf32, #tpu.memory_space<hbm>> -> memref<100000x64xf32, #tpu.memory_space<hbm>>
    tpu.wait_indirect_dma semaphore(%arg18 : memref<!tpu.dma_semaphore, #tpu.memory_space<semaphore_mem>>) src(%dma_wait3A_502 : memref<100000x64xf32, #tpu.memory_space<hbm>>) dst(%arg15 : memref<128x64xf32, #tpu.memory_space<vmem>>)
    %dma_wait3A_503 = arith.constant 3 : i32
    %dma_wait3A_504 = arith.constant 0 : i32
    %dma_wait3A_505 = tpu.memref_slice %arg12[%dma_wait3A_503, %dma_wait3A_504] : memref<5x512xi32, #tpu.memory_space<vmem>> -> memref<1x128xi32, #tpu.memory_space<vmem>>
    %dma_wait3A_506 = tpu.memref_squeeze %dma_wait3A_505 : memref<1x128xi32, #tpu.memory_space<vmem>> -> memref<128xi32, #tpu.memory_space<vmem>>
    %dma_wait3A_507 = arith.constant 0 : i32
    %dma_wait3A_508 = arith.constant 0 : i32
    %dma_wait3A_509 = tpu.memref_slice %arg2[%dma_wait3A_507, %dma_wait3A_508] : memref<100000x64xf32, #tpu.memory_space<hbm>> -> memref<100000x64xf32, #tpu.memory_space<hbm>>
    tpu.wait_indirect_dma semaphore(%arg18 : memref<!tpu.dma_semaphore, #tpu.memory_space<semaphore_mem>>) src(%dma_wait3A_509 : memref<100000x64xf32, #tpu.memory_space<hbm>>) dst(%arg15 : memref<128x64xf32, #tpu.memory_space<vmem>>)
    %dma_wait3A_510 = arith.constant 4 : i32
    %dma_wait3A_511 = arith.constant 0 : i32
    %dma_wait3A_512 = tpu.memref_slice %arg12[%dma_wait3A_510, %dma_wait3A_511] : memref<5x512xi32, #tpu.memory_space<vmem>> -> memref<1x128xi32, #tpu.memory_space<vmem>>
    %dma_wait3A_513 = tpu.memref_squeeze %dma_wait3A_512 : memref<1x128xi32, #tpu.memory_space<vmem>> -> memref<128xi32, #tpu.memory_space<vmem>>
    %dma_wait3A_514 = arith.constant 0 : i32
    %dma_wait3A_515 = arith.constant 0 : i32
    %dma_wait3A_516 = tpu.memref_slice %arg2[%dma_wait3A_514, %dma_wait3A_515] : memref<100000x64xf32, #tpu.memory_space<hbm>> -> memref<100000x64xf32, #tpu.memory_space<hbm>>
    tpu.wait_indirect_dma semaphore(%arg18 : memref<!tpu.dma_semaphore, #tpu.memory_space<semaphore_mem>>) src(%dma_wait3A_516 : memref<100000x64xf32, #tpu.memory_space<hbm>>) dst(%arg15 : memref<128x64xf32, #tpu.memory_space<vmem>>)
    %dma_wait3A_517 = arith.constant 0 : i32
    %dma_wait3A_518 = tpu.memref_slice %arg8[%add3A_442, %dma_wait3A_517] : memref<16384x128xf32, #tpu.memory_space<hbm>> -> memref<128x80xf32, #tpu.memory_space<hbm>>
    %dma_wait3A_519 = arith.constant 0 : i32
    %dma_wait3A_520 = tpu.memref_slice %arg8[%add3A_442, %dma_wait3A_519] : memref<16384x128xf32, #tpu.memory_space<hbm>> -> memref<128x80xf32, #tpu.memory_space<hbm>>
    tpu.wait_dma2 semaphore(%arg20 : memref<!tpu.dma_semaphore, #tpu.memory_space<semaphore_mem>>) src(%arg17 : memref<128x80xf32, #tpu.memory_space<vmem>>) dst(%dma_wait3A_520 : memref<128x80xf32, #tpu.memory_space<hbm>>)
    %scan3A_521 = arith.constant 0 : i32
    %scan3A_522 = arith.constant 0 : i32
    %scan3A_523 = arith.constant 128 : i32
    %scan3A_524 = arith.addi %scan3A_522, %scan3A_523 : i32
    %scan3A_525 = arith.constant 1 : i32
    scf.for %scan3A_760 = %scan3A_522 to %scan3A_524 step %scan3A_525  : i32 {
      %get3A = arith.index_cast %scan3A_760 : i32 to index
      %get3A_761 = arith.constant 0 : index
      %get3A_762 = tpu.vector_load %arg15[%get3A, %get3A_761] {strides = array<i32>} : memref<128x64xf32, #tpu.memory_space<vmem>>, vector<1x16xf32>,
      %get3A_763 = vector.shape_cast %get3A_762 : vector<1x16xf32> to vector<16xf32>
      %swap3A = arith.index_cast %scan3A_760 : i32 to index
      %swap3A_764 = arith.constant 0 : index
      %swap3A_765 = tpu.vector_load %arg17[%swap3A, %swap3A_764] {strides = array<i32>} : memref<128x80xf32, #tpu.memory_space<vmem>>, vector<1x16xf32>,
      %swap3A_766 = vector.shape_cast %swap3A_765 : vector<1x16xf32> to vector<16xf32>
      %swap3A_767 = vector.shape_cast %get3A_763 : vector<16xf32> to vector<1x16xf32>
      tpu.vector_store %arg17[%swap3A, %swap3A_764], %swap3A_767 {strides = array<i32>} : memref<128x80xf32, #tpu.memory_space<vmem>>, vector<1x16xf32>,
      %swap3A_768 = arith.index_cast %scan3A_760 : i32 to index
      %swap3A_769 = arith.constant 0 : index
      %swap3A_770 = tpu.vector_load %arg15[%swap3A_768, %swap3A_769] {strides = array<i32>} : memref<128x64xf32, #tpu.memory_space<vmem>>, vector<1x16xf32>,
      %swap3A_771 = vector.shape_cast %swap3A_770 : vector<1x16xf32> to vector<16xf32>
      %swap3A_772 = vector.shape_cast %broadcast_in_dim3A_62 : vector<16xf32> to vector<1x16xf32>
      tpu.vector_store %arg15[%swap3A_768, %swap3A_769], %swap3A_772 {strides = array<i32>} : memref<128x64xf32, #tpu.memory_space<vmem>>, vector<1x16xf32>,
      %get3A_773 = arith.index_cast %scan3A_760 : i32 to index
      %get3A_774 = arith.constant 16 : index
      %get3A_775 = tpu.vector_load %arg15[%get3A_773, %get3A_774] {strides = array<i32>} : memref<128x64xf32, #tpu.memory_space<vmem>>, vector<1x16xf32>,
      %get3A_776 = vector.shape_cast %get3A_775 : vector<1x16xf32> to vector<16xf32>
      %swap3A_777 = arith.index_cast %scan3A_760 : i32 to index
      %swap3A_778 = arith.constant 16 : index
      %swap3A_779 = tpu.vector_load %arg17[%swap3A_777, %swap3A_778] {strides = array<i32>} : memref<128x80xf32, #tpu.memory_space<vmem>>, vector<1x16xf32>,
      %swap3A_780 = vector.shape_cast %swap3A_779 : vector<1x16xf32> to vector<16xf32>
      %swap3A_781 = vector.shape_cast %get3A_776 : vector<16xf32> to vector<1x16xf32>
      tpu.vector_store %arg17[%swap3A_777, %swap3A_778], %swap3A_781 {strides = array<i32>} : memref<128x80xf32, #tpu.memory_space<vmem>>, vector<1x16xf32>,
      %swap3A_782 = arith.index_cast %scan3A_760 : i32 to index
      %swap3A_783 = arith.constant 16 : index
      %swap3A_784 = tpu.vector_load %arg15[%swap3A_782, %swap3A_783] {strides = array<i32>} : memref<128x64xf32, #tpu.memory_space<vmem>>, vector<1x16xf32>,
      %swap3A_785 = vector.shape_cast %swap3A_784 : vector<1x16xf32> to vector<16xf32>
      %swap3A_786 = vector.shape_cast %broadcast_in_dim3A_62 : vector<16xf32> to vector<1x16xf32>
      tpu.vector_store %arg15[%swap3A_782, %swap3A_783], %swap3A_786 {strides = array<i32>} : memref<128x64xf32, #tpu.memory_space<vmem>>, vector<1x16xf32>,
      %get3A_787 = arith.index_cast %scan3A_760 : i32 to index
      %get3A_788 = arith.constant 32 : index
      %get3A_789 = tpu.vector_load %arg15[%get3A_787, %get3A_788] {strides = array<i32>} : memref<128x64xf32, #tpu.memory_space<vmem>>, vector<1x16xf32>,
      %get3A_790 = vector.shape_cast %get3A_789 : vector<1x16xf32> to vector<16xf32>
      %swap3A_791 = arith.index_cast %scan3A_760 : i32 to index
      %swap3A_792 = arith.constant 32 : index
      %swap3A_793 = tpu.vector_load %arg17[%swap3A_791, %swap3A_792] {strides = array<i32>} : memref<128x80xf32, #tpu.memory_space<vmem>>, vector<1x16xf32>,
      %swap3A_794 = vector.shape_cast %swap3A_793 : vector<1x16xf32> to vector<16xf32>
      %swap3A_795 = vector.shape_cast %get3A_790 : vector<16xf32> to vector<1x16xf32>
      tpu.vector_store %arg17[%swap3A_791, %swap3A_792], %swap3A_795 {strides = array<i32>} : memref<128x80xf32, #tpu.memory_space<vmem>>, vector<1x16xf32>,
      %swap3A_796 = arith.index_cast %scan3A_760 : i32 to index
      %swap3A_797 = arith.constant 32 : index
      %swap3A_798 = tpu.vector_load %arg15[%swap3A_796, %swap3A_797] {strides = array<i32>} : memref<128x64xf32, #tpu.memory_space<vmem>>, vector<1x16xf32>,
      %swap3A_799 = vector.shape_cast %swap3A_798 : vector<1x16xf32> to vector<16xf32>
      %swap3A_800 = vector.shape_cast %broadcast_in_dim3A_62 : vector<16xf32> to vector<1x16xf32>
      tpu.vector_store %arg15[%swap3A_796, %swap3A_797], %swap3A_800 {strides = array<i32>} : memref<128x64xf32, #tpu.memory_space<vmem>>, vector<1x16xf32>,
      %get3A_801 = arith.index_cast %scan3A_760 : i32 to index
      %get3A_802 = arith.constant 48 : index
      %get3A_803 = tpu.vector_load %arg15[%get3A_801, %get3A_802] {strides = array<i32>} : memref<128x64xf32, #tpu.memory_space<vmem>>, vector<1x16xf32>,
      %get3A_804 = vector.shape_cast %get3A_803 : vector<1x16xf32> to vector<16xf32>
      %swap3A_805 = arith.index_cast %scan3A_760 : i32 to index
      %swap3A_806 = arith.constant 48 : index
      %swap3A_807 = tpu.vector_load %arg17[%swap3A_805, %swap3A_806] {strides = array<i32>} : memref<128x80xf32, #tpu.memory_space<vmem>>, vector<1x16xf32>,
      %swap3A_808 = vector.shape_cast %swap3A_807 : vector<1x16xf32> to vector<16xf32>
      %swap3A_809 = vector.shape_cast %get3A_804 : vector<16xf32> to vector<1x16xf32>
      tpu.vector_store %arg17[%swap3A_805, %swap3A_806], %swap3A_809 {strides = array<i32>} : memref<128x80xf32, #tpu.memory_space<vmem>>, vector<1x16xf32>,
      %swap3A_810 = arith.index_cast %scan3A_760 : i32 to index
      %swap3A_811 = arith.constant 48 : index
      %swap3A_812 = tpu.vector_load %arg15[%swap3A_810, %swap3A_811] {strides = array<i32>} : memref<128x64xf32, #tpu.memory_space<vmem>>, vector<1x16xf32>,
      %swap3A_813 = vector.shape_cast %swap3A_812 : vector<1x16xf32> to vector<16xf32>
      %swap3A_814 = vector.shape_cast %broadcast_in_dim3A_62 : vector<16xf32> to vector<1x16xf32>
      tpu.vector_store %arg15[%swap3A_810, %swap3A_811], %swap3A_814 {strides = array<i32>} : memref<128x64xf32, #tpu.memory_space<vmem>>, vector<1x16xf32>,
      %add3A_815 = arith.constant 0 : i32
      %add3A_816 = arith.addi %add3A_815, %scan3A_760 : i32
      %get3A_817 = arith.constant 0 : i32
      %get3A_818 = arith.index_cast %get3A_817 : i32 to index
      %get3A_819 = arith.index_cast %add3A_816 : i32 to index
      %get3A_820 = tpu.vector_load %arg13[%get3A_818, %get3A_819] {strides = array<i32>} : memref<5x512xi32, #tpu.memory_space<vmem>>, vector<1x1xi32>,
      %get3A_821 = vector.shape_cast %get3A_820 : vector<1x1xi32> to vector<1xi32>
      %squeeze3A = vector.extract %get3A_821[0] : i32 from vector<1xi32>
      %get3A_822 = arith.index_cast %squeeze3A : i32 to index
      %get3A_823 = arith.constant 0 : index
      %get3A_824 = tpu.vector_load %arg14[%get3A_822, %get3A_823] {strides = array<i32>} : memref<1000x16xf32, #tpu.memory_space<vmem>>, vector<1x16xf32>,
      %get3A_825 = vector.shape_cast %get3A_824 : vector<1x16xf32> to vector<16xf32>
      %add3A_826 = arith.constant 0 : i32
      %add3A_827 = arith.addi %add3A_826, %scan3A_760 : i32
      %get3A_828 = arith.constant 1 : i32
      %get3A_829 = arith.index_cast %get3A_828 : i32 to index
      %get3A_830 = arith.index_cast %add3A_827 : i32 to index
      %get3A_831 = tpu.vector_load %arg13[%get3A_829, %get3A_830] {strides = array<i32>} : memref<5x512xi32, #tpu.memory_space<vmem>>, vector<1x1xi32>,
      %get3A_832 = vector.shape_cast %get3A_831 : vector<1x1xi32> to vector<1xi32>
      %squeeze3A_833 = vector.extract %get3A_832[0] : i32 from vector<1xi32>
      %get3A_834 = arith.index_cast %squeeze3A_833 : i32 to index
      %get3A_835 = arith.constant 0 : index
      %get3A_836 = tpu.vector_load %arg14[%get3A_834, %get3A_835] {strides = array<i32>} : memref<1000x16xf32, #tpu.memory_space<vmem>>, vector<1x16xf32>,
      %get3A_837 = vector.shape_cast %get3A_836 : vector<1x16xf32> to vector<16xf32>
      %add3A_838 = arith.addf %get3A_825, %get3A_837 : vector<16xf32>
      %add3A_839 = arith.constant 0 : i32
      %add3A_840 = arith.addi %add3A_839, %scan3A_760 : i32
      %get3A_841 = arith.constant 2 : i32
      %get3A_842 = arith.index_cast %get3A_841 : i32 to index
      %get3A_843 = arith.index_cast %add3A_840 : i32 to index
      %get3A_844 = tpu.vector_load %arg13[%get3A_842, %get3A_843] {strides = array<i32>} : memref<5x512xi32, #tpu.memory_space<vmem>>, vector<1x1xi32>,
      %get3A_845 = vector.shape_cast %get3A_844 : vector<1x1xi32> to vector<1xi32>
      %squeeze3A_846 = vector.extract %get3A_845[0] : i32 from vector<1xi32>
      %get3A_847 = arith.index_cast %squeeze3A_846 : i32 to index
      %get3A_848 = arith.constant 0 : index
      %get3A_849 = tpu.vector_load %arg14[%get3A_847, %get3A_848] {strides = array<i32>} : memref<1000x16xf32, #tpu.memory_space<vmem>>, vector<1x16xf32>,
      %get3A_850 = vector.shape_cast %get3A_849 : vector<1x16xf32> to vector<16xf32>
      %add3A_851 = arith.addf %add3A_838, %get3A_850 : vector<16xf32>
      %add3A_852 = arith.constant 0 : i32
      %add3A_853 = arith.addi %add3A_852, %scan3A_760 : i32
      %get3A_854 = arith.constant 3 : i32
      %get3A_855 = arith.index_cast %get3A_854 : i32 to index
      %get3A_856 = arith.index_cast %add3A_853 : i32 to index
      %get3A_857 = tpu.vector_load %arg13[%get3A_855, %get3A_856] {strides = array<i32>} : memref<5x512xi32, #tpu.memory_space<vmem>>, vector<1x1xi32>,
      %get3A_858 = vector.shape_cast %get3A_857 : vector<1x1xi32> to vector<1xi32>
      %squeeze3A_859 = vector.extract %get3A_858[0] : i32 from vector<1xi32>
      %get3A_860 = arith.index_cast %squeeze3A_859 : i32 to index
      %get3A_861 = arith.constant 0 : index
      %get3A_862 = tpu.vector_load %arg14[%get3A_860, %get3A_861] {strides = array<i32>} : memref<1000x16xf32, #tpu.memory_space<vmem>>, vector<1x16xf32>,
      %get3A_863 = vector.shape_cast %get3A_862 : vector<1x16xf32> to vector<16xf32>
      %add3A_864 = arith.addf %add3A_851, %get3A_863 : vector<16xf32>
      %add3A_865 = arith.constant 0 : i32
      %add3A_866 = arith.addi %add3A_865, %scan3A_760 : i32
      %get3A_867 = arith.constant 4 : i32
      %get3A_868 = arith.index_cast %get3A_867 : i32 to index
      %get3A_869 = arith.index_cast %add3A_866 : i32 to index
      %get3A_870 = tpu.vector_load %arg13[%get3A_868, %get3A_869] {strides = array<i32>} : memref<5x512xi32, #tpu.memory_space<vmem>>, vector<1x1xi32>,
      %get3A_871 = vector.shape_cast %get3A_870 : vector<1x1xi32> to vector<1xi32>
      %squeeze3A_872 = vector.extract %get3A_871[0] : i32 from vector<1xi32>
      %get3A_873 = arith.index_cast %squeeze3A_872 : i32 to index
      %get3A_874 = arith.constant 0 : index
      %get3A_875 = tpu.vector_load %arg14[%get3A_873, %get3A_874] {strides = array<i32>} : memref<1000x16xf32, #tpu.memory_space<vmem>>, vector<1x16xf32>,
      %get3A_876 = vector.shape_cast %get3A_875 : vector<1x16xf32> to vector<16xf32>
      %add3A_877 = arith.addf %add3A_864, %get3A_876 : vector<16xf32>
      %swap3A_878 = arith.index_cast %scan3A_760 : i32 to index
      %swap3A_879 = arith.constant 64 : index
      %swap3A_880 = tpu.vector_load %arg17[%swap3A_878, %swap3A_879] {strides = array<i32>} : memref<128x80xf32, #tpu.memory_space<vmem>>, vector<1x16xf32>,
      %swap3A_881 = vector.shape_cast %swap3A_880 : vector<1x16xf32> to vector<16xf32>
      %swap3A_882 = vector.shape_cast %add3A_877 : vector<16xf32> to vector<1x16xf32>
      tpu.vector_store %arg17[%swap3A_878, %swap3A_879], %swap3A_882 {strides = array<i32>} : memref<128x80xf32, #tpu.memory_space<vmem>>, vector<1x16xf32>,
    }
    %scan3A_526 = arith.constant 128 : i32
    %add3A_527 = arith.constant 0 : i32
    %add3A_528 = arith.addi %mul3A_2, %add3A_527 : i32
    %dma_start3A_529 = arith.constant 0 : i32
    %dma_start3A_530 = tpu.memref_slice %arg9[%add3A_528, %dma_start3A_529] : memref<16384x128xf32, #tpu.memory_space<hbm>> -> memref<128x80xf32, #tpu.memory_space<hbm>>
    %dma_start3A_531 = arith.constant 0 : i32
    %dma_start3A_532 = tpu.memref_slice %arg9[%add3A_528, %dma_start3A_531] : memref<16384x128xf32, #tpu.memory_space<hbm>> -> memref<128x80xf32, #tpu.memory_space<hbm>>
    tpu.enqueue_dma source(%arg17 : memref<128x80xf32, #tpu.memory_space<vmem>>) target(%dma_start3A_532 : memref<128x80xf32, #tpu.memory_space<hbm>>) target_semaphore(%arg20 : memref<!tpu.dma_semaphore, #tpu.memory_space<semaphore_mem>>)
    %dma_start3A_533 = arith.constant 0 : i32
    %dma_start3A_534 = arith.constant 256 : i32
    %dma_start3A_535 = tpu.memref_slice %arg12[%dma_start3A_533, %dma_start3A_534] : memref<5x512xi32, #tpu.memory_space<vmem>> -> memref<1x128xi32, #tpu.memory_space<vmem>>
    %dma_start3A_536 = tpu.memref_squeeze %dma_start3A_535 : memref<1x128xi32, #tpu.memory_space<vmem>> -> memref<128xi32, #tpu.memory_space<vmem>>
    %dma_start3A_537 = arith.constant 0 : i32
    %dma_start3A_538 = arith.constant 0 : i32
    %dma_start3A_539 = tpu.memref_slice %arg2[%dma_start3A_537, %dma_start3A_538] : memref<100000x64xf32, #tpu.memory_space<hbm>> -> memref<100000x64xf32, #tpu.memory_space<hbm>>
    tpu.enqueue_indirect_dma source(%dma_start3A_539 : memref<100000x64xf32, #tpu.memory_space<hbm>>) target(%arg15 : memref<128x64xf32, #tpu.memory_space<vmem>>) offsets(%dma_start3A_536 : memref<128xi32, #tpu.memory_space<vmem>>) semaphore(%arg18 : memref<!tpu.dma_semaphore, #tpu.memory_space<semaphore_mem>>) {add = true}
    %dma_start3A_540 = arith.constant 1 : i32
    %dma_start3A_541 = arith.constant 256 : i32
    %dma_start3A_542 = tpu.memref_slice %arg12[%dma_start3A_540, %dma_start3A_541] : memref<5x512xi32, #tpu.memory_space<vmem>> -> memref<1x128xi32, #tpu.memory_space<vmem>>
    %dma_start3A_543 = tpu.memref_squeeze %dma_start3A_542 : memref<1x128xi32, #tpu.memory_space<vmem>> -> memref<128xi32, #tpu.memory_space<vmem>>
    %dma_start3A_544 = arith.constant 0 : i32
    %dma_start3A_545 = arith.constant 0 : i32
    %dma_start3A_546 = tpu.memref_slice %arg2[%dma_start3A_544, %dma_start3A_545] : memref<100000x64xf32, #tpu.memory_space<hbm>> -> memref<100000x64xf32, #tpu.memory_space<hbm>>
    tpu.enqueue_indirect_dma source(%dma_start3A_546 : memref<100000x64xf32, #tpu.memory_space<hbm>>) target(%arg15 : memref<128x64xf32, #tpu.memory_space<vmem>>) offsets(%dma_start3A_543 : memref<128xi32, #tpu.memory_space<vmem>>) semaphore(%arg18 : memref<!tpu.dma_semaphore, #tpu.memory_space<semaphore_mem>>) {add = true}
    %dma_start3A_547 = arith.constant 2 : i32
    %dma_start3A_548 = arith.constant 256 : i32
    %dma_start3A_549 = tpu.memref_slice %arg12[%dma_start3A_547, %dma_start3A_548] : memref<5x512xi32, #tpu.memory_space<vmem>> -> memref<1x128xi32, #tpu.memory_space<vmem>>
    %dma_start3A_550 = tpu.memref_squeeze %dma_start3A_549 : memref<1x128xi32, #tpu.memory_space<vmem>> -> memref<128xi32, #tpu.memory_space<vmem>>
    %dma_start3A_551 = arith.constant 0 : i32
    %dma_start3A_552 = arith.constant 0 : i32
    %dma_start3A_553 = tpu.memref_slice %arg2[%dma_start3A_551, %dma_start3A_552] : memref<100000x64xf32, #tpu.memory_space<hbm>> -> memref<100000x64xf32, #tpu.memory_space<hbm>>
    tpu.enqueue_indirect_dma source(%dma_start3A_553 : memref<100000x64xf32, #tpu.memory_space<hbm>>) target(%arg15 : memref<128x64xf32, #tpu.memory_space<vmem>>) offsets(%dma_start3A_550 : memref<128xi32, #tpu.memory_space<vmem>>) semaphore(%arg18 : memref<!tpu.dma_semaphore, #tpu.memory_space<semaphore_mem>>) {add = true}
    %dma_start3A_554 = arith.constant 3 : i32
    %dma_start3A_555 = arith.constant 256 : i32
    %dma_start3A_556 = tpu.memref_slice %arg12[%dma_start3A_554, %dma_start3A_555] : memref<5x512xi32, #tpu.memory_space<vmem>> -> memref<1x128xi32, #tpu.memory_space<vmem>>
    %dma_start3A_557 = tpu.memref_squeeze %dma_start3A_556 : memref<1x128xi32, #tpu.memory_space<vmem>> -> memref<128xi32, #tpu.memory_space<vmem>>
    %dma_start3A_558 = arith.constant 0 : i32
    %dma_start3A_559 = arith.constant 0 : i32
    %dma_start3A_560 = tpu.memref_slice %arg2[%dma_start3A_558, %dma_start3A_559] : memref<100000x64xf32, #tpu.memory_space<hbm>> -> memref<100000x64xf32, #tpu.memory_space<hbm>>
    tpu.enqueue_indirect_dma source(%dma_start3A_560 : memref<100000x64xf32, #tpu.memory_space<hbm>>) target(%arg15 : memref<128x64xf32, #tpu.memory_space<vmem>>) offsets(%dma_start3A_557 : memref<128xi32, #tpu.memory_space<vmem>>) semaphore(%arg18 : memref<!tpu.dma_semaphore, #tpu.memory_space<semaphore_mem>>) {add = true}
    %dma_start3A_561 = arith.constant 4 : i32
    %dma_start3A_562 = arith.constant 256 : i32
    %dma_start3A_563 = tpu.memref_slice %arg12[%dma_start3A_561, %dma_start3A_562] : memref<5x512xi32, #tpu.memory_space<vmem>> -> memref<1x128xi32, #tpu.memory_space<vmem>>
    %dma_start3A_564 = tpu.memref_squeeze %dma_start3A_563 : memref<1x128xi32, #tpu.memory_space<vmem>> -> memref<128xi32, #tpu.memory_space<vmem>>
    %dma_start3A_565 = arith.constant 0 : i32
    %dma_start3A_566 = arith.constant 0 : i32
    %dma_start3A_567 = tpu.memref_slice %arg2[%dma_start3A_565, %dma_start3A_566] : memref<100000x64xf32, #tpu.memory_space<hbm>> -> memref<100000x64xf32, #tpu.memory_space<hbm>>
    tpu.enqueue_indirect_dma source(%dma_start3A_567 : memref<100000x64xf32, #tpu.memory_space<hbm>>) target(%arg15 : memref<128x64xf32, #tpu.memory_space<vmem>>) offsets(%dma_start3A_564 : memref<128xi32, #tpu.memory_space<vmem>>) semaphore(%arg18 : memref<!tpu.dma_semaphore, #tpu.memory_space<semaphore_mem>>) {add = true}
    %dma_wait3A_568 = arith.constant 0 : i32
    %dma_wait3A_569 = arith.constant 128 : i32
    %dma_wait3A_570 = tpu.memref_slice %arg12[%dma_wait3A_568, %dma_wait3A_569] : memref<5x512xi32, #tpu.memory_space<vmem>> -> memref<1x128xi32, #tpu.memory_space<vmem>>
    %dma_wait3A_571 = tpu.memref_squeeze %dma_wait3A_570 : memref<1x128xi32, #tpu.memory_space<vmem>> -> memref<128xi32, #tpu.memory_space<vmem>>
    %dma_wait3A_572 = arith.constant 0 : i32
    %dma_wait3A_573 = arith.constant 0 : i32
    %dma_wait3A_574 = tpu.memref_slice %arg2[%dma_wait3A_572, %dma_wait3A_573] : memref<100000x64xf32, #tpu.memory_space<hbm>> -> memref<100000x64xf32, #tpu.memory_space<hbm>>
    tpu.wait_indirect_dma semaphore(%arg19 : memref<!tpu.dma_semaphore, #tpu.memory_space<semaphore_mem>>) src(%dma_wait3A_574 : memref<100000x64xf32, #tpu.memory_space<hbm>>) dst(%arg16 : memref<128x64xf32, #tpu.memory_space<vmem>>)
    %dma_wait3A_575 = arith.constant 1 : i32
    %dma_wait3A_576 = arith.constant 128 : i32
    %dma_wait3A_577 = tpu.memref_slice %arg12[%dma_wait3A_575, %dma_wait3A_576] : memref<5x512xi32, #tpu.memory_space<vmem>> -> memref<1x128xi32, #tpu.memory_space<vmem>>
    %dma_wait3A_578 = tpu.memref_squeeze %dma_wait3A_577 : memref<1x128xi32, #tpu.memory_space<vmem>> -> memref<128xi32, #tpu.memory_space<vmem>>
    %dma_wait3A_579 = arith.constant 0 : i32
    %dma_wait3A_580 = arith.constant 0 : i32
    %dma_wait3A_581 = tpu.memref_slice %arg2[%dma_wait3A_579, %dma_wait3A_580] : memref<100000x64xf32, #tpu.memory_space<hbm>> -> memref<100000x64xf32, #tpu.memory_space<hbm>>
    tpu.wait_indirect_dma semaphore(%arg19 : memref<!tpu.dma_semaphore, #tpu.memory_space<semaphore_mem>>) src(%dma_wait3A_581 : memref<100000x64xf32, #tpu.memory_space<hbm>>) dst(%arg16 : memref<128x64xf32, #tpu.memory_space<vmem>>)
    %dma_wait3A_582 = arith.constant 2 : i32
    %dma_wait3A_583 = arith.constant 128 : i32
    %dma_wait3A_584 = tpu.memref_slice %arg12[%dma_wait3A_582, %dma_wait3A_583] : memref<5x512xi32, #tpu.memory_space<vmem>> -> memref<1x128xi32, #tpu.memory_space<vmem>>
    %dma_wait3A_585 = tpu.memref_squeeze %dma_wait3A_584 : memref<1x128xi32, #tpu.memory_space<vmem>> -> memref<128xi32, #tpu.memory_space<vmem>>
    %dma_wait3A_586 = arith.constant 0 : i32
    %dma_wait3A_587 = arith.constant 0 : i32
    %dma_wait3A_588 = tpu.memref_slice %arg2[%dma_wait3A_586, %dma_wait3A_587] : memref<100000x64xf32, #tpu.memory_space<hbm>> -> memref<100000x64xf32, #tpu.memory_space<hbm>>
    tpu.wait_indirect_dma semaphore(%arg19 : memref<!tpu.dma_semaphore, #tpu.memory_space<semaphore_mem>>) src(%dma_wait3A_588 : memref<100000x64xf32, #tpu.memory_space<hbm>>) dst(%arg16 : memref<128x64xf32, #tpu.memory_space<vmem>>)
    %dma_wait3A_589 = arith.constant 3 : i32
    %dma_wait3A_590 = arith.constant 128 : i32
    %dma_wait3A_591 = tpu.memref_slice %arg12[%dma_wait3A_589, %dma_wait3A_590] : memref<5x512xi32, #tpu.memory_space<vmem>> -> memref<1x128xi32, #tpu.memory_space<vmem>>
    %dma_wait3A_592 = tpu.memref_squeeze %dma_wait3A_591 : memref<1x128xi32, #tpu.memory_space<vmem>> -> memref<128xi32, #tpu.memory_space<vmem>>
    %dma_wait3A_593 = arith.constant 0 : i32
    %dma_wait3A_594 = arith.constant 0 : i32
    %dma_wait3A_595 = tpu.memref_slice %arg2[%dma_wait3A_593, %dma_wait3A_594] : memref<100000x64xf32, #tpu.memory_space<hbm>> -> memref<100000x64xf32, #tpu.memory_space<hbm>>
    tpu.wait_indirect_dma semaphore(%arg19 : memref<!tpu.dma_semaphore, #tpu.memory_space<semaphore_mem>>) src(%dma_wait3A_595 : memref<100000x64xf32, #tpu.memory_space<hbm>>) dst(%arg16 : memref<128x64xf32, #tpu.memory_space<vmem>>)
    %dma_wait3A_596 = arith.constant 4 : i32
    %dma_wait3A_597 = arith.constant 128 : i32
    %dma_wait3A_598 = tpu.memref_slice %arg12[%dma_wait3A_596, %dma_wait3A_597] : memref<5x512xi32, #tpu.memory_space<vmem>> -> memref<1x128xi32, #tpu.memory_space<vmem>>
    %dma_wait3A_599 = tpu.memref_squeeze %dma_wait3A_598 : memref<1x128xi32, #tpu.memory_space<vmem>> -> memref<128xi32, #tpu.memory_space<vmem>>
    %dma_wait3A_600 = arith.constant 0 : i32
    %dma_wait3A_601 = arith.constant 0 : i32
    %dma_wait3A_602 = tpu.memref_slice %arg2[%dma_wait3A_600, %dma_wait3A_601] : memref<100000x64xf32, #tpu.memory_space<hbm>> -> memref<100000x64xf32, #tpu.memory_space<hbm>>
    tpu.wait_indirect_dma semaphore(%arg19 : memref<!tpu.dma_semaphore, #tpu.memory_space<semaphore_mem>>) src(%dma_wait3A_602 : memref<100000x64xf32, #tpu.memory_space<hbm>>) dst(%arg16 : memref<128x64xf32, #tpu.memory_space<vmem>>)
    %dma_wait3A_603 = arith.constant 0 : i32
    %dma_wait3A_604 = tpu.memref_slice %arg9[%add3A_528, %dma_wait3A_603] : memref<16384x128xf32, #tpu.memory_space<hbm>> -> memref<128x80xf32, #tpu.memory_space<hbm>>
    %dma_wait3A_605 = arith.constant 0 : i32
    %dma_wait3A_606 = tpu.memref_slice %arg9[%add3A_528, %dma_wait3A_605] : memref<16384x128xf32, #tpu.memory_space<hbm>> -> memref<128x80xf32, #tpu.memory_space<hbm>>
    tpu.wait_dma2 semaphore(%arg20 : memref<!tpu.dma_semaphore, #tpu.memory_space<semaphore_mem>>) src(%arg17 : memref<128x80xf32, #tpu.memory_space<vmem>>) dst(%dma_wait3A_606 : memref<128x80xf32, #tpu.memory_space<hbm>>)
    %scan3A_607 = arith.constant 0 : i32
    %scan3A_608 = arith.constant 0 : i32
    %scan3A_609 = arith.constant 128 : i32
    %scan3A_610 = arith.addi %scan3A_608, %scan3A_609 : i32
    %scan3A_611 = arith.constant 1 : i32
    scf.for %scan3A_760 = %scan3A_608 to %scan3A_610 step %scan3A_611  : i32 {
      %get3A = arith.index_cast %scan3A_760 : i32 to index
      %get3A_761 = arith.constant 0 : index
      %get3A_762 = tpu.vector_load %arg16[%get3A, %get3A_761] {strides = array<i32>} : memref<128x64xf32, #tpu.memory_space<vmem>>, vector<1x16xf32>,
      %get3A_763 = vector.shape_cast %get3A_762 : vector<1x16xf32> to vector<16xf32>
      %swap3A = arith.index_cast %scan3A_760 : i32 to index
      %swap3A_764 = arith.constant 0 : index
      %swap3A_765 = tpu.vector_load %arg17[%swap3A, %swap3A_764] {strides = array<i32>} : memref<128x80xf32, #tpu.memory_space<vmem>>, vector<1x16xf32>,
      %swap3A_766 = vector.shape_cast %swap3A_765 : vector<1x16xf32> to vector<16xf32>
      %swap3A_767 = vector.shape_cast %get3A_763 : vector<16xf32> to vector<1x16xf32>
      tpu.vector_store %arg17[%swap3A, %swap3A_764], %swap3A_767 {strides = array<i32>} : memref<128x80xf32, #tpu.memory_space<vmem>>, vector<1x16xf32>,
      %swap3A_768 = arith.index_cast %scan3A_760 : i32 to index
      %swap3A_769 = arith.constant 0 : index
      %swap3A_770 = tpu.vector_load %arg16[%swap3A_768, %swap3A_769] {strides = array<i32>} : memref<128x64xf32, #tpu.memory_space<vmem>>, vector<1x16xf32>,
      %swap3A_771 = vector.shape_cast %swap3A_770 : vector<1x16xf32> to vector<16xf32>
      %swap3A_772 = vector.shape_cast %broadcast_in_dim3A_62 : vector<16xf32> to vector<1x16xf32>
      tpu.vector_store %arg16[%swap3A_768, %swap3A_769], %swap3A_772 {strides = array<i32>} : memref<128x64xf32, #tpu.memory_space<vmem>>, vector<1x16xf32>,
      %get3A_773 = arith.index_cast %scan3A_760 : i32 to index
      %get3A_774 = arith.constant 16 : index
      %get3A_775 = tpu.vector_load %arg16[%get3A_773, %get3A_774] {strides = array<i32>} : memref<128x64xf32, #tpu.memory_space<vmem>>, vector<1x16xf32>,
      %get3A_776 = vector.shape_cast %get3A_775 : vector<1x16xf32> to vector<16xf32>
      %swap3A_777 = arith.index_cast %scan3A_760 : i32 to index
      %swap3A_778 = arith.constant 16 : index
      %swap3A_779 = tpu.vector_load %arg17[%swap3A_777, %swap3A_778] {strides = array<i32>} : memref<128x80xf32, #tpu.memory_space<vmem>>, vector<1x16xf32>,
      %swap3A_780 = vector.shape_cast %swap3A_779 : vector<1x16xf32> to vector<16xf32>
      %swap3A_781 = vector.shape_cast %get3A_776 : vector<16xf32> to vector<1x16xf32>
      tpu.vector_store %arg17[%swap3A_777, %swap3A_778], %swap3A_781 {strides = array<i32>} : memref<128x80xf32, #tpu.memory_space<vmem>>, vector<1x16xf32>,
      %swap3A_782 = arith.index_cast %scan3A_760 : i32 to index
      %swap3A_783 = arith.constant 16 : index
      %swap3A_784 = tpu.vector_load %arg16[%swap3A_782, %swap3A_783] {strides = array<i32>} : memref<128x64xf32, #tpu.memory_space<vmem>>, vector<1x16xf32>,
      %swap3A_785 = vector.shape_cast %swap3A_784 : vector<1x16xf32> to vector<16xf32>
      %swap3A_786 = vector.shape_cast %broadcast_in_dim3A_62 : vector<16xf32> to vector<1x16xf32>
      tpu.vector_store %arg16[%swap3A_782, %swap3A_783], %swap3A_786 {strides = array<i32>} : memref<128x64xf32, #tpu.memory_space<vmem>>, vector<1x16xf32>,
      %get3A_787 = arith.index_cast %scan3A_760 : i32 to index
      %get3A_788 = arith.constant 32 : index
      %get3A_789 = tpu.vector_load %arg16[%get3A_787, %get3A_788] {strides = array<i32>} : memref<128x64xf32, #tpu.memory_space<vmem>>, vector<1x16xf32>,
      %get3A_790 = vector.shape_cast %get3A_789 : vector<1x16xf32> to vector<16xf32>
      %swap3A_791 = arith.index_cast %scan3A_760 : i32 to index
      %swap3A_792 = arith.constant 32 : index
      %swap3A_793 = tpu.vector_load %arg17[%swap3A_791, %swap3A_792] {strides = array<i32>} : memref<128x80xf32, #tpu.memory_space<vmem>>, vector<1x16xf32>,
      %swap3A_794 = vector.shape_cast %swap3A_793 : vector<1x16xf32> to vector<16xf32>
      %swap3A_795 = vector.shape_cast %get3A_790 : vector<16xf32> to vector<1x16xf32>
      tpu.vector_store %arg17[%swap3A_791, %swap3A_792], %swap3A_795 {strides = array<i32>} : memref<128x80xf32, #tpu.memory_space<vmem>>, vector<1x16xf32>,
      %swap3A_796 = arith.index_cast %scan3A_760 : i32 to index
      %swap3A_797 = arith.constant 32 : index
      %swap3A_798 = tpu.vector_load %arg16[%swap3A_796, %swap3A_797] {strides = array<i32>} : memref<128x64xf32, #tpu.memory_space<vmem>>, vector<1x16xf32>,
      %swap3A_799 = vector.shape_cast %swap3A_798 : vector<1x16xf32> to vector<16xf32>
      %swap3A_800 = vector.shape_cast %broadcast_in_dim3A_62 : vector<16xf32> to vector<1x16xf32>
      tpu.vector_store %arg16[%swap3A_796, %swap3A_797], %swap3A_800 {strides = array<i32>} : memref<128x64xf32, #tpu.memory_space<vmem>>, vector<1x16xf32>,
      %get3A_801 = arith.index_cast %scan3A_760 : i32 to index
      %get3A_802 = arith.constant 48 : index
      %get3A_803 = tpu.vector_load %arg16[%get3A_801, %get3A_802] {strides = array<i32>} : memref<128x64xf32, #tpu.memory_space<vmem>>, vector<1x16xf32>,
      %get3A_804 = vector.shape_cast %get3A_803 : vector<1x16xf32> to vector<16xf32>
      %swap3A_805 = arith.index_cast %scan3A_760 : i32 to index
      %swap3A_806 = arith.constant 48 : index
      %swap3A_807 = tpu.vector_load %arg17[%swap3A_805, %swap3A_806] {strides = array<i32>} : memref<128x80xf32, #tpu.memory_space<vmem>>, vector<1x16xf32>,
      %swap3A_808 = vector.shape_cast %swap3A_807 : vector<1x16xf32> to vector<16xf32>
      %swap3A_809 = vector.shape_cast %get3A_804 : vector<16xf32> to vector<1x16xf32>
      tpu.vector_store %arg17[%swap3A_805, %swap3A_806], %swap3A_809 {strides = array<i32>} : memref<128x80xf32, #tpu.memory_space<vmem>>, vector<1x16xf32>,
      %swap3A_810 = arith.index_cast %scan3A_760 : i32 to index
      %swap3A_811 = arith.constant 48 : index
      %swap3A_812 = tpu.vector_load %arg16[%swap3A_810, %swap3A_811] {strides = array<i32>} : memref<128x64xf32, #tpu.memory_space<vmem>>, vector<1x16xf32>,
      %swap3A_813 = vector.shape_cast %swap3A_812 : vector<1x16xf32> to vector<16xf32>
      %swap3A_814 = vector.shape_cast %broadcast_in_dim3A_62 : vector<16xf32> to vector<1x16xf32>
      tpu.vector_store %arg16[%swap3A_810, %swap3A_811], %swap3A_814 {strides = array<i32>} : memref<128x64xf32, #tpu.memory_space<vmem>>, vector<1x16xf32>,
      %add3A_815 = arith.constant 128 : i32
      %add3A_816 = arith.addi %add3A_815, %scan3A_760 : i32
      %get3A_817 = arith.constant 0 : i32
      %get3A_818 = arith.index_cast %get3A_817 : i32 to index
      %get3A_819 = arith.index_cast %add3A_816 : i32 to index
      %get3A_820 = tpu.vector_load %arg13[%get3A_818, %get3A_819] {strides = array<i32>} : memref<5x512xi32, #tpu.memory_space<vmem>>, vector<1x1xi32>,
      %get3A_821 = vector.shape_cast %get3A_820 : vector<1x1xi32> to vector<1xi32>
      %squeeze3A = vector.extract %get3A_821[0] : i32 from vector<1xi32>
      %get3A_822 = arith.index_cast %squeeze3A : i32 to index
      %get3A_823 = arith.constant 0 : index
      %get3A_824 = tpu.vector_load %arg14[%get3A_822, %get3A_823] {strides = array<i32>} : memref<1000x16xf32, #tpu.memory_space<vmem>>, vector<1x16xf32>,
      %get3A_825 = vector.shape_cast %get3A_824 : vector<1x16xf32> to vector<16xf32>
      %add3A_826 = arith.constant 128 : i32
      %add3A_827 = arith.addi %add3A_826, %scan3A_760 : i32
      %get3A_828 = arith.constant 1 : i32
      %get3A_829 = arith.index_cast %get3A_828 : i32 to index
      %get3A_830 = arith.index_cast %add3A_827 : i32 to index
      %get3A_831 = tpu.vector_load %arg13[%get3A_829, %get3A_830] {strides = array<i32>} : memref<5x512xi32, #tpu.memory_space<vmem>>, vector<1x1xi32>,
      %get3A_832 = vector.shape_cast %get3A_831 : vector<1x1xi32> to vector<1xi32>
      %squeeze3A_833 = vector.extract %get3A_832[0] : i32 from vector<1xi32>
      %get3A_834 = arith.index_cast %squeeze3A_833 : i32 to index
      %get3A_835 = arith.constant 0 : index
      %get3A_836 = tpu.vector_load %arg14[%get3A_834, %get3A_835] {strides = array<i32>} : memref<1000x16xf32, #tpu.memory_space<vmem>>, vector<1x16xf32>,
      %get3A_837 = vector.shape_cast %get3A_836 : vector<1x16xf32> to vector<16xf32>
      %add3A_838 = arith.addf %get3A_825, %get3A_837 : vector<16xf32>
      %add3A_839 = arith.constant 128 : i32
      %add3A_840 = arith.addi %add3A_839, %scan3A_760 : i32
      %get3A_841 = arith.constant 2 : i32
      %get3A_842 = arith.index_cast %get3A_841 : i32 to index
      %get3A_843 = arith.index_cast %add3A_840 : i32 to index
      %get3A_844 = tpu.vector_load %arg13[%get3A_842, %get3A_843] {strides = array<i32>} : memref<5x512xi32, #tpu.memory_space<vmem>>, vector<1x1xi32>,
      %get3A_845 = vector.shape_cast %get3A_844 : vector<1x1xi32> to vector<1xi32>
      %squeeze3A_846 = vector.extract %get3A_845[0] : i32 from vector<1xi32>
      %get3A_847 = arith.index_cast %squeeze3A_846 : i32 to index
      %get3A_848 = arith.constant 0 : index
      %get3A_849 = tpu.vector_load %arg14[%get3A_847, %get3A_848] {strides = array<i32>} : memref<1000x16xf32, #tpu.memory_space<vmem>>, vector<1x16xf32>,
      %get3A_850 = vector.shape_cast %get3A_849 : vector<1x16xf32> to vector<16xf32>
      %add3A_851 = arith.addf %add3A_838, %get3A_850 : vector<16xf32>
      %add3A_852 = arith.constant 128 : i32
      %add3A_853 = arith.addi %add3A_852, %scan3A_760 : i32
      %get3A_854 = arith.constant 3 : i32
      %get3A_855 = arith.index_cast %get3A_854 : i32 to index
      %get3A_856 = arith.index_cast %add3A_853 : i32 to index
      %get3A_857 = tpu.vector_load %arg13[%get3A_855, %get3A_856] {strides = array<i32>} : memref<5x512xi32, #tpu.memory_space<vmem>>, vector<1x1xi32>,
      %get3A_858 = vector.shape_cast %get3A_857 : vector<1x1xi32> to vector<1xi32>
      %squeeze3A_859 = vector.extract %get3A_858[0] : i32 from vector<1xi32>
      %get3A_860 = arith.index_cast %squeeze3A_859 : i32 to index
      %get3A_861 = arith.constant 0 : index
      %get3A_862 = tpu.vector_load %arg14[%get3A_860, %get3A_861] {strides = array<i32>} : memref<1000x16xf32, #tpu.memory_space<vmem>>, vector<1x16xf32>,
      %get3A_863 = vector.shape_cast %get3A_862 : vector<1x16xf32> to vector<16xf32>
      %add3A_864 = arith.addf %add3A_851, %get3A_863 : vector<16xf32>
      %add3A_865 = arith.constant 128 : i32
      %add3A_866 = arith.addi %add3A_865, %scan3A_760 : i32
      %get3A_867 = arith.constant 4 : i32
      %get3A_868 = arith.index_cast %get3A_867 : i32 to index
      %get3A_869 = arith.index_cast %add3A_866 : i32 to index
      %get3A_870 = tpu.vector_load %arg13[%get3A_868, %get3A_869] {strides = array<i32>} : memref<5x512xi32, #tpu.memory_space<vmem>>, vector<1x1xi32>,
      %get3A_871 = vector.shape_cast %get3A_870 : vector<1x1xi32> to vector<1xi32>
      %squeeze3A_872 = vector.extract %get3A_871[0] : i32 from vector<1xi32>
      %get3A_873 = arith.index_cast %squeeze3A_872 : i32 to index
      %get3A_874 = arith.constant 0 : index
      %get3A_875 = tpu.vector_load %arg14[%get3A_873, %get3A_874] {strides = array<i32>} : memref<1000x16xf32, #tpu.memory_space<vmem>>, vector<1x16xf32>,
      %get3A_876 = vector.shape_cast %get3A_875 : vector<1x16xf32> to vector<16xf32>
      %add3A_877 = arith.addf %add3A_864, %get3A_876 : vector<16xf32>
      %swap3A_878 = arith.index_cast %scan3A_760 : i32 to index
      %swap3A_879 = arith.constant 64 : index
      %swap3A_880 = tpu.vector_load %arg17[%swap3A_878, %swap3A_879] {strides = array<i32>} : memref<128x80xf32, #tpu.memory_space<vmem>>, vector<1x16xf32>,
      %swap3A_881 = vector.shape_cast %swap3A_880 : vector<1x16xf32> to vector<16xf32>
      %swap3A_882 = vector.shape_cast %add3A_877 : vector<16xf32> to vector<1x16xf32>
      tpu.vector_store %arg17[%swap3A_878, %swap3A_879], %swap3A_882 {strides = array<i32>} : memref<128x80xf32, #tpu.memory_space<vmem>>, vector<1x16xf32>,
    }
    %scan3A_612 = arith.constant 128 : i32
    %add3A_613 = arith.constant 128 : i32
    %add3A_614 = arith.addi %mul3A_2, %add3A_613 : i32
    %dma_start3A_615 = arith.constant 0 : i32
    %dma_start3A_616 = tpu.memref_slice %arg9[%add3A_614, %dma_start3A_615] : memref<16384x128xf32, #tpu.memory_space<hbm>> -> memref<128x80xf32, #tpu.memory_space<hbm>>
    %dma_start3A_617 = arith.constant 0 : i32
    %dma_start3A_618 = tpu.memref_slice %arg9[%add3A_614, %dma_start3A_617] : memref<16384x128xf32, #tpu.memory_space<hbm>> -> memref<128x80xf32, #tpu.memory_space<hbm>>
    tpu.enqueue_dma source(%arg17 : memref<128x80xf32, #tpu.memory_space<vmem>>) target(%dma_start3A_618 : memref<128x80xf32, #tpu.memory_space<hbm>>) target_semaphore(%arg20 : memref<!tpu.dma_semaphore, #tpu.memory_space<semaphore_mem>>)
    %dma_start3A_619 = arith.constant 0 : i32
    %dma_start3A_620 = arith.constant 384 : i32
    %dma_start3A_621 = tpu.memref_slice %arg12[%dma_start3A_619, %dma_start3A_620] : memref<5x512xi32, #tpu.memory_space<vmem>> -> memref<1x128xi32, #tpu.memory_space<vmem>>
    %dma_start3A_622 = tpu.memref_squeeze %dma_start3A_621 : memref<1x128xi32, #tpu.memory_space<vmem>> -> memref<128xi32, #tpu.memory_space<vmem>>
    %dma_start3A_623 = arith.constant 0 : i32
    %dma_start3A_624 = arith.constant 0 : i32
    %dma_start3A_625 = tpu.memref_slice %arg2[%dma_start3A_623, %dma_start3A_624] : memref<100000x64xf32, #tpu.memory_space<hbm>> -> memref<100000x64xf32, #tpu.memory_space<hbm>>
    tpu.enqueue_indirect_dma source(%dma_start3A_625 : memref<100000x64xf32, #tpu.memory_space<hbm>>) target(%arg16 : memref<128x64xf32, #tpu.memory_space<vmem>>) offsets(%dma_start3A_622 : memref<128xi32, #tpu.memory_space<vmem>>) semaphore(%arg19 : memref<!tpu.dma_semaphore, #tpu.memory_space<semaphore_mem>>) {add = true}
    %dma_start3A_626 = arith.constant 1 : i32
    %dma_start3A_627 = arith.constant 384 : i32
    %dma_start3A_628 = tpu.memref_slice %arg12[%dma_start3A_626, %dma_start3A_627] : memref<5x512xi32, #tpu.memory_space<vmem>> -> memref<1x128xi32, #tpu.memory_space<vmem>>
    %dma_start3A_629 = tpu.memref_squeeze %dma_start3A_628 : memref<1x128xi32, #tpu.memory_space<vmem>> -> memref<128xi32, #tpu.memory_space<vmem>>
    %dma_start3A_630 = arith.constant 0 : i32
    %dma_start3A_631 = arith.constant 0 : i32
    %dma_start3A_632 = tpu.memref_slice %arg2[%dma_start3A_630, %dma_start3A_631] : memref<100000x64xf32, #tpu.memory_space<hbm>> -> memref<100000x64xf32, #tpu.memory_space<hbm>>
    tpu.enqueue_indirect_dma source(%dma_start3A_632 : memref<100000x64xf32, #tpu.memory_space<hbm>>) target(%arg16 : memref<128x64xf32, #tpu.memory_space<vmem>>) offsets(%dma_start3A_629 : memref<128xi32, #tpu.memory_space<vmem>>) semaphore(%arg19 : memref<!tpu.dma_semaphore, #tpu.memory_space<semaphore_mem>>) {add = true}
    %dma_start3A_633 = arith.constant 2 : i32
    %dma_start3A_634 = arith.constant 384 : i32
    %dma_start3A_635 = tpu.memref_slice %arg12[%dma_start3A_633, %dma_start3A_634] : memref<5x512xi32, #tpu.memory_space<vmem>> -> memref<1x128xi32, #tpu.memory_space<vmem>>
    %dma_start3A_636 = tpu.memref_squeeze %dma_start3A_635 : memref<1x128xi32, #tpu.memory_space<vmem>> -> memref<128xi32, #tpu.memory_space<vmem>>
    %dma_start3A_637 = arith.constant 0 : i32
    %dma_start3A_638 = arith.constant 0 : i32
    %dma_start3A_639 = tpu.memref_slice %arg2[%dma_start3A_637, %dma_start3A_638] : memref<100000x64xf32, #tpu.memory_space<hbm>> -> memref<100000x64xf32, #tpu.memory_space<hbm>>
    tpu.enqueue_indirect_dma source(%dma_start3A_639 : memref<100000x64xf32, #tpu.memory_space<hbm>>) target(%arg16 : memref<128x64xf32, #tpu.memory_space<vmem>>) offsets(%dma_start3A_636 : memref<128xi32, #tpu.memory_space<vmem>>) semaphore(%arg19 : memref<!tpu.dma_semaphore, #tpu.memory_space<semaphore_mem>>) {add = true}
    %dma_start3A_640 = arith.constant 3 : i32
    %dma_start3A_641 = arith.constant 384 : i32
    %dma_start3A_642 = tpu.memref_slice %arg12[%dma_start3A_640, %dma_start3A_641] : memref<5x512xi32, #tpu.memory_space<vmem>> -> memref<1x128xi32, #tpu.memory_space<vmem>>
    %dma_start3A_643 = tpu.memref_squeeze %dma_start3A_642 : memref<1x128xi32, #tpu.memory_space<vmem>> -> memref<128xi32, #tpu.memory_space<vmem>>
    %dma_start3A_644 = arith.constant 0 : i32
    %dma_start3A_645 = arith.constant 0 : i32
    %dma_start3A_646 = tpu.memref_slice %arg2[%dma_start3A_644, %dma_start3A_645] : memref<100000x64xf32, #tpu.memory_space<hbm>> -> memref<100000x64xf32, #tpu.memory_space<hbm>>
    tpu.enqueue_indirect_dma source(%dma_start3A_646 : memref<100000x64xf32, #tpu.memory_space<hbm>>) target(%arg16 : memref<128x64xf32, #tpu.memory_space<vmem>>) offsets(%dma_start3A_643 : memref<128xi32, #tpu.memory_space<vmem>>) semaphore(%arg19 : memref<!tpu.dma_semaphore, #tpu.memory_space<semaphore_mem>>) {add = true}
    %dma_start3A_647 = arith.constant 4 : i32
    %dma_start3A_648 = arith.constant 384 : i32
    %dma_start3A_649 = tpu.memref_slice %arg12[%dma_start3A_647, %dma_start3A_648] : memref<5x512xi32, #tpu.memory_space<vmem>> -> memref<1x128xi32, #tpu.memory_space<vmem>>
    %dma_start3A_650 = tpu.memref_squeeze %dma_start3A_649 : memref<1x128xi32, #tpu.memory_space<vmem>> -> memref<128xi32, #tpu.memory_space<vmem>>
    %dma_start3A_651 = arith.constant 0 : i32
    %dma_start3A_652 = arith.constant 0 : i32
    %dma_start3A_653 = tpu.memref_slice %arg2[%dma_start3A_651, %dma_start3A_652] : memref<100000x64xf32, #tpu.memory_space<hbm>> -> memref<100000x64xf32, #tpu.memory_space<hbm>>
    tpu.enqueue_indirect_dma source(%dma_start3A_653 : memref<100000x64xf32, #tpu.memory_space<hbm>>) target(%arg16 : memref<128x64xf32, #tpu.memory_space<vmem>>) offsets(%dma_start3A_650 : memref<128xi32, #tpu.memory_space<vmem>>) semaphore(%arg19 : memref<!tpu.dma_semaphore, #tpu.memory_space<semaphore_mem>>) {add = true}
    %dma_wait3A_654 = arith.constant 0 : i32
    %dma_wait3A_655 = arith.constant 256 : i32
    %dma_wait3A_656 = tpu.memref_slice %arg12[%dma_wait3A_654, %dma_wait3A_655] : memref<5x512xi32, #tpu.memory_space<vmem>> -> memref<1x128xi32, #tpu.memory_space<vmem>>
    %dma_wait3A_657 = tpu.memref_squeeze %dma_wait3A_656 : memref<1x128xi32, #tpu.memory_space<vmem>> -> memref<128xi32, #tpu.memory_space<vmem>>
    %dma_wait3A_658 = arith.constant 0 : i32
    %dma_wait3A_659 = arith.constant 0 : i32
    %dma_wait3A_660 = tpu.memref_slice %arg2[%dma_wait3A_658, %dma_wait3A_659] : memref<100000x64xf32, #tpu.memory_space<hbm>> -> memref<100000x64xf32, #tpu.memory_space<hbm>>
    tpu.wait_indirect_dma semaphore(%arg18 : memref<!tpu.dma_semaphore, #tpu.memory_space<semaphore_mem>>) src(%dma_wait3A_660 : memref<100000x64xf32, #tpu.memory_space<hbm>>) dst(%arg15 : memref<128x64xf32, #tpu.memory_space<vmem>>)
    %dma_wait3A_661 = arith.constant 1 : i32
    %dma_wait3A_662 = arith.constant 256 : i32
    %dma_wait3A_663 = tpu.memref_slice %arg12[%dma_wait3A_661, %dma_wait3A_662] : memref<5x512xi32, #tpu.memory_space<vmem>> -> memref<1x128xi32, #tpu.memory_space<vmem>>
    %dma_wait3A_664 = tpu.memref_squeeze %dma_wait3A_663 : memref<1x128xi32, #tpu.memory_space<vmem>> -> memref<128xi32, #tpu.memory_space<vmem>>
    %dma_wait3A_665 = arith.constant 0 : i32
    %dma_wait3A_666 = arith.constant 0 : i32
    %dma_wait3A_667 = tpu.memref_slice %arg2[%dma_wait3A_665, %dma_wait3A_666] : memref<100000x64xf32, #tpu.memory_space<hbm>> -> memref<100000x64xf32, #tpu.memory_space<hbm>>
    tpu.wait_indirect_dma semaphore(%arg18 : memref<!tpu.dma_semaphore, #tpu.memory_space<semaphore_mem>>) src(%dma_wait3A_667 : memref<100000x64xf32, #tpu.memory_space<hbm>>) dst(%arg15 : memref<128x64xf32, #tpu.memory_space<vmem>>)
    %dma_wait3A_668 = arith.constant 2 : i32
    %dma_wait3A_669 = arith.constant 256 : i32
    %dma_wait3A_670 = tpu.memref_slice %arg12[%dma_wait3A_668, %dma_wait3A_669] : memref<5x512xi32, #tpu.memory_space<vmem>> -> memref<1x128xi32, #tpu.memory_space<vmem>>
    %dma_wait3A_671 = tpu.memref_squeeze %dma_wait3A_670 : memref<1x128xi32, #tpu.memory_space<vmem>> -> memref<128xi32, #tpu.memory_space<vmem>>
    %dma_wait3A_672 = arith.constant 0 : i32
    %dma_wait3A_673 = arith.constant 0 : i32
    %dma_wait3A_674 = tpu.memref_slice %arg2[%dma_wait3A_672, %dma_wait3A_673] : memref<100000x64xf32, #tpu.memory_space<hbm>> -> memref<100000x64xf32, #tpu.memory_space<hbm>>
    tpu.wait_indirect_dma semaphore(%arg18 : memref<!tpu.dma_semaphore, #tpu.memory_space<semaphore_mem>>) src(%dma_wait3A_674 : memref<100000x64xf32, #tpu.memory_space<hbm>>) dst(%arg15 : memref<128x64xf32, #tpu.memory_space<vmem>>)
    %dma_wait3A_675 = arith.constant 3 : i32
    %dma_wait3A_676 = arith.constant 256 : i32
    %dma_wait3A_677 = tpu.memref_slice %arg12[%dma_wait3A_675, %dma_wait3A_676] : memref<5x512xi32, #tpu.memory_space<vmem>> -> memref<1x128xi32, #tpu.memory_space<vmem>>
    %dma_wait3A_678 = tpu.memref_squeeze %dma_wait3A_677 : memref<1x128xi32, #tpu.memory_space<vmem>> -> memref<128xi32, #tpu.memory_space<vmem>>
    %dma_wait3A_679 = arith.constant 0 : i32
    %dma_wait3A_680 = arith.constant 0 : i32
    %dma_wait3A_681 = tpu.memref_slice %arg2[%dma_wait3A_679, %dma_wait3A_680] : memref<100000x64xf32, #tpu.memory_space<hbm>> -> memref<100000x64xf32, #tpu.memory_space<hbm>>
    tpu.wait_indirect_dma semaphore(%arg18 : memref<!tpu.dma_semaphore, #tpu.memory_space<semaphore_mem>>) src(%dma_wait3A_681 : memref<100000x64xf32, #tpu.memory_space<hbm>>) dst(%arg15 : memref<128x64xf32, #tpu.memory_space<vmem>>)
    %dma_wait3A_682 = arith.constant 4 : i32
    %dma_wait3A_683 = arith.constant 256 : i32
    %dma_wait3A_684 = tpu.memref_slice %arg12[%dma_wait3A_682, %dma_wait3A_683] : memref<5x512xi32, #tpu.memory_space<vmem>> -> memref<1x128xi32, #tpu.memory_space<vmem>>
    %dma_wait3A_685 = tpu.memref_squeeze %dma_wait3A_684 : memref<1x128xi32, #tpu.memory_space<vmem>> -> memref<128xi32, #tpu.memory_space<vmem>>
    %dma_wait3A_686 = arith.constant 0 : i32
    %dma_wait3A_687 = arith.constant 0 : i32
    %dma_wait3A_688 = tpu.memref_slice %arg2[%dma_wait3A_686, %dma_wait3A_687] : memref<100000x64xf32, #tpu.memory_space<hbm>> -> memref<100000x64xf32, #tpu.memory_space<hbm>>
    tpu.wait_indirect_dma semaphore(%arg18 : memref<!tpu.dma_semaphore, #tpu.memory_space<semaphore_mem>>) src(%dma_wait3A_688 : memref<100000x64xf32, #tpu.memory_space<hbm>>) dst(%arg15 : memref<128x64xf32, #tpu.memory_space<vmem>>)
    %dma_wait3A_689 = arith.constant 0 : i32
    %dma_wait3A_690 = tpu.memref_slice %arg9[%add3A_614, %dma_wait3A_689] : memref<16384x128xf32, #tpu.memory_space<hbm>> -> memref<128x80xf32, #tpu.memory_space<hbm>>
    %dma_wait3A_691 = arith.constant 0 : i32
    %dma_wait3A_692 = tpu.memref_slice %arg9[%add3A_614, %dma_wait3A_691] : memref<16384x128xf32, #tpu.memory_space<hbm>> -> memref<128x80xf32, #tpu.memory_space<hbm>>
    tpu.wait_dma2 semaphore(%arg20 : memref<!tpu.dma_semaphore, #tpu.memory_space<semaphore_mem>>) src(%arg17 : memref<128x80xf32, #tpu.memory_space<vmem>>) dst(%dma_wait3A_692 : memref<128x80xf32, #tpu.memory_space<hbm>>)
    %scan3A_693 = arith.constant 0 : i32
    %scan3A_694 = arith.constant 0 : i32
    %scan3A_695 = arith.constant 128 : i32
    %scan3A_696 = arith.addi %scan3A_694, %scan3A_695 : i32
    %scan3A_697 = arith.constant 1 : i32
    scf.for %scan3A_760 = %scan3A_694 to %scan3A_696 step %scan3A_697  : i32 {
      %get3A = arith.index_cast %scan3A_760 : i32 to index
      %get3A_761 = arith.constant 0 : index
      %get3A_762 = tpu.vector_load %arg15[%get3A, %get3A_761] {strides = array<i32>} : memref<128x64xf32, #tpu.memory_space<vmem>>, vector<1x16xf32>,
      %get3A_763 = vector.shape_cast %get3A_762 : vector<1x16xf32> to vector<16xf32>
      %swap3A = arith.index_cast %scan3A_760 : i32 to index
      %swap3A_764 = arith.constant 0 : index
      %swap3A_765 = tpu.vector_load %arg17[%swap3A, %swap3A_764] {strides = array<i32>} : memref<128x80xf32, #tpu.memory_space<vmem>>, vector<1x16xf32>,
      %swap3A_766 = vector.shape_cast %swap3A_765 : vector<1x16xf32> to vector<16xf32>
      %swap3A_767 = vector.shape_cast %get3A_763 : vector<16xf32> to vector<1x16xf32>
      tpu.vector_store %arg17[%swap3A, %swap3A_764], %swap3A_767 {strides = array<i32>} : memref<128x80xf32, #tpu.memory_space<vmem>>, vector<1x16xf32>,
      %swap3A_768 = arith.index_cast %scan3A_760 : i32 to index
      %swap3A_769 = arith.constant 0 : index
      %swap3A_770 = tpu.vector_load %arg15[%swap3A_768, %swap3A_769] {strides = array<i32>} : memref<128x64xf32, #tpu.memory_space<vmem>>, vector<1x16xf32>,
      %swap3A_771 = vector.shape_cast %swap3A_770 : vector<1x16xf32> to vector<16xf32>
      %swap3A_772 = vector.shape_cast %broadcast_in_dim3A_62 : vector<16xf32> to vector<1x16xf32>
      tpu.vector_store %arg15[%swap3A_768, %swap3A_769], %swap3A_772 {strides = array<i32>} : memref<128x64xf32, #tpu.memory_space<vmem>>, vector<1x16xf32>,
      %get3A_773 = arith.index_cast %scan3A_760 : i32 to index
      %get3A_774 = arith.constant 16 : index
      %get3A_775 = tpu.vector_load %arg15[%get3A_773, %get3A_774] {strides = array<i32>} : memref<128x64xf32, #tpu.memory_space<vmem>>, vector<1x16xf32>,
      %get3A_776 = vector.shape_cast %get3A_775 : vector<1x16xf32> to vector<16xf32>
      %swap3A_777 = arith.index_cast %scan3A_760 : i32 to index
      %swap3A_778 = arith.constant 16 : index
      %swap3A_779 = tpu.vector_load %arg17[%swap3A_777, %swap3A_778] {strides = array<i32>} : memref<128x80xf32, #tpu.memory_space<vmem>>, vector<1x16xf32>,
      %swap3A_780 = vector.shape_cast %swap3A_779 : vector<1x16xf32> to vector<16xf32>
      %swap3A_781 = vector.shape_cast %get3A_776 : vector<16xf32> to vector<1x16xf32>
      tpu.vector_store %arg17[%swap3A_777, %swap3A_778], %swap3A_781 {strides = array<i32>} : memref<128x80xf32, #tpu.memory_space<vmem>>, vector<1x16xf32>,
      %swap3A_782 = arith.index_cast %scan3A_760 : i32 to index
      %swap3A_783 = arith.constant 16 : index
      %swap3A_784 = tpu.vector_load %arg15[%swap3A_782, %swap3A_783] {strides = array<i32>} : memref<128x64xf32, #tpu.memory_space<vmem>>, vector<1x16xf32>,
      %swap3A_785 = vector.shape_cast %swap3A_784 : vector<1x16xf32> to vector<16xf32>
      %swap3A_786 = vector.shape_cast %broadcast_in_dim3A_62 : vector<16xf32> to vector<1x16xf32>
      tpu.vector_store %arg15[%swap3A_782, %swap3A_783], %swap3A_786 {strides = array<i32>} : memref<128x64xf32, #tpu.memory_space<vmem>>, vector<1x16xf32>,
      %get3A_787 = arith.index_cast %scan3A_760 : i32 to index
      %get3A_788 = arith.constant 32 : index
      %get3A_789 = tpu.vector_load %arg15[%get3A_787, %get3A_788] {strides = array<i32>} : memref<128x64xf32, #tpu.memory_space<vmem>>, vector<1x16xf32>,
      %get3A_790 = vector.shape_cast %get3A_789 : vector<1x16xf32> to vector<16xf32>
      %swap3A_791 = arith.index_cast %scan3A_760 : i32 to index
      %swap3A_792 = arith.constant 32 : index
      %swap3A_793 = tpu.vector_load %arg17[%swap3A_791, %swap3A_792] {strides = array<i32>} : memref<128x80xf32, #tpu.memory_space<vmem>>, vector<1x16xf32>,
      %swap3A_794 = vector.shape_cast %swap3A_793 : vector<1x16xf32> to vector<16xf32>
      %swap3A_795 = vector.shape_cast %get3A_790 : vector<16xf32> to vector<1x16xf32>
      tpu.vector_store %arg17[%swap3A_791, %swap3A_792], %swap3A_795 {strides = array<i32>} : memref<128x80xf32, #tpu.memory_space<vmem>>, vector<1x16xf32>,
      %swap3A_796 = arith.index_cast %scan3A_760 : i32 to index
      %swap3A_797 = arith.constant 32 : index
      %swap3A_798 = tpu.vector_load %arg15[%swap3A_796, %swap3A_797] {strides = array<i32>} : memref<128x64xf32, #tpu.memory_space<vmem>>, vector<1x16xf32>,
      %swap3A_799 = vector.shape_cast %swap3A_798 : vector<1x16xf32> to vector<16xf32>
      %swap3A_800 = vector.shape_cast %broadcast_in_dim3A_62 : vector<16xf32> to vector<1x16xf32>
      tpu.vector_store %arg15[%swap3A_796, %swap3A_797], %swap3A_800 {strides = array<i32>} : memref<128x64xf32, #tpu.memory_space<vmem>>, vector<1x16xf32>,
      %get3A_801 = arith.index_cast %scan3A_760 : i32 to index
      %get3A_802 = arith.constant 48 : index
      %get3A_803 = tpu.vector_load %arg15[%get3A_801, %get3A_802] {strides = array<i32>} : memref<128x64xf32, #tpu.memory_space<vmem>>, vector<1x16xf32>,
      %get3A_804 = vector.shape_cast %get3A_803 : vector<1x16xf32> to vector<16xf32>
      %swap3A_805 = arith.index_cast %scan3A_760 : i32 to index
      %swap3A_806 = arith.constant 48 : index
      %swap3A_807 = tpu.vector_load %arg17[%swap3A_805, %swap3A_806] {strides = array<i32>} : memref<128x80xf32, #tpu.memory_space<vmem>>, vector<1x16xf32>,
      %swap3A_808 = vector.shape_cast %swap3A_807 : vector<1x16xf32> to vector<16xf32>
      %swap3A_809 = vector.shape_cast %get3A_804 : vector<16xf32> to vector<1x16xf32>
      tpu.vector_store %arg17[%swap3A_805, %swap3A_806], %swap3A_809 {strides = array<i32>} : memref<128x80xf32, #tpu.memory_space<vmem>>, vector<1x16xf32>,
      %swap3A_810 = arith.index_cast %scan3A_760 : i32 to index
      %swap3A_811 = arith.constant 48 : index
      %swap3A_812 = tpu.vector_load %arg15[%swap3A_810, %swap3A_811] {strides = array<i32>} : memref<128x64xf32, #tpu.memory_space<vmem>>, vector<1x16xf32>,
      %swap3A_813 = vector.shape_cast %swap3A_812 : vector<1x16xf32> to vector<16xf32>
      %swap3A_814 = vector.shape_cast %broadcast_in_dim3A_62 : vector<16xf32> to vector<1x16xf32>
      tpu.vector_store %arg15[%swap3A_810, %swap3A_811], %swap3A_814 {strides = array<i32>} : memref<128x64xf32, #tpu.memory_space<vmem>>, vector<1x16xf32>,
      %add3A_815 = arith.constant 256 : i32
      %add3A_816 = arith.addi %add3A_815, %scan3A_760 : i32
      %get3A_817 = arith.constant 0 : i32
      %get3A_818 = arith.index_cast %get3A_817 : i32 to index
      %get3A_819 = arith.index_cast %add3A_816 : i32 to index
      %get3A_820 = tpu.vector_load %arg13[%get3A_818, %get3A_819] {strides = array<i32>} : memref<5x512xi32, #tpu.memory_space<vmem>>, vector<1x1xi32>,
      %get3A_821 = vector.shape_cast %get3A_820 : vector<1x1xi32> to vector<1xi32>
      %squeeze3A = vector.extract %get3A_821[0] : i32 from vector<1xi32>
      %get3A_822 = arith.index_cast %squeeze3A : i32 to index
      %get3A_823 = arith.constant 0 : index
      %get3A_824 = tpu.vector_load %arg14[%get3A_822, %get3A_823] {strides = array<i32>} : memref<1000x16xf32, #tpu.memory_space<vmem>>, vector<1x16xf32>,
      %get3A_825 = vector.shape_cast %get3A_824 : vector<1x16xf32> to vector<16xf32>
      %add3A_826 = arith.constant 256 : i32
      %add3A_827 = arith.addi %add3A_826, %scan3A_760 : i32
      %get3A_828 = arith.constant 1 : i32
      %get3A_829 = arith.index_cast %get3A_828 : i32 to index
      %get3A_830 = arith.index_cast %add3A_827 : i32 to index
      %get3A_831 = tpu.vector_load %arg13[%get3A_829, %get3A_830] {strides = array<i32>} : memref<5x512xi32, #tpu.memory_space<vmem>>, vector<1x1xi32>,
      %get3A_832 = vector.shape_cast %get3A_831 : vector<1x1xi32> to vector<1xi32>
      %squeeze3A_833 = vector.extract %get3A_832[0] : i32 from vector<1xi32>
      %get3A_834 = arith.index_cast %squeeze3A_833 : i32 to index
      %get3A_835 = arith.constant 0 : index
      %get3A_836 = tpu.vector_load %arg14[%get3A_834, %get3A_835] {strides = array<i32>} : memref<1000x16xf32, #tpu.memory_space<vmem>>, vector<1x16xf32>,
      %get3A_837 = vector.shape_cast %get3A_836 : vector<1x16xf32> to vector<16xf32>
      %add3A_838 = arith.addf %get3A_825, %get3A_837 : vector<16xf32>
      %add3A_839 = arith.constant 256 : i32
      %add3A_840 = arith.addi %add3A_839, %scan3A_760 : i32
      %get3A_841 = arith.constant 2 : i32
      %get3A_842 = arith.index_cast %get3A_841 : i32 to index
      %get3A_843 = arith.index_cast %add3A_840 : i32 to index
      %get3A_844 = tpu.vector_load %arg13[%get3A_842, %get3A_843] {strides = array<i32>} : memref<5x512xi32, #tpu.memory_space<vmem>>, vector<1x1xi32>,
      %get3A_845 = vector.shape_cast %get3A_844 : vector<1x1xi32> to vector<1xi32>
      %squeeze3A_846 = vector.extract %get3A_845[0] : i32 from vector<1xi32>
      %get3A_847 = arith.index_cast %squeeze3A_846 : i32 to index
      %get3A_848 = arith.constant 0 : index
      %get3A_849 = tpu.vector_load %arg14[%get3A_847, %get3A_848] {strides = array<i32>} : memref<1000x16xf32, #tpu.memory_space<vmem>>, vector<1x16xf32>,
      %get3A_850 = vector.shape_cast %get3A_849 : vector<1x16xf32> to vector<16xf32>
      %add3A_851 = arith.addf %add3A_838, %get3A_850 : vector<16xf32>
      %add3A_852 = arith.constant 256 : i32
      %add3A_853 = arith.addi %add3A_852, %scan3A_760 : i32
      %get3A_854 = arith.constant 3 : i32
      %get3A_855 = arith.index_cast %get3A_854 : i32 to index
      %get3A_856 = arith.index_cast %add3A_853 : i32 to index
      %get3A_857 = tpu.vector_load %arg13[%get3A_855, %get3A_856] {strides = array<i32>} : memref<5x512xi32, #tpu.memory_space<vmem>>, vector<1x1xi32>,
      %get3A_858 = vector.shape_cast %get3A_857 : vector<1x1xi32> to vector<1xi32>
      %squeeze3A_859 = vector.extract %get3A_858[0] : i32 from vector<1xi32>
      %get3A_860 = arith.index_cast %squeeze3A_859 : i32 to index
      %get3A_861 = arith.constant 0 : index
      %get3A_862 = tpu.vector_load %arg14[%get3A_860, %get3A_861] {strides = array<i32>} : memref<1000x16xf32, #tpu.memory_space<vmem>>, vector<1x16xf32>,
      %get3A_863 = vector.shape_cast %get3A_862 : vector<1x16xf32> to vector<16xf32>
      %add3A_864 = arith.addf %add3A_851, %get3A_863 : vector<16xf32>
      %add3A_865 = arith.constant 256 : i32
      %add3A_866 = arith.addi %add3A_865, %scan3A_760 : i32
      %get3A_867 = arith.constant 4 : i32
      %get3A_868 = arith.index_cast %get3A_867 : i32 to index
      %get3A_869 = arith.index_cast %add3A_866 : i32 to index
      %get3A_870 = tpu.vector_load %arg13[%get3A_868, %get3A_869] {strides = array<i32>} : memref<5x512xi32, #tpu.memory_space<vmem>>, vector<1x1xi32>,
      %get3A_871 = vector.shape_cast %get3A_870 : vector<1x1xi32> to vector<1xi32>
      %squeeze3A_872 = vector.extract %get3A_871[0] : i32 from vector<1xi32>
      %get3A_873 = arith.index_cast %squeeze3A_872 : i32 to index
      %get3A_874 = arith.constant 0 : index
      %get3A_875 = tpu.vector_load %arg14[%get3A_873, %get3A_874] {strides = array<i32>} : memref<1000x16xf32, #tpu.memory_space<vmem>>, vector<1x16xf32>,
      %get3A_876 = vector.shape_cast %get3A_875 : vector<1x16xf32> to vector<16xf32>
      %add3A_877 = arith.addf %add3A_864, %get3A_876 : vector<16xf32>
      %swap3A_878 = arith.index_cast %scan3A_760 : i32 to index
      %swap3A_879 = arith.constant 64 : index
      %swap3A_880 = tpu.vector_load %arg17[%swap3A_878, %swap3A_879] {strides = array<i32>} : memref<128x80xf32, #tpu.memory_space<vmem>>, vector<1x16xf32>,
      %swap3A_881 = vector.shape_cast %swap3A_880 : vector<1x16xf32> to vector<16xf32>
      %swap3A_882 = vector.shape_cast %add3A_877 : vector<16xf32> to vector<1x16xf32>
      tpu.vector_store %arg17[%swap3A_878, %swap3A_879], %swap3A_882 {strides = array<i32>} : memref<128x80xf32, #tpu.memory_space<vmem>>, vector<1x16xf32>,
    }
    %scan3A_698 = arith.constant 128 : i32
    %add3A_699 = arith.constant 256 : i32
    %add3A_700 = arith.addi %mul3A_2, %add3A_699 : i32
    %dma_start3A_701 = arith.constant 0 : i32
    %dma_start3A_702 = tpu.memref_slice %arg9[%add3A_700, %dma_start3A_701] : memref<16384x128xf32, #tpu.memory_space<hbm>> -> memref<128x80xf32, #tpu.memory_space<hbm>>
    %dma_start3A_703 = arith.constant 0 : i32
    %dma_start3A_704 = tpu.memref_slice %arg9[%add3A_700, %dma_start3A_703] : memref<16384x128xf32, #tpu.memory_space<hbm>> -> memref<128x80xf32, #tpu.memory_space<hbm>>
    tpu.enqueue_dma source(%arg17 : memref<128x80xf32, #tpu.memory_space<vmem>>) target(%dma_start3A_704 : memref<128x80xf32, #tpu.memory_space<hbm>>) target_semaphore(%arg20 : memref<!tpu.dma_semaphore, #tpu.memory_space<semaphore_mem>>)
    %dma_wait3A_705 = arith.constant 0 : i32
    %dma_wait3A_706 = arith.constant 384 : i32
    %dma_wait3A_707 = tpu.memref_slice %arg12[%dma_wait3A_705, %dma_wait3A_706] : memref<5x512xi32, #tpu.memory_space<vmem>> -> memref<1x128xi32, #tpu.memory_space<vmem>>
    %dma_wait3A_708 = tpu.memref_squeeze %dma_wait3A_707 : memref<1x128xi32, #tpu.memory_space<vmem>> -> memref<128xi32, #tpu.memory_space<vmem>>
    %dma_wait3A_709 = arith.constant 0 : i32
    %dma_wait3A_710 = arith.constant 0 : i32
    %dma_wait3A_711 = tpu.memref_slice %arg2[%dma_wait3A_709, %dma_wait3A_710] : memref<100000x64xf32, #tpu.memory_space<hbm>> -> memref<100000x64xf32, #tpu.memory_space<hbm>>
    tpu.wait_indirect_dma semaphore(%arg19 : memref<!tpu.dma_semaphore, #tpu.memory_space<semaphore_mem>>) src(%dma_wait3A_711 : memref<100000x64xf32, #tpu.memory_space<hbm>>) dst(%arg16 : memref<128x64xf32, #tpu.memory_space<vmem>>)
    %dma_wait3A_712 = arith.constant 1 : i32
    %dma_wait3A_713 = arith.constant 384 : i32
    %dma_wait3A_714 = tpu.memref_slice %arg12[%dma_wait3A_712, %dma_wait3A_713] : memref<5x512xi32, #tpu.memory_space<vmem>> -> memref<1x128xi32, #tpu.memory_space<vmem>>
    %dma_wait3A_715 = tpu.memref_squeeze %dma_wait3A_714 : memref<1x128xi32, #tpu.memory_space<vmem>> -> memref<128xi32, #tpu.memory_space<vmem>>
    %dma_wait3A_716 = arith.constant 0 : i32
    %dma_wait3A_717 = arith.constant 0 : i32
    %dma_wait3A_718 = tpu.memref_slice %arg2[%dma_wait3A_716, %dma_wait3A_717] : memref<100000x64xf32, #tpu.memory_space<hbm>> -> memref<100000x64xf32, #tpu.memory_space<hbm>>
    tpu.wait_indirect_dma semaphore(%arg19 : memref<!tpu.dma_semaphore, #tpu.memory_space<semaphore_mem>>) src(%dma_wait3A_718 : memref<100000x64xf32, #tpu.memory_space<hbm>>) dst(%arg16 : memref<128x64xf32, #tpu.memory_space<vmem>>)
    %dma_wait3A_719 = arith.constant 2 : i32
    %dma_wait3A_720 = arith.constant 384 : i32
    %dma_wait3A_721 = tpu.memref_slice %arg12[%dma_wait3A_719, %dma_wait3A_720] : memref<5x512xi32, #tpu.memory_space<vmem>> -> memref<1x128xi32, #tpu.memory_space<vmem>>
    %dma_wait3A_722 = tpu.memref_squeeze %dma_wait3A_721 : memref<1x128xi32, #tpu.memory_space<vmem>> -> memref<128xi32, #tpu.memory_space<vmem>>
    %dma_wait3A_723 = arith.constant 0 : i32
    %dma_wait3A_724 = arith.constant 0 : i32
    %dma_wait3A_725 = tpu.memref_slice %arg2[%dma_wait3A_723, %dma_wait3A_724] : memref<100000x64xf32, #tpu.memory_space<hbm>> -> memref<100000x64xf32, #tpu.memory_space<hbm>>
    tpu.wait_indirect_dma semaphore(%arg19 : memref<!tpu.dma_semaphore, #tpu.memory_space<semaphore_mem>>) src(%dma_wait3A_725 : memref<100000x64xf32, #tpu.memory_space<hbm>>) dst(%arg16 : memref<128x64xf32, #tpu.memory_space<vmem>>)
    %dma_wait3A_726 = arith.constant 3 : i32
    %dma_wait3A_727 = arith.constant 384 : i32
    %dma_wait3A_728 = tpu.memref_slice %arg12[%dma_wait3A_726, %dma_wait3A_727] : memref<5x512xi32, #tpu.memory_space<vmem>> -> memref<1x128xi32, #tpu.memory_space<vmem>>
    %dma_wait3A_729 = tpu.memref_squeeze %dma_wait3A_728 : memref<1x128xi32, #tpu.memory_space<vmem>> -> memref<128xi32, #tpu.memory_space<vmem>>
    %dma_wait3A_730 = arith.constant 0 : i32
    %dma_wait3A_731 = arith.constant 0 : i32
    %dma_wait3A_732 = tpu.memref_slice %arg2[%dma_wait3A_730, %dma_wait3A_731] : memref<100000x64xf32, #tpu.memory_space<hbm>> -> memref<100000x64xf32, #tpu.memory_space<hbm>>
    tpu.wait_indirect_dma semaphore(%arg19 : memref<!tpu.dma_semaphore, #tpu.memory_space<semaphore_mem>>) src(%dma_wait3A_732 : memref<100000x64xf32, #tpu.memory_space<hbm>>) dst(%arg16 : memref<128x64xf32, #tpu.memory_space<vmem>>)
    %dma_wait3A_733 = arith.constant 4 : i32
    %dma_wait3A_734 = arith.constant 384 : i32
    %dma_wait3A_735 = tpu.memref_slice %arg12[%dma_wait3A_733, %dma_wait3A_734] : memref<5x512xi32, #tpu.memory_space<vmem>> -> memref<1x128xi32, #tpu.memory_space<vmem>>
    %dma_wait3A_736 = tpu.memref_squeeze %dma_wait3A_735 : memref<1x128xi32, #tpu.memory_space<vmem>> -> memref<128xi32, #tpu.memory_space<vmem>>
    %dma_wait3A_737 = arith.constant 0 : i32
    %dma_wait3A_738 = arith.constant 0 : i32
    %dma_wait3A_739 = tpu.memref_slice %arg2[%dma_wait3A_737, %dma_wait3A_738] : memref<100000x64xf32, #tpu.memory_space<hbm>> -> memref<100000x64xf32, #tpu.memory_space<hbm>>
    tpu.wait_indirect_dma semaphore(%arg19 : memref<!tpu.dma_semaphore, #tpu.memory_space<semaphore_mem>>) src(%dma_wait3A_739 : memref<100000x64xf32, #tpu.memory_space<hbm>>) dst(%arg16 : memref<128x64xf32, #tpu.memory_space<vmem>>)
    %dma_wait3A_740 = arith.constant 0 : i32
    %dma_wait3A_741 = tpu.memref_slice %arg9[%add3A_700, %dma_wait3A_740] : memref<16384x128xf32, #tpu.memory_space<hbm>> -> memref<128x80xf32, #tpu.memory_space<hbm>>
    %dma_wait3A_742 = arith.constant 0 : i32
    %dma_wait3A_743 = tpu.memref_slice %arg9[%add3A_700, %dma_wait3A_742] : memref<16384x128xf32, #tpu.memory_space<hbm>> -> memref<128x80xf32, #tpu.memory_space<hbm>>
    tpu.wait_dma2 semaphore(%arg20 : memref<!tpu.dma_semaphore, #tpu.memory_space<semaphore_mem>>) src(%arg17 : memref<128x80xf32, #tpu.memory_space<vmem>>) dst(%dma_wait3A_743 : memref<128x80xf32, #tpu.memory_space<hbm>>)
    %scan3A_744 = arith.constant 0 : i32
    %scan3A_745 = arith.constant 0 : i32
    %scan3A_746 = arith.constant 128 : i32
    %scan3A_747 = arith.addi %scan3A_745, %scan3A_746 : i32
    %scan3A_748 = arith.constant 1 : i32
    scf.for %scan3A_760 = %scan3A_745 to %scan3A_747 step %scan3A_748  : i32 {
      %get3A = arith.index_cast %scan3A_760 : i32 to index
      %get3A_761 = arith.constant 0 : index
      %get3A_762 = tpu.vector_load %arg16[%get3A, %get3A_761] {strides = array<i32>} : memref<128x64xf32, #tpu.memory_space<vmem>>, vector<1x16xf32>,
      %get3A_763 = vector.shape_cast %get3A_762 : vector<1x16xf32> to vector<16xf32>
      %swap3A = arith.index_cast %scan3A_760 : i32 to index
      %swap3A_764 = arith.constant 0 : index
      %swap3A_765 = tpu.vector_load %arg17[%swap3A, %swap3A_764] {strides = array<i32>} : memref<128x80xf32, #tpu.memory_space<vmem>>, vector<1x16xf32>,
      %swap3A_766 = vector.shape_cast %swap3A_765 : vector<1x16xf32> to vector<16xf32>
      %swap3A_767 = vector.shape_cast %get3A_763 : vector<16xf32> to vector<1x16xf32>
      tpu.vector_store %arg17[%swap3A, %swap3A_764], %swap3A_767 {strides = array<i32>} : memref<128x80xf32, #tpu.memory_space<vmem>>, vector<1x16xf32>,
      %swap3A_768 = arith.index_cast %scan3A_760 : i32 to index
      %swap3A_769 = arith.constant 0 : index
      %swap3A_770 = tpu.vector_load %arg16[%swap3A_768, %swap3A_769] {strides = array<i32>} : memref<128x64xf32, #tpu.memory_space<vmem>>, vector<1x16xf32>,
      %swap3A_771 = vector.shape_cast %swap3A_770 : vector<1x16xf32> to vector<16xf32>
      %swap3A_772 = vector.shape_cast %broadcast_in_dim3A_62 : vector<16xf32> to vector<1x16xf32>
      tpu.vector_store %arg16[%swap3A_768, %swap3A_769], %swap3A_772 {strides = array<i32>} : memref<128x64xf32, #tpu.memory_space<vmem>>, vector<1x16xf32>,
      %get3A_773 = arith.index_cast %scan3A_760 : i32 to index
      %get3A_774 = arith.constant 16 : index
      %get3A_775 = tpu.vector_load %arg16[%get3A_773, %get3A_774] {strides = array<i32>} : memref<128x64xf32, #tpu.memory_space<vmem>>, vector<1x16xf32>,
      %get3A_776 = vector.shape_cast %get3A_775 : vector<1x16xf32> to vector<16xf32>
      %swap3A_777 = arith.index_cast %scan3A_760 : i32 to index
      %swap3A_778 = arith.constant 16 : index
      %swap3A_779 = tpu.vector_load %arg17[%swap3A_777, %swap3A_778] {strides = array<i32>} : memref<128x80xf32, #tpu.memory_space<vmem>>, vector<1x16xf32>,
      %swap3A_780 = vector.shape_cast %swap3A_779 : vector<1x16xf32> to vector<16xf32>
      %swap3A_781 = vector.shape_cast %get3A_776 : vector<16xf32> to vector<1x16xf32>
      tpu.vector_store %arg17[%swap3A_777, %swap3A_778], %swap3A_781 {strides = array<i32>} : memref<128x80xf32, #tpu.memory_space<vmem>>, vector<1x16xf32>,
      %swap3A_782 = arith.index_cast %scan3A_760 : i32 to index
      %swap3A_783 = arith.constant 16 : index
      %swap3A_784 = tpu.vector_load %arg16[%swap3A_782, %swap3A_783] {strides = array<i32>} : memref<128x64xf32, #tpu.memory_space<vmem>>, vector<1x16xf32>,
      %swap3A_785 = vector.shape_cast %swap3A_784 : vector<1x16xf32> to vector<16xf32>
      %swap3A_786 = vector.shape_cast %broadcast_in_dim3A_62 : vector<16xf32> to vector<1x16xf32>
      tpu.vector_store %arg16[%swap3A_782, %swap3A_783], %swap3A_786 {strides = array<i32>} : memref<128x64xf32, #tpu.memory_space<vmem>>, vector<1x16xf32>,
      %get3A_787 = arith.index_cast %scan3A_760 : i32 to index
      %get3A_788 = arith.constant 32 : index
      %get3A_789 = tpu.vector_load %arg16[%get3A_787, %get3A_788] {strides = array<i32>} : memref<128x64xf32, #tpu.memory_space<vmem>>, vector<1x16xf32>,
      %get3A_790 = vector.shape_cast %get3A_789 : vector<1x16xf32> to vector<16xf32>
      %swap3A_791 = arith.index_cast %scan3A_760 : i32 to index
      %swap3A_792 = arith.constant 32 : index
      %swap3A_793 = tpu.vector_load %arg17[%swap3A_791, %swap3A_792] {strides = array<i32>} : memref<128x80xf32, #tpu.memory_space<vmem>>, vector<1x16xf32>,
      %swap3A_794 = vector.shape_cast %swap3A_793 : vector<1x16xf32> to vector<16xf32>
      %swap3A_795 = vector.shape_cast %get3A_790 : vector<16xf32> to vector<1x16xf32>
      tpu.vector_store %arg17[%swap3A_791, %swap3A_792], %swap3A_795 {strides = array<i32>} : memref<128x80xf32, #tpu.memory_space<vmem>>, vector<1x16xf32>,
      %swap3A_796 = arith.index_cast %scan3A_760 : i32 to index
      %swap3A_797 = arith.constant 32 : index
      %swap3A_798 = tpu.vector_load %arg16[%swap3A_796, %swap3A_797] {strides = array<i32>} : memref<128x64xf32, #tpu.memory_space<vmem>>, vector<1x16xf32>,
      %swap3A_799 = vector.shape_cast %swap3A_798 : vector<1x16xf32> to vector<16xf32>
      %swap3A_800 = vector.shape_cast %broadcast_in_dim3A_62 : vector<16xf32> to vector<1x16xf32>
      tpu.vector_store %arg16[%swap3A_796, %swap3A_797], %swap3A_800 {strides = array<i32>} : memref<128x64xf32, #tpu.memory_space<vmem>>, vector<1x16xf32>,
      %get3A_801 = arith.index_cast %scan3A_760 : i32 to index
      %get3A_802 = arith.constant 48 : index
      %get3A_803 = tpu.vector_load %arg16[%get3A_801, %get3A_802] {strides = array<i32>} : memref<128x64xf32, #tpu.memory_space<vmem>>, vector<1x16xf32>,
      %get3A_804 = vector.shape_cast %get3A_803 : vector<1x16xf32> to vector<16xf32>
      %swap3A_805 = arith.index_cast %scan3A_760 : i32 to index
      %swap3A_806 = arith.constant 48 : index
      %swap3A_807 = tpu.vector_load %arg17[%swap3A_805, %swap3A_806] {strides = array<i32>} : memref<128x80xf32, #tpu.memory_space<vmem>>, vector<1x16xf32>,
      %swap3A_808 = vector.shape_cast %swap3A_807 : vector<1x16xf32> to vector<16xf32>
      %swap3A_809 = vector.shape_cast %get3A_804 : vector<16xf32> to vector<1x16xf32>
      tpu.vector_store %arg17[%swap3A_805, %swap3A_806], %swap3A_809 {strides = array<i32>} : memref<128x80xf32, #tpu.memory_space<vmem>>, vector<1x16xf32>,
      %swap3A_810 = arith.index_cast %scan3A_760 : i32 to index
      %swap3A_811 = arith.constant 48 : index
      %swap3A_812 = tpu.vector_load %arg16[%swap3A_810, %swap3A_811] {strides = array<i32>} : memref<128x64xf32, #tpu.memory_space<vmem>>, vector<1x16xf32>,
      %swap3A_813 = vector.shape_cast %swap3A_812 : vector<1x16xf32> to vector<16xf32>
      %swap3A_814 = vector.shape_cast %broadcast_in_dim3A_62 : vector<16xf32> to vector<1x16xf32>
      tpu.vector_store %arg16[%swap3A_810, %swap3A_811], %swap3A_814 {strides = array<i32>} : memref<128x64xf32, #tpu.memory_space<vmem>>, vector<1x16xf32>,
      %add3A_815 = arith.constant 384 : i32
      %add3A_816 = arith.addi %add3A_815, %scan3A_760 : i32
      %get3A_817 = arith.constant 0 : i32
      %get3A_818 = arith.index_cast %get3A_817 : i32 to index
      %get3A_819 = arith.index_cast %add3A_816 : i32 to index
      %get3A_820 = tpu.vector_load %arg13[%get3A_818, %get3A_819] {strides = array<i32>} : memref<5x512xi32, #tpu.memory_space<vmem>>, vector<1x1xi32>,
      %get3A_821 = vector.shape_cast %get3A_820 : vector<1x1xi32> to vector<1xi32>
      %squeeze3A = vector.extract %get3A_821[0] : i32 from vector<1xi32>
      %get3A_822 = arith.index_cast %squeeze3A : i32 to index
      %get3A_823 = arith.constant 0 : index
      %get3A_824 = tpu.vector_load %arg14[%get3A_822, %get3A_823] {strides = array<i32>} : memref<1000x16xf32, #tpu.memory_space<vmem>>, vector<1x16xf32>,
      %get3A_825 = vector.shape_cast %get3A_824 : vector<1x16xf32> to vector<16xf32>
      %add3A_826 = arith.constant 384 : i32
      %add3A_827 = arith.addi %add3A_826, %scan3A_760 : i32
      %get3A_828 = arith.constant 1 : i32
      %get3A_829 = arith.index_cast %get3A_828 : i32 to index
      %get3A_830 = arith.index_cast %add3A_827 : i32 to index
      %get3A_831 = tpu.vector_load %arg13[%get3A_829, %get3A_830] {strides = array<i32>} : memref<5x512xi32, #tpu.memory_space<vmem>>, vector<1x1xi32>,
      %get3A_832 = vector.shape_cast %get3A_831 : vector<1x1xi32> to vector<1xi32>
      %squeeze3A_833 = vector.extract %get3A_832[0] : i32 from vector<1xi32>
      %get3A_834 = arith.index_cast %squeeze3A_833 : i32 to index
      %get3A_835 = arith.constant 0 : index
      %get3A_836 = tpu.vector_load %arg14[%get3A_834, %get3A_835] {strides = array<i32>} : memref<1000x16xf32, #tpu.memory_space<vmem>>, vector<1x16xf32>,
      %get3A_837 = vector.shape_cast %get3A_836 : vector<1x16xf32> to vector<16xf32>
      %add3A_838 = arith.addf %get3A_825, %get3A_837 : vector<16xf32>
      %add3A_839 = arith.constant 384 : i32
      %add3A_840 = arith.addi %add3A_839, %scan3A_760 : i32
      %get3A_841 = arith.constant 2 : i32
      %get3A_842 = arith.index_cast %get3A_841 : i32 to index
      %get3A_843 = arith.index_cast %add3A_840 : i32 to index
      %get3A_844 = tpu.vector_load %arg13[%get3A_842, %get3A_843] {strides = array<i32>} : memref<5x512xi32, #tpu.memory_space<vmem>>, vector<1x1xi32>,
      %get3A_845 = vector.shape_cast %get3A_844 : vector<1x1xi32> to vector<1xi32>
      %squeeze3A_846 = vector.extract %get3A_845[0] : i32 from vector<1xi32>
      %get3A_847 = arith.index_cast %squeeze3A_846 : i32 to index
      %get3A_848 = arith.constant 0 : index
      %get3A_849 = tpu.vector_load %arg14[%get3A_847, %get3A_848] {strides = array<i32>} : memref<1000x16xf32, #tpu.memory_space<vmem>>, vector<1x16xf32>,
      %get3A_850 = vector.shape_cast %get3A_849 : vector<1x16xf32> to vector<16xf32>
      %add3A_851 = arith.addf %add3A_838, %get3A_850 : vector<16xf32>
      %add3A_852 = arith.constant 384 : i32
      %add3A_853 = arith.addi %add3A_852, %scan3A_760 : i32
      %get3A_854 = arith.constant 3 : i32
      %get3A_855 = arith.index_cast %get3A_854 : i32 to index
      %get3A_856 = arith.index_cast %add3A_853 : i32 to index
      %get3A_857 = tpu.vector_load %arg13[%get3A_855, %get3A_856] {strides = array<i32>} : memref<5x512xi32, #tpu.memory_space<vmem>>, vector<1x1xi32>,
      %get3A_858 = vector.shape_cast %get3A_857 : vector<1x1xi32> to vector<1xi32>
      %squeeze3A_859 = vector.extract %get3A_858[0] : i32 from vector<1xi32>
      %get3A_860 = arith.index_cast %squeeze3A_859 : i32 to index
      %get3A_861 = arith.constant 0 : index
      %get3A_862 = tpu.vector_load %arg14[%get3A_860, %get3A_861] {strides = array<i32>} : memref<1000x16xf32, #tpu.memory_space<vmem>>, vector<1x16xf32>,
      %get3A_863 = vector.shape_cast %get3A_862 : vector<1x16xf32> to vector<16xf32>
      %add3A_864 = arith.addf %add3A_851, %get3A_863 : vector<16xf32>
      %add3A_865 = arith.constant 384 : i32
      %add3A_866 = arith.addi %add3A_865, %scan3A_760 : i32
      %get3A_867 = arith.constant 4 : i32
      %get3A_868 = arith.index_cast %get3A_867 : i32 to index
      %get3A_869 = arith.index_cast %add3A_866 : i32 to index
      %get3A_870 = tpu.vector_load %arg13[%get3A_868, %get3A_869] {strides = array<i32>} : memref<5x512xi32, #tpu.memory_space<vmem>>, vector<1x1xi32>,
      %get3A_871 = vector.shape_cast %get3A_870 : vector<1x1xi32> to vector<1xi32>
      %squeeze3A_872 = vector.extract %get3A_871[0] : i32 from vector<1xi32>
      %get3A_873 = arith.index_cast %squeeze3A_872 : i32 to index
      %get3A_874 = arith.constant 0 : index
      %get3A_875 = tpu.vector_load %arg14[%get3A_873, %get3A_874] {strides = array<i32>} : memref<1000x16xf32, #tpu.memory_space<vmem>>, vector<1x16xf32>,
      %get3A_876 = vector.shape_cast %get3A_875 : vector<1x16xf32> to vector<16xf32>
      %add3A_877 = arith.addf %add3A_864, %get3A_876 : vector<16xf32>
      %swap3A_878 = arith.index_cast %scan3A_760 : i32 to index
      %swap3A_879 = arith.constant 64 : index
      %swap3A_880 = tpu.vector_load %arg17[%swap3A_878, %swap3A_879] {strides = array<i32>} : memref<128x80xf32, #tpu.memory_space<vmem>>, vector<1x16xf32>,
      %swap3A_881 = vector.shape_cast %swap3A_880 : vector<1x16xf32> to vector<16xf32>
      %swap3A_882 = vector.shape_cast %add3A_877 : vector<16xf32> to vector<1x16xf32>
      tpu.vector_store %arg17[%swap3A_878, %swap3A_879], %swap3A_882 {strides = array<i32>} : memref<128x80xf32, #tpu.memory_space<vmem>>, vector<1x16xf32>,
    }
    %scan3A_749 = arith.constant 128 : i32
    %add3A_750 = arith.constant 384 : i32
    %add3A_751 = arith.addi %mul3A_2, %add3A_750 : i32
    %dma_start3A_752 = arith.constant 0 : i32
    %dma_start3A_753 = tpu.memref_slice %arg9[%add3A_751, %dma_start3A_752] : memref<16384x128xf32, #tpu.memory_space<hbm>> -> memref<128x80xf32, #tpu.memory_space<hbm>>
    %dma_start3A_754 = arith.constant 0 : i32
    %dma_start3A_755 = tpu.memref_slice %arg9[%add3A_751, %dma_start3A_754] : memref<16384x128xf32, #tpu.memory_space<hbm>> -> memref<128x80xf32, #tpu.memory_space<hbm>>
    tpu.enqueue_dma source(%arg17 : memref<128x80xf32, #tpu.memory_space<vmem>>) target(%dma_start3A_755 : memref<128x80xf32, #tpu.memory_space<hbm>>) target_semaphore(%arg20 : memref<!tpu.dma_semaphore, #tpu.memory_space<semaphore_mem>>)
    %dma_wait3A_756 = arith.constant 0 : i32
    %dma_wait3A_757 = tpu.memref_slice %arg9[%add3A_751, %dma_wait3A_756] : memref<16384x128xf32, #tpu.memory_space<hbm>> -> memref<128x80xf32, #tpu.memory_space<hbm>>
    %dma_wait3A_758 = arith.constant 0 : i32
    %dma_wait3A_759 = tpu.memref_slice %arg9[%add3A_751, %dma_wait3A_758] : memref<16384x128xf32, #tpu.memory_space<hbm>> -> memref<128x80xf32, #tpu.memory_space<hbm>>
    tpu.wait_dma2 semaphore(%arg20 : memref<!tpu.dma_semaphore, #tpu.memory_space<semaphore_mem>>) src(%arg17 : memref<128x80xf32, #tpu.memory_space<vmem>>) dst(%dma_wait3A_759 : memref<128x80xf32, #tpu.memory_space<hbm>>)
    return
  }
}

module attributes {stable_mosaic.version = 14 : i64} {
  func.func @_tc_mlp_body(%arg0: i32, %arg1: memref<1024x128xf32, #tpu.memory_space<vmem>>, %arg2: memref<1024x128xf32, #tpu.memory_space<vmem>>, %arg3: memref<1024x175xf32, #tpu.memory_space<vmem>>, %arg4: memref<1024x175xf32, #tpu.memory_space<vmem>>, %arg5: memref<80x512xbf16, #tpu.memory_space<vmem>>, %arg6: memref<80x512xbf16, #tpu.memory_space<vmem>>, %arg7: memref<175x512xbf16, #tpu.memory_space<vmem>>, %arg8: memref<175x512xbf16, #tpu.memory_space<vmem>>, %arg9: memref<1x512xf32, #tpu.memory_space<vmem>>, %arg10: memref<512x256xbf16, #tpu.memory_space<vmem>>, %arg11: memref<1x256xf32, #tpu.memory_space<vmem>>, %arg12: memref<256x1xbf16, #tpu.memory_space<vmem>>, %arg13: memref<1x1xf32, #tpu.memory_space<vmem>>, %arg14: memref<1024x1xf32, #tpu.memory_space<vmem>>) attributes {dimension_semantics = [#tpu.dimension_semantics<parallel>], iteration_bounds = array<i64: 16>, scalar_prefetch = 0 : i64, scratch_operands = 0 : i64, tpu.core_type = #tpu.core_type<tc>, window_params = [{transform_indices = @transform_0, window_bounds = array<i64: 1024, 128>}, {transform_indices = @transform_1, window_bounds = array<i64: 1024, 128>}, {transform_indices = @transform_2, window_bounds = array<i64: 1024, 175>}, {transform_indices = @transform_3, window_bounds = array<i64: 1024, 175>}, {pipeline_mode = #tpu.pipeline_mode<synchronous>, transform_indices = @transform_4, window_bounds = array<i64: 80, 512>}, {pipeline_mode = #tpu.pipeline_mode<synchronous>, transform_indices = @transform_5, window_bounds = array<i64: 80, 512>}, {pipeline_mode = #tpu.pipeline_mode<synchronous>, transform_indices = @transform_6, window_bounds = array<i64: 175, 512>}, {pipeline_mode = #tpu.pipeline_mode<synchronous>, transform_indices = @transform_7, window_bounds = array<i64: 175, 512>}, {pipeline_mode = #tpu.pipeline_mode<synchronous>, transform_indices = @transform_8, window_bounds = array<i64: 1, 512>}, {pipeline_mode = #tpu.pipeline_mode<synchronous>, transform_indices = @transform_9, window_bounds = array<i64: 512, 256>}, {pipeline_mode = #tpu.pipeline_mode<synchronous>, transform_indices = @transform_10, window_bounds = array<i64: 1, 256>}, {pipeline_mode = #tpu.pipeline_mode<synchronous>, transform_indices = @transform_11, window_bounds = array<i64: 256, 1>}, {pipeline_mode = #tpu.pipeline_mode<synchronous>, transform_indices = @transform_12, window_bounds = array<i64: 1, 1>}, {transform_indices = @transform_13, window_bounds = array<i64: 1024, 1>}]} {
    %get3A = arith.constant 0 : index
    %get3A_0 = arith.constant 0 : index
    %get3A_1 = vector.load %arg1[%get3A, %get3A_0] : memref<1024x128xf32, #tpu.memory_space<vmem>>, vector<1024x80xf32>
    %convert_element_type3A = arith.truncf %get3A_1 : vector<1024x80xf32> to vector<1024x80xbf16>
    %get3A_2 = arith.constant 0 : index
    %get3A_3 = arith.constant 0 : index
    %get3A_4 = vector.load %arg2[%get3A_2, %get3A_3] : memref<1024x128xf32, #tpu.memory_space<vmem>>, vector<1024x80xf32>
    %convert_element_type3A_5 = arith.truncf %get3A_4 : vector<1024x80xf32> to vector<1024x80xbf16>
    %get3A_6 = arith.constant 0 : index
    %get3A_7 = arith.constant 0 : index
    %get3A_8 = vector.load %arg3[%get3A_6, %get3A_7] : memref<1024x175xf32, #tpu.memory_space<vmem>>, vector<1024x175xf32>
    %convert_element_type3A_9 = arith.truncf %get3A_8 : vector<1024x175xf32> to vector<1024x175xbf16>
    %get3A_10 = arith.constant 0 : index
    %get3A_11 = arith.constant 0 : index
    %get3A_12 = vector.load %arg4[%get3A_10, %get3A_11] : memref<1024x175xf32, #tpu.memory_space<vmem>>, vector<1024x175xf32>
    %convert_element_type3A_13 = arith.truncf %get3A_12 : vector<1024x175xf32> to vector<1024x175xbf16>
    %get3A_14 = arith.constant 0 : index
    %get3A_15 = arith.constant 0 : index
    %get3A_16 = vector.load %arg5[%get3A_14, %get3A_15] : memref<80x512xbf16, #tpu.memory_space<vmem>>, vector<80x512xbf16>
    %dot_general3A = arith.constant dense<0.000000e+00> : vector<1024x512xf32>
    %dot_general3A_17 = tpu.matmul %convert_element_type3A, %get3A_16, %dot_general3A {dimension_numbers = #tpu.dot_dimension_numbers<[1], [0], [0], [1], [0, 0, 1, 1], [], []>, transpose_lhs_hint = false} : vector<1024x80xbf16>, vector<80x512xbf16>, vector<1024x512xf32> -> vector<1024x512xf32>
    %get3A_18 = arith.constant 0 : index
    %get3A_19 = arith.constant 0 : index
    %get3A_20 = vector.load %arg7[%get3A_18, %get3A_19] : memref<175x512xbf16, #tpu.memory_space<vmem>>, vector<175x512xbf16>
    %dot_general3A_21 = arith.constant dense<0.000000e+00> : vector<1024x512xf32>
    %dot_general3A_22 = tpu.matmul %convert_element_type3A_9, %get3A_20, %dot_general3A_21 {dimension_numbers = #tpu.dot_dimension_numbers<[1], [0], [0], [1], [0, 0, 1, 1], [], []>, transpose_lhs_hint = false} : vector<1024x175xbf16>, vector<175x512xbf16>, vector<1024x512xf32> -> vector<1024x512xf32>
    %add3A = arith.addf %dot_general3A_17, %dot_general3A_22 : vector<1024x512xf32>
    %get3A_23 = arith.constant 0 : index
    %get3A_24 = arith.constant 0 : index
    %get3A_25 = vector.load %arg6[%get3A_23, %get3A_24] : memref<80x512xbf16, #tpu.memory_space<vmem>>, vector<80x512xbf16>
    %dot_general3A_26 = arith.constant dense<0.000000e+00> : vector<1024x512xf32>
    %dot_general3A_27 = tpu.matmul %convert_element_type3A_5, %get3A_25, %dot_general3A_26 {dimension_numbers = #tpu.dot_dimension_numbers<[1], [0], [0], [1], [0, 0, 1, 1], [], []>, transpose_lhs_hint = false} : vector<1024x80xbf16>, vector<80x512xbf16>, vector<1024x512xf32> -> vector<1024x512xf32>
    %add3A_28 = arith.addf %add3A, %dot_general3A_27 : vector<1024x512xf32>
    %get3A_29 = arith.constant 0 : index
    %get3A_30 = arith.constant 0 : index
    %get3A_31 = vector.load %arg8[%get3A_29, %get3A_30] : memref<175x512xbf16, #tpu.memory_space<vmem>>, vector<175x512xbf16>
    %dot_general3A_32 = arith.constant dense<0.000000e+00> : vector<1024x512xf32>
    %dot_general3A_33 = tpu.matmul %convert_element_type3A_13, %get3A_31, %dot_general3A_32 {dimension_numbers = #tpu.dot_dimension_numbers<[1], [0], [0], [1], [0, 0, 1, 1], [], []>, transpose_lhs_hint = false} : vector<1024x175xbf16>, vector<175x512xbf16>, vector<1024x512xf32> -> vector<1024x512xf32>
    %add3A_34 = arith.addf %add3A_28, %dot_general3A_33 : vector<1024x512xf32>
    %get3A_35 = arith.constant 0 : index
    %get3A_36 = arith.constant 0 : index
    %get3A_37 = vector.load %arg9[%get3A_35, %get3A_36] : memref<1x512xf32, #tpu.memory_space<vmem>>, vector<1x512xf32>
    %add3A_38 = vector.broadcast %get3A_37 : vector<1x512xf32> to vector<1024x512xf32>
    %add3A_39 = arith.addf %add3A_34, %add3A_38 : vector<1024x512xf32>
    %max3A = arith.constant 0.000000e+00 : f32
    %max3A_40 = vector.broadcast %max3A : f32 to vector<1024x512xf32>
    %max3A_41 = arith.maximumf %add3A_39, %max3A_40 : vector<1024x512xf32>
    %convert_element_type3A_42 = arith.truncf %max3A_41 : vector<1024x512xf32> to vector<1024x512xbf16>
    %get3A_43 = arith.constant 0 : index
    %get3A_44 = arith.constant 0 : index
    %get3A_45 = vector.load %arg10[%get3A_43, %get3A_44] : memref<512x256xbf16, #tpu.memory_space<vmem>>, vector<512x256xbf16>
    %dot_general3A_46 = arith.constant dense<0.000000e+00> : vector<1024x256xf32>
    %dot_general3A_47 = tpu.matmul %convert_element_type3A_42, %get3A_45, %dot_general3A_46 {dimension_numbers = #tpu.dot_dimension_numbers<[1], [0], [0], [1], [0, 0, 1, 1], [], []>, transpose_lhs_hint = false} : vector<1024x512xbf16>, vector<512x256xbf16>, vector<1024x256xf32> -> vector<1024x256xf32>
    %get3A_48 = arith.constant 0 : index
    %get3A_49 = arith.constant 0 : index
    %get3A_50 = vector.load %arg11[%get3A_48, %get3A_49] : memref<1x256xf32, #tpu.memory_space<vmem>>, vector<1x256xf32>
    %add3A_51 = vector.broadcast %get3A_50 : vector<1x256xf32> to vector<1024x256xf32>
    %add3A_52 = arith.addf %dot_general3A_47, %add3A_51 : vector<1024x256xf32>
    %max3A_53 = arith.constant 0.000000e+00 : f32
    %max3A_54 = vector.broadcast %max3A_53 : f32 to vector<1024x256xf32>
    %max3A_55 = arith.maximumf %add3A_52, %max3A_54 : vector<1024x256xf32>
    %convert_element_type3A_56 = arith.truncf %max3A_55 : vector<1024x256xf32> to vector<1024x256xbf16>
    %get3A_57 = arith.constant 0 : index
    %get3A_58 = arith.constant 0 : index
    %get3A_59 = vector.load %arg12[%get3A_57, %get3A_58] : memref<256x1xbf16, #tpu.memory_space<vmem>>, vector<256x1xbf16>
    %dot_general3A_60 = arith.constant dense<0.000000e+00> : vector<1024x1xf32>
    %dot_general3A_61 = tpu.matmul %convert_element_type3A_56, %get3A_59, %dot_general3A_60 {dimension_numbers = #tpu.dot_dimension_numbers<[1], [0], [0], [1], [0, 0, 1, 1], [], []>, transpose_lhs_hint = false} : vector<1024x256xbf16>, vector<256x1xbf16>, vector<1024x1xf32> -> vector<1024x1xf32>
    %get3A_62 = arith.constant 0 : index
    %get3A_63 = arith.constant 0 : index
    %get3A_64 = vector.load %arg13[%get3A_62, %get3A_63] : memref<1x1xf32, #tpu.memory_space<vmem>>, vector<1x1xf32>
    %add3A_65 = vector.broadcast %get3A_64 : vector<1x1xf32> to vector<1024x1xf32>
    %add3A_66 = arith.addf %dot_general3A_61, %add3A_65 : vector<1024x1xf32>
    %logistic3A = arith.negf %add3A_66 : vector<1024x1xf32>
    %logistic3A_67 = math.exp %logistic3A : vector<1024x1xf32>
    %logistic3A_68 = arith.constant 1.000000e+00 : f32
    %logistic3A_69 = vector.broadcast %logistic3A_68 : f32 to vector<1024x1xf32>
    %logistic3A_70 = arith.addf %logistic3A_69, %logistic3A_67 : vector<1024x1xf32>
    %logistic3A_71 = arith.divf %logistic3A_69, %logistic3A_70 : vector<1024x1xf32>
    %swap3A = arith.constant 0 : index
    %swap3A_72 = arith.constant 0 : index
    %swap3A_73 = vector.load %arg14[%swap3A, %swap3A_72] : memref<1024x1xf32, #tpu.memory_space<vmem>>, vector<1024x1xf32>
    tpu.vector_store %arg14[%swap3A, %swap3A_72], %logistic3A_71 {strides = array<i32>} : memref<1024x1xf32, #tpu.memory_space<vmem>>, vector<1024x1xf32>,
    return
  }
  func.func @transform_0(%arg0: i32) -> (i32, i32) {
    %c0_i32 = arith.constant 0 : i32
    %c0_i32_0 = arith.constant 0 : i32
    return %arg0, %c0_i32 : i32, i32
  }
  func.func @transform_1(%arg0: i32) -> (i32, i32) {
    %c0_i32 = arith.constant 0 : i32
    %c0_i32_0 = arith.constant 0 : i32
    return %arg0, %c0_i32 : i32, i32
  }
  func.func @transform_2(%arg0: i32) -> (i32, i32) {
    %c0_i32 = arith.constant 0 : i32
    %c0_i32_0 = arith.constant 0 : i32
    return %arg0, %c0_i32 : i32, i32
  }
  func.func @transform_3(%arg0: i32) -> (i32, i32) {
    %c0_i32 = arith.constant 0 : i32
    %c0_i32_0 = arith.constant 0 : i32
    return %arg0, %c0_i32 : i32, i32
  }
  func.func @transform_4(%arg0: i32) -> (i32, i32) {
    %c0_i32 = arith.constant 0 : i32
    %c0_i32_0 = arith.constant 0 : i32
    %c0_i32_1 = arith.constant 0 : i32
    return %c0_i32, %c0_i32_0 : i32, i32
  }
  func.func @transform_5(%arg0: i32) -> (i32, i32) {
    %c0_i32 = arith.constant 0 : i32
    %c0_i32_0 = arith.constant 0 : i32
    %c0_i32_1 = arith.constant 0 : i32
    return %c0_i32, %c0_i32_0 : i32, i32
  }
  func.func @transform_6(%arg0: i32) -> (i32, i32) {
    %c0_i32 = arith.constant 0 : i32
    %c0_i32_0 = arith.constant 0 : i32
    %c0_i32_1 = arith.constant 0 : i32
    return %c0_i32, %c0_i32_0 : i32, i32
  }
  func.func @transform_7(%arg0: i32) -> (i32, i32) {
    %c0_i32 = arith.constant 0 : i32
    %c0_i32_0 = arith.constant 0 : i32
    %c0_i32_1 = arith.constant 0 : i32
    return %c0_i32, %c0_i32_0 : i32, i32
  }
  func.func @transform_8(%arg0: i32) -> (i32, i32) {
    %c0_i32 = arith.constant 0 : i32
    %c0_i32_0 = arith.constant 0 : i32
    %c0_i32_1 = arith.constant 0 : i32
    return %c0_i32, %c0_i32_0 : i32, i32
  }
  func.func @transform_9(%arg0: i32) -> (i32, i32) {
    %c0_i32 = arith.constant 0 : i32
    %c0_i32_0 = arith.constant 0 : i32
    %c0_i32_1 = arith.constant 0 : i32
    return %c0_i32, %c0_i32_0 : i32, i32
  }
  func.func @transform_10(%arg0: i32) -> (i32, i32) {
    %c0_i32 = arith.constant 0 : i32
    %c0_i32_0 = arith.constant 0 : i32
    %c0_i32_1 = arith.constant 0 : i32
    return %c0_i32, %c0_i32_0 : i32, i32
  }
  func.func @transform_11(%arg0: i32) -> (i32, i32) {
    %c0_i32 = arith.constant 0 : i32
    %c0_i32_0 = arith.constant 0 : i32
    %c0_i32_1 = arith.constant 0 : i32
    return %c0_i32, %c0_i32_0 : i32, i32
  }
  func.func @transform_12(%arg0: i32) -> (i32, i32) {
    %c0_i32 = arith.constant 0 : i32
    %c0_i32_0 = arith.constant 0 : i32
    %c0_i32_1 = arith.constant 0 : i32
    return %c0_i32, %c0_i32_0 : i32, i32
  }
  func.func @transform_13(%arg0: i32) -> (i32, i32) {
    %c0_i32 = arith.constant 0 : i32
    %c0_i32_0 = arith.constant 0 : i32
    return %arg0, %c0_i32 : i32, i32
  }
}

</mosaic_0001>

<sc_bundles>
// kernel: kernel.4.cloned.1.call-start
scs
__scs_entry_jumppad:
0x0: {  	(pc) =	sbr.rel $0x88, $3  }
0x1: {  	(tag) =	ssettag $0x0;
	lr =	simm.s32 $0x1  }
0x2: {  	[smem:$0x3F91] =	sst lr;
	_ =	strace $0xD0000000  }
0x3: {  	_ = 	snop  }
0x4: {  	_ = 	snop  }
0x5: {  	_ = 	snop  }
0x6: {  	_ = 	snop  }
0x7: {  	_ = 	snop  }
__scs_overlays_trampoline_lowered:
0x8: {  	[smem:$0x3FA0] =	sst s0  }
0x9: {  	[smem:$0x3FA1] =	sst s1  }
0xa: {  	[smem:$0x3FA2] =	sst s2  }
0xb: {  	[smem:$0x3FA3] =	sst s3  }
0xc: {  	[smem:$0x3FA4] =	sst s4  }
0xd: {  	[smem:$0x3FA5] =	sst s5  }
0xe: {  	[smem:$0x3FA6] =	sst s6  }
0xf: {  	[smem:$0x3FA7] =	sst s7  }
0x10: {  	[smem:$0x3FA8] =	sst s8  }
0x11: {  	[smem:$0x3FA9] =	sst s9;
	s0 =	simm.s32 @!p0 $0x0  }
0x12: {  	s1 =	sld [smem:$0x3F8F];
	s0 =	simm.s32 @p0 $0x1  }
0x13: {  	[smem:$0x3FAA] =	sst s0;
	s0 =	simm.s32 @!p1 $0x0  }
0x14: {  	s2 =	sld [smem:$0x3F8E];
	s0 =	simm.s32 @p1 $0x1  }
0x15: {  	[smem:$0x3FAB] =	sst s0;
	s0 =	simm.s32 @!p2 $0x0  }
0x16: {  	s3 =	sld [smem:$0x3FDB];
	s0 =	simm.s32 @p2 $0x1  }
0x17: {  	s4 =	simm.s32 $0x1BF5;
	[smem:$0x3FAD] =	sst s0  }
0x18: {  	s0 =	sld [smem:$0x3F90];
	_ =	swait.ge [sflag:s4], $0x0  }
0x19: {  	s7 =	sld [smem:$0x3F91]  }
0x1a: {  	s8 =	sadd.s32 $0xFFFFE003, lr  }
0x1b: {  	s9 =	sadd.s32 $0xFFFFFEF7, lr;
	s5 =	simm.s32 $0xFFFFFFFF;
	p2 =	slt.u32 s8, $0xFFFFF086  }
0x1c: {  	p1 =	slt.u32 s9, $0xF7A;
	s5 =	simm.s32 @!p2 $0x0  }
0x1d: {  	s5 =	simm.s32 @p1 $0x1;
	p0 =	seq.s32 s7, s2  }
0x1e: {  	s7 =	smul.u32 @!p0 $0xF7A, s2;
	p2 =	seq.s32 @!p0 s5, $0x0  }
0x1f: {  	s9 =	smul.u32 $0xF7A, s1;
	s8 =	simm.s32 @!p0 $0x1BF5;
	p2 =	por !p2, p0  }
0x20: {  	[sflag:s8] =	ssyncset.s32 @!p0 $0xFFFFF086;
	s6 =	sadd.s32 @!p0 s3, s7;
	s7 =	simm.s32 @!p0 $0x108  }
0x21: {  	s3 =	sadd.s32 s3, s9;
	s6 =	sadd.s32 @!p0 $0x88, s6;
	s7 =	simm.s32 @p2 $0x1082  }
0x22: {  	[simem:s7], [sflag:s8] =	dma.local @!p0 [hbm:s6], $0xF7A  }
0x23: {  	s9 =	sor.u32 $0xD0000000, s2;
	s6 =	simm.s32 $0x108;
	_ =	swait.ge @!p0 [sflag:s8], $0x0  }
0x24: {  	s3 =	sadd.s32 $0x88, s3;
	s6 =	simm.s32 @!p1 $0x1082;
	[sflag:s4] =	ssyncset.s32 $0xFFFFF086  }
0x25: {  	[simem:s6], [sflag:s4] =	dma.local [hbm:s3], $0xF7A  }
0x26: {  	[smem:$0x3F91] =	sst s1;
	(tag) =	ssettag s2;
	_ =	strace s9  }
0x27: {  	s1 =	sld [smem:$0x3FA1]  }
0x28: {  	s2 =	sld [smem:$0x3FA2]  }
0x29: {  	s4 =	sld [smem:$0x3FA4]  }
0x2a: {  	p0 =	seq.s32 s5, $0x0;
	s5 =	sld [smem:$0x3FA5]  }
0x2b: {  	s6 =	sld [smem:$0x3FA6]  }
0x2c: {  	s7 =	sld [smem:$0x3FA7]  }
0x2d: {  	s3 =	simm.s32 $0x108;
	s8 =	sld [smem:$0x3FA8]  }
0x2e: {  	s3 =	simm.s32 @!p0 $0x1082;
	s9 =	sld [smem:$0x3FA9]  }
0x2f: {  	lr =	sadd.s32 s0, s3;
	s0 =	sld [smem:$0x3FA0]  }
0x30: {  	s3 =	sld [smem:$0x3FA3]  }
0x31: {  	[smem:$0x3FAC] =	sst s10  }
0x32: {  	s10 =	sld [smem:$0x3FAA];
	_ =	sdelay $0x3  }
0x33: {  	p0 =	seq.s32 s10, $0x1;
	s10 =	sld [smem:$0x3FAC];
	_ =	sdelay $0x3  }
0x34: {  	[smem:$0x3FAC] =	sst s10  }
0x35: {  	s10 =	sld [smem:$0x3FAB];
	_ =	sdelay $0x3  }
0x36: {  	p1 =	seq.s32 s10, $0x1;
	s10 =	sld [smem:$0x3FAC];
	_ =	sdelay $0x3  }
0x37: {  	[smem:$0x3FAC] =	sst s10  }
0x38: {  	s10 =	sld [smem:$0x3FAD]  }
0x39: {  	_ = 	snop;
	(pc) =	sbr.ind lr, $3  }
0x3a: {  	_ = 	snop  }
0x3b: {  	_ = 	snop  }
0x3c: {  	p2 =	seq.s32 s10, $0x1;
	s10 =	sld [smem:$0x3FAC]  }
0x3d: {  	_ =	shalt  }
0x3e: {  	_ =	shalt  }
0x3f: {  	_ =	shalt  }
0x40: {  	_ =	shalt  }
0x41: {  	_ =	shalt  }
0x42: {  	_ =	shalt  }
0x43: {  	_ =	shalt  }
0x44: {  	_ =	shalt  }
0x45: {  	_ =	shalt  }
0x46: {  	_ =	shalt  }
0x47: {  	_ =	shalt  }
0x48: {  	_ =	shalt  }
0x49: {  	_ =	shalt  }
0x4a: {  	_ =	shalt  }
0x4b: {  	_ =	shalt  }
0x4c: {  	_ =	shalt  }
0x4d: {  	_ =	shalt  }
0x4e: {  	_ =	shalt  }
0x4f: {  	_ =	shalt  }
0x50: {  	_ =	shalt  }
0x51: {  	_ =	shalt  }
0x52: {  	_ =	shalt  }
0x53: {  	_ =	shalt  }
0x54: {  	_ =	shalt  }
0x55: {  	_ =	shalt  }
0x56: {  	_ =	shalt  }
0x57: {  	_ =	shalt  }
0x58: {  	_ =	shalt  }
0x59: {  	_ =	shalt  }
0x5a: {  	_ =	shalt  }
0x5b: {  	_ =	shalt  }
0x5c: {  	_ =	shalt  }
0x5d: {  	_ =	shalt  }
0x5e: {  	_ =	shalt  }
0x5f: {  	_ =	shalt  }
0x60: {  	_ =	shalt  }
0x61: {  	_ =	shalt  }
0x62: {  	_ =	shalt  }
0x63: {  	_ =	shalt  }
0x64: {  	_ =	shalt  }
0x65: {  	_ =	shalt  }
0x66: {  	_ =	shalt  }
0x67: {  	_ =	shalt  }
0x68: {  	_ =	shalt  }
0x69: {  	_ =	shalt  }
0x6a: {  	_ =	shalt  }
0x6b: {  	_ =	shalt  }
0x6c: {  	_ =	shalt  }
0x6d: {  	_ =	shalt  }
0x6e: {  	_ =	shalt  }
0x6f: {  	_ =	shalt  }
0x70: {  	_ =	shalt  }
0x71: {  	_ =	shalt  }
0x72: {  	_ =	shalt  }
0x73: {  	_ =	shalt  }
0x74: {  	_ =	shalt  }
0x75: {  	_ =	shalt  }
0x76: {  	_ =	shalt  }
0x77: {  	_ =	shalt  }
0x78: {  	_ =	shalt  }
0x79: {  	_ =	shalt  }
0x7a: {  	_ =	shalt  }
0x7b: {  	_ =	shalt  }
0x7c: {  	_ =	shalt  }
0x7d: {  	_ =	shalt  }
0x7e: {  	_ =	shalt  }
0x7f: {  	_ =	shalt  }
0x80: {  	_ =	shalt  }
0x81: {  	_ =	shalt  }
0x82: {  	_ =	shalt  }
0x83: {  	_ =	shalt  }
0x84: {  	_ =	shalt  }
0x85: {  	_ =	shalt  }
0x86: {  	_ =	shalt  }
0x87: {  	_ =	shalt  }
.Lfunc_end0:
.L_simem_size_0:
called_computation_lowered:
.L_overlay_start_0:
0x88: {  	s2 =	sld [smem:$0x3FD9]  }
0x89: {  	s3 =	sld [smem:$0x3FFE];
	_ =	sdelay $0x1  }
0x8a: {  	s1 =	srdreg.scid  }
0x8b: {  	s0 =	sand.u32 $0x1, s1  }
0x8c: {  	s17 =	sshll.u32 s0, $0xA;
	s2 =	sadd.s32 s3, s2  }
0x8d: {  	s2 =	sadd.s32 s2, s17  }
0x8e: {  	[smem:$0x3FB8] =	sst s2  }
0x8f: {  	_ = 	snop  }
0x90: {  	s2 =	sld [smem:$0x3FD0];
	(tm) =	ssettm $0x1  }
0x91: {  	s18 =	sld [smem:$0x3FFB];
	_ =	sdelay $0x3  }
0x92: {  	_ =	strace s18  }
0x93: {  	s3 =	sld [smem:$0x3FFC];
	_ =	sdelay $0x3  }
0x94: {  	_ =	strace s3  }
0x95: {  	s3 =	sld [smem:$0x3FFD];
	_ =	sdelay $0x3  }
0x96: {  	_ =	strace s3  }
0x97: {  	_ =	strace $0x8FFFFFFF  }
0x98: {  	s19 =	sld [smem:$0x3FDB];
	_ =	sdelay $0x1  }
0x99: {  	s4 =	simm.s32 $_scs_section_size  }
0x9a: {  	s5 =	simm.s32 $_size__tile_overlayer_lowered;
	s6 =	simm.s32 $_tile_overlayer_lowered  }
0x9b: {  	s22 =	simm.s32 $0x1BFF;
	s21 =	sshll.u32 s6, $0x1;
	s3 =	sadd.s32 s4, s19  }
0x9c: {  	s7 =	simm.s32 $0x0;
	s20 =	sshll.u32 s5, $0x1;
	s5 =	sadd.s32 s21, s3  }
0x9d: {  	[timem:s7], [sflag:s22] =	dma.local [hbm:s5], s20  }
0x9e: {  	_ =	swait.ge [sflag:s22], s20  }
0x9f: {  	s4 =	ssub.s32 $0x0, s20;
	[sflag:s22] =	ssyncset.done $0x0  }
0xa0: {  	[sflag:s22] =	ssyncadd.s32 s4;
	_ =	sdelay $0x1  }
0xa1: {  	s23 =	simm.s32 $0x1B8B  }
0xa2: {  	_ =	swait.ge [sflag:s23], $0x1  }
0xa3: {  	[sflag:s23] =	ssyncset.done $0x0  }
0xa4: {  	s25 =	simm.s32 $0x1B8E;
	s24 =	sld [smem:$0x3FFE];
	[sflag:s23] =	ssyncadd.s32 $0xFFFFFFFF  }
0xa5: {  	s26 =	simm.s32 $execute0_lowered;
	[smem:$0x3FD2] =	sst s25  }
0xa6: {  	s5 =	sshll.u32 s26, $0x1;
	_ =	strace $0x80000046;
	[dreg:$0x1] =	wrdreg $0xFFFFFFFF  }
0xa7: {  	s28 =	simm.s32 $_size_execute0_lowered;
	s3 =	sadd.s32 s3, s5;
	[dreg:$0x0] =	wrdreg $0x0  }
0xa8: {  	s5 =	sshll.u32 s28, $0x1;
	[dreg:$0x2] =	wrdreg s3  }
0xa9: {  	[dreg:$0x3] =	wrdreg s5  }
0xaa: {  	[dreg:$0x4] =	wrdreg $0xC0  }
0xab: {  	_ =	task [dreg:s7], $0x5FFFF  }
0xac: {  	[dreg:$0x1] =	wrdreg $0xFFFFFFFF  }
0xad: {  	[dreg:$0x0] =	wrdreg $0x60  }
0xae: {  	[dreg:$0x2] =	wrdreg s24  }
0xaf: {  	[dreg:$0x3] =	wrdreg s2  }
0xb0: {  	[dreg:$0x4] =	wrdreg $0x9  }
0xb1: {  	_ =	task.clear_ibuf [dreg:s7], $0x5FFFF;
	_ =	strace $0x90000046  }
0xb2: {  	s29 =	simm.s32 $0x9;
	_ =	strace $0x80000048  }
0xb3: {  	_ =	swait.ge [sflag:s29], $0x1  }
0xb4: {  	[sflag:s29] =	ssyncadd.s32 $0xFFFFFFFF  }
0xb5: {  	_ =	strace $0x90000048  }
0xb6: {  	_ =	sfence  }
0xb7: {  	s30 =	sld [smem:$0x0];
	_ =	sdelay $0x2  }
0xb8: {  	s31 =	sshll.u32 s1, $0xD;
	s1 =	sshrl.u32 s1, $0x2  }
0xb9: {  	s3 =	sand.u32 $0x4000, s31;
	s1 =	sadd.s32 s1, s30  }
0xba: {  	s0 =	sor.u32 s3, s0;
	s1 =	sshll.u32 s1, $0x11  }
0xbb: {  	s0 =	sor.u32 s1, s0  }
0xbc: {  	s0 =	sadd.s32 $0x8F2B, s0  }
0xbd: {  	[sflag:s0] =	ssyncadd.remote.s32 $0x1  }
0xbe: {  	_ =	sfence.sel $0xFFFF  }
0xbf: {  	[dreg:$0x0] =	wrdreg $0xFFFFFFFF;
	(pc) =	sbr.abs _section_cstart, $3  }
0xc0: {  	[dreg:$0x1] =	wrdreg $0xFFFFFFFF  }
0xc1: {  	_ =	task.clear_ibuf [dreg:s7], $0x2FFFF;
	_ =	strace $0x9FFFFFFF  }
0xc2: {  	(tm) =	ssettm $0x7FFFFFFF  }
0xc3: {  	_ =	shalt  }
tec
execute0_lowered:
.L_overlay_start_1:
0x0: {  	(tag) =	ssettag $0x1  }
0x1: {  	s2 =	srdreg.scid  }
0x2: {  	s3 =	stileid.u32;
	s2 =	sand.u32 $0x1, s2  }
0x3: {  	s3 =	sshll.u32 s3, $0xA;
	s4 =	sshll.u32 s2, $0x9  }
0x4: {  	s0 =	rddreg [dreg:$0x0];
	s1 =	simm.s32 $0x0;
	s3 =	sor.u32 s4, s3  }
0x5: {  	[smem:$0x7FF] =	sst s1;
	s5 =	sadd.s32 $0x2C00, s0;
	s7 =	sshrl.u32 s3, $0x3  }
0x6: {  	s6 =	sadd.s32 $0x5400, s0;
	s14 =	sadd.s32 $0x7C00, s0;
	s15 =	sadd.s32 s5, s7  }
0x7: {  	s8 =	sadd.s32 $0xA400, s0;
	s19 =	sadd.s32 s6, s7;
	[dreg:$0x3] =	wrdreg s15  }
0x8: {  	s10 =	sor.u32 $0x800, s7;
	s24 =	sadd.s32 s14, s7;
	[dreg:$0x8] =	wrdreg s19  }
0x9: {  	s17 =	sor.u32 $0x1000, s7;
	s16 =	sadd.s32 s5, s10;
	[dreg:$0xd] =	wrdreg s24  }
0xa: {  	s11 =	sor.u32 $0x1800, s7;
	s13 =	sadd.s32 s5, s17;
	[dreg:$0x4] =	wrdreg s16  }
0xb: {  	s12 =	sor.u32 $0x2000, s7;
	s18 =	sadd.s32 s5, s11;
	[dreg:$0x5] =	wrdreg s13  }
0xc: {  	s2 =	ssub.s32 $0x2, s2;
	s5 =	sadd.s32 s5, s12;
	[dreg:$0x6] =	wrdreg s18  }
0xd: {  	s9 =	sshrl.u32 s2, $0x1;
	s20 =	sadd.s32 s6, s10;
	[dreg:$0x7] =	wrdreg s5  }
0xe: {  	s2 =	ssub.s32 s2, s9;
	s21 =	sadd.s32 s6, s17;
	[dreg:$0x9] =	wrdreg s20  }
0xf: {  	s3 =	sshll.u32 s3, $0x4;
	s22 =	sadd.s32 s6, s11;
	[dreg:$0xa] =	wrdreg s21  }
0x10: {  	s9 =	simm.s32 $0x1800;
	s23 =	sadd.s32 s6, s12;
	[dreg:$0xb] =	wrdreg s22  }
0x11: {  	s29 =	smax.u32 s2, $0x1;
	s25 =	sadd.s32 s14, s10;
	[dreg:$0xc] =	wrdreg s23  }
0x12: {  	s2 =	simm.s32 $0x4;
	s26 =	sadd.s32 s14, s17;
	[dreg:$0xe] =	wrdreg s25  }
0x13: {  	s6 =	sadd.s32 s14, s11;
	s4 =	sadd.s32 s14, s12;
	[dreg:$0xf] =	wrdreg s26  }
0x14: {  	s14 =	sadd.s32 s8, s10;
	s15 =	sadd.s32 s8, s17;
	[dreg:$0x10] =	wrdreg s6  }
0x15: {  	s17 =	sadd.s32 s8, s12;
	s19 =	sadd.s32 $0x4CC00, s0;
	[dreg:$0x11] =	wrdreg s4  }
0x16: {  	s10 =	simm.s32 $0x1A00;
	s12 =	simm.s32 $0x80;
	[dreg:$0x13] =	wrdreg s14  }
0x17: {  	s13 =	sadd.s32 s8, s7;
	[dreg:$0x14] =	wrdreg s15;
	s16 =	sadd.s32 s8, s11  }
0x18: {  	[dreg:$0x16] =	wrdreg s17;
	s18 =	sadd.s32 $0xCC00, s0;
	s21 =	sor.u32 $0x800, s3  }
0x19: {  	s22 =	sor.u32 $0x1000, s3;
	s25 =	sor.u32 $0x1800, s3;
	s28 =	sadd.s32 s19, s3  }
0x1a: {  	s0 =	sadd.s32 $0x189600, s0;
	s8 =	simm.s32 $0x200;
	s11 =	simm.s32 $0x1C00  }
0x1b: {  	s14 =	simm.s32 $0x8680;
	s15 =	simm.s32 $0x50;
	s4 =	simm.s32 $0xA680  }
0x1c: {  	s5 =	simm.s32 $0x3;
	s17 =	simm.s32 $0x0;
	[dreg:$0x12] =	wrdreg s13  }
0x1d: {  	[dreg:$0x15] =	wrdreg s16;
	s20 =	sadd.s32 s18, s3;
	s23 =	sadd.s32 s18, s21  }
0x1e: {  	s24 =	sadd.s32 s18, s22;
	s26 =	sadd.s32 s18, s25;
	s30 =	sadd.s32 s19, s21  }
0x1f: {  	s31 =	sadd.s32 s19, s22;
	s25 =	sadd.s32 s19, s25;
	s21 =	simm.s32 $0x400  }
0x20: {  	s22 =	simm.s32 $0x600;
	s13 =	simm.s32 $0x6680;
	[dreg:$0x17] =	wrdreg s20  }
0x21: {  	v0 =	vimm.f32 $0.0e+00;
	s3 =	simm.s32 $0x1;
	s16 =	simm.s32 $0x2;
	_ =	strace $0x80000047  }
.LBB2_1:
0x22: {  	s6 =	rddreg [dreg:$0x1];
	s7 =	simm.s32 $0x2800  }
0x23: {  	[tilespmem:s7], [sflag:$0x4] =	stream.linear.gather [hbm4b:s6+s1], $0x3E80, $0x38;
	[tilespmem:$0xCE80] =	vst v63  }
0x24: {  	_ =	swait.ge [sflag:s2], $0x3E80  }
0x25: {  	[sflag:s2] =	ssyncset.done $0x0  }
0x26: {  	s19 =	rddreg [dreg:$0x3];
	[sflag:s2] =	ssyncadd.s32 $0xFFFFC180  }
0x27: {  	[tilespmem:s1], [sflag:$0x4] =	stream.linear.gather [hbm4b:s19+s1], $0x200, $0x38;
	[tilespmem:$0xCE80] =	vst v63  }
0x28: {  	_ =	swait.ge [sflag:s2], $0x200  }
0x29: {  	[sflag:s2] =	ssyncset.done $0x0  }
0x2a: {  	s20 =	rddreg [dreg:$0x4];
	[sflag:s2] =	ssyncadd.s32 $0xFFFFFE00  }
0x2b: {  	[tilespmem:s8], [sflag:$0x4] =	stream.linear.gather [hbm4b:s20+s1], $0x200, $0x38;
	[tilespmem:$0xCE80] =	vst v63  }
0x2c: {  	_ =	swait.ge [sflag:s2], $0x200  }
0x2d: {  	[sflag:s2] =	ssyncset.done $0x0  }
0x2e: {  	s7 =	rddreg [dreg:$0x5];
	[sflag:s2] =	ssyncadd.s32 $0xFFFFFE00  }
0x2f: {  	[tilespmem:s21], [sflag:$0x4] =	stream.linear.gather [hbm4b:s7+s1], $0x200, $0x38;
	[tilespmem:$0xCE80] =	vst v63  }
0x30: {  	_ =	swait.ge [sflag:s2], $0x200  }
0x31: {  	[sflag:s2] =	ssyncset.done $0x0  }
0x32: {  	s18 =	rddreg [dreg:$0x6];
	[sflag:s2] =	ssyncadd.s32 $0xFFFFFE00  }
0x33: {  	[tilespmem:s22], [sflag:$0x4] =	stream.linear.gather [hbm4b:s18+s1], $0x200, $0x38;
	[tilespmem:$0xCE80] =	vst v63  }
0x34: {  	_ =	swait.ge [sflag:s2], $0x200  }
0x35: {  	[sflag:s2] =	ssyncset.done $0x0  }
0x36: {  	s20 =	simm.s32 $0x800;
	s19 =	rddreg [dreg:$0x7];
	[sflag:s2] =	ssyncadd.s32 $0xFFFFFE00  }
0x37: {  	[tilespmem:s20], [sflag:$0x4] =	stream.linear.gather [hbm4b:s19+s1], $0x200, $0x38;
	[tilespmem:$0xCE80] =	vst v63  }
0x38: {  	_ =	swait.ge [sflag:s2], $0x200  }
0x39: {  	[sflag:s2] =	ssyncset.done $0x0  }
0x3a: {  	s18 =	simm.s32 $0xA00;
	s7 =	rddreg [dreg:$0x8];
	[sflag:s2] =	ssyncadd.s32 $0xFFFFFE00  }
0x3b: {  	[tilespmem:s18], [sflag:$0x4] =	stream.linear.gather [hbm4b:s7+s1], $0x200, $0x38;
	[tilespmem:$0xCE80] =	vst v63  }
0x3c: {  	_ =	swait.ge [sflag:s2], $0x200  }
0x3d: {  	[sflag:s2] =	ssyncset.done $0x0  }
0x3e: {  	s20 =	simm.s32 $0xC00;
	s19 =	rddreg [dreg:$0x9];
	[sflag:s2] =	ssyncadd.s32 $0xFFFFFE00  }
0x3f: {  	[tilespmem:s20], [sflag:$0x4] =	stream.linear.gather [hbm4b:s19+s1], $0x200, $0x38;
	[tilespmem:$0xCE80] =	vst v63  }
0x40: {  	_ =	swait.ge [sflag:s2], $0x200  }
0x41: {  	[sflag:s2] =	ssyncset.done $0x0  }
0x42: {  	s18 =	simm.s32 $0xE00;
	s7 =	rddreg [dreg:$0xa];
	[sflag:s2] =	ssyncadd.s32 $0xFFFFFE00  }
0x43: {  	[tilespmem:s18], [sflag:$0x4] =	stream.linear.gather [hbm4b:s7+s1], $0x200, $0x38;
	[tilespmem:$0xCE80] =	vst v63  }
0x44: {  	_ =	swait.ge [sflag:s2], $0x200  }
0x45: {  	[sflag:s2] =	ssyncset.done $0x0  }
0x46: {  	s20 =	simm.s32 $0x1000;
	s19 =	rddreg [dreg:$0xb];
	[sflag:s2] =	ssyncadd.s32 $0xFFFFFE00  }
0x47: {  	[tilespmem:s20], [sflag:$0x4] =	stream.linear.gather [hbm4b:s19+s1], $0x200, $0x38;
	[tilespmem:$0xCE80] =	vst v63  }
0x48: {  	_ =	swait.ge [sflag:s2], $0x200  }
0x49: {  	[sflag:s2] =	ssyncset.done $0x0  }
0x4a: {  	s18 =	simm.s32 $0x1200;
	s7 =	rddreg [dreg:$0xc];
	[sflag:s2] =	ssyncadd.s32 $0xFFFFFE00  }
0x4b: {  	[tilespmem:s18], [sflag:$0x4] =	stream.linear.gather [hbm4b:s7+s1], $0x200, $0x38;
	[tilespmem:$0xCE80] =	vst v63  }
0x4c: {  	_ =	swait.ge [sflag:s2], $0x200  }
0x4d: {  	[sflag:s2] =	ssyncset.done $0x0  }
0x4e: {  	s20 =	simm.s32 $0x1400;
	s19 =	rddreg [dreg:$0xd];
	[sflag:s2] =	ssyncadd.s32 $0xFFFFFE00  }
0x4f: {  	[tilespmem:s20], [sflag:$0x4] =	stream.linear.gather [hbm4b:s19+s1], $0x200, $0x38;
	[tilespmem:$0xCE80] =	vst v63  }
0x50: {  	_ =	swait.ge [sflag:s2], $0x200  }
0x51: {  	[sflag:s2] =	ssyncset.done $0x0  }
0x52: {  	s19 =	simm.s32 $0x1600;
	s18 =	rddreg [dreg:$0xe];
	[sflag:s2] =	ssyncadd.s32 $0xFFFFFE00  }
0x53: {  	[tilespmem:s19], [sflag:$0x4] =	stream.linear.gather [hbm4b:s18+s1], $0x200, $0x38;
	[tilespmem:$0xCE80] =	vst v63  }
0x54: {  	_ =	swait.ge [sflag:s2], $0x200  }
0x55: {  	[sflag:s2] =	ssyncset.done $0x0  }
0x56: {  	s20 =	rddreg [dreg:$0xf];
	[sflag:s2] =	ssyncadd.s32 $0xFFFFFE00  }
0x57: {  	[tilespmem:s9], [sflag:$0x4] =	stream.linear.gather [hbm4b:s20+s1], $0x200, $0x38;
	[tilespmem:$0xCE80] =	vst v63  }
0x58: {  	_ =	swait.ge [sflag:s2], $0x200  }
0x59: {  	[sflag:s2] =	ssyncset.done $0x0  }
0x5a: {  	s7 =	rddreg [dreg:$0x10];
	[sflag:s2] =	ssyncadd.s32 $0xFFFFFE00  }
0x5b: {  	[tilespmem:s10], [sflag:$0x4] =	stream.linear.gather [hbm4b:s7+s1], $0x200, $0x38;
	[tilespmem:$0xCE80] =	vst v63  }
0x5c: {  	_ =	swait.ge [sflag:s2], $0x200  }
0x5d: {  	[sflag:s2] =	ssyncset.done $0x0  }
0x5e: {  	s18 =	rddreg [dreg:$0x11];
	[sflag:s2] =	ssyncadd.s32 $0xFFFFFE00  }
0x5f: {  	[tilespmem:s11], [sflag:$0x4] =	stream.linear.gather [hbm4b:s18+s1], $0x200, $0x38;
	[tilespmem:$0xCE80] =	vst v63  }
0x60: {  	_ =	swait.ge [sflag:s2], $0x200  }
0x61: {  	[sflag:s2] =	ssyncset.done $0x0  }
0x62: {  	s20 =	simm.s32 $0x1E00;
	s19 =	rddreg [dreg:$0x12];
	[sflag:s2] =	ssyncadd.s32 $0xFFFFFE00  }
0x63: {  	[tilespmem:s20], [sflag:$0x4] =	stream.linear.gather [hbm4b:s19+s1], $0x200, $0x38;
	[tilespmem:$0xCE80] =	vst v63  }
0x64: {  	_ =	swait.ge [sflag:s2], $0x200  }
0x65: {  	[sflag:s2] =	ssyncset.done $0x0  }
0x66: {  	s18 =	simm.s32 $0x2000;
	s7 =	rddreg [dreg:$0x13];
	[sflag:s2] =	ssyncadd.s32 $0xFFFFFE00  }
0x67: {  	[tilespmem:s18], [sflag:$0x4] =	stream.linear.gather [hbm4b:s7+s1], $0x200, $0x38;
	[tilespmem:$0xCE80] =	vst v63  }
0x68: {  	_ =	swait.ge [sflag:s2], $0x200  }
0x69: {  	[sflag:s2] =	ssyncset.done $0x0  }
0x6a: {  	s20 =	simm.s32 $0x2200;
	s19 =	rddreg [dreg:$0x14];
	[sflag:s2] =	ssyncadd.s32 $0xFFFFFE00  }
0x6b: {  	[tilespmem:s20], [sflag:$0x4] =	stream.linear.gather [hbm4b:s19+s1], $0x200, $0x38;
	[tilespmem:$0xCE80] =	vst v63  }
0x6c: {  	_ =	swait.ge [sflag:s2], $0x200  }
0x6d: {  	[sflag:s2] =	ssyncset.done $0x0  }
0x6e: {  	s18 =	simm.s32 $0x2400;
	s7 =	rddreg [dreg:$0x15];
	[sflag:s2] =	ssyncadd.s32 $0xFFFFFE00  }
0x6f: {  	[tilespmem:s18], [sflag:$0x4] =	stream.linear.gather [hbm4b:s7+s1], $0x200, $0x38;
	[tilespmem:$0xCE80] =	vst v63  }
0x70: {  	_ =	swait.ge [sflag:s2], $0x200  }
0x71: {  	[sflag:s2] =	ssyncset.done $0x0  }
0x72: {  	s20 =	simm.s32 $0x2600;
	s19 =	rddreg [dreg:$0x16];
	[sflag:s2] =	ssyncadd.s32 $0xFFFFFE00  }
0x73: {  	[tilespmem:s20], [sflag:$0x4] =	stream.linear.gather [hbm4b:s19+s1], $0x200, $0x38;
	[tilespmem:$0xCE80] =	vst v63  }
0x74: {  	_ =	swait.ge [sflag:s2], $0x200  }
0x75: {  	[sflag:s2] =	ssyncset.done $0x0  }
0x76: {  	s6 =	simm.s32 $0x0;
	[sflag:s2] =	ssyncadd.s32 $0xFFFFFE00  }
.LBB2_2:
0x77: {  	p0 =	sne.s32 s6, $0x7F00  }
.Ltmp0:
0x78: {  	s18 =	sshra.s32 s6, $0x2;
	(pc) =	sbr.rel @p0 .LBB2_2-.Ltmp0, $4  }
0x79: {  	[tilespmem:s18+$0x6680] =	vst v0  }
0x7a: {  	[tilespmem:s18+$0x6690] =	vst v0  }
0x7b: {  	[tilespmem:s18+$0x66A0] =	vst v0  }
0x7c: {  	s6 =	sadd.s32 $0x100, s6;
	[tilespmem:s18+$0x66B0] =	vst v0  }
0x7d: {  	s18 =	simm.s32 $0x100;
	s6 =	simm.s32 $0x0  }
.LBB2_4:
0x7e: {  	p0 =	sne.s32 s18, $0x7F00;
	[tilespmem:s6+$0x86B0] =	vst v0;
	s19 =	smov.u32 s18;
	s18 =	sadd.s32 $0x100, s18  }
.Ltmp1:
0x7f: {  	[tilespmem:s6+$0x86A0] =	vst v0;
	(pc) =	sbr.rel @p0 .LBB2_4-.Ltmp1, $3  }
0x80: {  	[tilespmem:s6+$0x8680] =	vst v0  }
0x81: {  	[tilespmem:s6+$0x8690] =	vst v0;
	_ =	sdelay $0x1  }
0x82: {  	s6 =	sshra.s32 s19, $0x2  }
0x83: {  	[tilespmem:s6+$0x86B0] =	vst v0  }
0x84: {  	[tilespmem:s6+$0x86A0] =	vst v0  }
0x85: {  	[tilespmem:s6+$0x8680] =	vst v0  }
0x86: {  	[tilespmem:s6+$0x8690] =	vst v0;
	s20 =	simm.s32 $0x0  }
0x87: {  	[tilespmem:s13], [sflag:$0x1] =	stream.indirect.gather.add.f32 [hbm:s0], $0x40, s20, s12, $0xb8;
	[tilespmem:$0xCE80] =	vst v63  }
0x88: {  	_ = 	snop  }
0x89: {  	[tilespmem:s13], [sflag:$0x1] =	stream.indirect.gather.add.f32 [hbm:s0], $0x40, s8, s12, $0xb8;
	[tilespmem:$0xCE80] =	vst v63  }
0x8a: {  	_ = 	snop  }
0x8b: {  	[tilespmem:s13], [sflag:$0x1] =	stream.indirect.gather.add.f32 [hbm:s0], $0x40, s21, s12, $0xb8;
	[tilespmem:$0xCE80] =	vst v63  }
0x8c: {  	_ = 	snop  }
0x8d: {  	[tilespmem:s13], [sflag:$0x1] =	stream.indirect.gather.add.f32 [hbm:s0], $0x40, s22, s12, $0xb8;
	[tilespmem:$0xCE80] =	vst v63  }
0x8e: {  	s7 =	simm.s32 $0x800  }
0x8f: {  	[tilespmem:s13], [sflag:$0x1] =	stream.indirect.gather.add.f32 [hbm:s0], $0x40, s7, s12, $0xb8;
	[tilespmem:$0xCE80] =	vst v63  }
0x90: {  	_ = 	snop  }
0x91: {  	[tilespmem:s14], [sflag:$0x2] =	stream.indirect.gather.add.f32 [hbm:s0], $0x40, s12, s12, $0xb8;
	[tilespmem:$0xCE80] =	vst v63  }
0x92: {  	s8 =	simm.s32 $0x280  }
0x93: {  	[tilespmem:s14], [sflag:$0x2] =	stream.indirect.gather.add.f32 [hbm:s0], $0x40, s8, s12, $0xb8;
	[tilespmem:$0xCE80] =	vst v63  }
0x94: {  	s18 =	simm.s32 $0x480  }
0x95: {  	[tilespmem:s14], [sflag:$0x2] =	stream.indirect.gather.add.f32 [hbm:s0], $0x40, s18, s12, $0xb8;
	[tilespmem:$0xCE80] =	vst v63  }
0x96: {  	s19 =	simm.s32 $0x680  }
0x97: {  	[tilespmem:s14], [sflag:$0x2] =	stream.indirect.gather.add.f32 [hbm:s0], $0x40, s19, s12, $0xb8;
	[tilespmem:$0xCE80] =	vst v63  }
0x98: {  	s21 =	simm.s32 $0x880  }
0x99: {  	[tilespmem:s14], [sflag:$0x2] =	stream.indirect.gather.add.f32 [hbm:s0], $0x40, s21, s12, $0xb8;
	[tilespmem:$0xCE80] =	vst v63  }
0x9a: {  	_ =	swait.ge [sflag:s3], $0x2000  }
0x9b: {  	[sflag:s3] =	ssyncset.done $0x0  }
0x9c: {  	[sflag:s3] =	ssyncadd.s32 $0xFFFFE000  }
0x9d: {  	_ =	swait.ge [sflag:s3], $0x2000  }
0x9e: {  	[sflag:s3] =	ssyncset.done $0x0  }
0x9f: {  	[sflag:s3] =	ssyncadd.s32 $0xFFFFE000  }
0xa0: {  	_ =	swait.ge [sflag:s3], $0x2000  }
0xa1: {  	[sflag:s3] =	ssyncset.done $0x0  }
0xa2: {  	[sflag:s3] =	ssyncadd.s32 $0xFFFFE000  }
0xa3: {  	_ =	swait.ge [sflag:s3], $0x2000  }
0xa4: {  	[sflag:s3] =	ssyncset.done $0x0  }
0xa5: {  	[sflag:s3] =	ssyncadd.s32 $0xFFFFE000  }
0xa6: {  	_ =	swait.ge [sflag:s3], $0x2000  }
0xa7: {  	[sflag:s3] =	ssyncset.done $0x0  }
0xa8: {  	s6 =	simm.s32 $0x66A0;
	[sflag:s3] =	ssyncadd.s32 $0xFFFFE000  }
0xa9: {  	v1 =	vld [tilespmem:s6+$0xFFFFFFE0];
	_ =	sdelay $0x3  }
0xaa: {  	s18 =	simm.s32 $0xA6A0  }
0xab: {  	[tilespmem:s18+$0xFFFFFFE0] =	vst v1  }
0xac: {  	v1 =	vld [tilespmem:s6+$0xFFFFFFF0];
	_ =	sdelay $0x3  }
0xad: {  	[tilespmem:s6+$0xFFFFFFE0] =	vst v0  }
0xae: {  	[tilespmem:s18+$0xFFFFFFF0] =	vst v1  }
0xaf: {  	v1 =	vld [tilespmem:s6+$0x0];
	_ =	sdelay $0x3  }
0xb0: {  	[tilespmem:s6+$0xFFFFFFF0] =	vst v0  }
0xb1: {  	[tilespmem:s18+$0x0] =	vst v1  }
0xb2: {  	v1 =	vld [tilespmem:s6+$0x10];
	_ =	sdelay $0x3  }
0xb3: {  	[tilespmem:s6+$0x0] =	vst v0  }
0xb4: {  	[tilespmem:s18+$0x10] =	vst v1  }
0xb5: {  	s20 =	sand.u32 $0x7F, s20;
	s19 =	simm.s32 $0xA00;
	[tilespmem:s6+$0x10] =	vst v0  }
0xb6: {  	s22 =	sor.u32 $0xC00, s20;
	v1 =	vld.msk [tilespmem:s19+$0x0], $0x1  }
0xb7: {  	v2 =	vld.msk [tilespmem:s22+$0x0], $0x1  }
0xb8: {  	s7 =	sor.u32 $0xE00, s20  }
0xb9: {  	v3 =	vld.msk [tilespmem:s7+$0x0], $0x1  }
0xba: {  	s8 =	sor.u32 $0x1000, s20  }
0xbb: {  	v4 =	vld.msk [tilespmem:s8+$0x0], $0x1;
	(v2sf) =	vpush v1, $0x0  }
0xbc: {  	s20 =	sor.u32 $0x1200, s20;
	(v2sf) =	vpush v2, $0x0  }
0xbd: {  	v1 =	vld.msk [tilespmem:s20+$0x0], $0x1  }
0xbe: {  	(v2sf) =	vpush v3, $0x0;
	_ =	sdelay $0x1  }
0xbf: {  	(v2sf) =	vpush v4, $0x0;
	_ =	sdelay $0x1  }
0xc0: {  	(v2sf) =	vpush v1, $0x0;
	_ =	sdelay $0x7  }
0xc1: {  	s22 =	spop (v2sf)  }
0xc2: {  	s20 =	sshll.u32 s22, $0x6;
	s7 =	spop (v2sf)  }
0xc3: {  	s20 =	sshra.s32 s20, $0x2;
	s21 =	sshll.u32 s7, $0x6  }
0xc4: {  	s7 =	spop (v2sf);
	v1 =	vld [tilespmem:s20+$0x2800];
	s8 =	sshra.s32 s21, $0x2  }
0xc5: {  	s7 =	sshll.u32 s7, $0x6;
	v2 =	vld [tilespmem:s8+$0x2800]  }
0xc6: {  	s21 =	spop (v2sf);
	s7 =	sshra.s32 s7, $0x2  }
0xc7: {  	s20 =	sshll.u32 s21, $0x6;
	v3 =	vld [tilespmem:s7+$0x2800]  }
0xc8: {  	s22 =	spop (v2sf);
	s20 =	sshra.s32 s20, $0x2  }
0xc9: {  	s7 =	sshll.u32 s22, $0x6;
	v63 =	vld [tilespmem:s20+$0x2800]  }
0xca: {  	s7 =	sshra.s32 s7, $0x2;
	v1 =	vadd.f32 v2, v1  }
0xcb: {  	v2 =	vld [tilespmem:s7+$0x2800]  }
0xcc: {  	v1 =	vadd.f32 v3, v1;
	_ =	sdelay $0x1  }
0xcd: {  	v1 =	vadd.f32 v63, v1;
	_ =	sdelay $0x1  }
0xce: {  	s21 =	simm.s32 $0xA6A0;
	s20 =	simm.s32 $0x1;
	v1 =	vadd.f32 v2, v1  }
.LBB2_6:
0xcf: {  	s19 =	sadd.s32 $0x1, s19  }
0xd0: {  	s18 =	sadd.s32 $0x50, s18;
	s6 =	sadd.s32 $0x40, s6;
	s7 =	smov.u32 s20  }
0xd1: {  	p0 =	sne.s32 s20, $0x7F;
	s20 =	sadd.s32 $0x1, s20;
	[tilespmem:s21+$0x20] =	vst v1;
	s21 =	smov.u32 s18  }
0xd2: {  	v1 =	vld [tilespmem:s6+$0xFFFFFFE0];
	_ =	sdelay $0x4  }
0xd3: {  	[tilespmem:s18+$0xFFFFFFE0] =	vst v1  }
0xd4: {  	v1 =	vld [tilespmem:s6+$0xFFFFFFF0];
	_ =	sdelay $0x3  }
0xd5: {  	[tilespmem:s6+$0xFFFFFFE0] =	vst v0  }
0xd6: {  	[tilespmem:s18+$0xFFFFFFF0] =	vst v1  }
0xd7: {  	v1 =	vld [tilespmem:s6+$0x0];
	_ =	sdelay $0x3  }
0xd8: {  	[tilespmem:s6+$0xFFFFFFF0] =	vst v0  }
0xd9: {  	[tilespmem:s18+$0x0] =	vst v1  }
0xda: {  	v1 =	vld [tilespmem:s6+$0x10];
	_ =	sdelay $0x3  }
0xdb: {  	[tilespmem:s6+$0x0] =	vst v0  }
0xdc: {  	s7 =	sand.u32 $0x7F, s7;
	[tilespmem:s18+$0x10] =	vst v1  }
0xdd: {  	s8 =	sor.u32 $0xC00, s7;
	[tilespmem:s6+$0x10] =	vst v0  }
0xde: {  	v1 =	vld.msk [tilespmem:s19+$0x0], $0x1  }
0xdf: {  	v2 =	vld.msk [tilespmem:s8+$0x0], $0x1;
	s8 =	sor.u32 $0xE00, s7  }
0xe0: {  	v3 =	vld.msk [tilespmem:s8+$0x0], $0x1;
	s8 =	sor.u32 $0x1000, s7  }
0xe1: {  	s7 =	sor.u32 $0x1200, s7;
	v4 =	vld.msk [tilespmem:s8+$0x0], $0x1  }
0xe2: {  	v5 =	vld.msk [tilespmem:s7+$0x0], $0x1  }
0xe3: {  	(v2sf) =	vpush v1, $0x0  }
0xe4: {  	(v2sf) =	vpush v2, $0x0  }
0xe5: {  	(v2sf) =	vpush v3, $0x0  }
0xe6: {  	(v2sf) =	vpush v4, $0x0  }
0xe7: {  	(v2sf) =	vpush v5, $0x0;
	_ =	sdelay $0xa  }
0xe8: {  	s7 =	spop (v2sf)  }
0xe9: {  	s7 =	sshll.u32 s7, $0x6;
	s8 =	spop (v2sf)  }
0xea: {  	s7 =	sshra.s32 s7, $0x2;
	s8 =	sshll.u32 s8, $0x6;
	s22 =	spop (v2sf)  }
0xeb: {  	v1 =	vld [tilespmem:s7+$0x2800];
	s7 =	sshra.s32 s8, $0x2;
	s8 =	sshll.u32 s22, $0x6;
	s22 =	spop (v2sf)  }
0xec: {  	v2 =	vld [tilespmem:s7+$0x2800];
	s7 =	sshra.s32 s8, $0x2;
	s8 =	sshll.u32 s22, $0x6;
	s22 =	spop (v2sf)  }
0xed: {  	v3 =	vld [tilespmem:s7+$0x2800];
	s7 =	sshra.s32 s8, $0x2;
	s8 =	sshll.u32 s22, $0x6  }
0xee: {  	v4 =	vld [tilespmem:s7+$0x2800];
	s7 =	sshra.s32 s8, $0x2  }
0xef: {  	v5 =	vld [tilespmem:s7+$0x2800];
	_ =	sdelay $0x1  }
0xf0: {  	v1 =	vadd.f32 v2, v1;
	_ =	sdelay $0x1  }
.Ltmp2:
0xf1: {  	v1 =	vadd.f32 v3, v1;
	(pc) =	sbr.rel @p0 .LBB2_6-.Ltmp2, $3  }
0xf2: {  	_ = 	snop  }
0xf3: {  	v1 =	vadd.f32 v4, v1;
	_ =	sdelay $0x1  }
0xf4: {  	v1 =	vadd.f32 v5, v1  }
0xf5: {  	_ = 	snop  }
0xf6: {  	s6 =	rddreg [dreg:$0x17];
	[tilespmem:s21+$0x20] =	vst v1  }
0xf7: {  	[hbm4b:s6+s15] =	stream.strided.scatter [tilespmem:s4], [sflag:$0x3], $0x2800, s12, s15, $0x38;
	[tilespmem:$0xCE80] =	vst v63  }
0xf8: {  	s8 =	simm.s32 $0x100  }
0xf9: {  	[tilespmem:s13], [sflag:$0x1] =	stream.indirect.gather.add.f32 [hbm:s0], $0x40, s8, s12, $0xb8;
	[tilespmem:$0xCE80] =	vst v63  }
0xfa: {  	s18 =	simm.s32 $0x300  }
0xfb: {  	[tilespmem:s13], [sflag:$0x1] =	stream.indirect.gather.add.f32 [hbm:s0], $0x40, s18, s12, $0xb8;
	[tilespmem:$0xCE80] =	vst v63  }
0xfc: {  	s19 =	simm.s32 $0x500  }
0xfd: {  	[tilespmem:s13], [sflag:$0x1] =	stream.indirect.gather.add.f32 [hbm:s0], $0x40, s19, s12, $0xb8;
	[tilespmem:$0xCE80] =	vst v63  }
0xfe: {  	s20 =	simm.s32 $0x700  }
0xff: {  	[tilespmem:s13], [sflag:$0x1] =	stream.indirect.gather.add.f32 [hbm:s0], $0x40, s20, s12, $0xb8;
	[tilespmem:$0xCE80] =	vst v63  }
0x100: {  	s21 =	simm.s32 $0x900  }
0x101: {  	[tilespmem:s13], [sflag:$0x1] =	stream.indirect.gather.add.f32 [hbm:s0], $0x40, s21, s12, $0xb8;
	[tilespmem:$0xCE80] =	vst v63  }
0x102: {  	_ =	swait.ge [sflag:s16], $0x2000  }
0x103: {  	[sflag:s16] =	ssyncset.done $0x0  }
0x104: {  	[sflag:s16] =	ssyncadd.s32 $0xFFFFE000  }
0x105: {  	_ =	swait.ge [sflag:s16], $0x2000  }
0x106: {  	[sflag:s16] =	ssyncset.done $0x0  }
0x107: {  	[sflag:s16] =	ssyncadd.s32 $0xFFFFE000  }
0x108: {  	_ =	swait.ge [sflag:s16], $0x2000  }
0x109: {  	[sflag:s16] =	ssyncset.done $0x0  }
0x10a: {  	[sflag:s16] =	ssyncadd.s32 $0xFFFFE000  }
0x10b: {  	_ =	swait.ge [sflag:s16], $0x2000  }
0x10c: {  	[sflag:s16] =	ssyncset.done $0x0  }
0x10d: {  	[sflag:s16] =	ssyncadd.s32 $0xFFFFE000  }
0x10e: {  	_ =	swait.ge [sflag:s16], $0x2000  }
0x10f: {  	[sflag:s16] =	ssyncset.done $0x0  }
0x110: {  	[sflag:s16] =	ssyncadd.s32 $0xFFFFE000  }
0x111: {  	_ =	swait.ge [sflag:s5], $0x2800  }
0x112: {  	[sflag:s5] =	ssyncset.done $0x0  }
0x113: {  	s6 =	simm.s32 $0x86A0;
	[sflag:s5] =	ssyncadd.s32 $0xFFFFD800  }
0x114: {  	v1 =	vld [tilespmem:s6+$0xFFFFFFE0];
	_ =	sdelay $0x3  }
0x115: {  	s18 =	simm.s32 $0xA6A0  }
0x116: {  	[tilespmem:s18+$0xFFFFFFE0] =	vst v1  }
0x117: {  	v1 =	vld [tilespmem:s6+$0xFFFFFFF0];
	_ =	sdelay $0x3  }
0x118: {  	[tilespmem:s6+$0xFFFFFFE0] =	vst v0  }
0x119: {  	[tilespmem:s18+$0xFFFFFFF0] =	vst v1  }
0x11a: {  	v1 =	vld [tilespmem:s6+$0x0];
	_ =	sdelay $0x3  }
0x11b: {  	[tilespmem:s6+$0xFFFFFFF0] =	vst v0  }
0x11c: {  	[tilespmem:s18+$0x0] =	vst v1  }
0x11d: {  	v1 =	vld [tilespmem:s6+$0x10];
	_ =	sdelay $0x3  }
0x11e: {  	s7 =	simm.s32 $0x0;
	[tilespmem:s6+$0x0] =	vst v0  }
0x11f: {  	s7 =	sand.u32 $0x7F, s7;
	[tilespmem:s18+$0x10] =	vst v1  }
0x120: {  	s8 =	sor.u32 $0xA80, s7;
	[tilespmem:s6+$0x10] =	vst v0  }
0x121: {  	s19 =	sor.u32 $0xC80, s7;
	v1 =	vld.msk [tilespmem:s8+$0x0], $0x1  }
0x122: {  	v2 =	vld.msk [tilespmem:s19+$0x0], $0x1  }
0x123: {  	s22 =	sor.u32 $0xE80, s7  }
0x124: {  	v3 =	vld.msk [tilespmem:s22+$0x0], $0x1  }
0x125: {  	s19 =	sor.u32 $0x1080, s7  }
0x126: {  	v4 =	vld.msk [tilespmem:s19+$0x0], $0x1;
	(v2sf) =	vpush v1, $0x0  }
0x127: {  	s7 =	sor.u32 $0x1280, s7;
	(v2sf) =	vpush v2, $0x0  }
0x128: {  	v1 =	vld.msk [tilespmem:s7+$0x0], $0x1  }
0x129: {  	(v2sf) =	vpush v3, $0x0;
	_ =	sdelay $0x1  }
0x12a: {  	(v2sf) =	vpush v4, $0x0;
	_ =	sdelay $0x1  }
0x12b: {  	(v2sf) =	vpush v1, $0x0;
	_ =	sdelay $0x7  }
0x12c: {  	s20 =	spop (v2sf)  }
0x12d: {  	s7 =	sshll.u32 s20, $0x6;
	s21 =	spop (v2sf)  }
0x12e: {  	s7 =	sshra.s32 s7, $0x2;
	s8 =	sshll.u32 s21, $0x6  }
0x12f: {  	s22 =	spop (v2sf);
	v1 =	vld [tilespmem:s7+$0x2800];
	s8 =	sshra.s32 s8, $0x2  }
0x130: {  	s19 =	sshll.u32 s22, $0x6;
	v2 =	vld [tilespmem:s8+$0x2800]  }
0x131: {  	s20 =	spop (v2sf);
	s8 =	sshra.s32 s19, $0x2  }
0x132: {  	s7 =	sshll.u32 s20, $0x6;
	v3 =	vld [tilespmem:s8+$0x2800]  }
0x133: {  	s21 =	spop (v2sf);
	s7 =	sshra.s32 s7, $0x2  }
0x134: {  	s8 =	sshll.u32 s21, $0x6;
	v63 =	vld [tilespmem:s7+$0x2800]  }
0x135: {  	s22 =	sshra.s32 s8, $0x2;
	v1 =	vadd.f32 v2, v1  }
0x136: {  	v2 =	vld [tilespmem:s22+$0x2800]  }
0x137: {  	v1 =	vadd.f32 v3, v1;
	_ =	sdelay $0x1  }
0x138: {  	v1 =	vadd.f32 v63, v1;
	_ =	sdelay $0x1  }
0x139: {  	s19 =	simm.s32 $0x1;
	s20 =	simm.s32 $0xA6A0;
	v1 =	vadd.f32 v2, v1  }
.LBB2_8:
0x13a: {  	p0 =	sne.s32 s19, $0x7F;
	s18 =	sadd.s32 $0x50, s18;
	s6 =	sadd.s32 $0x40, s6  }
0x13b: {  	s7 =	smov.u32 s19;
	s19 =	sadd.s32 $0x1, s19;
	[tilespmem:s20+$0x20] =	vst v1;
	s20 =	smov.u32 s18  }
0x13c: {  	v1 =	vld [tilespmem:s6+$0xFFFFFFE0];
	_ =	sdelay $0x4  }
0x13d: {  	[tilespmem:s18+$0xFFFFFFE0] =	vst v1  }
0x13e: {  	v1 =	vld [tilespmem:s6+$0xFFFFFFF0];
	_ =	sdelay $0x3  }
0x13f: {  	[tilespmem:s6+$0xFFFFFFE0] =	vst v0  }
0x140: {  	[tilespmem:s18+$0xFFFFFFF0] =	vst v1  }
0x141: {  	v1 =	vld [tilespmem:s6+$0x0];
	_ =	sdelay $0x3  }
0x142: {  	[tilespmem:s6+$0xFFFFFFF0] =	vst v0  }
0x143: {  	[tilespmem:s18+$0x0] =	vst v1  }
0x144: {  	v1 =	vld [tilespmem:s6+$0x10];
	_ =	sdelay $0x3  }
0x145: {  	[tilespmem:s6+$0x0] =	vst v0  }
0x146: {  	s7 =	sand.u32 $0x7F, s7;
	[tilespmem:s18+$0x10] =	vst v1  }
0x147: {  	s8 =	sor.u32 $0xA80, s7;
	s21 =	sor.u32 $0xC80, s7;
	[tilespmem:s6+$0x10] =	vst v0  }
0x148: {  	v1 =	vld.msk [tilespmem:s8+$0x0], $0x1  }
0x149: {  	s8 =	sor.u32 $0xE80, s7;
	v2 =	vld.msk [tilespmem:s21+$0x0], $0x1  }
0x14a: {  	v3 =	vld.msk [tilespmem:s8+$0x0], $0x1;
	s8 =	sor.u32 $0x1080, s7  }
0x14b: {  	s7 =	sor.u32 $0x1280, s7;
	v4 =	vld.msk [tilespmem:s8+$0x0], $0x1  }
0x14c: {  	v5 =	vld.msk [tilespmem:s7+$0x0], $0x1  }
0x14d: {  	(v2sf) =	vpush v1, $0x0  }
0x14e: {  	(v2sf) =	vpush v2, $0x0  }
0x14f: {  	(v2sf) =	vpush v3, $0x0  }
0x150: {  	(v2sf) =	vpush v4, $0x0  }
0x151: {  	(v2sf) =	vpush v5, $0x0;
	_ =	sdelay $0xa  }
0x152: {  	s7 =	spop (v2sf)  }
0x153: {  	s7 =	sshll.u32 s7, $0x6;
	s8 =	spop (v2sf)  }
0x154: {  	s7 =	sshra.s32 s7, $0x2;
	s8 =	sshll.u32 s8, $0x6;
	s21 =	spop (v2sf)  }
0x155: {  	v1 =	vld [tilespmem:s7+$0x2800];
	s7 =	sshra.s32 s8, $0x2;
	s8 =	sshll.u32 s21, $0x6;
	s21 =	spop (v2sf)  }
0x156: {  	v2 =	vld [tilespmem:s7+$0x2800];
	s7 =	sshra.s32 s8, $0x2;
	s8 =	sshll.u32 s21, $0x6;
	s21 =	spop (v2sf)  }
0x157: {  	v3 =	vld [tilespmem:s7+$0x2800];
	s7 =	sshra.s32 s8, $0x2;
	s8 =	sshll.u32 s21, $0x6  }
0x158: {  	v4 =	vld [tilespmem:s7+$0x2800];
	s7 =	sshra.s32 s8, $0x2  }
0x159: {  	v5 =	vld [tilespmem:s7+$0x2800];
	_ =	sdelay $0x1  }
0x15a: {  	v1 =	vadd.f32 v2, v1;
	_ =	sdelay $0x1  }
.Ltmp3:
0x15b: {  	v1 =	vadd.f32 v3, v1;
	(pc) =	sbr.rel @p0 .LBB2_8-.Ltmp3, $3  }
0x15c: {  	_ = 	snop  }
0x15d: {  	v1 =	vadd.f32 v4, v1;
	_ =	sdelay $0x1  }
0x15e: {  	v1 =	vadd.f32 v5, v1  }
0x15f: {  	_ = 	snop  }
0x160: {  	[tilespmem:s20+$0x20] =	vst v1  }
0x161: {  	[hbm4b:s23+s15] =	stream.strided.scatter [tilespmem:s4], [sflag:$0x3], $0x2800, s12, s15, $0x38;
	[tilespmem:$0xCE80] =	vst v63  }
0x162: {  	s6 =	simm.s32 $0x180  }
0x163: {  	[tilespmem:s14], [sflag:$0x2] =	stream.indirect.gather.add.f32 [hbm:s0], $0x40, s6, s12, $0xb8;
	[tilespmem:$0xCE80] =	vst v63  }
0x164: {  	s18 =	simm.s32 $0x380  }
0x165: {  	[tilespmem:s14], [sflag:$0x2] =	stream.indirect.gather.add.f32 [hbm:s0], $0x40, s18, s12, $0xb8;
	[tilespmem:$0xCE80] =	vst v63  }
0x166: {  	s19 =	simm.s32 $0x580  }
0x167: {  	[tilespmem:s14], [sflag:$0x2] =	stream.indirect.gather.add.f32 [hbm:s0], $0x40, s19, s12, $0xb8;
	[tilespmem:$0xCE80] =	vst v63  }
0x168: {  	s20 =	simm.s32 $0x780  }
0x169: {  	[tilespmem:s14], [sflag:$0x2] =	stream.indirect.gather.add.f32 [hbm:s0], $0x40, s20, s12, $0xb8;
	[tilespmem:$0xCE80] =	vst v63  }
0x16a: {  	s21 =	simm.s32 $0x980  }
0x16b: {  	[tilespmem:s14], [sflag:$0x2] =	stream.indirect.gather.add.f32 [hbm:s0], $0x40, s21, s12, $0xb8;
	[tilespmem:$0xCE80] =	vst v63  }
0x16c: {  	_ =	swait.ge [sflag:s3], $0x2000  }
0x16d: {  	[sflag:s3] =	ssyncset.done $0x0  }
0x16e: {  	[sflag:s3] =	ssyncadd.s32 $0xFFFFE000  }
0x16f: {  	_ =	swait.ge [sflag:s3], $0x2000  }
0x170: {  	[sflag:s3] =	ssyncset.done $0x0  }
0x171: {  	[sflag:s3] =	ssyncadd.s32 $0xFFFFE000  }
0x172: {  	_ =	swait.ge [sflag:s3], $0x2000  }
0x173: {  	[sflag:s3] =	ssyncset.done $0x0  }
0x174: {  	[sflag:s3] =	ssyncadd.s32 $0xFFFFE000  }
0x175: {  	_ =	swait.ge [sflag:s3], $0x2000  }
0x176: {  	[sflag:s3] =	ssyncset.done $0x0  }
0x177: {  	[sflag:s3] =	ssyncadd.s32 $0xFFFFE000  }
0x178: {  	_ =	swait.ge [sflag:s3], $0x2000  }
0x179: {  	[sflag:s3] =	ssyncset.done $0x0  }
0x17a: {  	[sflag:s3] =	ssyncadd.s32 $0xFFFFE000  }
0x17b: {  	_ =	swait.ge [sflag:s5], $0x2800  }
0x17c: {  	[sflag:s5] =	ssyncset.done $0x0  }
0x17d: {  	s6 =	simm.s32 $0x66A0;
	[sflag:s5] =	ssyncadd.s32 $0xFFFFD800  }
0x17e: {  	v1 =	vld [tilespmem:s6+$0xFFFFFFE0];
	_ =	sdelay $0x3  }
0x17f: {  	s18 =	simm.s32 $0xA6A0  }
0x180: {  	[tilespmem:s18+$0xFFFFFFE0] =	vst v1  }
0x181: {  	v1 =	vld [tilespmem:s6+$0xFFFFFFF0];
	_ =	sdelay $0x3  }
0x182: {  	[tilespmem:s6+$0xFFFFFFE0] =	vst v0  }
0x183: {  	[tilespmem:s18+$0xFFFFFFF0] =	vst v1  }
0x184: {  	v1 =	vld [tilespmem:s6+$0x0];
	_ =	sdelay $0x3  }
0x185: {  	[tilespmem:s6+$0xFFFFFFF0] =	vst v0  }
0x186: {  	[tilespmem:s18+$0x0] =	vst v1  }
0x187: {  	v1 =	vld [tilespmem:s6+$0x10];
	_ =	sdelay $0x3  }
0x188: {  	s7 =	simm.s32 $0x0;
	[tilespmem:s6+$0x0] =	vst v0  }
0x189: {  	s7 =	sand.u32 $0x7F, s7;
	[tilespmem:s18+$0x10] =	vst v1  }
0x18a: {  	s8 =	sor.u32 $0xB00, s7;
	[tilespmem:s6+$0x10] =	vst v0  }
0x18b: {  	s19 =	sor.u32 $0xD00, s7;
	v1 =	vld.msk [tilespmem:s8+$0x0], $0x1  }
0x18c: {  	v2 =	vld.msk [tilespmem:s19+$0x0], $0x1  }
0x18d: {  	s22 =	sor.u32 $0xF00, s7  }
0x18e: {  	v3 =	vld.msk [tilespmem:s22+$0x0], $0x1  }
0x18f: {  	s19 =	sor.u32 $0x1100, s7  }
0x190: {  	v4 =	vld.msk [tilespmem:s19+$0x0], $0x1;
	(v2sf) =	vpush v1, $0x0  }
0x191: {  	s7 =	sor.u32 $0x1300, s7;
	(v2sf) =	vpush v2, $0x0  }
0x192: {  	v1 =	vld.msk [tilespmem:s7+$0x0], $0x1  }
0x193: {  	(v2sf) =	vpush v3, $0x0;
	_ =	sdelay $0x1  }
0x194: {  	(v2sf) =	vpush v4, $0x0;
	_ =	sdelay $0x1  }
0x195: {  	(v2sf) =	vpush v1, $0x0;
	_ =	sdelay $0x7  }
0x196: {  	s20 =	spop (v2sf)  }
0x197: {  	s7 =	sshll.u32 s20, $0x6;
	s21 =	spop (v2sf)  }
0x198: {  	s7 =	sshra.s32 s7, $0x2;
	s8 =	sshll.u32 s21, $0x6  }
0x199: {  	s22 =	spop (v2sf);
	v1 =	vld [tilespmem:s7+$0x2800];
	s8 =	sshra.s32 s8, $0x2  }
0x19a: {  	s19 =	sshll.u32 s22, $0x6;
	v2 =	vld [tilespmem:s8+$0x2800]  }
0x19b: {  	s20 =	spop (v2sf);
	s8 =	sshra.s32 s19, $0x2  }
0x19c: {  	s7 =	sshll.u32 s20, $0x6;
	v3 =	vld [tilespmem:s8+$0x2800]  }
0x19d: {  	s21 =	spop (v2sf);
	s7 =	sshra.s32 s7, $0x2  }
0x19e: {  	s8 =	sshll.u32 s21, $0x6;
	v63 =	vld [tilespmem:s7+$0x2800]  }
0x19f: {  	s22 =	sshra.s32 s8, $0x2;
	v1 =	vadd.f32 v2, v1  }
0x1a0: {  	v2 =	vld [tilespmem:s22+$0x2800]  }
0x1a1: {  	v1 =	vadd.f32 v3, v1;
	_ =	sdelay $0x1  }
0x1a2: {  	v1 =	vadd.f32 v63, v1;
	_ =	sdelay $0x1  }
0x1a3: {  	s19 =	simm.s32 $0x1;
	s20 =	simm.s32 $0xA6A0;
	v1 =	vadd.f32 v2, v1  }
.LBB2_10:
0x1a4: {  	p0 =	sne.s32 s19, $0x7F;
	s18 =	sadd.s32 $0x50, s18;
	s6 =	sadd.s32 $0x40, s6  }
0x1a5: {  	s7 =	smov.u32 s19;
	s19 =	sadd.s32 $0x1, s19;
	[tilespmem:s20+$0x20] =	vst v1;
	s20 =	smov.u32 s18  }
0x1a6: {  	v1 =	vld [tilespmem:s6+$0xFFFFFFE0];
	_ =	sdelay $0x4  }
0x1a7: {  	[tilespmem:s18+$0xFFFFFFE0] =	vst v1  }
0x1a8: {  	v1 =	vld [tilespmem:s6+$0xFFFFFFF0];
	_ =	sdelay $0x3  }
0x1a9: {  	[tilespmem:s6+$0xFFFFFFE0] =	vst v0  }
0x1aa: {  	[tilespmem:s18+$0xFFFFFFF0] =	vst v1  }
0x1ab: {  	v1 =	vld [tilespmem:s6+$0x0];
	_ =	sdelay $0x3  }
0x1ac: {  	[tilespmem:s6+$0xFFFFFFF0] =	vst v0  }
0x1ad: {  	[tilespmem:s18+$0x0] =	vst v1  }
0x1ae: {  	v1 =	vld [tilespmem:s6+$0x10];
	_ =	sdelay $0x3  }
0x1af: {  	[tilespmem:s6+$0x0] =	vst v0  }
0x1b0: {  	s7 =	sand.u32 $0x7F, s7;
	[tilespmem:s18+$0x10] =	vst v1  }
0x1b1: {  	s8 =	sor.u32 $0xB00, s7;
	s21 =	sor.u32 $0xD00, s7;
	[tilespmem:s6+$0x10] =	vst v0  }
0x1b2: {  	v1 =	vld.msk [tilespmem:s8+$0x0], $0x1  }
0x1b3: {  	s8 =	sor.u32 $0xF00, s7;
	v2 =	vld.msk [tilespmem:s21+$0x0], $0x1  }
0x1b4: {  	v3 =	vld.msk [tilespmem:s8+$0x0], $0x1;
	s8 =	sor.u32 $0x1100, s7  }
0x1b5: {  	s7 =	sor.u32 $0x1300, s7;
	v4 =	vld.msk [tilespmem:s8+$0x0], $0x1  }
0x1b6: {  	v5 =	vld.msk [tilespmem:s7+$0x0], $0x1  }
0x1b7: {  	(v2sf) =	vpush v1, $0x0  }
0x1b8: {  	(v2sf) =	vpush v2, $0x0  }
0x1b9: {  	(v2sf) =	vpush v3, $0x0  }
0x1ba: {  	(v2sf) =	vpush v4, $0x0  }
0x1bb: {  	(v2sf) =	vpush v5, $0x0;
	_ =	sdelay $0xa  }
0x1bc: {  	s7 =	spop (v2sf)  }
0x1bd: {  	s7 =	sshll.u32 s7, $0x6;
	s8 =	spop (v2sf)  }
0x1be: {  	s7 =	sshra.s32 s7, $0x2;
	s8 =	sshll.u32 s8, $0x6;
	s21 =	spop (v2sf)  }
0x1bf: {  	v1 =	vld [tilespmem:s7+$0x2800];
	s7 =	sshra.s32 s8, $0x2;
	s8 =	sshll.u32 s21, $0x6;
	s21 =	spop (v2sf)  }
0x1c0: {  	v2 =	vld [tilespmem:s7+$0x2800];
	s7 =	sshra.s32 s8, $0x2;
	s8 =	sshll.u32 s21, $0x6;
	s21 =	spop (v2sf)  }
0x1c1: {  	v3 =	vld [tilespmem:s7+$0x2800];
	s7 =	sshra.s32 s8, $0x2;
	s8 =	sshll.u32 s21, $0x6  }
0x1c2: {  	v4 =	vld [tilespmem:s7+$0x2800];
	s7 =	sshra.s32 s8, $0x2  }
0x1c3: {  	v5 =	vld [tilespmem:s7+$0x2800];
	_ =	sdelay $0x1  }
0x1c4: {  	v1 =	vadd.f32 v2, v1;
	_ =	sdelay $0x1  }
.Ltmp4:
0x1c5: {  	v1 =	vadd.f32 v3, v1;
	(pc) =	sbr.rel @p0 .LBB2_10-.Ltmp4, $3  }
0x1c6: {  	_ = 	snop  }
0x1c7: {  	v1 =	vadd.f32 v4, v1;
	_ =	sdelay $0x1  }
0x1c8: {  	v1 =	vadd.f32 v5, v1  }
0x1c9: {  	_ = 	snop  }
0x1ca: {  	[tilespmem:s20+$0x20] =	vst v1  }
0x1cb: {  	[hbm4b:s24+s15] =	stream.strided.scatter [tilespmem:s4], [sflag:$0x3], $0x2800, s12, s15, $0x38;
	[tilespmem:$0xCE80] =	vst v63  }
0x1cc: {  	s6 =	simm.s32 $0x1400  }
0x1cd: {  	[tilespmem:s13], [sflag:$0x1] =	stream.indirect.gather.add.f32 [hbm:s0], $0x40, s6, s12, $0xb8;
	[tilespmem:$0xCE80] =	vst v63  }
0x1ce: {  	s21 =	simm.s32 $0x1600  }
0x1cf: {  	[tilespmem:s13], [sflag:$0x1] =	stream.indirect.gather.add.f32 [hbm:s0], $0x40, s21, s12, $0xb8;
	[tilespmem:$0xCE80] =	vst v63  }
0x1d0: {  	_ = 	snop  }
0x1d1: {  	[tilespmem:s13], [sflag:$0x1] =	stream.indirect.gather.add.f32 [hbm:s0], $0x40, s9, s12, $0xb8;
	[tilespmem:$0xCE80] =	vst v63  }
0x1d2: {  	_ = 	snop  }
0x1d3: {  	[tilespmem:s13], [sflag:$0x1] =	stream.indirect.gather.add.f32 [hbm:s0], $0x40, s10, s12, $0xb8;
	[tilespmem:$0xCE80] =	vst v63  }
0x1d4: {  	_ = 	snop  }
0x1d5: {  	[tilespmem:s13], [sflag:$0x1] =	stream.indirect.gather.add.f32 [hbm:s0], $0x40, s11, s12, $0xb8;
	[tilespmem:$0xCE80] =	vst v63  }
0x1d6: {  	_ =	swait.ge [sflag:s16], $0x2000  }
0x1d7: {  	[sflag:s16] =	ssyncset.done $0x0  }
0x1d8: {  	[sflag:s16] =	ssyncadd.s32 $0xFFFFE000  }
0x1d9: {  	_ =	swait.ge [sflag:s16], $0x2000  }
0x1da: {  	[sflag:s16] =	ssyncset.done $0x0  }
0x1db: {  	[sflag:s16] =	ssyncadd.s32 $0xFFFFE000  }
0x1dc: {  	_ =	swait.ge [sflag:s16], $0x2000  }
0x1dd: {  	[sflag:s16] =	ssyncset.done $0x0  }
0x1de: {  	[sflag:s16] =	ssyncadd.s32 $0xFFFFE000  }
0x1df: {  	_ =	swait.ge [sflag:s16], $0x2000  }
0x1e0: {  	[sflag:s16] =	ssyncset.done $0x0  }
0x1e1: {  	[sflag:s16] =	ssyncadd.s32 $0xFFFFE000  }
0x1e2: {  	_ =	swait.ge [sflag:s16], $0x2000  }
0x1e3: {  	[sflag:s16] =	ssyncset.done $0x0  }
0x1e4: {  	[sflag:s16] =	ssyncadd.s32 $0xFFFFE000  }
0x1e5: {  	_ =	swait.ge [sflag:s5], $0x2800  }
0x1e6: {  	[sflag:s5] =	ssyncset.done $0x0  }
0x1e7: {  	s6 =	simm.s32 $0x86A0;
	[sflag:s5] =	ssyncadd.s32 $0xFFFFD800  }
0x1e8: {  	v1 =	vld [tilespmem:s6+$0xFFFFFFE0];
	_ =	sdelay $0x3  }
0x1e9: {  	s18 =	simm.s32 $0xA6A0  }
0x1ea: {  	[tilespmem:s18+$0xFFFFFFE0] =	vst v1  }
0x1eb: {  	v1 =	vld [tilespmem:s6+$0xFFFFFFF0];
	_ =	sdelay $0x3  }
0x1ec: {  	[tilespmem:s6+$0xFFFFFFE0] =	vst v0  }
0x1ed: {  	[tilespmem:s18+$0xFFFFFFF0] =	vst v1  }
0x1ee: {  	v1 =	vld [tilespmem:s6+$0x0];
	_ =	sdelay $0x3  }
0x1ef: {  	[tilespmem:s6+$0xFFFFFFF0] =	vst v0  }
0x1f0: {  	[tilespmem:s18+$0x0] =	vst v1  }
0x1f1: {  	v1 =	vld [tilespmem:s6+$0x10];
	_ =	sdelay $0x3  }
0x1f2: {  	s7 =	simm.s32 $0x0;
	[tilespmem:s6+$0x0] =	vst v0  }
0x1f3: {  	s7 =	sand.u32 $0x7F, s7;
	[tilespmem:s18+$0x10] =	vst v1  }
0x1f4: {  	s8 =	sor.u32 $0xB80, s7;
	[tilespmem:s6+$0x10] =	vst v0  }
0x1f5: {  	s19 =	sor.u32 $0xD80, s7;
	v1 =	vld.msk [tilespmem:s8+$0x0], $0x1  }
0x1f6: {  	v2 =	vld.msk [tilespmem:s19+$0x0], $0x1  }
0x1f7: {  	s22 =	sor.u32 $0xF80, s7  }
0x1f8: {  	v3 =	vld.msk [tilespmem:s22+$0x0], $0x1  }
0x1f9: {  	s19 =	sor.u32 $0x1180, s7  }
0x1fa: {  	v4 =	vld.msk [tilespmem:s19+$0x0], $0x1;
	(v2sf) =	vpush v1, $0x0  }
0x1fb: {  	s7 =	sor.u32 $0x1380, s7;
	(v2sf) =	vpush v2, $0x0  }
0x1fc: {  	v1 =	vld.msk [tilespmem:s7+$0x0], $0x1  }
0x1fd: {  	(v2sf) =	vpush v3, $0x0;
	_ =	sdelay $0x1  }
0x1fe: {  	(v2sf) =	vpush v4, $0x0;
	_ =	sdelay $0x1  }
0x1ff: {  	(v2sf) =	vpush v1, $0x0;
	_ =	sdelay $0x7  }
0x200: {  	s20 =	spop (v2sf)  }
0x201: {  	s7 =	sshll.u32 s20, $0x6;
	s21 =	spop (v2sf)  }
0x202: {  	s7 =	sshra.s32 s7, $0x2;
	s8 =	sshll.u32 s21, $0x6  }
0x203: {  	s22 =	spop (v2sf);
	v1 =	vld [tilespmem:s7+$0x2800];
	s8 =	sshra.s32 s8, $0x2  }
0x204: {  	s19 =	sshll.u32 s22, $0x6;
	v2 =	vld [tilespmem:s8+$0x2800]  }
0x205: {  	s20 =	spop (v2sf);
	s8 =	sshra.s32 s19, $0x2  }
0x206: {  	s7 =	sshll.u32 s20, $0x6;
	v3 =	vld [tilespmem:s8+$0x2800]  }
0x207: {  	s21 =	spop (v2sf);
	s7 =	sshra.s32 s7, $0x2  }
0x208: {  	s8 =	sshll.u32 s21, $0x6;
	v63 =	vld [tilespmem:s7+$0x2800]  }
0x209: {  	s22 =	sshra.s32 s8, $0x2;
	v1 =	vadd.f32 v2, v1  }
0x20a: {  	v2 =	vld [tilespmem:s22+$0x2800]  }
0x20b: {  	v1 =	vadd.f32 v3, v1;
	_ =	sdelay $0x1  }
0x20c: {  	v1 =	vadd.f32 v63, v1;
	_ =	sdelay $0x1  }
0x20d: {  	s19 =	simm.s32 $0x1;
	s20 =	simm.s32 $0xA6A0;
	v1 =	vadd.f32 v2, v1  }
.LBB2_12:
0x20e: {  	p0 =	sne.s32 s19, $0x7F;
	s18 =	sadd.s32 $0x50, s18;
	s6 =	sadd.s32 $0x40, s6  }
0x20f: {  	s7 =	smov.u32 s19;
	s19 =	sadd.s32 $0x1, s19;
	[tilespmem:s20+$0x20] =	vst v1;
	s20 =	smov.u32 s18  }
0x210: {  	v1 =	vld [tilespmem:s6+$0xFFFFFFE0];
	_ =	sdelay $0x4  }
0x211: {  	[tilespmem:s18+$0xFFFFFFE0] =	vst v1  }
0x212: {  	v1 =	vld [tilespmem:s6+$0xFFFFFFF0];
	_ =	sdelay $0x3  }
0x213: {  	[tilespmem:s6+$0xFFFFFFE0] =	vst v0  }
0x214: {  	[tilespmem:s18+$0xFFFFFFF0] =	vst v1  }
0x215: {  	v1 =	vld [tilespmem:s6+$0x0];
	_ =	sdelay $0x3  }
0x216: {  	[tilespmem:s6+$0xFFFFFFF0] =	vst v0  }
0x217: {  	[tilespmem:s18+$0x0] =	vst v1  }
0x218: {  	v1 =	vld [tilespmem:s6+$0x10];
	_ =	sdelay $0x3  }
0x219: {  	[tilespmem:s6+$0x0] =	vst v0  }
0x21a: {  	s7 =	sand.u32 $0x7F, s7;
	[tilespmem:s18+$0x10] =	vst v1  }
0x21b: {  	s8 =	sor.u32 $0xB80, s7;
	s21 =	sor.u32 $0xD80, s7;
	[tilespmem:s6+$0x10] =	vst v0  }
0x21c: {  	v1 =	vld.msk [tilespmem:s8+$0x0], $0x1  }
0x21d: {  	s8 =	sor.u32 $0xF80, s7;
	v2 =	vld.msk [tilespmem:s21+$0x0], $0x1  }
0x21e: {  	v3 =	vld.msk [tilespmem:s8+$0x0], $0x1;
	s8 =	sor.u32 $0x1180, s7  }
0x21f: {  	s7 =	sor.u32 $0x1380, s7;
	v4 =	vld.msk [tilespmem:s8+$0x0], $0x1  }
0x220: {  	v5 =	vld.msk [tilespmem:s7+$0x0], $0x1  }
0x221: {  	(v2sf) =	vpush v1, $0x0  }
0x222: {  	(v2sf) =	vpush v2, $0x0  }
0x223: {  	(v2sf) =	vpush v3, $0x0  }
0x224: {  	(v2sf) =	vpush v4, $0x0  }
0x225: {  	(v2sf) =	vpush v5, $0x0;
	_ =	sdelay $0xa  }
0x226: {  	s7 =	spop (v2sf)  }
0x227: {  	s7 =	sshll.u32 s7, $0x6;
	s8 =	spop (v2sf)  }
0x228: {  	s7 =	sshra.s32 s7, $0x2;
	s8 =	sshll.u32 s8, $0x6;
	s21 =	spop (v2sf)  }
0x229: {  	v1 =	vld [tilespmem:s7+$0x2800];
	s7 =	sshra.s32 s8, $0x2;
	s8 =	sshll.u32 s21, $0x6;
	s21 =	spop (v2sf)  }
0x22a: {  	v2 =	vld [tilespmem:s7+$0x2800];
	s7 =	sshra.s32 s8, $0x2;
	s8 =	sshll.u32 s21, $0x6;
	s21 =	spop (v2sf)  }
0x22b: {  	v3 =	vld [tilespmem:s7+$0x2800];
	s7 =	sshra.s32 s8, $0x2;
	s8 =	sshll.u32 s21, $0x6  }
0x22c: {  	v4 =	vld [tilespmem:s7+$0x2800];
	s7 =	sshra.s32 s8, $0x2  }
0x22d: {  	v5 =	vld [tilespmem:s7+$0x2800];
	_ =	sdelay $0x1  }
0x22e: {  	v1 =	vadd.f32 v2, v1;
	_ =	sdelay $0x1  }
.Ltmp5:
0x22f: {  	v1 =	vadd.f32 v3, v1;
	(pc) =	sbr.rel @p0 .LBB2_12-.Ltmp5, $3  }
0x230: {  	_ = 	snop  }
0x231: {  	v1 =	vadd.f32 v4, v1;
	_ =	sdelay $0x1  }
0x232: {  	v1 =	vadd.f32 v5, v1  }
0x233: {  	_ = 	snop  }
0x234: {  	[tilespmem:s20+$0x20] =	vst v1  }
0x235: {  	[hbm4b:s26+s15] =	stream.strided.scatter [tilespmem:s4], [sflag:$0x3], $0x2800, s12, s15, $0x38;
	[tilespmem:$0xCE80] =	vst v63  }
0x236: {  	s6 =	simm.s32 $0x1480  }
0x237: {  	[tilespmem:s14], [sflag:$0x2] =	stream.indirect.gather.add.f32 [hbm:s0], $0x40, s6, s12, $0xb8;
	[tilespmem:$0xCE80] =	vst v63  }
0x238: {  	s8 =	simm.s32 $0x1680  }
0x239: {  	[tilespmem:s14], [sflag:$0x2] =	stream.indirect.gather.add.f32 [hbm:s0], $0x40, s8, s12, $0xb8;
	[tilespmem:$0xCE80] =	vst v63  }
0x23a: {  	s18 =	simm.s32 $0x1880  }
0x23b: {  	[tilespmem:s14], [sflag:$0x2] =	stream.indirect.gather.add.f32 [hbm:s0], $0x40, s18, s12, $0xb8;
	[tilespmem:$0xCE80] =	vst v63  }
0x23c: {  	s19 =	simm.s32 $0x1A80  }
0x23d: {  	[tilespmem:s14], [sflag:$0x2] =	stream.indirect.gather.add.f32 [hbm:s0], $0x40, s19, s12, $0xb8;
	[tilespmem:$0xCE80] =	vst v63  }
0x23e: {  	s20 =	simm.s32 $0x1C80  }
0x23f: {  	[tilespmem:s14], [sflag:$0x2] =	stream.indirect.gather.add.f32 [hbm:s0], $0x40, s20, s12, $0xb8;
	[tilespmem:$0xCE80] =	vst v63  }
0x240: {  	_ =	swait.ge [sflag:s3], $0x2000  }
0x241: {  	[sflag:s3] =	ssyncset.done $0x0  }
0x242: {  	[sflag:s3] =	ssyncadd.s32 $0xFFFFE000  }
0x243: {  	_ =	swait.ge [sflag:s3], $0x2000  }
0x244: {  	[sflag:s3] =	ssyncset.done $0x0  }
0x245: {  	[sflag:s3] =	ssyncadd.s32 $0xFFFFE000  }
0x246: {  	_ =	swait.ge [sflag:s3], $0x2000  }
0x247: {  	[sflag:s3] =	ssyncset.done $0x0  }
0x248: {  	[sflag:s3] =	ssyncadd.s32 $0xFFFFE000  }
0x249: {  	_ =	swait.ge [sflag:s3], $0x2000  }
0x24a: {  	[sflag:s3] =	ssyncset.done $0x0  }
0x24b: {  	[sflag:s3] =	ssyncadd.s32 $0xFFFFE000  }
0x24c: {  	_ =	swait.ge [sflag:s3], $0x2000  }
0x24d: {  	[sflag:s3] =	ssyncset.done $0x0  }
0x24e: {  	[sflag:s3] =	ssyncadd.s32 $0xFFFFE000  }
0x24f: {  	_ =	swait.ge [sflag:s5], $0x2800  }
0x250: {  	[sflag:s5] =	ssyncset.done $0x0  }
0x251: {  	s6 =	simm.s32 $0x66A0;
	[sflag:s5] =	ssyncadd.s32 $0xFFFFD800  }
0x252: {  	v1 =	vld [tilespmem:s6+$0xFFFFFFE0];
	_ =	sdelay $0x3  }
0x253: {  	s18 =	simm.s32 $0xA6A0  }
0x254: {  	[tilespmem:s18+$0xFFFFFFE0] =	vst v1  }
0x255: {  	v1 =	vld [tilespmem:s6+$0xFFFFFFF0];
	_ =	sdelay $0x3  }
0x256: {  	[tilespmem:s6+$0xFFFFFFE0] =	vst v0  }
0x257: {  	[tilespmem:s18+$0xFFFFFFF0] =	vst v1  }
0x258: {  	v1 =	vld [tilespmem:s6+$0x0];
	_ =	sdelay $0x3  }
0x259: {  	[tilespmem:s6+$0xFFFFFFF0] =	vst v0  }
0x25a: {  	[tilespmem:s18+$0x0] =	vst v1  }
0x25b: {  	v1 =	vld [tilespmem:s6+$0x10];
	_ =	sdelay $0x3  }
0x25c: {  	[tilespmem:s6+$0x0] =	vst v0  }
0x25d: {  	s7 =	simm.s32 $0x0;
	[tilespmem:s18+$0x10] =	vst v1  }
0x25e: {  	s7 =	sand.u32 $0x7F, s7;
	s19 =	simm.s32 $0x1E00;
	[tilespmem:s6+$0x10] =	vst v0  }
0x25f: {  	s8 =	sor.u32 $0x2000, s7;
	v1 =	vld.msk [tilespmem:s19+$0x0], $0x1  }
0x260: {  	v2 =	vld.msk [tilespmem:s8+$0x0], $0x1  }
0x261: {  	s21 =	sor.u32 $0x2200, s7  }
0x262: {  	v3 =	vld.msk [tilespmem:s21+$0x0], $0x1  }
0x263: {  	s22 =	sor.u32 $0x2400, s7  }
0x264: {  	v4 =	vld.msk [tilespmem:s22+$0x0], $0x1;
	(v2sf) =	vpush v1, $0x0  }
0x265: {  	s7 =	sor.u32 $0x2600, s7;
	(v2sf) =	vpush v2, $0x0  }
0x266: {  	v1 =	vld.msk [tilespmem:s7+$0x0], $0x1  }
0x267: {  	(v2sf) =	vpush v3, $0x0;
	_ =	sdelay $0x1  }
0x268: {  	(v2sf) =	vpush v4, $0x0;
	_ =	sdelay $0x1  }
0x269: {  	(v2sf) =	vpush v1, $0x0;
	_ =	sdelay $0x7  }
0x26a: {  	s20 =	spop (v2sf)  }
0x26b: {  	s7 =	sshll.u32 s20, $0x6;
	s21 =	spop (v2sf)  }
0x26c: {  	s7 =	sshra.s32 s7, $0x2;
	s8 =	sshll.u32 s21, $0x6  }
0x26d: {  	s22 =	spop (v2sf);
	v1 =	vld [tilespmem:s7+$0x2800];
	s21 =	sshra.s32 s8, $0x2  }
0x26e: {  	s22 =	sshll.u32 s22, $0x6;
	v2 =	vld [tilespmem:s21+$0x2800]  }
0x26f: {  	s20 =	spop (v2sf);
	s8 =	sshra.s32 s22, $0x2  }
0x270: {  	s7 =	sshll.u32 s20, $0x6;
	v3 =	vld [tilespmem:s8+$0x2800]  }
0x271: {  	s21 =	spop (v2sf);
	s7 =	sshra.s32 s7, $0x2  }
0x272: {  	s8 =	sshll.u32 s21, $0x6;
	v63 =	vld [tilespmem:s7+$0x2800]  }
0x273: {  	s22 =	sshra.s32 s8, $0x2;
	v1 =	vadd.f32 v2, v1  }
0x274: {  	v2 =	vld [tilespmem:s22+$0x2800]  }
0x275: {  	v1 =	vadd.f32 v3, v1;
	_ =	sdelay $0x1  }
0x276: {  	v1 =	vadd.f32 v63, v1;
	_ =	sdelay $0x1  }
0x277: {  	s20 =	simm.s32 $0x1;
	s21 =	simm.s32 $0xA6A0;
	v1 =	vadd.f32 v2, v1  }
.LBB2_14:
0x278: {  	s19 =	sadd.s32 $0x1, s19  }
0x279: {  	s18 =	sadd.s32 $0x50, s18;
	s6 =	sadd.s32 $0x40, s6;
	s7 =	smov.u32 s20  }
0x27a: {  	p0 =	sne.s32 s20, $0x7F;
	s20 =	sadd.s32 $0x1, s20;
	[tilespmem:s21+$0x20] =	vst v1;
	s21 =	smov.u32 s18  }
0x27b: {  	v1 =	vld [tilespmem:s6+$0xFFFFFFE0];
	_ =	sdelay $0x4  }
0x27c: {  	[tilespmem:s18+$0xFFFFFFE0] =	vst v1  }
0x27d: {  	v1 =	vld [tilespmem:s6+$0xFFFFFFF0];
	_ =	sdelay $0x3  }
0x27e: {  	[tilespmem:s6+$0xFFFFFFE0] =	vst v0  }
0x27f: {  	[tilespmem:s18+$0xFFFFFFF0] =	vst v1  }
0x280: {  	v1 =	vld [tilespmem:s6+$0x0];
	_ =	sdelay $0x3  }
0x281: {  	[tilespmem:s6+$0xFFFFFFF0] =	vst v0  }
0x282: {  	[tilespmem:s18+$0x0] =	vst v1  }
0x283: {  	v1 =	vld [tilespmem:s6+$0x10];
	_ =	sdelay $0x3  }
0x284: {  	[tilespmem:s6+$0x0] =	vst v0  }
0x285: {  	s7 =	sand.u32 $0x7F, s7;
	[tilespmem:s18+$0x10] =	vst v1  }
0x286: {  	s8 =	sor.u32 $0x2000, s7;
	[tilespmem:s6+$0x10] =	vst v0  }
0x287: {  	v1 =	vld.msk [tilespmem:s19+$0x0], $0x1  }
0x288: {  	v2 =	vld.msk [tilespmem:s8+$0x0], $0x1;
	s8 =	sor.u32 $0x2200, s7  }
0x289: {  	v3 =	vld.msk [tilespmem:s8+$0x0], $0x1;
	s8 =	sor.u32 $0x2400, s7  }
0x28a: {  	s7 =	sor.u32 $0x2600, s7;
	v4 =	vld.msk [tilespmem:s8+$0x0], $0x1  }
0x28b: {  	v5 =	vld.msk [tilespmem:s7+$0x0], $0x1  }
0x28c: {  	(v2sf) =	vpush v1, $0x0  }
0x28d: {  	(v2sf) =	vpush v2, $0x0  }
0x28e: {  	(v2sf) =	vpush v3, $0x0  }
0x28f: {  	(v2sf) =	vpush v4, $0x0  }
0x290: {  	(v2sf) =	vpush v5, $0x0;
	_ =	sdelay $0xa  }
0x291: {  	s7 =	spop (v2sf)  }
0x292: {  	s7 =	sshll.u32 s7, $0x6;
	s8 =	spop (v2sf)  }
0x293: {  	s7 =	sshra.s32 s7, $0x2;
	s8 =	sshll.u32 s8, $0x6;
	s22 =	spop (v2sf)  }
0x294: {  	v1 =	vld [tilespmem:s7+$0x2800];
	s7 =	sshra.s32 s8, $0x2;
	s8 =	sshll.u32 s22, $0x6;
	s22 =	spop (v2sf)  }
0x295: {  	v2 =	vld [tilespmem:s7+$0x2800];
	s7 =	sshra.s32 s8, $0x2;
	s8 =	sshll.u32 s22, $0x6;
	s22 =	spop (v2sf)  }
0x296: {  	v3 =	vld [tilespmem:s7+$0x2800];
	s7 =	sshra.s32 s8, $0x2;
	s8 =	sshll.u32 s22, $0x6  }
0x297: {  	v4 =	vld [tilespmem:s7+$0x2800];
	s7 =	sshra.s32 s8, $0x2  }
0x298: {  	v5 =	vld [tilespmem:s7+$0x2800];
	_ =	sdelay $0x1  }
0x299: {  	v1 =	vadd.f32 v2, v1;
	_ =	sdelay $0x1  }
.Ltmp6:
0x29a: {  	v1 =	vadd.f32 v3, v1;
	(pc) =	sbr.rel @p0 .LBB2_14-.Ltmp6, $3  }
0x29b: {  	_ = 	snop  }
0x29c: {  	v1 =	vadd.f32 v4, v1;
	_ =	sdelay $0x1  }
0x29d: {  	v1 =	vadd.f32 v5, v1  }
0x29e: {  	_ = 	snop  }
0x29f: {  	[tilespmem:s21+$0x20] =	vst v1  }
0x2a0: {  	[hbm4b:s28+s15] =	stream.strided.scatter [tilespmem:s4], [sflag:$0x3], $0x2800, s12, s15, $0x38;
	[tilespmem:$0xCE80] =	vst v63  }
0x2a1: {  	s6 =	simm.s32 $0x1500  }
0x2a2: {  	[tilespmem:s13], [sflag:$0x1] =	stream.indirect.gather.add.f32 [hbm:s0], $0x40, s6, s12, $0xb8;
	[tilespmem:$0xCE80] =	vst v63  }
0x2a3: {  	s18 =	simm.s32 $0x1700  }
0x2a4: {  	[tilespmem:s13], [sflag:$0x1] =	stream.indirect.gather.add.f32 [hbm:s0], $0x40, s18, s12, $0xb8;
	[tilespmem:$0xCE80] =	vst v63  }
0x2a5: {  	s19 =	simm.s32 $0x1900  }
0x2a6: {  	[tilespmem:s13], [sflag:$0x1] =	stream.indirect.gather.add.f32 [hbm:s0], $0x40, s19, s12, $0xb8;
	[tilespmem:$0xCE80] =	vst v63  }
0x2a7: {  	s20 =	simm.s32 $0x1B00  }
0x2a8: {  	[tilespmem:s13], [sflag:$0x1] =	stream.indirect.gather.add.f32 [hbm:s0], $0x40, s20, s12, $0xb8;
	[tilespmem:$0xCE80] =	vst v63  }
0x2a9: {  	s21 =	simm.s32 $0x1D00  }
0x2aa: {  	[tilespmem:s13], [sflag:$0x1] =	stream.indirect.gather.add.f32 [hbm:s0], $0x40, s21, s12, $0xb8;
	[tilespmem:$0xCE80] =	vst v63  }
0x2ab: {  	_ =	swait.ge [sflag:s16], $0x2000  }
0x2ac: {  	[sflag:s16] =	ssyncset.done $0x0  }
0x2ad: {  	[sflag:s16] =	ssyncadd.s32 $0xFFFFE000  }
0x2ae: {  	_ =	swait.ge [sflag:s16], $0x2000  }
0x2af: {  	[sflag:s16] =	ssyncset.done $0x0  }
0x2b0: {  	[sflag:s16] =	ssyncadd.s32 $0xFFFFE000  }
0x2b1: {  	_ =	swait.ge [sflag:s16], $0x2000  }
0x2b2: {  	[sflag:s16] =	ssyncset.done $0x0  }
0x2b3: {  	[sflag:s16] =	ssyncadd.s32 $0xFFFFE000  }
0x2b4: {  	_ =	swait.ge [sflag:s16], $0x2000  }
0x2b5: {  	[sflag:s16] =	ssyncset.done $0x0  }
0x2b6: {  	[sflag:s16] =	ssyncadd.s32 $0xFFFFE000  }
0x2b7: {  	_ =	swait.ge [sflag:s16], $0x2000  }
0x2b8: {  	[sflag:s16] =	ssyncset.done $0x0  }
0x2b9: {  	[sflag:s16] =	ssyncadd.s32 $0xFFFFE000  }
0x2ba: {  	_ =	swait.ge [sflag:s5], $0x2800  }
0x2bb: {  	[sflag:s5] =	ssyncset.done $0x0  }
0x2bc: {  	s6 =	simm.s32 $0x86A0;
	[sflag:s5] =	ssyncadd.s32 $0xFFFFD800  }
0x2bd: {  	v1 =	vld [tilespmem:s6+$0xFFFFFFE0];
	_ =	sdelay $0x3  }
0x2be: {  	s18 =	simm.s32 $0xA6A0  }
0x2bf: {  	[tilespmem:s18+$0xFFFFFFE0] =	vst v1  }
0x2c0: {  	v1 =	vld [tilespmem:s6+$0xFFFFFFF0];
	_ =	sdelay $0x3  }
0x2c1: {  	[tilespmem:s6+$0xFFFFFFE0] =	vst v0  }
0x2c2: {  	[tilespmem:s18+$0xFFFFFFF0] =	vst v1  }
0x2c3: {  	v1 =	vld [tilespmem:s6+$0x0];
	_ =	sdelay $0x3  }
0x2c4: {  	[tilespmem:s6+$0xFFFFFFF0] =	vst v0  }
0x2c5: {  	[tilespmem:s18+$0x0] =	vst v1  }
0x2c6: {  	v1 =	vld [tilespmem:s6+$0x10];
	_ =	sdelay $0x3  }
0x2c7: {  	s7 =	simm.s32 $0x0;
	[tilespmem:s6+$0x0] =	vst v0  }
0x2c8: {  	s7 =	sand.u32 $0x7F, s7;
	[tilespmem:s18+$0x10] =	vst v1  }
0x2c9: {  	s8 =	sor.u32 $0x1E80, s7;
	[tilespmem:s6+$0x10] =	vst v0  }
0x2ca: {  	s19 =	sor.u32 $0x2080, s7;
	v1 =	vld.msk [tilespmem:s8+$0x0], $0x1  }
0x2cb: {  	v2 =	vld.msk [tilespmem:s19+$0x0], $0x1  }
0x2cc: {  	s22 =	sor.u32 $0x2280, s7  }
0x2cd: {  	v3 =	vld.msk [tilespmem:s22+$0x0], $0x1  }
0x2ce: {  	s19 =	sor.u32 $0x2480, s7  }
0x2cf: {  	v4 =	vld.msk [tilespmem:s19+$0x0], $0x1;
	(v2sf) =	vpush v1, $0x0  }
0x2d0: {  	s7 =	sor.u32 $0x2680, s7;
	(v2sf) =	vpush v2, $0x0  }
0x2d1: {  	v1 =	vld.msk [tilespmem:s7+$0x0], $0x1  }
0x2d2: {  	(v2sf) =	vpush v3, $0x0;
	_ =	sdelay $0x1  }
0x2d3: {  	(v2sf) =	vpush v4, $0x0;
	_ =	sdelay $0x1  }
0x2d4: {  	(v2sf) =	vpush v1, $0x0;
	_ =	sdelay $0x7  }
0x2d5: {  	s20 =	spop (v2sf)  }
0x2d6: {  	s7 =	sshll.u32 s20, $0x6;
	s21 =	spop (v2sf)  }
0x2d7: {  	s7 =	sshra.s32 s7, $0x2;
	s8 =	sshll.u32 s21, $0x6  }
0x2d8: {  	s22 =	spop (v2sf);
	v1 =	vld [tilespmem:s7+$0x2800];
	s8 =	sshra.s32 s8, $0x2  }
0x2d9: {  	s19 =	sshll.u32 s22, $0x6;
	v2 =	vld [tilespmem:s8+$0x2800]  }
0x2da: {  	s20 =	spop (v2sf);
	s8 =	sshra.s32 s19, $0x2  }
0x2db: {  	s7 =	sshll.u32 s20, $0x6;
	v3 =	vld [tilespmem:s8+$0x2800]  }
0x2dc: {  	s21 =	spop (v2sf);
	s7 =	sshra.s32 s7, $0x2  }
0x2dd: {  	s8 =	sshll.u32 s21, $0x6;
	v63 =	vld [tilespmem:s7+$0x2800]  }
0x2de: {  	s22 =	sshra.s32 s8, $0x2;
	v1 =	vadd.f32 v2, v1  }
0x2df: {  	v2 =	vld [tilespmem:s22+$0x2800]  }
0x2e0: {  	v1 =	vadd.f32 v3, v1;
	_ =	sdelay $0x1  }
0x2e1: {  	v1 =	vadd.f32 v63, v1;
	_ =	sdelay $0x1  }
0x2e2: {  	s19 =	simm.s32 $0x1;
	s20 =	simm.s32 $0xA6A0;
	v1 =	vadd.f32 v2, v1  }
.LBB2_16:
0x2e3: {  	p0 =	sne.s32 s19, $0x7F;
	s18 =	sadd.s32 $0x50, s18;
	s6 =	sadd.s32 $0x40, s6  }
0x2e4: {  	s7 =	smov.u32 s19;
	s19 =	sadd.s32 $0x1, s19;
	[tilespmem:s20+$0x20] =	vst v1;
	s20 =	smov.u32 s18  }
0x2e5: {  	v1 =	vld [tilespmem:s6+$0xFFFFFFE0];
	_ =	sdelay $0x4  }
0x2e6: {  	[tilespmem:s18+$0xFFFFFFE0] =	vst v1  }
0x2e7: {  	v1 =	vld [tilespmem:s6+$0xFFFFFFF0];
	_ =	sdelay $0x3  }
0x2e8: {  	[tilespmem:s6+$0xFFFFFFE0] =	vst v0  }
0x2e9: {  	[tilespmem:s18+$0xFFFFFFF0] =	vst v1  }
0x2ea: {  	v1 =	vld [tilespmem:s6+$0x0];
	_ =	sdelay $0x3  }
0x2eb: {  	[tilespmem:s6+$0xFFFFFFF0] =	vst v0  }
0x2ec: {  	[tilespmem:s18+$0x0] =	vst v1  }
0x2ed: {  	v1 =	vld [tilespmem:s6+$0x10];
	_ =	sdelay $0x3  }
0x2ee: {  	[tilespmem:s6+$0x0] =	vst v0  }
0x2ef: {  	s7 =	sand.u32 $0x7F, s7;
	[tilespmem:s18+$0x10] =	vst v1  }
0x2f0: {  	s8 =	sor.u32 $0x1E80, s7;
	s21 =	sor.u32 $0x2080, s7;
	[tilespmem:s6+$0x10] =	vst v0  }
0x2f1: {  	v1 =	vld.msk [tilespmem:s8+$0x0], $0x1  }
0x2f2: {  	s8 =	sor.u32 $0x2280, s7;
	v2 =	vld.msk [tilespmem:s21+$0x0], $0x1  }
0x2f3: {  	v3 =	vld.msk [tilespmem:s8+$0x0], $0x1;
	s8 =	sor.u32 $0x2480, s7  }
0x2f4: {  	s7 =	sor.u32 $0x2680, s7;
	v4 =	vld.msk [tilespmem:s8+$0x0], $0x1  }
0x2f5: {  	v5 =	vld.msk [tilespmem:s7+$0x0], $0x1  }
0x2f6: {  	(v2sf) =	vpush v1, $0x0  }
0x2f7: {  	(v2sf) =	vpush v2, $0x0  }
0x2f8: {  	(v2sf) =	vpush v3, $0x0  }
0x2f9: {  	(v2sf) =	vpush v4, $0x0  }
0x2fa: {  	(v2sf) =	vpush v5, $0x0;
	_ =	sdelay $0xa  }
0x2fb: {  	s7 =	spop (v2sf)  }
0x2fc: {  	s7 =	sshll.u32 s7, $0x6;
	s8 =	spop (v2sf)  }
0x2fd: {  	s7 =	sshra.s32 s7, $0x2;
	s8 =	sshll.u32 s8, $0x6;
	s21 =	spop (v2sf)  }
0x2fe: {  	v1 =	vld [tilespmem:s7+$0x2800];
	s7 =	sshra.s32 s8, $0x2;
	s8 =	sshll.u32 s21, $0x6;
	s21 =	spop (v2sf)  }
0x2ff: {  	v2 =	vld [tilespmem:s7+$0x2800];
	s7 =	sshra.s32 s8, $0x2;
	s8 =	sshll.u32 s21, $0x6;
	s21 =	spop (v2sf)  }
0x300: {  	v3 =	vld [tilespmem:s7+$0x2800];
	s7 =	sshra.s32 s8, $0x2;
	s8 =	sshll.u32 s21, $0x6  }
0x301: {  	v4 =	vld [tilespmem:s7+$0x2800];
	s7 =	sshra.s32 s8, $0x2  }
0x302: {  	v5 =	vld [tilespmem:s7+$0x2800];
	_ =	sdelay $0x1  }
0x303: {  	v1 =	vadd.f32 v2, v1;
	_ =	sdelay $0x1  }
.Ltmp7:
0x304: {  	v1 =	vadd.f32 v3, v1;
	(pc) =	sbr.rel @p0 .LBB2_16-.Ltmp7, $3  }
0x305: {  	_ = 	snop  }
0x306: {  	v1 =	vadd.f32 v4, v1;
	_ =	sdelay $0x1  }
0x307: {  	v1 =	vadd.f32 v5, v1  }
0x308: {  	_ = 	snop  }
0x309: {  	[tilespmem:s20+$0x20] =	vst v1  }
0x30a: {  	[hbm4b:s30+s15] =	stream.strided.scatter [tilespmem:s4], [sflag:$0x3], $0x2800, s12, s15, $0x38;
	[tilespmem:$0xCE80] =	vst v63  }
0x30b: {  	s6 =	simm.s32 $0x1580  }
0x30c: {  	[tilespmem:s14], [sflag:$0x2] =	stream.indirect.gather.add.f32 [hbm:s0], $0x40, s6, s12, $0xb8;
	[tilespmem:$0xCE80] =	vst v63  }
0x30d: {  	s18 =	simm.s32 $0x1780  }
0x30e: {  	[tilespmem:s14], [sflag:$0x2] =	stream.indirect.gather.add.f32 [hbm:s0], $0x40, s18, s12, $0xb8;
	[tilespmem:$0xCE80] =	vst v63  }
0x30f: {  	s19 =	simm.s32 $0x1980  }
0x310: {  	[tilespmem:s14], [sflag:$0x2] =	stream.indirect.gather.add.f32 [hbm:s0], $0x40, s19, s12, $0xb8;
	[tilespmem:$0xCE80] =	vst v63  }
0x311: {  	s20 =	simm.s32 $0x1B80  }
0x312: {  	[tilespmem:s14], [sflag:$0x2] =	stream.indirect.gather.add.f32 [hbm:s0], $0x40, s20, s12, $0xb8;
	[tilespmem:$0xCE80] =	vst v63  }
0x313: {  	s21 =	simm.s32 $0x1D80  }
0x314: {  	[tilespmem:s14], [sflag:$0x2] =	stream.indirect.gather.add.f32 [hbm:s0], $0x40, s21, s12, $0xb8;
	[tilespmem:$0xCE80] =	vst v63  }
0x315: {  	_ =	swait.ge [sflag:s3], $0x2000  }
0x316: {  	[sflag:s3] =	ssyncset.done $0x0  }
0x317: {  	[sflag:s3] =	ssyncadd.s32 $0xFFFFE000  }
0x318: {  	_ =	swait.ge [sflag:s3], $0x2000  }
0x319: {  	[sflag:s3] =	ssyncset.done $0x0  }
0x31a: {  	[sflag:s3] =	ssyncadd.s32 $0xFFFFE000  }
0x31b: {  	_ =	swait.ge [sflag:s3], $0x2000  }
0x31c: {  	[sflag:s3] =	ssyncset.done $0x0  }
0x31d: {  	[sflag:s3] =	ssyncadd.s32 $0xFFFFE000  }
0x31e: {  	_ =	swait.ge [sflag:s3], $0x2000  }
0x31f: {  	[sflag:s3] =	ssyncset.done $0x0  }
0x320: {  	[sflag:s3] =	ssyncadd.s32 $0xFFFFE000  }
0x321: {  	_ =	swait.ge [sflag:s3], $0x2000  }
0x322: {  	[sflag:s3] =	ssyncset.done $0x0  }
0x323: {  	[sflag:s3] =	ssyncadd.s32 $0xFFFFE000  }
0x324: {  	_ =	swait.ge [sflag:s5], $0x2800  }
0x325: {  	[sflag:s5] =	ssyncset.done $0x0  }
0x326: {  	s6 =	simm.s32 $0x66A0;
	[sflag:s5] =	ssyncadd.s32 $0xFFFFD800  }
0x327: {  	v1 =	vld [tilespmem:s6+$0xFFFFFFE0];
	_ =	sdelay $0x3  }
0x328: {  	s18 =	simm.s32 $0xA6A0  }
0x329: {  	[tilespmem:s18+$0xFFFFFFE0] =	vst v1  }
0x32a: {  	v1 =	vld [tilespmem:s6+$0xFFFFFFF0];
	_ =	sdelay $0x3  }
0x32b: {  	[tilespmem:s6+$0xFFFFFFE0] =	vst v0  }
0x32c: {  	[tilespmem:s18+$0xFFFFFFF0] =	vst v1  }
0x32d: {  	v1 =	vld [tilespmem:s6+$0x0];
	_ =	sdelay $0x3  }
0x32e: {  	[tilespmem:s6+$0xFFFFFFF0] =	vst v0  }
0x32f: {  	[tilespmem:s18+$0x0] =	vst v1  }
0x330: {  	v1 =	vld [tilespmem:s6+$0x10];
	_ =	sdelay $0x3  }
0x331: {  	s7 =	simm.s32 $0x0;
	[tilespmem:s6+$0x0] =	vst v0  }
0x332: {  	s7 =	sand.u32 $0x7F, s7;
	[tilespmem:s18+$0x10] =	vst v1  }
0x333: {  	s8 =	sor.u32 $0x1F00, s7;
	[tilespmem:s6+$0x10] =	vst v0  }
0x334: {  	s19 =	sor.u32 $0x2100, s7;
	v1 =	vld.msk [tilespmem:s8+$0x0], $0x1  }
0x335: {  	v2 =	vld.msk [tilespmem:s19+$0x0], $0x1  }
0x336: {  	s22 =	sor.u32 $0x2300, s7  }
0x337: {  	v3 =	vld.msk [tilespmem:s22+$0x0], $0x1  }
0x338: {  	s19 =	sor.u32 $0x2500, s7  }
0x339: {  	v4 =	vld.msk [tilespmem:s19+$0x0], $0x1;
	(v2sf) =	vpush v1, $0x0  }
0x33a: {  	s7 =	sor.u32 $0x2700, s7;
	(v2sf) =	vpush v2, $0x0  }
0x33b: {  	v1 =	vld.msk [tilespmem:s7+$0x0], $0x1  }
0x33c: {  	(v2sf) =	vpush v3, $0x0;
	_ =	sdelay $0x1  }
0x33d: {  	(v2sf) =	vpush v4, $0x0;
	_ =	sdelay $0x1  }
0x33e: {  	(v2sf) =	vpush v1, $0x0;
	_ =	sdelay $0x7  }
0x33f: {  	s20 =	spop (v2sf)  }
0x340: {  	s7 =	sshll.u32 s20, $0x6;
	s21 =	spop (v2sf)  }
0x341: {  	s7 =	sshra.s32 s7, $0x2;
	s8 =	sshll.u32 s21, $0x6  }
0x342: {  	s22 =	spop (v2sf);
	v1 =	vld [tilespmem:s7+$0x2800];
	s8 =	sshra.s32 s8, $0x2  }
0x343: {  	s19 =	sshll.u32 s22, $0x6;
	v2 =	vld [tilespmem:s8+$0x2800]  }
0x344: {  	s20 =	spop (v2sf);
	s8 =	sshra.s32 s19, $0x2  }
0x345: {  	s7 =	sshll.u32 s20, $0x6;
	v3 =	vld [tilespmem:s8+$0x2800]  }
0x346: {  	s21 =	spop (v2sf);
	s7 =	sshra.s32 s7, $0x2  }
0x347: {  	s8 =	sshll.u32 s21, $0x6;
	v63 =	vld [tilespmem:s7+$0x2800]  }
0x348: {  	s22 =	sshra.s32 s8, $0x2;
	v1 =	vadd.f32 v2, v1  }
0x349: {  	v2 =	vld [tilespmem:s22+$0x2800]  }
0x34a: {  	v1 =	vadd.f32 v3, v1;
	_ =	sdelay $0x1  }
0x34b: {  	v1 =	vadd.f32 v63, v1;
	_ =	sdelay $0x1  }
0x34c: {  	s19 =	simm.s32 $0x1;
	s20 =	simm.s32 $0xA6A0;
	s22 =	simm.s32 $0x600;
	v1 =	vadd.f32 v2, v1  }
.LBB2_18:
0x34d: {  	p0 =	sne.s32 s19, $0x7F;
	s18 =	sadd.s32 $0x50, s18;
	s6 =	sadd.s32 $0x40, s6  }
0x34e: {  	s7 =	smov.u32 s19;
	s19 =	sadd.s32 $0x1, s19;
	[tilespmem:s20+$0x20] =	vst v1;
	s20 =	smov.u32 s18  }
0x34f: {  	v1 =	vld [tilespmem:s6+$0xFFFFFFE0];
	_ =	sdelay $0x4  }
0x350: {  	[tilespmem:s18+$0xFFFFFFE0] =	vst v1  }
0x351: {  	v1 =	vld [tilespmem:s6+$0xFFFFFFF0];
	_ =	sdelay $0x3  }
0x352: {  	[tilespmem:s6+$0xFFFFFFE0] =	vst v0  }
0x353: {  	[tilespmem:s18+$0xFFFFFFF0] =	vst v1  }
0x354: {  	v1 =	vld [tilespmem:s6+$0x0];
	_ =	sdelay $0x3  }
0x355: {  	[tilespmem:s6+$0xFFFFFFF0] =	vst v0  }
0x356: {  	[tilespmem:s18+$0x0] =	vst v1  }
0x357: {  	v1 =	vld [tilespmem:s6+$0x10];
	_ =	sdelay $0x3  }
0x358: {  	[tilespmem:s6+$0x0] =	vst v0  }
0x359: {  	s7 =	sand.u32 $0x7F, s7;
	[tilespmem:s18+$0x10] =	vst v1  }
0x35a: {  	s8 =	sor.u32 $0x1F00, s7;
	s21 =	sor.u32 $0x2100, s7;
	[tilespmem:s6+$0x10] =	vst v0  }
0x35b: {  	v1 =	vld.msk [tilespmem:s8+$0x0], $0x1  }
0x35c: {  	s8 =	sor.u32 $0x2300, s7;
	v2 =	vld.msk [tilespmem:s21+$0x0], $0x1  }
0x35d: {  	v3 =	vld.msk [tilespmem:s8+$0x0], $0x1;
	s8 =	sor.u32 $0x2500, s7  }
0x35e: {  	s7 =	sor.u32 $0x2700, s7;
	v4 =	vld.msk [tilespmem:s8+$0x0], $0x1  }
0x35f: {  	v5 =	vld.msk [tilespmem:s7+$0x0], $0x1  }
0x360: {  	(v2sf) =	vpush v1, $0x0  }
0x361: {  	(v2sf) =	vpush v2, $0x0  }
0x362: {  	(v2sf) =	vpush v3, $0x0  }
0x363: {  	(v2sf) =	vpush v4, $0x0  }
0x364: {  	(v2sf) =	vpush v5, $0x0;
	_ =	sdelay $0xa  }
0x365: {  	s7 =	spop (v2sf)  }
0x366: {  	s7 =	sshll.u32 s7, $0x6;
	s8 =	spop (v2sf)  }
0x367: {  	s7 =	sshra.s32 s7, $0x2;
	s8 =	sshll.u32 s8, $0x6;
	s21 =	spop (v2sf)  }
0x368: {  	v1 =	vld [tilespmem:s7+$0x2800];
	s7 =	sshra.s32 s8, $0x2;
	s8 =	sshll.u32 s21, $0x6;
	s21 =	spop (v2sf)  }
0x369: {  	v2 =	vld [tilespmem:s7+$0x2800];
	s7 =	sshra.s32 s8, $0x2;
	s8 =	sshll.u32 s21, $0x6;
	s21 =	spop (v2sf)  }
0x36a: {  	v3 =	vld [tilespmem:s7+$0x2800];
	s7 =	sshra.s32 s8, $0x2;
	s8 =	sshll.u32 s21, $0x6  }
0x36b: {  	v4 =	vld [tilespmem:s7+$0x2800];
	s7 =	sshra.s32 s8, $0x2  }
0x36c: {  	v5 =	vld [tilespmem:s7+$0x2800];
	_ =	sdelay $0x1  }
0x36d: {  	v1 =	vadd.f32 v2, v1;
	_ =	sdelay $0x1  }
.Ltmp8:
0x36e: {  	v1 =	vadd.f32 v3, v1;
	(pc) =	sbr.rel @p0 .LBB2_18-.Ltmp8, $3  }
0x36f: {  	_ = 	snop  }
0x370: {  	v1 =	vadd.f32 v4, v1;
	_ =	sdelay $0x1  }
0x371: {  	v1 =	vadd.f32 v5, v1  }
0x372: {  	_ = 	snop  }
0x373: {  	[tilespmem:s20+$0x20] =	vst v1  }
0x374: {  	[hbm4b:s31+s15] =	stream.strided.scatter [tilespmem:s4], [sflag:$0x3], $0x2800, s12, s15, $0x38;
	[tilespmem:$0xCE80] =	vst v63  }
0x375: {  	_ =	swait.ge [sflag:s16], $0x2000  }
0x376: {  	[sflag:s16] =	ssyncset.done $0x0  }
0x377: {  	[sflag:s16] =	ssyncadd.s32 $0xFFFFE000  }
0x378: {  	_ =	swait.ge [sflag:s16], $0x2000  }
0x379: {  	[sflag:s16] =	ssyncset.done $0x0  }
0x37a: {  	[sflag:s16] =	ssyncadd.s32 $0xFFFFE000  }
0x37b: {  	_ =	swait.ge [sflag:s16], $0x2000  }
0x37c: {  	[sflag:s16] =	ssyncset.done $0x0  }
0x37d: {  	[sflag:s16] =	ssyncadd.s32 $0xFFFFE000  }
0x37e: {  	_ =	swait.ge [sflag:s16], $0x2000  }
0x37f: {  	[sflag:s16] =	ssyncset.done $0x0  }
0x380: {  	[sflag:s16] =	ssyncadd.s32 $0xFFFFE000  }
0x381: {  	_ =	swait.ge [sflag:s16], $0x2000  }
0x382: {  	[sflag:s16] =	ssyncset.done $0x0  }
0x383: {  	[sflag:s16] =	ssyncadd.s32 $0xFFFFE000  }
0x384: {  	_ =	swait.ge [sflag:s5], $0x2800  }
0x385: {  	[sflag:s5] =	ssyncset.done $0x0  }
0x386: {  	s6 =	simm.s32 $0x86A0;
	[sflag:s5] =	ssyncadd.s32 $0xFFFFD800  }
0x387: {  	v1 =	vld [tilespmem:s6+$0xFFFFFFE0];
	_ =	sdelay $0x3  }
0x388: {  	s18 =	simm.s32 $0xA6A0  }
0x389: {  	[tilespmem:s18+$0xFFFFFFE0] =	vst v1  }
0x38a: {  	v1 =	vld [tilespmem:s6+$0xFFFFFFF0];
	_ =	sdelay $0x3  }
0x38b: {  	[tilespmem:s6+$0xFFFFFFE0] =	vst v0  }
0x38c: {  	[tilespmem:s18+$0xFFFFFFF0] =	vst v1  }
0x38d: {  	v1 =	vld [tilespmem:s6+$0x0];
	_ =	sdelay $0x3  }
0x38e: {  	[tilespmem:s6+$0xFFFFFFF0] =	vst v0  }
0x38f: {  	[tilespmem:s18+$0x0] =	vst v1  }
0x390: {  	v1 =	vld [tilespmem:s6+$0x10];
	_ =	sdelay $0x3  }
0x391: {  	s7 =	simm.s32 $0x0;
	[tilespmem:s6+$0x0] =	vst v0  }
0x392: {  	s7 =	sand.u32 $0x7F, s7;
	[tilespmem:s18+$0x10] =	vst v1  }
0x393: {  	s8 =	sor.u32 $0x1F80, s7;
	[tilespmem:s6+$0x10] =	vst v0  }
0x394: {  	s19 =	sor.u32 $0x2180, s7;
	v1 =	vld.msk [tilespmem:s8+$0x0], $0x1  }
0x395: {  	v2 =	vld.msk [tilespmem:s19+$0x0], $0x1  }
0x396: {  	s20 =	sor.u32 $0x2380, s7  }
0x397: {  	v3 =	vld.msk [tilespmem:s20+$0x0], $0x1  }
0x398: {  	s21 =	sor.u32 $0x2580, s7  }
0x399: {  	v4 =	vld.msk [tilespmem:s21+$0x0], $0x1;
	(v2sf) =	vpush v1, $0x0  }
0x39a: {  	s7 =	sor.u32 $0x2780, s7;
	(v2sf) =	vpush v2, $0x0  }
0x39b: {  	v1 =	vld.msk [tilespmem:s7+$0x0], $0x1  }
0x39c: {  	(v2sf) =	vpush v3, $0x0;
	_ =	sdelay $0x1  }
0x39d: {  	(v2sf) =	vpush v4, $0x0;
	_ =	sdelay $0x1  }
0x39e: {  	(v2sf) =	vpush v1, $0x0;
	_ =	sdelay $0x7  }
0x39f: {  	s19 =	spop (v2sf)  }
0x3a0: {  	s7 =	sshll.u32 s19, $0x6;
	s20 =	spop (v2sf)  }
0x3a1: {  	s7 =	sshra.s32 s7, $0x2;
	s8 =	sshll.u32 s20, $0x6  }
0x3a2: {  	s21 =	spop (v2sf);
	v1 =	vld [tilespmem:s7+$0x2800];
	s20 =	sshra.s32 s8, $0x2  }
0x3a3: {  	s21 =	sshll.u32 s21, $0x6;
	v2 =	vld [tilespmem:s20+$0x2800]  }
0x3a4: {  	s19 =	spop (v2sf);
	s8 =	sshra.s32 s21, $0x2  }
0x3a5: {  	s7 =	sshll.u32 s19, $0x6;
	v3 =	vld [tilespmem:s8+$0x2800]  }
0x3a6: {  	s20 =	spop (v2sf);
	s7 =	sshra.s32 s7, $0x2  }
0x3a7: {  	s8 =	sshll.u32 s20, $0x6;
	v63 =	vld [tilespmem:s7+$0x2800]  }
0x3a8: {  	s21 =	sshra.s32 s8, $0x2;
	v1 =	vadd.f32 v2, v1  }
0x3a9: {  	v2 =	vld [tilespmem:s21+$0x2800]  }
0x3aa: {  	v1 =	vadd.f32 v3, v1;
	_ =	sdelay $0x1  }
0x3ab: {  	v1 =	vadd.f32 v63, v1;
	_ =	sdelay $0x1  }
0x3ac: {  	s19 =	simm.s32 $0x1;
	s20 =	simm.s32 $0xA6A0;
	v1 =	vadd.f32 v2, v1  }
.LBB2_20:
0x3ad: {  	p0 =	sne.s32 s19, $0x7F;
	s18 =	sadd.s32 $0x50, s18;
	s6 =	sadd.s32 $0x40, s6  }
0x3ae: {  	s7 =	smov.u32 s19;
	s19 =	sadd.s32 $0x1, s19;
	[tilespmem:s20+$0x20] =	vst v1;
	s20 =	smov.u32 s18  }
0x3af: {  	v1 =	vld [tilespmem:s6+$0xFFFFFFE0];
	_ =	sdelay $0x4  }
0x3b0: {  	[tilespmem:s18+$0xFFFFFFE0] =	vst v1  }
0x3b1: {  	v1 =	vld [tilespmem:s6+$0xFFFFFFF0];
	_ =	sdelay $0x3  }
0x3b2: {  	[tilespmem:s6+$0xFFFFFFE0] =	vst v0  }
0x3b3: {  	[tilespmem:s18+$0xFFFFFFF0] =	vst v1  }
0x3b4: {  	v1 =	vld [tilespmem:s6+$0x0];
	_ =	sdelay $0x3  }
0x3b5: {  	[tilespmem:s6+$0xFFFFFFF0] =	vst v0  }
0x3b6: {  	[tilespmem:s18+$0x0] =	vst v1  }
0x3b7: {  	v1 =	vld [tilespmem:s6+$0x10];
	_ =	sdelay $0x3  }
0x3b8: {  	[tilespmem:s6+$0x0] =	vst v0  }
0x3b9: {  	s7 =	sand.u32 $0x7F, s7;
	[tilespmem:s18+$0x10] =	vst v1  }
0x3ba: {  	s8 =	sor.u32 $0x1F80, s7;
	s21 =	sor.u32 $0x2180, s7;
	[tilespmem:s6+$0x10] =	vst v0  }
0x3bb: {  	v1 =	vld.msk [tilespmem:s8+$0x0], $0x1  }
0x3bc: {  	s8 =	sor.u32 $0x2380, s7;
	v2 =	vld.msk [tilespmem:s21+$0x0], $0x1  }
0x3bd: {  	v3 =	vld.msk [tilespmem:s8+$0x0], $0x1;
	s8 =	sor.u32 $0x2580, s7  }
0x3be: {  	s7 =	sor.u32 $0x2780, s7;
	v4 =	vld.msk [tilespmem:s8+$0x0], $0x1  }
0x3bf: {  	v5 =	vld.msk [tilespmem:s7+$0x0], $0x1  }
0x3c0: {  	(v2sf) =	vpush v1, $0x0  }
0x3c1: {  	(v2sf) =	vpush v2, $0x0  }
0x3c2: {  	(v2sf) =	vpush v3, $0x0  }
0x3c3: {  	(v2sf) =	vpush v4, $0x0  }
0x3c4: {  	(v2sf) =	vpush v5, $0x0;
	_ =	sdelay $0xa  }
0x3c5: {  	s7 =	spop (v2sf)  }
0x3c6: {  	s7 =	sshll.u32 s7, $0x6;
	s8 =	spop (v2sf)  }
0x3c7: {  	s7 =	sshra.s32 s7, $0x2;
	s8 =	sshll.u32 s8, $0x6;
	s21 =	spop (v2sf)  }
0x3c8: {  	v1 =	vld [tilespmem:s7+$0x2800];
	s7 =	sshra.s32 s8, $0x2;
	s8 =	sshll.u32 s21, $0x6;
	s21 =	spop (v2sf)  }
0x3c9: {  	v2 =	vld [tilespmem:s7+$0x2800];
	s7 =	sshra.s32 s8, $0x2;
	s8 =	sshll.u32 s21, $0x6;
	s21 =	spop (v2sf)  }
0x3ca: {  	v3 =	vld [tilespmem:s7+$0x2800];
	s7 =	sshra.s32 s8, $0x2;
	s8 =	sshll.u32 s21, $0x6  }
0x3cb: {  	v4 =	vld [tilespmem:s7+$0x2800];
	s7 =	sshra.s32 s8, $0x2  }
0x3cc: {  	v5 =	vld [tilespmem:s7+$0x2800];
	_ =	sdelay $0x1  }
0x3cd: {  	v1 =	vadd.f32 v2, v1;
	_ =	sdelay $0x1  }
.Ltmp9:
0x3ce: {  	v1 =	vadd.f32 v3, v1;
	(pc) =	sbr.rel @p0 .LBB2_20-.Ltmp9, $3  }
0x3cf: {  	_ = 	snop  }
0x3d0: {  	v1 =	vadd.f32 v4, v1;
	_ =	sdelay $0x1  }
0x3d1: {  	v1 =	vadd.f32 v5, v1  }
0x3d2: {  	s17 =	sadd.s32 $0x1, s17  }
0x3d3: {  	p0 =	sne.s32 s17, s29  }
.Ltmp10:
0x3d4: {  	[tilespmem:s20+$0x20] =	vst v1;
	(pc) =	sbr.rel @p0 .LBB2_1-.Ltmp10, $4  }
0x3d5: {  	[hbm4b:s25+s15] =	stream.strided.scatter [tilespmem:s4], [sflag:$0x3], $0x2800, s12, s15, $0x38;
	[tilespmem:$0xCE80] =	vst v63  }
0x3d6: {  	_ =	swait.ge [sflag:s5], $0x2800  }
0x3d7: {  	[sflag:s5] =	ssyncset.done $0x0  }
0x3d8: {  	s8 =	simm.s32 $0x200;
	s21 =	simm.s32 $0x400;
	[sflag:s5] =	ssyncadd.s32 $0xFFFFD800  }
0x3d9: {  	_ =	sfence.sel $0x180000  }
0x3da: {  	[bflag:$0x0] =	sbarrier.arrive $0xFFFF  }
0x3db: {  	_ =	strace $0x90000047  }
0x3dc: {  	s0 =	stileid.u32;
	[bflag:$0x2] =	sbarrier.arrive $0xFFFF  }
0x3dd: {  	p0 =	sne.s32 s0, $0x0;
	s0 =	rddreg [dreg:$0x2]  }
0x3de: {  	s0 =	sadd.s32 @!p0 $0x100000, s0  }
0x3df: {  	[sflag:s0] =	ssyncadd.tile.s32 @!p0 $0x1;
	_ =	shalt  }
.Lfunc_end2:
_tile_overlayer_lowered:
.L_overlay_start_2:
0x3e0: {  	(tag) =	ssettag $0x2  }
0x3e1: {  	s0 =	rddreg [dreg:$0x0];
	s2 =	stileid.u32  }
0x3e2: {  	s1 =	rddreg [dreg:$0x1];
	p0 =	sne.s32 s2, $0x0  }
0x3e3: {  	s3 =	rddreg [dreg:$0x2];
	[bflag:$0x3] =	sbarrier.arrive $0xFFFF;
	s2 =	simm.s32 @!p0 $0x1C04  }
0x3e4: {  	[timem:s3], [sflag:s2] =	dma.local @!p0 [hbm:s0], s1  }
0x3e5: {  	s0 =	simm.s32 @!p0 $0x4  }
0x3e6: {  	_ =	swait.ge @!p0 [sflag:s0], s1  }
0x3e7: {  	s1 =	ssub.s32 @!p0 $0x0, s1;
	[sflag:s0] =	ssyncset.done @!p0 $0x0  }
0x3e8: {  	[sflag:s0] =	ssyncadd.s32 @!p0 s1  }
0x3e9: {  	[bflag:$0x3] =	sbarrier.arrive $0xFFFF  }
0x3ea: {  	_ =	shalt  }

</sc_bundles>
